<compile_context>
chip_gen: v7x
topology: tpu7x:2x2x1
jax: 0.10.2.dev20260603
libtpu: 0.0.44.dev20260713+nightly
codegen_flags: <defaults>
</compile_context>

<pallas_src>
import functools

import jax
import jax.numpy as jnp
from jax import lax
from jax.experimental import pallas as pl
from jax.experimental.pallas import tpu as pltpu
from jax.experimental.pallas import tpu_sc as plsc

_DELTA_V = 0.5
_DELTA_D = 1.5
_ALPHA = 1.0
_BETA = 1.0
_GAMMA = 0.001
_K = 64
_B = 8
_N = 32768
_D = 16


_TC_ROWS = 6
_CHUNK = 8192


def _dot(a, b, dims):
    return jax.lax.dot_general(
        a, b, (dims, ((), ())), preferred_element_type=jnp.float32)


def _tc_row_body(ids_ref, et_ref, out_ref, oh_ref):
    n = et_ref.shape[2]
    d = et_ref.shape[1]
    nch = n // _CHUNK

    iota_k = jax.lax.broadcasted_iota(jnp.int32, (_K, _CHUNK), 0)
    ones_row = jnp.ones((1, _CHUNK), jnp.float32)
    sums_t = jnp.zeros((d, _K), jnp.float32)
    counts = jnp.zeros((1, _K), jnp.float32)
    for c in range(nch):
        sl = slice(c * _CHUNK, (c + 1) * _CHUNK)
        idc = ids_ref[0, :, sl]
        ohc = jnp.where(idc == iota_k, 1.0, 0.0)
        oh_ref[:, sl] = ohc
        etc = et_ref[0, :, sl]
        sums_t = sums_t + _dot(etc, ohc, ((1,), (1,)))
        counts = counts + _dot(ones_row, ohc, ((1,), (1,)))
    cnt = jnp.maximum(counts, 1.0)
    inv = 1.0 / cnt
    means_t = sums_t * inv

    var_acc = jnp.zeros((), jnp.float32)
    for c in range(nch):
        sl = slice(c * _CHUNK, (c + 1) * _CHUNK)
        ohc = oh_ref[:, sl]
        mg_t = _dot(means_t, ohc, ((1,), (0,)))
        invg = _dot(inv, ohc, ((1,), (0,)))
        etc = et_ref[0, :, sl]
        diff = etc - mg_t
        ssq = jnp.sum(diff * diff, axis=0) + 1e-12
        dist = jnp.sqrt(ssq)
        h = jnp.maximum(dist - _DELTA_V, 0.0)
        var_acc = var_acc + jnp.sum(h * h * invg[0])
    var_loss = var_acc / _K

    md = means_t[:, :, None] - means_t[:, None, :]
    sq = jnp.sum(md * md, axis=0)
    ii = jax.lax.broadcasted_iota(jnp.int32, (_K, _K), 0)
    jj = jax.lax.broadcasted_iota(jnp.int32, (_K, _K), 1)
    offdiag = ii != jj
    pd = jnp.sqrt(jnp.where(offdiag, sq, 1.0))
    hp = jnp.maximum(2.0 * _DELTA_D - pd, 0.0)
    num_pairs = _K * (_K - 1) / 2.0
    dist_loss = jnp.sum(jnp.where(offdiag, hp * hp, 0.0)) / (2.0 * num_pairs)

    reg_loss = jnp.mean(jnp.sqrt(jnp.sum(means_t * means_t, axis=0) + 1e-12))

    lane = jax.lax.broadcasted_iota(jnp.int32, (1, 128), 1)
    vec = jnp.where(lane == 0, var_loss,
                    jnp.where(lane == 1, dist_loss,
                              jnp.where(lane == 2, reg_loss, 0.0)))
    out_ref[0] = vec


def _tc_kernel(emb_t, ids3):
    return pl.pallas_call(
        _tc_row_body,
        grid=(_TC_ROWS,),
        in_specs=[
            pl.BlockSpec((1, 1, _N), lambda r: (r, 0, 0)),
            pl.BlockSpec((1, _D, _N), lambda r: (r, 0, 0)),
        ],
        out_specs=pl.BlockSpec((1, 1, 128), lambda r: (r, 0, 0)),
        out_shape=jax.ShapeDtypeStruct((_TC_ROWS, 1, 128), jnp.float32),
        scratch_shapes=[pltpu.VMEM((_K, _N), jnp.float32)],
    )(ids3, emb_t)



_L = 16
_NC = 2
_NS = 16
_SC_ROWS = 2
_RPC = _SC_ROWS // _NC
_PTS = _N // _NS
_GRP = _PTS // _L
_RW = 2 * _K * _L
_CNT0 = _K * _L
_ACCW = _RPC * _RW
_SLICE = _ACCW // _NS


def _rsqrt(x):
    i = plsc.bitcast(x, jnp.int32)
    i = 0x5F3759DF - (i >> 1)
    y = plsc.bitcast(i, jnp.float32)
    for _ in range(3):
        y = y * (1.5 - 0.5 * x * y * y)
    return y


def _sqrt(x):
    return x * _rsqrt(jnp.maximum(x, 1e-30))


def _sc_body(e_hbm, ids_hbm, out_hbm,
             ebuf, idbuf, accbuf, sumbuf, meansbuf, invbuf, redbuf, redout,
             outbuf, shared_all, shared_red):
    c = lax.axis_index("c")
    s = lax.axis_index("s")
    wid = c * _NS + s
    lane = lax.iota(jnp.int32, _L)
    zeros16 = jnp.zeros((_L,), jnp.float32)

    def zero_acc(i, _):
        accbuf[pl.ds(i * _L, _L)] = zeros16
        return 0
    lax.fori_loop(0, _ACCW // _L, zero_acc, 0)

    def pa_row(r, _):
        row = c * _RPC + r
        pltpu.sync_copy(
            e_hbm.at[pl.ds((row * _N + s * _PTS) * _L, _PTS * _L)], ebuf)
        pltpu.sync_copy(
            ids_hbm.at[pl.ds(row * _N + s * _PTS, _PTS)],
            idbuf.at[pl.ds(r * _PTS, _PTS)])
        abase = r * _RW
        rid0 = idbuf[pl.ds(r * _PTS, _L)][0]

        def pa(g, st):
            racc, rcntv, rid = st
            base = g * _L
            idv = idbuf[pl.ds(r * _PTS + base, _L)]
            uni = jnp.logical_and(idv[0] == rid, idv[_L - 1] == rid)

            def fast(racc, rcntv):
                t = [ebuf[pl.ds((base + j) * _L, _L)] for j in range(_L)]
                while len(t) > 1:
                    t = [t[i] + t[i + 1] for i in range(0, len(t), 2)]
                return racc + t[0], rcntv + 16.0, rid

            def slow(racc, rcntv):
                off = abase + rid * _L
                accbuf[pl.ds(off, _L)] = accbuf[pl.ds(off, _L)] + racc
                offc = off + _CNT0
                accbuf[pl.ds(offc, _L)] = accbuf[pl.ds(offc, _L)] + rcntv
                for j in range(_L):
                    o = abase + idv[j] * _L
                    accbuf[pl.ds(o, _L)] = (
                        accbuf[pl.ds(o, _L)]
                        + ebuf[pl.ds((base + j) * _L, _L)])
                    oc = o + _CNT0
                    accbuf[pl.ds(oc, _L)] = accbuf[pl.ds(oc, _L)] + 1.0
                return zeros16, zeros16, idv[_L - 1]

            return lax.cond(uni, fast, slow, racc, rcntv)

        racc, rcntv, rid = lax.fori_loop(
            0, _GRP, pa, (zeros16, zeros16, rid0))
        off = abase + rid * _L
        accbuf[pl.ds(off, _L)] = accbuf[pl.ds(off, _L)] + racc
        offc = off + _CNT0
        accbuf[pl.ds(offc, _L)] = accbuf[pl.ds(offc, _L)] + rcntv
        return 0
    lax.fori_loop(0, _RPC, pa_row, 0)

    pltpu.sync_copy(accbuf, shared_all.at[s])
    plsc.subcore_barrier()
    pltpu.sync_copy(shared_all.at[:, pl.ds(s * _SLICE, _SLICE)], redbuf)
    for cc in range(_SLICE // _L):
        tot = redbuf[0, pl.ds(cc * _L, _L)]
        for t in range(1, _NS):
            tot = tot + redbuf[t, pl.ds(cc * _L, _L)]
        redout[pl.ds(cc * _L, _L)] = tot
    pltpu.sync_copy(redout, shared_red.at[pl.ds(s * _SLICE, _SLICE)])
    plsc.subcore_barrier()
    pltpu.sync_copy(shared_red, sumbuf)

    def mk(i, _):
        r = i // _K
        k = i % _K
        sbase = r * _RW + k * _L
        mbase = r * _K * _L + k * _L
        cntv = sumbuf[pl.ds(sbase + _CNT0, _L)]
        ivv = 1.0 / jnp.maximum(cntv, 1.0)
        invbuf[pl.ds(mbase, _L)] = ivv
        meansbuf[pl.ds(mbase, _L)] = sumbuf[pl.ds(sbase, _L)] * ivv
        return 0
    lax.fori_loop(0, _RPC * _K, mk, 0)

    def pb_row(r, carry):
        vacc, pairacc, regacc = carry
        row = c * _RPC + r
        mbase0 = r * _K * _L
        pltpu.sync_copy(
            e_hbm.at[pl.ds((row * _N + s * _PTS) * _L, _PTS * _L)], ebuf)
        rid0 = idbuf[pl.ds(r * _PTS, _L)][0]

        def pb(g, st):
            va, mcur, icur, rid = st
            base = g * _L
            idv = idbuf[pl.ds(r * _PTS + base, _L)]
            uni = jnp.logical_and(idv[0] == rid, idv[_L - 1] == rid)

            def fast(va, mcur, icur):
                ssqv = zeros16
                for j in range(_L):
                    d = ebuf[pl.ds((base + j) * _L, _L)] - mcur
                    ssqv = jnp.where(lane == j, jnp.sum(d * d), ssqv)
                distv = _sqrt(ssqv + 1e-12)
                hv = jnp.maximum(distv - _DELTA_V, 0.0)
                return va + hv * hv * icur, mcur, icur, rid

            def slow(va, mcur, icur):
                ssqv = zeros16
                invgv = zeros16
                for j in range(_L):
                    idj = idv[j]
                    d = (ebuf[pl.ds((base + j) * _L, _L)]
                         - meansbuf[pl.ds(mbase0 + idj * _L, _L)])
                    ssqv = jnp.where(lane == j, jnp.sum(d * d), ssqv)
                    invgv = jnp.where(
                        lane == j, invbuf[pl.ds(mbase0 + idj * _L, _L)],
                        invgv)
                distv = _sqrt(ssqv + 1e-12)
                hv = jnp.maximum(distv - _DELTA_V, 0.0)
                nid = idv[_L - 1]
                return (va + hv * hv * invgv,
                        meansbuf[pl.ds(mbase0 + nid * _L, _L)],
                        invbuf[pl.ds(mbase0 + nid * _L, _L)], nid)

            return lax.cond(uni, fast, slow, va, mcur, icur)

        vacc, _, _, _ = lax.fori_loop(
            0, _GRP, pb,
            (vacc, meansbuf[pl.ds(mbase0 + rid0 * _L, _L)],
             invbuf[pl.ds(mbase0 + rid0 * _L, _L)], rid0))

        def pk(kk, pa_acc):
            k = s * 4 + kk
            mk_v = meansbuf[pl.ds(mbase0 + k * _L, _L)]

            def pjg(jg, acc):
                sqv = jnp.ones((_L,), jnp.float32)
                for j in range(_L):
                    mj = meansbuf[pl.ds(mbase0 + (jg * _L + j) * _L, _L)]
                    d = mk_v - mj
                    sqv = jnp.where(lane == j, jnp.sum(d * d), sqv)
                pd = _sqrt(sqv)
                hp = jnp.maximum(2.0 * _DELTA_D - pd, 0.0)
                jidx = jg * _L + lane
                return acc + jnp.where(jidx == k, 0.0, hp * hp)
            return lax.fori_loop(0, _K // _L, pjg, pa_acc)
        pairacc = lax.fori_loop(0, 4, pk, pairacc)

        nsqv = jnp.ones((_L,), jnp.float32)
        for kk in range(4):
            mk_v = meansbuf[pl.ds(mbase0 + (s * 4 + kk) * _L, _L)]
            nsqv = jnp.where(lane == kk, jnp.sum(mk_v * mk_v), nsqv)
        regacc = regacc + jnp.where(lane < 4, _sqrt(nsqv + 1e-12), 0.0)

        return (vacc, pairacc, regacc)

    init = (jnp.zeros((_L,), jnp.float32),) * 3
    vacc, pairacc, regacc = lax.fori_loop(0, _RPC, pb_row, init)

    varp = jnp.sum(vacc)
    distp = jnp.sum(pairacc)
    regp = jnp.sum(regacc)
    outv = jnp.where(lane == 0, varp,
                     jnp.where(lane == 1, distp,
                               jnp.where(lane == 2, regp, 0.0)))
    outbuf[...] = outv
    pltpu.sync_copy(outbuf, out_hbm.at[wid])


@functools.partial(
    pl.kernel,
    mesh=plsc.VectorSubcoreMesh(core_axis_name="c", subcore_axis_name="s"),
    compiler_params=pltpu.CompilerParams(
        needs_layout_passes=False, use_tc_tiling_on_sc=False),
    out_type=jax.ShapeDtypeStruct((_NC * _NS, _L), jnp.float32),
    scratch_types=[
        pltpu.VMEM((_PTS * _L,), jnp.float32),
        pltpu.VMEM((_RPC * _PTS,), jnp.int32),
        pltpu.VMEM((_ACCW,), jnp.float32),
        pltpu.VMEM((_ACCW,), jnp.float32),
        pltpu.VMEM((_RPC * _K * _L,), jnp.float32),
        pltpu.VMEM((_RPC * _K * _L,), jnp.float32),
        pltpu.VMEM((_NS, _SLICE), jnp.float32),
        pltpu.VMEM((_SLICE,), jnp.float32),
        pltpu.VMEM((_L,), jnp.float32),
        pltpu.VMEM_SHARED((_NS, _ACCW), jnp.float32),
        pltpu.VMEM_SHARED((_ACCW,), jnp.float32),
    ],
)
def _sc_kernel(e_hbm, ids_hbm, out_hbm, *scratch):
    _sc_body(e_hbm, ids_hbm, out_hbm, *scratch)



@jax.jit
def kernel(embeddings, instance_ids):
    ids = instance_ids.astype(jnp.int32)
    num_pairs = _K * (_K - 1) / 2.0

    e_sc = embeddings[_TC_ROWS:].reshape(-1)
    ids_sc = ids[_TC_ROWS:].reshape(-1)
    p = _sc_kernel(e_sc, ids_sc)

    emb_t = embeddings[:_TC_ROWS].transpose(0, 2, 1)
    ids3 = ids[:_TC_ROWS].reshape(_TC_ROWS, 1, _N)
    out_tc = _tc_kernel(emb_t, ids3)

    var_loss = (jnp.sum(out_tc[:, 0, 0]) + jnp.sum(p[:, 0]) / _K) / _B
    dist_loss = (jnp.sum(out_tc[:, 0, 1])
                 + jnp.sum(p[:, 1]) / (2.0 * num_pairs)) / _B
    reg_loss = (jnp.sum(out_tc[:, 0, 2]) + jnp.sum(p[:, 2]) / _K) / _B
    total = _ALPHA * var_loss + _BETA * dist_loss + _GAMMA * reg_loss
    return (total, var_loss, dist_loss, reg_loss)

# --- scband reference (transcript-rebuilt; emitter-appended) ---
"""Pipeline reference for scband-discriminative-loss-6614249636120 (READ-ONLY COPY).

The authoritative reference and input builder live on the scoring server;
editing this copy changes nothing except your own understanding.
"""

import jax, jax.numpy as jnp
import numpy as np

DELTA_V = 0.5
DELTA_D = 1.5
ALPHA = 1.0
BETA = 1.0
GAMMA = 0.001
K = 64  # number of instances per sample; with N=32768 random ids in [0,64), all K ids are present


def setup_inputs(seed: int = 0) -> dict:
    key = jax.random.key(seed)
    k1, k2 = jax.random.split(key)
    embeddings = jax.random.normal(k1, (8, 32768, 16), dtype=jnp.float32)
    instance_ids = jnp.sort(jax.random.randint(k2, (8, 32768), 0, K), axis=-1)
    return {"embeddings": embeddings, "instance_ids": instance_ids}


def _per_batch(embed, ids):
    # embed: (N, D), ids: (N,) in [0, K)
    n = ids.shape[0]
    ones = jnp.ones((n,), dtype=embed.dtype)
    counts = jax.ops.segment_sum(ones, ids, num_segments=K)
    sums = jax.ops.segment_sum(embed, ids, num_segments=K)
    means = sums / jnp.maximum(counts, 1.0)[:, None]  # (K, D)

    # variance (pull) loss: per-instance mean of clamped distances^2, averaged over instances
    diffs = embed - means[ids]
    dists = jnp.sqrt(jnp.sum(diffs * diffs, axis=1) + 1e-12)
    hinge = jnp.maximum(dists - DELTA_V, 0.0) ** 2
    per_inst = jax.ops.segment_sum(hinge, ids, num_segments=K) / jnp.maximum(counts, 1.0)
    var_loss = jnp.sum(per_inst) / K

    # distance (push) loss over all instance pairs i<j
    md = means[:, None, :] - means[None, :, :]
    sq = jnp.sum(md * md, axis=-1)  # (K, K)
    iu = jnp.triu(jnp.ones((K, K), dtype=bool), k=1)
    pd = jnp.sqrt(jnp.where(iu, sq, 1.0))
    h = jnp.maximum(2.0 * DELTA_D - pd, 0.0) ** 2
    num_pairs = K * (K - 1) / 2.0
    dist_loss = jnp.sum(jnp.where(iu, h, 0.0)) / num_pairs

    # regularization loss
    reg_loss = jnp.mean(jnp.sqrt(jnp.sum(means * means, axis=1) + 1e-12))
    return var_loss, dist_loss, reg_loss


def reference(embeddings, instance_ids):
    vb, db, rb = jax.vmap(_per_batch)(embeddings, instance_ids)
    # every sample has K>=2 instances present -> num_valid_samples == batch
    var_loss = jnp.mean(vb)
    dist_loss = jnp.mean(db)
    reg_loss = jnp.mean(rb)
    total = ALPHA * var_loss + BETA * dist_loss + GAMMA * reg_loss
    return (total, var_loss, dist_loss, reg_loss)

if __name__ == "__main__":
    import jax
    _d = setup_inputs()
    print(jax.jit(kernel)(*tuple(_d.values())))

</pallas_src>

<mosaic_0001>
#map = affine_map<(d0, d1) -> (0)>
#map1 = affine_map<(d0, d1) -> (0, 0)>
module attributes {stable_mosaic.version = 14 : i64} {
  func.func @_sc_kernel(%arg0: i32, %arg1: i32, %arg2: memref<1048576xf32, #tpu.memory_space<hbm>>, %arg3: memref<65536xi32, #tpu.memory_space<hbm>>, %arg4: memref<32x16xf32, #tpu.memory_space<hbm>>, %arg5: memref<32768xf32, #tpu.memory_space<vmem>>, %arg6: memref<2048xi32, #tpu.memory_space<vmem>>, %arg7: memref<2048xf32, #tpu.memory_space<vmem>>, %arg8: memref<2048xf32, #tpu.memory_space<vmem>>, %arg9: memref<1024xf32, #tpu.memory_space<vmem>>, %arg10: memref<1024xf32, #tpu.memory_space<vmem>>, %arg11: memref<16x128xf32, #tpu.memory_space<vmem>>, %arg12: memref<128xf32, #tpu.memory_space<vmem>>, %arg13: memref<16xf32, #tpu.memory_space<vmem>>, %arg14: memref<16x2048xf32, #tpu.memory_space<vmem_shared>>, %arg15: memref<2048xf32, #tpu.memory_space<vmem_shared>>) attributes {dimension_semantics = [#tpu.dimension_semantics<core_parallel>, #tpu.dimension_semantics<subcore_parallel>], iteration_bounds = array<i64: 2, 16>, scalar_prefetch = 0 : i64, scratch_operands = 11 : i64, tpu.core_type = #tpu.core_type<sc_vector_subcore>, window_params = [{transform_indices = #map}, {transform_indices = #map}, {transform_indices = #map1}]} {
    %mul3A = arith.constant 16 : i32
    %mul3A_0 = arith.muli %arg0, %mul3A : i32
    %add3A = arith.addi %mul3A_0, %arg1 : i32
    %iota3A = tpu.iota {dimensions = array<i32: 0>} : vector<16xi32>
    %broadcast_in_dim3A = arith.constant 0.000000e+00 : f32
    %broadcast_in_dim3A_1 = vector.broadcast %broadcast_in_dim3A : f32 to vector<16xf32>
    %scan3A = arith.constant 0 : i32
    %scan3A_2 = arith.constant 0 : i32
    %scan3A_3 = arith.constant 128 : i32
    %scan3A_4 = arith.addi %scan3A_2, %scan3A_3 : i32
    %scan3A_5 = arith.constant 1 : i32
    %scan3A_6 = scf.for %scan3A_909 = %scan3A_2 to %scan3A_4 step %scan3A_5 iter_args(%scan3A_910 = %scan3A) -> (i32)  : i32 {
      %mul3A_911 = arith.constant 16 : i32
      %mul3A_912 = arith.muli %scan3A_909, %mul3A_911 : i32
      %swap3A_913 = arith.index_cast %mul3A_912 : i32 to index
      %swap3A_914 = tpu.vector_load %arg7[%swap3A_913] {strides = array<i32>} : memref<2048xf32, #tpu.memory_space<vmem>>, vector<16xf32>,
      tpu.vector_store %arg7[%swap3A_913], %broadcast_in_dim3A_1 {strides = array<i32>} : memref<2048xf32, #tpu.memory_space<vmem>>, vector<16xf32>,
      %scan3A_915 = arith.constant 0 : i32
      scf.yield %scan3A_915 : i32
    }
    %scan3A_7 = arith.constant 128 : i32
    %scan3A_8 = arith.constant 0 : i32
    %scan3A_9 = arith.constant 0 : i32
    %mul3A_10 = arith.constant 1 : i32
    %mul3A_11 = arith.muli %arg0, %mul3A_10 : i32
    %add3A_12 = arith.addi %mul3A_11, %scan3A_9 : i32
    %mul3A_13 = arith.constant 32768 : i32
    %mul3A_14 = arith.muli %add3A_12, %mul3A_13 : i32
    %mul3A_15 = arith.constant 2048 : i32
    %mul3A_16 = arith.muli %arg1, %mul3A_15 : i32
    %add3A_17 = arith.addi %mul3A_14, %mul3A_16 : i32
    %mul3A_18 = arith.constant 16 : i32
    %mul3A_19 = arith.muli %add3A_17, %mul3A_18 : i32
    "tpu.region"() ({
      %run_scoped3A = tpu.sem_alloc : memref<!tpu.dma_semaphore, #tpu.memory_space<semaphore_mem>>
      %dma_start3A = tpu.memref_slice %arg2[%mul3A_19] : memref<1048576xf32, #tpu.memory_space<hbm>> -> memref<32768xf32, #tpu.memory_space<hbm>>
      %dma_start3A_909 = tpu.memref_slice %arg2[%mul3A_19] : memref<1048576xf32, #tpu.memory_space<hbm>> -> memref<32768xf32, #tpu.memory_space<hbm>>
      tpu.enqueue_dma source(%dma_start3A_909 : memref<32768xf32, #tpu.memory_space<hbm>>) target(%arg5 : memref<32768xf32, #tpu.memory_space<vmem>>) target_semaphore(%run_scoped3A : memref<!tpu.dma_semaphore, #tpu.memory_space<semaphore_mem>>)
      %dma_wait3A = tpu.memref_slice %arg2[%mul3A_19] : memref<1048576xf32, #tpu.memory_space<hbm>> -> memref<32768xf32, #tpu.memory_space<hbm>>
      %dma_wait3A_910 = tpu.memref_slice %arg2[%mul3A_19] : memref<1048576xf32, #tpu.memory_space<hbm>> -> memref<32768xf32, #tpu.memory_space<hbm>>
      tpu.wait_dma2 semaphore(%run_scoped3A : memref<!tpu.dma_semaphore, #tpu.memory_space<semaphore_mem>>) src(%dma_wait3A_910 : memref<32768xf32, #tpu.memory_space<hbm>>) dst(%arg5 : memref<32768xf32, #tpu.memory_space<vmem>>)
      tpu.yield
    }) : () -> ()
    %mul3A_20 = arith.constant 32768 : i32
    %mul3A_21 = arith.muli %add3A_12, %mul3A_20 : i32
    %mul3A_22 = arith.constant 2048 : i32
    %mul3A_23 = arith.muli %arg1, %mul3A_22 : i32
    %add3A_24 = arith.addi %mul3A_21, %mul3A_23 : i32
    %mul3A_25 = arith.constant 2048 : i32
    %mul3A_26 = arith.muli %scan3A_9, %mul3A_25 : i32
    "tpu.region"() ({
      %run_scoped3A = tpu.sem_alloc : memref<!tpu.dma_semaphore, #tpu.memory_space<semaphore_mem>>
      %dma_start3A = tpu.memref_slice %arg6[%mul3A_26] : memref<2048xi32, #tpu.memory_space<vmem>> -> memref<2048xi32, #tpu.memory_space<vmem>>
      %dma_start3A_909 = tpu.memref_slice %arg3[%add3A_24] : memref<65536xi32, #tpu.memory_space<hbm>> -> memref<2048xi32, #tpu.memory_space<hbm>>
      %dma_start3A_910 = tpu.memref_slice %arg6[%mul3A_26] : memref<2048xi32, #tpu.memory_space<vmem>> -> memref<2048xi32, #tpu.memory_space<vmem>>
      %dma_start3A_911 = tpu.memref_slice %arg3[%add3A_24] : memref<65536xi32, #tpu.memory_space<hbm>> -> memref<2048xi32, #tpu.memory_space<hbm>>
      tpu.enqueue_dma source(%dma_start3A_911 : memref<2048xi32, #tpu.memory_space<hbm>>) target(%dma_start3A_910 : memref<2048xi32, #tpu.memory_space<vmem>>) target_semaphore(%run_scoped3A : memref<!tpu.dma_semaphore, #tpu.memory_space<semaphore_mem>>)
      %dma_wait3A = tpu.memref_slice %arg6[%mul3A_26] : memref<2048xi32, #tpu.memory_space<vmem>> -> memref<2048xi32, #tpu.memory_space<vmem>>
      %dma_wait3A_912 = tpu.memref_slice %arg3[%add3A_24] : memref<65536xi32, #tpu.memory_space<hbm>> -> memref<2048xi32, #tpu.memory_space<hbm>>
      %dma_wait3A_913 = tpu.memref_slice %arg6[%mul3A_26] : memref<2048xi32, #tpu.memory_space<vmem>> -> memref<2048xi32, #tpu.memory_space<vmem>>
      %dma_wait3A_914 = tpu.memref_slice %arg3[%add3A_24] : memref<65536xi32, #tpu.memory_space<hbm>> -> memref<2048xi32, #tpu.memory_space<hbm>>
      tpu.wait_dma2 semaphore(%run_scoped3A : memref<!tpu.dma_semaphore, #tpu.memory_space<semaphore_mem>>) src(%dma_wait3A_914 : memref<2048xi32, #tpu.memory_space<hbm>>) dst(%dma_wait3A_913 : memref<2048xi32, #tpu.memory_space<vmem>>)
      tpu.yield
    }) : () -> ()
    %mul3A_27 = arith.constant 2048 : i32
    %mul3A_28 = arith.muli %scan3A_9, %mul3A_27 : i32
    %mul3A_29 = arith.constant 2048 : i32
    %mul3A_30 = arith.muli %scan3A_9, %mul3A_29 : i32
    %get3A = arith.index_cast %mul3A_30 : i32 to index
    %get3A_31 = tpu.vector_load %arg6[%get3A] {strides = array<i32>} : memref<2048xi32, #tpu.memory_space<vmem>>, vector<16xi32>,
    %slice3A = vector.extract_strided_slice %get3A_31 {offsets = [0], sizes = [1], strides = [1]} : vector<16xi32> to vector<1xi32>
    %squeeze3A = vector.extract %slice3A[0] : i32 from vector<1xi32>
    %scan3A_32 = arith.constant 0 : i32
    %scan3A_33 = arith.constant 128 : i32
    %scan3A_34 = arith.addi %scan3A_32, %scan3A_33 : i32
    %scan3A_35 = arith.constant 1 : i32
    %scan3A_36:3 = scf.for %scan3A_909 = %scan3A_32 to %scan3A_34 step %scan3A_35 iter_args(%scan3A_910 = %broadcast_in_dim3A_1, %scan3A_911 = %broadcast_in_dim3A_1, %scan3A_912 = %squeeze3A) -> (vector<16xf32>, vector<16xf32>, i32)  : i32 {
      %mul3A_913 = arith.constant 16 : i32
      %mul3A_914 = arith.muli %scan3A_909, %mul3A_913 : i32
      %mul3A_915 = arith.constant 2048 : i32
      %mul3A_916 = arith.muli %scan3A_9, %mul3A_915 : i32
      %add3A_917 = arith.addi %mul3A_916, %mul3A_914 : i32
      %get3A_918 = arith.index_cast %add3A_917 : i32 to index
      %get3A_919 = tpu.vector_load %arg6[%get3A_918] {strides = array<i32>} : memref<2048xi32, #tpu.memory_space<vmem>>, vector<16xi32>,
      %slice3A_920 = vector.extract_strided_slice %get3A_919 {offsets = [0], sizes = [1], strides = [1]} : vector<16xi32> to vector<1xi32>
      %squeeze3A_921 = vector.extract %slice3A_920[0] : i32 from vector<1xi32>
      %eq3A_922 = arith.cmpi eq, %squeeze3A_921, %scan3A_912 : i32
      %slice3A_923 = vector.extract_strided_slice %get3A_919 {offsets = [15], sizes = [1], strides = [1]} : vector<16xi32> to vector<1xi32>
      %squeeze3A_924 = vector.extract %slice3A_923[0] : i32 from vector<1xi32>
      %eq3A_925 = arith.cmpi eq, %squeeze3A_924, %scan3A_912 : i32
      %and3A = arith.andi %eq3A_922, %eq3A_925 : i1
      %convert_element_type3A = arith.extui %and3A : i1 to i32
      %cond3A = arith.constant 0 : i32
      %cond3A_926 = arith.cmpi ne, %convert_element_type3A, %cond3A : i32
      %cond3A_927:3 = scf.if %cond3A_926 -> (vector<16xf32>, vector<16xf32>, i32) {
        %add3A_928 = arith.constant 0 : i32
        %add3A_929 = arith.addi %mul3A_914, %add3A_928 : i32
        %mul3A_930 = arith.constant 16 : i32
        %mul3A_931 = arith.muli %add3A_929, %mul3A_930 : i32
        %get3A_932 = arith.index_cast %mul3A_931 : i32 to index
        %get3A_933 = tpu.vector_load %arg5[%get3A_932] {strides = array<i32>} : memref<32768xf32, #tpu.memory_space<vmem>>, vector<16xf32>,
        %add3A_934 = arith.constant 1 : i32
        %add3A_935 = arith.addi %mul3A_914, %add3A_934 : i32
        %mul3A_936 = arith.constant 16 : i32
        %mul3A_937 = arith.muli %add3A_935, %mul3A_936 : i32
        %get3A_938 = arith.index_cast %mul3A_937 : i32 to index
        %get3A_939 = tpu.vector_load %arg5[%get3A_938] {strides = array<i32>} : memref<32768xf32, #tpu.memory_space<vmem>>, vector<16xf32>,
        %add3A_940 = arith.constant 2 : i32
        %add3A_941 = arith.addi %mul3A_914, %add3A_940 : i32
        %mul3A_942 = arith.constant 16 : i32
        %mul3A_943 = arith.muli %add3A_941, %mul3A_942 : i32
        %get3A_944 = arith.index_cast %mul3A_943 : i32 to index
        %get3A_945 = tpu.vector_load %arg5[%get3A_944] {strides = array<i32>} : memref<32768xf32, #tpu.memory_space<vmem>>, vector<16xf32>,
        %add3A_946 = arith.constant 3 : i32
        %add3A_947 = arith.addi %mul3A_914, %add3A_946 : i32
        %mul3A_948 = arith.constant 16 : i32
        %mul3A_949 = arith.muli %add3A_947, %mul3A_948 : i32
        %get3A_950 = arith.index_cast %mul3A_949 : i32 to index
        %get3A_951 = tpu.vector_load %arg5[%get3A_950] {strides = array<i32>} : memref<32768xf32, #tpu.memory_space<vmem>>, vector<16xf32>,
        %add3A_952 = arith.constant 4 : i32
        %add3A_953 = arith.addi %mul3A_914, %add3A_952 : i32
        %mul3A_954 = arith.constant 16 : i32
        %mul3A_955 = arith.muli %add3A_953, %mul3A_954 : i32
        %get3A_956 = arith.index_cast %mul3A_955 : i32 to index
        %get3A_957 = tpu.vector_load %arg5[%get3A_956] {strides = array<i32>} : memref<32768xf32, #tpu.memory_space<vmem>>, vector<16xf32>,
        %add3A_958 = arith.constant 5 : i32
        %add3A_959 = arith.addi %mul3A_914, %add3A_958 : i32
        %mul3A_960 = arith.constant 16 : i32
        %mul3A_961 = arith.muli %add3A_959, %mul3A_960 : i32
        %get3A_962 = arith.index_cast %mul3A_961 : i32 to index
        %get3A_963 = tpu.vector_load %arg5[%get3A_962] {strides = array<i32>} : memref<32768xf32, #tpu.memory_space<vmem>>, vector<16xf32>,
        %add3A_964 = arith.constant 6 : i32
        %add3A_965 = arith.addi %mul3A_914, %add3A_964 : i32
        %mul3A_966 = arith.constant 16 : i32
        %mul3A_967 = arith.muli %add3A_965, %mul3A_966 : i32
        %get3A_968 = arith.index_cast %mul3A_967 : i32 to index
        %get3A_969 = tpu.vector_load %arg5[%get3A_968] {strides = array<i32>} : memref<32768xf32, #tpu.memory_space<vmem>>, vector<16xf32>,
        %add3A_970 = arith.constant 7 : i32
        %add3A_971 = arith.addi %mul3A_914, %add3A_970 : i32
        %mul3A_972 = arith.constant 16 : i32
        %mul3A_973 = arith.muli %add3A_971, %mul3A_972 : i32
        %get3A_974 = arith.index_cast %mul3A_973 : i32 to index
        %get3A_975 = tpu.vector_load %arg5[%get3A_974] {strides = array<i32>} : memref<32768xf32, #tpu.memory_space<vmem>>, vector<16xf32>,
        %add3A_976 = arith.constant 8 : i32
        %add3A_977 = arith.addi %mul3A_914, %add3A_976 : i32
        %mul3A_978 = arith.constant 16 : i32
        %mul3A_979 = arith.muli %add3A_977, %mul3A_978 : i32
        %get3A_980 = arith.index_cast %mul3A_979 : i32 to index
        %get3A_981 = tpu.vector_load %arg5[%get3A_980] {strides = array<i32>} : memref<32768xf32, #tpu.memory_space<vmem>>, vector<16xf32>,
        %add3A_982 = arith.constant 9 : i32
        %add3A_983 = arith.addi %mul3A_914, %add3A_982 : i32
        %mul3A_984 = arith.constant 16 : i32
        %mul3A_985 = arith.muli %add3A_983, %mul3A_984 : i32
        %get3A_986 = arith.index_cast %mul3A_985 : i32 to index
        %get3A_987 = tpu.vector_load %arg5[%get3A_986] {strides = array<i32>} : memref<32768xf32, #tpu.memory_space<vmem>>, vector<16xf32>,
        %add3A_988 = arith.constant 10 : i32
        %add3A_989 = arith.addi %mul3A_914, %add3A_988 : i32
        %mul3A_990 = arith.constant 16 : i32
        %mul3A_991 = arith.muli %add3A_989, %mul3A_990 : i32
        %get3A_992 = arith.index_cast %mul3A_991 : i32 to index
        %get3A_993 = tpu.vector_load %arg5[%get3A_992] {strides = array<i32>} : memref<32768xf32, #tpu.memory_space<vmem>>, vector<16xf32>,
        %add3A_994 = arith.constant 11 : i32
        %add3A_995 = arith.addi %mul3A_914, %add3A_994 : i32
        %mul3A_996 = arith.constant 16 : i32
        %mul3A_997 = arith.muli %add3A_995, %mul3A_996 : i32
        %get3A_998 = arith.index_cast %mul3A_997 : i32 to index
        %get3A_999 = tpu.vector_load %arg5[%get3A_998] {strides = array<i32>} : memref<32768xf32, #tpu.memory_space<vmem>>, vector<16xf32>,
        %add3A_1000 = arith.constant 12 : i32
        %add3A_1001 = arith.addi %mul3A_914, %add3A_1000 : i32
        %mul3A_1002 = arith.constant 16 : i32
        %mul3A_1003 = arith.muli %add3A_1001, %mul3A_1002 : i32
        %get3A_1004 = arith.index_cast %mul3A_1003 : i32 to index
        %get3A_1005 = tpu.vector_load %arg5[%get3A_1004] {strides = array<i32>} : memref<32768xf32, #tpu.memory_space<vmem>>, vector<16xf32>,
        %add3A_1006 = arith.constant 13 : i32
        %add3A_1007 = arith.addi %mul3A_914, %add3A_1006 : i32
        %mul3A_1008 = arith.constant 16 : i32
        %mul3A_1009 = arith.muli %add3A_1007, %mul3A_1008 : i32
        %get3A_1010 = arith.index_cast %mul3A_1009 : i32 to index
        %get3A_1011 = tpu.vector_load %arg5[%get3A_1010] {strides = array<i32>} : memref<32768xf32, #tpu.memory_space<vmem>>, vector<16xf32>,
        %add3A_1012 = arith.constant 14 : i32
        %add3A_1013 = arith.addi %mul3A_914, %add3A_1012 : i32
        %mul3A_1014 = arith.constant 16 : i32
        %mul3A_1015 = arith.muli %add3A_1013, %mul3A_1014 : i32
        %get3A_1016 = arith.index_cast %mul3A_1015 : i32 to index
        %get3A_1017 = tpu.vector_load %arg5[%get3A_1016] {strides = array<i32>} : memref<32768xf32, #tpu.memory_space<vmem>>, vector<16xf32>,
        %add3A_1018 = arith.constant 15 : i32
        %add3A_1019 = arith.addi %mul3A_914, %add3A_1018 : i32
        %mul3A_1020 = arith.constant 16 : i32
        %mul3A_1021 = arith.muli %add3A_1019, %mul3A_1020 : i32
        %get3A_1022 = arith.index_cast %mul3A_1021 : i32 to index
        %get3A_1023 = tpu.vector_load %arg5[%get3A_1022] {strides = array<i32>} : memref<32768xf32, #tpu.memory_space<vmem>>, vector<16xf32>,
        %add3A_1024 = arith.addf %get3A_933, %get3A_939 : vector<16xf32>
        %add3A_1025 = arith.addf %get3A_945, %get3A_951 : vector<16xf32>
        %add3A_1026 = arith.addf %get3A_957, %get3A_963 : vector<16xf32>
        %add3A_1027 = arith.addf %get3A_969, %get3A_975 : vector<16xf32>
        %add3A_1028 = arith.addf %get3A_981, %get3A_987 : vector<16xf32>
        %add3A_1029 = arith.addf %get3A_993, %get3A_999 : vector<16xf32>
        %add3A_1030 = arith.addf %get3A_1005, %get3A_1011 : vector<16xf32>
        %add3A_1031 = arith.addf %get3A_1017, %get3A_1023 : vector<16xf32>
        %add3A_1032 = arith.addf %add3A_1024, %add3A_1025 : vector<16xf32>
        %add3A_1033 = arith.addf %add3A_1026, %add3A_1027 : vector<16xf32>
        %add3A_1034 = arith.addf %add3A_1028, %add3A_1029 : vector<16xf32>
        %add3A_1035 = arith.addf %add3A_1030, %add3A_1031 : vector<16xf32>
        %add3A_1036 = arith.addf %add3A_1032, %add3A_1033 : vector<16xf32>
        %add3A_1037 = arith.addf %add3A_1034, %add3A_1035 : vector<16xf32>
        %add3A_1038 = arith.addf %add3A_1036, %add3A_1037 : vector<16xf32>
        %add3A_1039 = arith.addf %scan3A_910, %add3A_1038 : vector<16xf32>
        %add3A_1040 = arith.constant 1.600000e+01 : f32
        %add3A_1041 = vector.broadcast %add3A_1040 : f32 to vector<16xf32>
        %add3A_1042 = arith.addf %scan3A_911, %add3A_1041 : vector<16xf32>
        scf.yield %add3A_1039, %add3A_1042, %scan3A_912 : vector<16xf32>, vector<16xf32>, i32
      } else {
        %mul3A_928 = arith.constant 16 : i32
        %mul3A_929 = arith.muli %scan3A_912, %mul3A_928 : i32
        %add3A_930 = arith.addi %mul3A_28, %mul3A_929 : i32
        %get3A_931 = arith.index_cast %add3A_930 : i32 to index
        %get3A_932 = tpu.vector_load %arg7[%get3A_931] {strides = array<i32>} : memref<2048xf32, #tpu.memory_space<vmem>>, vector<16xf32>,
        %add3A_933 = arith.addf %get3A_932, %scan3A_910 : vector<16xf32>
        %swap3A_934 = arith.index_cast %add3A_930 : i32 to index
        %swap3A_935 = tpu.vector_load %arg7[%swap3A_934] {strides = array<i32>} : memref<2048xf32, #tpu.memory_space<vmem>>, vector<16xf32>,
        tpu.vector_store %arg7[%swap3A_934], %add3A_933 {strides = array<i32>} : memref<2048xf32, #tpu.memory_space<vmem>>, vector<16xf32>,
        %add3A_936 = arith.constant 1024 : i32
        %add3A_937 = arith.addi %add3A_930, %add3A_936 : i32
        %get3A_938 = arith.index_cast %add3A_937 : i32 to index
        %get3A_939 = tpu.vector_load %arg7[%get3A_938] {strides = array<i32>} : memref<2048xf32, #tpu.memory_space<vmem>>, vector<16xf32>,
        %add3A_940 = arith.addf %get3A_939, %scan3A_911 : vector<16xf32>
        %swap3A_941 = arith.index_cast %add3A_937 : i32 to index
        %swap3A_942 = tpu.vector_load %arg7[%swap3A_941] {strides = array<i32>} : memref<2048xf32, #tpu.memory_space<vmem>>, vector<16xf32>,
        tpu.vector_store %arg7[%swap3A_941], %add3A_940 {strides = array<i32>} : memref<2048xf32, #tpu.memory_space<vmem>>, vector<16xf32>,
        %slice3A_943 = vector.extract_strided_slice %get3A_919 {offsets = [0], sizes = [1], strides = [1]} : vector<16xi32> to vector<1xi32>
        %squeeze3A_944 = vector.extract %slice3A_943[0] : i32 from vector<1xi32>
        %mul3A_945 = arith.constant 16 : i32
        %mul3A_946 = arith.muli %squeeze3A_944, %mul3A_945 : i32
        %add3A_947 = arith.addi %mul3A_28, %mul3A_946 : i32
        %get3A_948 = arith.index_cast %add3A_947 : i32 to index
        %get3A_949 = tpu.vector_load %arg7[%get3A_948] {strides = array<i32>} : memref<2048xf32, #tpu.memory_space<vmem>>, vector<16xf32>,
        %add3A_950 = arith.constant 0 : i32
        %add3A_951 = arith.addi %mul3A_914, %add3A_950 : i32
        %mul3A_952 = arith.constant 16 : i32
        %mul3A_953 = arith.muli %add3A_951, %mul3A_952 : i32
        %get3A_954 = arith.index_cast %mul3A_953 : i32 to index
        %get3A_955 = tpu.vector_load %arg5[%get3A_954] {strides = array<i32>} : memref<32768xf32, #tpu.memory_space<vmem>>, vector<16xf32>,
        %add3A_956 = arith.addf %get3A_949, %get3A_955 : vector<16xf32>
        %swap3A_957 = arith.index_cast %add3A_947 : i32 to index
        %swap3A_958 = tpu.vector_load %arg7[%swap3A_957] {strides = array<i32>} : memref<2048xf32, #tpu.memory_space<vmem>>, vector<16xf32>,
        tpu.vector_store %arg7[%swap3A_957], %add3A_956 {strides = array<i32>} : memref<2048xf32, #tpu.memory_space<vmem>>, vector<16xf32>,
        %add3A_959 = arith.constant 1024 : i32
        %add3A_960 = arith.addi %add3A_947, %add3A_959 : i32
        %get3A_961 = arith.index_cast %add3A_960 : i32 to index
        %get3A_962 = tpu.vector_load %arg7[%get3A_961] {strides = array<i32>} : memref<2048xf32, #tpu.memory_space<vmem>>, vector<16xf32>,
        %add3A_963 = arith.constant 1.000000e+00 : f32
        %add3A_964 = vector.broadcast %add3A_963 : f32 to vector<16xf32>
        %add3A_965 = arith.addf %get3A_962, %add3A_964 : vector<16xf32>
        %swap3A_966 = arith.index_cast %add3A_960 : i32 to index
        %swap3A_967 = tpu.vector_load %arg7[%swap3A_966] {strides = array<i32>} : memref<2048xf32, #tpu.memory_space<vmem>>, vector<16xf32>,
        tpu.vector_store %arg7[%swap3A_966], %add3A_965 {strides = array<i32>} : memref<2048xf32, #tpu.memory_space<vmem>>, vector<16xf32>,
        %slice3A_968 = vector.extract_strided_slice %get3A_919 {offsets = [1], sizes = [1], strides = [1]} : vector<16xi32> to vector<1xi32>
        %squeeze3A_969 = vector.extract %slice3A_968[0] : i32 from vector<1xi32>
        %mul3A_970 = arith.constant 16 : i32
        %mul3A_971 = arith.muli %squeeze3A_969, %mul3A_970 : i32
        %add3A_972 = arith.addi %mul3A_28, %mul3A_971 : i32
        %get3A_973 = arith.index_cast %add3A_972 : i32 to index
        %get3A_974 = tpu.vector_load %arg7[%get3A_973] {strides = array<i32>} : memref<2048xf32, #tpu.memory_space<vmem>>, vector<16xf32>,
        %add3A_975 = arith.constant 1 : i32
        %add3A_976 = arith.addi %mul3A_914, %add3A_975 : i32
        %mul3A_977 = arith.constant 16 : i32
        %mul3A_978 = arith.muli %add3A_976, %mul3A_977 : i32
        %get3A_979 = arith.index_cast %mul3A_978 : i32 to index
        %get3A_980 = tpu.vector_load %arg5[%get3A_979] {strides = array<i32>} : memref<32768xf32, #tpu.memory_space<vmem>>, vector<16xf32>,
        %add3A_981 = arith.addf %get3A_974, %get3A_980 : vector<16xf32>
        %swap3A_982 = arith.index_cast %add3A_972 : i32 to index
        %swap3A_983 = tpu.vector_load %arg7[%swap3A_982] {strides = array<i32>} : memref<2048xf32, #tpu.memory_space<vmem>>, vector<16xf32>,
        tpu.vector_store %arg7[%swap3A_982], %add3A_981 {strides = array<i32>} : memref<2048xf32, #tpu.memory_space<vmem>>, vector<16xf32>,
        %add3A_984 = arith.constant 1024 : i32
        %add3A_985 = arith.addi %add3A_972, %add3A_984 : i32
        %get3A_986 = arith.index_cast %add3A_985 : i32 to index
        %get3A_987 = tpu.vector_load %arg7[%get3A_986] {strides = array<i32>} : memref<2048xf32, #tpu.memory_space<vmem>>, vector<16xf32>,
        %add3A_988 = arith.constant 1.000000e+00 : f32
        %add3A_989 = vector.broadcast %add3A_988 : f32 to vector<16xf32>
        %add3A_990 = arith.addf %get3A_987, %add3A_989 : vector<16xf32>
        %swap3A_991 = arith.index_cast %add3A_985 : i32 to index
        %swap3A_992 = tpu.vector_load %arg7[%swap3A_991] {strides = array<i32>} : memref<2048xf32, #tpu.memory_space<vmem>>, vector<16xf32>,
        tpu.vector_store %arg7[%swap3A_991], %add3A_990 {strides = array<i32>} : memref<2048xf32, #tpu.memory_space<vmem>>, vector<16xf32>,
        %slice3A_993 = vector.extract_strided_slice %get3A_919 {offsets = [2], sizes = [1], strides = [1]} : vector<16xi32> to vector<1xi32>
        %squeeze3A_994 = vector.extract %slice3A_993[0] : i32 from vector<1xi32>
        %mul3A_995 = arith.constant 16 : i32
        %mul3A_996 = arith.muli %squeeze3A_994, %mul3A_995 : i32
        %add3A_997 = arith.addi %mul3A_28, %mul3A_996 : i32
        %get3A_998 = arith.index_cast %add3A_997 : i32 to index
        %get3A_999 = tpu.vector_load %arg7[%get3A_998] {strides = array<i32>} : memref<2048xf32, #tpu.memory_space<vmem>>, vector<16xf32>,
        %add3A_1000 = arith.constant 2 : i32
        %add3A_1001 = arith.addi %mul3A_914, %add3A_1000 : i32
        %mul3A_1002 = arith.constant 16 : i32
        %mul3A_1003 = arith.muli %add3A_1001, %mul3A_1002 : i32
        %get3A_1004 = arith.index_cast %mul3A_1003 : i32 to index
        %get3A_1005 = tpu.vector_load %arg5[%get3A_1004] {strides = array<i32>} : memref<32768xf32, #tpu.memory_space<vmem>>, vector<16xf32>,
        %add3A_1006 = arith.addf %get3A_999, %get3A_1005 : vector<16xf32>
        %swap3A_1007 = arith.index_cast %add3A_997 : i32 to index
        %swap3A_1008 = tpu.vector_load %arg7[%swap3A_1007] {strides = array<i32>} : memref<2048xf32, #tpu.memory_space<vmem>>, vector<16xf32>,
        tpu.vector_store %arg7[%swap3A_1007], %add3A_1006 {strides = array<i32>} : memref<2048xf32, #tpu.memory_space<vmem>>, vector<16xf32>,
        %add3A_1009 = arith.constant 1024 : i32
        %add3A_1010 = arith.addi %add3A_997, %add3A_1009 : i32
        %get3A_1011 = arith.index_cast %add3A_1010 : i32 to index
        %get3A_1012 = tpu.vector_load %arg7[%get3A_1011] {strides = array<i32>} : memref<2048xf32, #tpu.memory_space<vmem>>, vector<16xf32>,
        %add3A_1013 = arith.constant 1.000000e+00 : f32
        %add3A_1014 = vector.broadcast %add3A_1013 : f32 to vector<16xf32>
        %add3A_1015 = arith.addf %get3A_1012, %add3A_1014 : vector<16xf32>
        %swap3A_1016 = arith.index_cast %add3A_1010 : i32 to index
        %swap3A_1017 = tpu.vector_load %arg7[%swap3A_1016] {strides = array<i32>} : memref<2048xf32, #tpu.memory_space<vmem>>, vector<16xf32>,
        tpu.vector_store %arg7[%swap3A_1016], %add3A_1015 {strides = array<i32>} : memref<2048xf32, #tpu.memory_space<vmem>>, vector<16xf32>,
        %slice3A_1018 = vector.extract_strided_slice %get3A_919 {offsets = [3], sizes = [1], strides = [1]} : vector<16xi32> to vector<1xi32>
        %squeeze3A_1019 = vector.extract %slice3A_1018[0] : i32 from vector<1xi32>
        %mul3A_1020 = arith.constant 16 : i32
        %mul3A_1021 = arith.muli %squeeze3A_1019, %mul3A_1020 : i32
        %add3A_1022 = arith.addi %mul3A_28, %mul3A_1021 : i32
        %get3A_1023 = arith.index_cast %add3A_1022 : i32 to index
        %get3A_1024 = tpu.vector_load %arg7[%get3A_1023] {strides = array<i32>} : memref<2048xf32, #tpu.memory_space<vmem>>, vector<16xf32>,
        %add3A_1025 = arith.constant 3 : i32
        %add3A_1026 = arith.addi %mul3A_914, %add3A_1025 : i32
        %mul3A_1027 = arith.constant 16 : i32
        %mul3A_1028 = arith.muli %add3A_1026, %mul3A_1027 : i32
        %get3A_1029 = arith.index_cast %mul3A_1028 : i32 to index
        %get3A_1030 = tpu.vector_load %arg5[%get3A_1029] {strides = array<i32>} : memref<32768xf32, #tpu.memory_space<vmem>>, vector<16xf32>,
        %add3A_1031 = arith.addf %get3A_1024, %get3A_1030 : vector<16xf32>
        %swap3A_1032 = arith.index_cast %add3A_1022 : i32 to index
        %swap3A_1033 = tpu.vector_load %arg7[%swap3A_1032] {strides = array<i32>} : memref<2048xf32, #tpu.memory_space<vmem>>, vector<16xf32>,
        tpu.vector_store %arg7[%swap3A_1032], %add3A_1031 {strides = array<i32>} : memref<2048xf32, #tpu.memory_space<vmem>>, vector<16xf32>,
        %add3A_1034 = arith.constant 1024 : i32
        %add3A_1035 = arith.addi %add3A_1022, %add3A_1034 : i32
        %get3A_1036 = arith.index_cast %add3A_1035 : i32 to index
        %get3A_1037 = tpu.vector_load %arg7[%get3A_1036] {strides = array<i32>} : memref<2048xf32, #tpu.memory_space<vmem>>, vector<16xf32>,
        %add3A_1038 = arith.constant 1.000000e+00 : f32
        %add3A_1039 = vector.broadcast %add3A_1038 : f32 to vector<16xf32>
        %add3A_1040 = arith.addf %get3A_1037, %add3A_1039 : vector<16xf32>
        %swap3A_1041 = arith.index_cast %add3A_1035 : i32 to index
        %swap3A_1042 = tpu.vector_load %arg7[%swap3A_1041] {strides = array<i32>} : memref<2048xf32, #tpu.memory_space<vmem>>, vector<16xf32>,
        tpu.vector_store %arg7[%swap3A_1041], %add3A_1040 {strides = array<i32>} : memref<2048xf32, #tpu.memory_space<vmem>>, vector<16xf32>,
        %slice3A_1043 = vector.extract_strided_slice %get3A_919 {offsets = [4], sizes = [1], strides = [1]} : vector<16xi32> to vector<1xi32>
        %squeeze3A_1044 = vector.extract %slice3A_1043[0] : i32 from vector<1xi32>
        %mul3A_1045 = arith.constant 16 : i32
        %mul3A_1046 = arith.muli %squeeze3A_1044, %mul3A_1045 : i32
        %add3A_1047 = arith.addi %mul3A_28, %mul3A_1046 : i32
        %get3A_1048 = arith.index_cast %add3A_1047 : i32 to index
        %get3A_1049 = tpu.vector_load %arg7[%get3A_1048] {strides = array<i32>} : memref<2048xf32, #tpu.memory_space<vmem>>, vector<16xf32>,
        %add3A_1050 = arith.constant 4 : i32
        %add3A_1051 = arith.addi %mul3A_914, %add3A_1050 : i32
        %mul3A_1052 = arith.constant 16 : i32
        %mul3A_1053 = arith.muli %add3A_1051, %mul3A_1052 : i32
        %get3A_1054 = arith.index_cast %mul3A_1053 : i32 to index
        %get3A_1055 = tpu.vector_load %arg5[%get3A_1054] {strides = array<i32>} : memref<32768xf32, #tpu.memory_space<vmem>>, vector<16xf32>,
        %add3A_1056 = arith.addf %get3A_1049, %get3A_1055 : vector<16xf32>
        %swap3A_1057 = arith.index_cast %add3A_1047 : i32 to index
        %swap3A_1058 = tpu.vector_load %arg7[%swap3A_1057] {strides = array<i32>} : memref<2048xf32, #tpu.memory_space<vmem>>, vector<16xf32>,
        tpu.vector_store %arg7[%swap3A_1057], %add3A_1056 {strides = array<i32>} : memref<2048xf32, #tpu.memory_space<vmem>>, vector<16xf32>,
        %add3A_1059 = arith.constant 1024 : i32
        %add3A_1060 = arith.addi %add3A_1047, %add3A_1059 : i32
        %get3A_1061 = arith.index_cast %add3A_1060 : i32 to index
        %get3A_1062 = tpu.vector_load %arg7[%get3A_1061] {strides = array<i32>} : memref<2048xf32, #tpu.memory_space<vmem>>, vector<16xf32>,
        %add3A_1063 = arith.constant 1.000000e+00 : f32
        %add3A_1064 = vector.broadcast %add3A_1063 : f32 to vector<16xf32>
        %add3A_1065 = arith.addf %get3A_1062, %add3A_1064 : vector<16xf32>
        %swap3A_1066 = arith.index_cast %add3A_1060 : i32 to index
        %swap3A_1067 = tpu.vector_load %arg7[%swap3A_1066] {strides = array<i32>} : memref<2048xf32, #tpu.memory_space<vmem>>, vector<16xf32>,
        tpu.vector_store %arg7[%swap3A_1066], %add3A_1065 {strides = array<i32>} : memref<2048xf32, #tpu.memory_space<vmem>>, vector<16xf32>,
        %slice3A_1068 = vector.extract_strided_slice %get3A_919 {offsets = [5], sizes = [1], strides = [1]} : vector<16xi32> to vector<1xi32>
        %squeeze3A_1069 = vector.extract %slice3A_1068[0] : i32 from vector<1xi32>
        %mul3A_1070 = arith.constant 16 : i32
        %mul3A_1071 = arith.muli %squeeze3A_1069, %mul3A_1070 : i32
        %add3A_1072 = arith.addi %mul3A_28, %mul3A_1071 : i32
        %get3A_1073 = arith.index_cast %add3A_1072 : i32 to index
        %get3A_1074 = tpu.vector_load %arg7[%get3A_1073] {strides = array<i32>} : memref<2048xf32, #tpu.memory_space<vmem>>, vector<16xf32>,
        %add3A_1075 = arith.constant 5 : i32
        %add3A_1076 = arith.addi %mul3A_914, %add3A_1075 : i32
        %mul3A_1077 = arith.constant 16 : i32
        %mul3A_1078 = arith.muli %add3A_1076, %mul3A_1077 : i32
        %get3A_1079 = arith.index_cast %mul3A_1078 : i32 to index
        %get3A_1080 = tpu.vector_load %arg5[%get3A_1079] {strides = array<i32>} : memref<32768xf32, #tpu.memory_space<vmem>>, vector<16xf32>,
        %add3A_1081 = arith.addf %get3A_1074, %get3A_1080 : vector<16xf32>
        %swap3A_1082 = arith.index_cast %add3A_1072 : i32 to index
        %swap3A_1083 = tpu.vector_load %arg7[%swap3A_1082] {strides = array<i32>} : memref<2048xf32, #tpu.memory_space<vmem>>, vector<16xf32>,
        tpu.vector_store %arg7[%swap3A_1082], %add3A_1081 {strides = array<i32>} : memref<2048xf32, #tpu.memory_space<vmem>>, vector<16xf32>,
        %add3A_1084 = arith.constant 1024 : i32
        %add3A_1085 = arith.addi %add3A_1072, %add3A_1084 : i32
        %get3A_1086 = arith.index_cast %add3A_1085 : i32 to index
        %get3A_1087 = tpu.vector_load %arg7[%get3A_1086] {strides = array<i32>} : memref<2048xf32, #tpu.memory_space<vmem>>, vector<16xf32>,
        %add3A_1088 = arith.constant 1.000000e+00 : f32
        %add3A_1089 = vector.broadcast %add3A_1088 : f32 to vector<16xf32>
        %add3A_1090 = arith.addf %get3A_1087, %add3A_1089 : vector<16xf32>
        %swap3A_1091 = arith.index_cast %add3A_1085 : i32 to index
        %swap3A_1092 = tpu.vector_load %arg7[%swap3A_1091] {strides = array<i32>} : memref<2048xf32, #tpu.memory_space<vmem>>, vector<16xf32>,
        tpu.vector_store %arg7[%swap3A_1091], %add3A_1090 {strides = array<i32>} : memref<2048xf32, #tpu.memory_space<vmem>>, vector<16xf32>,
        %slice3A_1093 = vector.extract_strided_slice %get3A_919 {offsets = [6], sizes = [1], strides = [1]} : vector<16xi32> to vector<1xi32>
        %squeeze3A_1094 = vector.extract %slice3A_1093[0] : i32 from vector<1xi32>
        %mul3A_1095 = arith.constant 16 : i32
        %mul3A_1096 = arith.muli %squeeze3A_1094, %mul3A_1095 : i32
        %add3A_1097 = arith.addi %mul3A_28, %mul3A_1096 : i32
        %get3A_1098 = arith.index_cast %add3A_1097 : i32 to index
        %get3A_1099 = tpu.vector_load %arg7[%get3A_1098] {strides = array<i32>} : memref<2048xf32, #tpu.memory_space<vmem>>, vector<16xf32>,
        %add3A_1100 = arith.constant 6 : i32
        %add3A_1101 = arith.addi %mul3A_914, %add3A_1100 : i32
        %mul3A_1102 = arith.constant 16 : i32
        %mul3A_1103 = arith.muli %add3A_1101, %mul3A_1102 : i32
        %get3A_1104 = arith.index_cast %mul3A_1103 : i32 to index
        %get3A_1105 = tpu.vector_load %arg5[%get3A_1104] {strides = array<i32>} : memref<32768xf32, #tpu.memory_space<vmem>>, vector<16xf32>,
        %add3A_1106 = arith.addf %get3A_1099, %get3A_1105 : vector<16xf32>
        %swap3A_1107 = arith.index_cast %add3A_1097 : i32 to index
        %swap3A_1108 = tpu.vector_load %arg7[%swap3A_1107] {strides = array<i32>} : memref<2048xf32, #tpu.memory_space<vmem>>, vector<16xf32>,
        tpu.vector_store %arg7[%swap3A_1107], %add3A_1106 {strides = array<i32>} : memref<2048xf32, #tpu.memory_space<vmem>>, vector<16xf32>,
        %add3A_1109 = arith.constant 1024 : i32
        %add3A_1110 = arith.addi %add3A_1097, %add3A_1109 : i32
        %get3A_1111 = arith.index_cast %add3A_1110 : i32 to index
        %get3A_1112 = tpu.vector_load %arg7[%get3A_1111] {strides = array<i32>} : memref<2048xf32, #tpu.memory_space<vmem>>, vector<16xf32>,
        %add3A_1113 = arith.constant 1.000000e+00 : f32
        %add3A_1114 = vector.broadcast %add3A_1113 : f32 to vector<16xf32>
        %add3A_1115 = arith.addf %get3A_1112, %add3A_1114 : vector<16xf32>
        %swap3A_1116 = arith.index_cast %add3A_1110 : i32 to index
        %swap3A_1117 = tpu.vector_load %arg7[%swap3A_1116] {strides = array<i32>} : memref<2048xf32, #tpu.memory_space<vmem>>, vector<16xf32>,
        tpu.vector_store %arg7[%swap3A_1116], %add3A_1115 {strides = array<i32>} : memref<2048xf32, #tpu.memory_space<vmem>>, vector<16xf32>,
        %slice3A_1118 = vector.extract_strided_slice %get3A_919 {offsets = [7], sizes = [1], strides = [1]} : vector<16xi32> to vector<1xi32>
        %squeeze3A_1119 = vector.extract %slice3A_1118[0] : i32 from vector<1xi32>
        %mul3A_1120 = arith.constant 16 : i32
        %mul3A_1121 = arith.muli %squeeze3A_1119, %mul3A_1120 : i32
        %add3A_1122 = arith.addi %mul3A_28, %mul3A_1121 : i32
        %get3A_1123 = arith.index_cast %add3A_1122 : i32 to index
        %get3A_1124 = tpu.vector_load %arg7[%get3A_1123] {strides = array<i32>} : memref<2048xf32, #tpu.memory_space<vmem>>, vector<16xf32>,
        %add3A_1125 = arith.constant 7 : i32
        %add3A_1126 = arith.addi %mul3A_914, %add3A_1125 : i32
        %mul3A_1127 = arith.constant 16 : i32
        %mul3A_1128 = arith.muli %add3A_1126, %mul3A_1127 : i32
        %get3A_1129 = arith.index_cast %mul3A_1128 : i32 to index
        %get3A_1130 = tpu.vector_load %arg5[%get3A_1129] {strides = array<i32>} : memref<32768xf32, #tpu.memory_space<vmem>>, vector<16xf32>,
        %add3A_1131 = arith.addf %get3A_1124, %get3A_1130 : vector<16xf32>
        %swap3A_1132 = arith.index_cast %add3A_1122 : i32 to index
        %swap3A_1133 = tpu.vector_load %arg7[%swap3A_1132] {strides = array<i32>} : memref<2048xf32, #tpu.memory_space<vmem>>, vector<16xf32>,
        tpu.vector_store %arg7[%swap3A_1132], %add3A_1131 {strides = array<i32>} : memref<2048xf32, #tpu.memory_space<vmem>>, vector<16xf32>,
        %add3A_1134 = arith.constant 1024 : i32
        %add3A_1135 = arith.addi %add3A_1122, %add3A_1134 : i32
        %get3A_1136 = arith.index_cast %add3A_1135 : i32 to index
        %get3A_1137 = tpu.vector_load %arg7[%get3A_1136] {strides = array<i32>} : memref<2048xf32, #tpu.memory_space<vmem>>, vector<16xf32>,
        %add3A_1138 = arith.constant 1.000000e+00 : f32
        %add3A_1139 = vector.broadcast %add3A_1138 : f32 to vector<16xf32>
        %add3A_1140 = arith.addf %get3A_1137, %add3A_1139 : vector<16xf32>
        %swap3A_1141 = arith.index_cast %add3A_1135 : i32 to index
        %swap3A_1142 = tpu.vector_load %arg7[%swap3A_1141] {strides = array<i32>} : memref<2048xf32, #tpu.memory_space<vmem>>, vector<16xf32>,
        tpu.vector_store %arg7[%swap3A_1141], %add3A_1140 {strides = array<i32>} : memref<2048xf32, #tpu.memory_space<vmem>>, vector<16xf32>,
        %slice3A_1143 = vector.extract_strided_slice %get3A_919 {offsets = [8], sizes = [1], strides = [1]} : vector<16xi32> to vector<1xi32>
        %squeeze3A_1144 = vector.extract %slice3A_1143[0] : i32 from vector<1xi32>
        %mul3A_1145 = arith.constant 16 : i32
        %mul3A_1146 = arith.muli %squeeze3A_1144, %mul3A_1145 : i32
        %add3A_1147 = arith.addi %mul3A_28, %mul3A_1146 : i32
        %get3A_1148 = arith.index_cast %add3A_1147 : i32 to index
        %get3A_1149 = tpu.vector_load %arg7[%get3A_1148] {strides = array<i32>} : memref<2048xf32, #tpu.memory_space<vmem>>, vector<16xf32>,
        %add3A_1150 = arith.constant 8 : i32
        %add3A_1151 = arith.addi %mul3A_914, %add3A_1150 : i32
        %mul3A_1152 = arith.constant 16 : i32
        %mul3A_1153 = arith.muli %add3A_1151, %mul3A_1152 : i32
        %get3A_1154 = arith.index_cast %mul3A_1153 : i32 to index
        %get3A_1155 = tpu.vector_load %arg5[%get3A_1154] {strides = array<i32>} : memref<32768xf32, #tpu.memory_space<vmem>>, vector<16xf32>,
        %add3A_1156 = arith.addf %get3A_1149, %get3A_1155 : vector<16xf32>
        %swap3A_1157 = arith.index_cast %add3A_1147 : i32 to index
        %swap3A_1158 = tpu.vector_load %arg7[%swap3A_1157] {strides = array<i32>} : memref<2048xf32, #tpu.memory_space<vmem>>, vector<16xf32>,
        tpu.vector_store %arg7[%swap3A_1157], %add3A_1156 {strides = array<i32>} : memref<2048xf32, #tpu.memory_space<vmem>>, vector<16xf32>,
        %add3A_1159 = arith.constant 1024 : i32
        %add3A_1160 = arith.addi %add3A_1147, %add3A_1159 : i32
        %get3A_1161 = arith.index_cast %add3A_1160 : i32 to index
        %get3A_1162 = tpu.vector_load %arg7[%get3A_1161] {strides = array<i32>} : memref<2048xf32, #tpu.memory_space<vmem>>, vector<16xf32>,
        %add3A_1163 = arith.constant 1.000000e+00 : f32
        %add3A_1164 = vector.broadcast %add3A_1163 : f32 to vector<16xf32>
        %add3A_1165 = arith.addf %get3A_1162, %add3A_1164 : vector<16xf32>
        %swap3A_1166 = arith.index_cast %add3A_1160 : i32 to index
        %swap3A_1167 = tpu.vector_load %arg7[%swap3A_1166] {strides = array<i32>} : memref<2048xf32, #tpu.memory_space<vmem>>, vector<16xf32>,
        tpu.vector_store %arg7[%swap3A_1166], %add3A_1165 {strides = array<i32>} : memref<2048xf32, #tpu.memory_space<vmem>>, vector<16xf32>,
        %slice3A_1168 = vector.extract_strided_slice %get3A_919 {offsets = [9], sizes = [1], strides = [1]} : vector<16xi32> to vector<1xi32>
        %squeeze3A_1169 = vector.extract %slice3A_1168[0] : i32 from vector<1xi32>
        %mul3A_1170 = arith.constant 16 : i32
        %mul3A_1171 = arith.muli %squeeze3A_1169, %mul3A_1170 : i32
        %add3A_1172 = arith.addi %mul3A_28, %mul3A_1171 : i32
        %get3A_1173 = arith.index_cast %add3A_1172 : i32 to index
        %get3A_1174 = tpu.vector_load %arg7[%get3A_1173] {strides = array<i32>} : memref<2048xf32, #tpu.memory_space<vmem>>, vector<16xf32>,
        %add3A_1175 = arith.constant 9 : i32
        %add3A_1176 = arith.addi %mul3A_914, %add3A_1175 : i32
        %mul3A_1177 = arith.constant 16 : i32
        %mul3A_1178 = arith.muli %add3A_1176, %mul3A_1177 : i32
        %get3A_1179 = arith.index_cast %mul3A_1178 : i32 to index
        %get3A_1180 = tpu.vector_load %arg5[%get3A_1179] {strides = array<i32>} : memref<32768xf32, #tpu.memory_space<vmem>>, vector<16xf32>,
        %add3A_1181 = arith.addf %get3A_1174, %get3A_1180 : vector<16xf32>
        %swap3A_1182 = arith.index_cast %add3A_1172 : i32 to index
        %swap3A_1183 = tpu.vector_load %arg7[%swap3A_1182] {strides = array<i32>} : memref<2048xf32, #tpu.memory_space<vmem>>, vector<16xf32>,
        tpu.vector_store %arg7[%swap3A_1182], %add3A_1181 {strides = array<i32>} : memref<2048xf32, #tpu.memory_space<vmem>>, vector<16xf32>,
        %add3A_1184 = arith.constant 1024 : i32
        %add3A_1185 = arith.addi %add3A_1172, %add3A_1184 : i32
        %get3A_1186 = arith.index_cast %add3A_1185 : i32 to index
        %get3A_1187 = tpu.vector_load %arg7[%get3A_1186] {strides = array<i32>} : memref<2048xf32, #tpu.memory_space<vmem>>, vector<16xf32>,
        %add3A_1188 = arith.constant 1.000000e+00 : f32
        %add3A_1189 = vector.broadcast %add3A_1188 : f32 to vector<16xf32>
        %add3A_1190 = arith.addf %get3A_1187, %add3A_1189 : vector<16xf32>
        %swap3A_1191 = arith.index_cast %add3A_1185 : i32 to index
        %swap3A_1192 = tpu.vector_load %arg7[%swap3A_1191] {strides = array<i32>} : memref<2048xf32, #tpu.memory_space<vmem>>, vector<16xf32>,
        tpu.vector_store %arg7[%swap3A_1191], %add3A_1190 {strides = array<i32>} : memref<2048xf32, #tpu.memory_space<vmem>>, vector<16xf32>,
        %slice3A_1193 = vector.extract_strided_slice %get3A_919 {offsets = [10], sizes = [1], strides = [1]} : vector<16xi32> to vector<1xi32>
        %squeeze3A_1194 = vector.extract %slice3A_1193[0] : i32 from vector<1xi32>
        %mul3A_1195 = arith.constant 16 : i32
        %mul3A_1196 = arith.muli %squeeze3A_1194, %mul3A_1195 : i32
        %add3A_1197 = arith.addi %mul3A_28, %mul3A_1196 : i32
        %get3A_1198 = arith.index_cast %add3A_1197 : i32 to index
        %get3A_1199 = tpu.vector_load %arg7[%get3A_1198] {strides = array<i32>} : memref<2048xf32, #tpu.memory_space<vmem>>, vector<16xf32>,
        %add3A_1200 = arith.constant 10 : i32
        %add3A_1201 = arith.addi %mul3A_914, %add3A_1200 : i32
        %mul3A_1202 = arith.constant 16 : i32
        %mul3A_1203 = arith.muli %add3A_1201, %mul3A_1202 : i32
        %get3A_1204 = arith.index_cast %mul3A_1203 : i32 to index
        %get3A_1205 = tpu.vector_load %arg5[%get3A_1204] {strides = array<i32>} : memref<32768xf32, #tpu.memory_space<vmem>>, vector<16xf32>,
        %add3A_1206 = arith.addf %get3A_1199, %get3A_1205 : vector<16xf32>
        %swap3A_1207 = arith.index_cast %add3A_1197 : i32 to index
        %swap3A_1208 = tpu.vector_load %arg7[%swap3A_1207] {strides = array<i32>} : memref<2048xf32, #tpu.memory_space<vmem>>, vector<16xf32>,
        tpu.vector_store %arg7[%swap3A_1207], %add3A_1206 {strides = array<i32>} : memref<2048xf32, #tpu.memory_space<vmem>>, vector<16xf32>,
        %add3A_1209 = arith.constant 1024 : i32
        %add3A_1210 = arith.addi %add3A_1197, %add3A_1209 : i32
        %get3A_1211 = arith.index_cast %add3A_1210 : i32 to index
        %get3A_1212 = tpu.vector_load %arg7[%get3A_1211] {strides = array<i32>} : memref<2048xf32, #tpu.memory_space<vmem>>, vector<16xf32>,
        %add3A_1213 = arith.constant 1.000000e+00 : f32
        %add3A_1214 = vector.broadcast %add3A_1213 : f32 to vector<16xf32>
        %add3A_1215 = arith.addf %get3A_1212, %add3A_1214 : vector<16xf32>
        %swap3A_1216 = arith.index_cast %add3A_1210 : i32 to index
        %swap3A_1217 = tpu.vector_load %arg7[%swap3A_1216] {strides = array<i32>} : memref<2048xf32, #tpu.memory_space<vmem>>, vector<16xf32>,
        tpu.vector_store %arg7[%swap3A_1216], %add3A_1215 {strides = array<i32>} : memref<2048xf32, #tpu.memory_space<vmem>>, vector<16xf32>,
        %slice3A_1218 = vector.extract_strided_slice %get3A_919 {offsets = [11], sizes = [1], strides = [1]} : vector<16xi32> to vector<1xi32>
        %squeeze3A_1219 = vector.extract %slice3A_1218[0] : i32 from vector<1xi32>
        %mul3A_1220 = arith.constant 16 : i32
        %mul3A_1221 = arith.muli %squeeze3A_1219, %mul3A_1220 : i32
        %add3A_1222 = arith.addi %mul3A_28, %mul3A_1221 : i32
        %get3A_1223 = arith.index_cast %add3A_1222 : i32 to index
        %get3A_1224 = tpu.vector_load %arg7[%get3A_1223] {strides = array<i32>} : memref<2048xf32, #tpu.memory_space<vmem>>, vector<16xf32>,
        %add3A_1225 = arith.constant 11 : i32
        %add3A_1226 = arith.addi %mul3A_914, %add3A_1225 : i32
        %mul3A_1227 = arith.constant 16 : i32
        %mul3A_1228 = arith.muli %add3A_1226, %mul3A_1227 : i32
        %get3A_1229 = arith.index_cast %mul3A_1228 : i32 to index
        %get3A_1230 = tpu.vector_load %arg5[%get3A_1229] {strides = array<i32>} : memref<32768xf32, #tpu.memory_space<vmem>>, vector<16xf32>,
        %add3A_1231 = arith.addf %get3A_1224, %get3A_1230 : vector<16xf32>
        %swap3A_1232 = arith.index_cast %add3A_1222 : i32 to index
        %swap3A_1233 = tpu.vector_load %arg7[%swap3A_1232] {strides = array<i32>} : memref<2048xf32, #tpu.memory_space<vmem>>, vector<16xf32>,
        tpu.vector_store %arg7[%swap3A_1232], %add3A_1231 {strides = array<i32>} : memref<2048xf32, #tpu.memory_space<vmem>>, vector<16xf32>,
        %add3A_1234 = arith.constant 1024 : i32
        %add3A_1235 = arith.addi %add3A_1222, %add3A_1234 : i32
        %get3A_1236 = arith.index_cast %add3A_1235 : i32 to index
        %get3A_1237 = tpu.vector_load %arg7[%get3A_1236] {strides = array<i32>} : memref<2048xf32, #tpu.memory_space<vmem>>, vector<16xf32>,
        %add3A_1238 = arith.constant 1.000000e+00 : f32
        %add3A_1239 = vector.broadcast %add3A_1238 : f32 to vector<16xf32>
        %add3A_1240 = arith.addf %get3A_1237, %add3A_1239 : vector<16xf32>
        %swap3A_1241 = arith.index_cast %add3A_1235 : i32 to index
        %swap3A_1242 = tpu.vector_load %arg7[%swap3A_1241] {strides = array<i32>} : memref<2048xf32, #tpu.memory_space<vmem>>, vector<16xf32>,
        tpu.vector_store %arg7[%swap3A_1241], %add3A_1240 {strides = array<i32>} : memref<2048xf32, #tpu.memory_space<vmem>>, vector<16xf32>,
        %slice3A_1243 = vector.extract_strided_slice %get3A_919 {offsets = [12], sizes = [1], strides = [1]} : vector<16xi32> to vector<1xi32>
        %squeeze3A_1244 = vector.extract %slice3A_1243[0] : i32 from vector<1xi32>
        %mul3A_1245 = arith.constant 16 : i32
        %mul3A_1246 = arith.muli %squeeze3A_1244, %mul3A_1245 : i32
        %add3A_1247 = arith.addi %mul3A_28, %mul3A_1246 : i32
        %get3A_1248 = arith.index_cast %add3A_1247 : i32 to index
        %get3A_1249 = tpu.vector_load %arg7[%get3A_1248] {strides = array<i32>} : memref<2048xf32, #tpu.memory_space<vmem>>, vector<16xf32>,
        %add3A_1250 = arith.constant 12 : i32
        %add3A_1251 = arith.addi %mul3A_914, %add3A_1250 : i32
        %mul3A_1252 = arith.constant 16 : i32
        %mul3A_1253 = arith.muli %add3A_1251, %mul3A_1252 : i32
        %get3A_1254 = arith.index_cast %mul3A_1253 : i32 to index
        %get3A_1255 = tpu.vector_load %arg5[%get3A_1254] {strides = array<i32>} : memref<32768xf32, #tpu.memory_space<vmem>>, vector<16xf32>,
        %add3A_1256 = arith.addf %get3A_1249, %get3A_1255 : vector<16xf32>
        %swap3A_1257 = arith.index_cast %add3A_1247 : i32 to index
        %swap3A_1258 = tpu.vector_load %arg7[%swap3A_1257] {strides = array<i32>} : memref<2048xf32, #tpu.memory_space<vmem>>, vector<16xf32>,
        tpu.vector_store %arg7[%swap3A_1257], %add3A_1256 {strides = array<i32>} : memref<2048xf32, #tpu.memory_space<vmem>>, vector<16xf32>,
        %add3A_1259 = arith.constant 1024 : i32
        %add3A_1260 = arith.addi %add3A_1247, %add3A_1259 : i32
        %get3A_1261 = arith.index_cast %add3A_1260 : i32 to index
        %get3A_1262 = tpu.vector_load %arg7[%get3A_1261] {strides = array<i32>} : memref<2048xf32, #tpu.memory_space<vmem>>, vector<16xf32>,
        %add3A_1263 = arith.constant 1.000000e+00 : f32
        %add3A_1264 = vector.broadcast %add3A_1263 : f32 to vector<16xf32>
        %add3A_1265 = arith.addf %get3A_1262, %add3A_1264 : vector<16xf32>
        %swap3A_1266 = arith.index_cast %add3A_1260 : i32 to index
        %swap3A_1267 = tpu.vector_load %arg7[%swap3A_1266] {strides = array<i32>} : memref<2048xf32, #tpu.memory_space<vmem>>, vector<16xf32>,
        tpu.vector_store %arg7[%swap3A_1266], %add3A_1265 {strides = array<i32>} : memref<2048xf32, #tpu.memory_space<vmem>>, vector<16xf32>,
        %slice3A_1268 = vector.extract_strided_slice %get3A_919 {offsets = [13], sizes = [1], strides = [1]} : vector<16xi32> to vector<1xi32>
        %squeeze3A_1269 = vector.extract %slice3A_1268[0] : i32 from vector<1xi32>
        %mul3A_1270 = arith.constant 16 : i32
        %mul3A_1271 = arith.muli %squeeze3A_1269, %mul3A_1270 : i32
        %add3A_1272 = arith.addi %mul3A_28, %mul3A_1271 : i32
        %get3A_1273 = arith.index_cast %add3A_1272 : i32 to index
        %get3A_1274 = tpu.vector_load %arg7[%get3A_1273] {strides = array<i32>} : memref<2048xf32, #tpu.memory_space<vmem>>, vector<16xf32>,
        %add3A_1275 = arith.constant 13 : i32
        %add3A_1276 = arith.addi %mul3A_914, %add3A_1275 : i32
        %mul3A_1277 = arith.constant 16 : i32
        %mul3A_1278 = arith.muli %add3A_1276, %mul3A_1277 : i32
        %get3A_1279 = arith.index_cast %mul3A_1278 : i32 to index
        %get3A_1280 = tpu.vector_load %arg5[%get3A_1279] {strides = array<i32>} : memref<32768xf32, #tpu.memory_space<vmem>>, vector<16xf32>,
        %add3A_1281 = arith.addf %get3A_1274, %get3A_1280 : vector<16xf32>
        %swap3A_1282 = arith.index_cast %add3A_1272 : i32 to index
        %swap3A_1283 = tpu.vector_load %arg7[%swap3A_1282] {strides = array<i32>} : memref<2048xf32, #tpu.memory_space<vmem>>, vector<16xf32>,
        tpu.vector_store %arg7[%swap3A_1282], %add3A_1281 {strides = array<i32>} : memref<2048xf32, #tpu.memory_space<vmem>>, vector<16xf32>,
        %add3A_1284 = arith.constant 1024 : i32
        %add3A_1285 = arith.addi %add3A_1272, %add3A_1284 : i32
        %get3A_1286 = arith.index_cast %add3A_1285 : i32 to index
        %get3A_1287 = tpu.vector_load %arg7[%get3A_1286] {strides = array<i32>} : memref<2048xf32, #tpu.memory_space<vmem>>, vector<16xf32>,
        %add3A_1288 = arith.constant 1.000000e+00 : f32
        %add3A_1289 = vector.broadcast %add3A_1288 : f32 to vector<16xf32>
        %add3A_1290 = arith.addf %get3A_1287, %add3A_1289 : vector<16xf32>
        %swap3A_1291 = arith.index_cast %add3A_1285 : i32 to index
        %swap3A_1292 = tpu.vector_load %arg7[%swap3A_1291] {strides = array<i32>} : memref<2048xf32, #tpu.memory_space<vmem>>, vector<16xf32>,
        tpu.vector_store %arg7[%swap3A_1291], %add3A_1290 {strides = array<i32>} : memref<2048xf32, #tpu.memory_space<vmem>>, vector<16xf32>,
        %slice3A_1293 = vector.extract_strided_slice %get3A_919 {offsets = [14], sizes = [1], strides = [1]} : vector<16xi32> to vector<1xi32>
        %squeeze3A_1294 = vector.extract %slice3A_1293[0] : i32 from vector<1xi32>
        %mul3A_1295 = arith.constant 16 : i32
        %mul3A_1296 = arith.muli %squeeze3A_1294, %mul3A_1295 : i32
        %add3A_1297 = arith.addi %mul3A_28, %mul3A_1296 : i32
        %get3A_1298 = arith.index_cast %add3A_1297 : i32 to index
        %get3A_1299 = tpu.vector_load %arg7[%get3A_1298] {strides = array<i32>} : memref<2048xf32, #tpu.memory_space<vmem>>, vector<16xf32>,
        %add3A_1300 = arith.constant 14 : i32
        %add3A_1301 = arith.addi %mul3A_914, %add3A_1300 : i32
        %mul3A_1302 = arith.constant 16 : i32
        %mul3A_1303 = arith.muli %add3A_1301, %mul3A_1302 : i32
        %get3A_1304 = arith.index_cast %mul3A_1303 : i32 to index
        %get3A_1305 = tpu.vector_load %arg5[%get3A_1304] {strides = array<i32>} : memref<32768xf32, #tpu.memory_space<vmem>>, vector<16xf32>,
        %add3A_1306 = arith.addf %get3A_1299, %get3A_1305 : vector<16xf32>
        %swap3A_1307 = arith.index_cast %add3A_1297 : i32 to index
        %swap3A_1308 = tpu.vector_load %arg7[%swap3A_1307] {strides = array<i32>} : memref<2048xf32, #tpu.memory_space<vmem>>, vector<16xf32>,
        tpu.vector_store %arg7[%swap3A_1307], %add3A_1306 {strides = array<i32>} : memref<2048xf32, #tpu.memory_space<vmem>>, vector<16xf32>,
        %add3A_1309 = arith.constant 1024 : i32
        %add3A_1310 = arith.addi %add3A_1297, %add3A_1309 : i32
        %get3A_1311 = arith.index_cast %add3A_1310 : i32 to index
        %get3A_1312 = tpu.vector_load %arg7[%get3A_1311] {strides = array<i32>} : memref<2048xf32, #tpu.memory_space<vmem>>, vector<16xf32>,
        %add3A_1313 = arith.constant 1.000000e+00 : f32
        %add3A_1314 = vector.broadcast %add3A_1313 : f32 to vector<16xf32>
        %add3A_1315 = arith.addf %get3A_1312, %add3A_1314 : vector<16xf32>
        %swap3A_1316 = arith.index_cast %add3A_1310 : i32 to index
        %swap3A_1317 = tpu.vector_load %arg7[%swap3A_1316] {strides = array<i32>} : memref<2048xf32, #tpu.memory_space<vmem>>, vector<16xf32>,
        tpu.vector_store %arg7[%swap3A_1316], %add3A_1315 {strides = array<i32>} : memref<2048xf32, #tpu.memory_space<vmem>>, vector<16xf32>,
        %slice3A_1318 = vector.extract_strided_slice %get3A_919 {offsets = [15], sizes = [1], strides = [1]} : vector<16xi32> to vector<1xi32>
        %squeeze3A_1319 = vector.extract %slice3A_1318[0] : i32 from vector<1xi32>
        %mul3A_1320 = arith.constant 16 : i32
        %mul3A_1321 = arith.muli %squeeze3A_1319, %mul3A_1320 : i32
        %add3A_1322 = arith.addi %mul3A_28, %mul3A_1321 : i32
        %get3A_1323 = arith.index_cast %add3A_1322 : i32 to index
        %get3A_1324 = tpu.vector_load %arg7[%get3A_1323] {strides = array<i32>} : memref<2048xf32, #tpu.memory_space<vmem>>, vector<16xf32>,
        %add3A_1325 = arith.constant 15 : i32
        %add3A_1326 = arith.addi %mul3A_914, %add3A_1325 : i32
        %mul3A_1327 = arith.constant 16 : i32
        %mul3A_1328 = arith.muli %add3A_1326, %mul3A_1327 : i32
        %get3A_1329 = arith.index_cast %mul3A_1328 : i32 to index
        %get3A_1330 = tpu.vector_load %arg5[%get3A_1329] {strides = array<i32>} : memref<32768xf32, #tpu.memory_space<vmem>>, vector<16xf32>,
        %add3A_1331 = arith.addf %get3A_1324, %get3A_1330 : vector<16xf32>
        %swap3A_1332 = arith.index_cast %add3A_1322 : i32 to index
        %swap3A_1333 = tpu.vector_load %arg7[%swap3A_1332] {strides = array<i32>} : memref<2048xf32, #tpu.memory_space<vmem>>, vector<16xf32>,
        tpu.vector_store %arg7[%swap3A_1332], %add3A_1331 {strides = array<i32>} : memref<2048xf32, #tpu.memory_space<vmem>>, vector<16xf32>,
        %add3A_1334 = arith.constant 1024 : i32
        %add3A_1335 = arith.addi %add3A_1322, %add3A_1334 : i32
        %get3A_1336 = arith.index_cast %add3A_1335 : i32 to index
        %get3A_1337 = tpu.vector_load %arg7[%get3A_1336] {strides = array<i32>} : memref<2048xf32, #tpu.memory_space<vmem>>, vector<16xf32>,
        %add3A_1338 = arith.constant 1.000000e+00 : f32
        %add3A_1339 = vector.broadcast %add3A_1338 : f32 to vector<16xf32>
        %add3A_1340 = arith.addf %get3A_1337, %add3A_1339 : vector<16xf32>
        %swap3A_1341 = arith.index_cast %add3A_1335 : i32 to index
        %swap3A_1342 = tpu.vector_load %arg7[%swap3A_1341] {strides = array<i32>} : memref<2048xf32, #tpu.memory_space<vmem>>, vector<16xf32>,
        tpu.vector_store %arg7[%swap3A_1341], %add3A_1340 {strides = array<i32>} : memref<2048xf32, #tpu.memory_space<vmem>>, vector<16xf32>,
        %slice3A_1343 = vector.extract_strided_slice %get3A_919 {offsets = [15], sizes = [1], strides = [1]} : vector<16xi32> to vector<1xi32>
        %squeeze3A_1344 = vector.extract %slice3A_1343[0] : i32 from vector<1xi32>
        scf.yield %broadcast_in_dim3A_1, %broadcast_in_dim3A_1, %squeeze3A_1344 : vector<16xf32>, vector<16xf32>, i32
      }
      scf.yield %cond3A_927#0, %cond3A_927#1, %cond3A_927#2 : vector<16xf32>, vector<16xf32>, i32
    }
    %scan3A_37 = arith.constant 128 : i32
    %mul3A_38 = arith.constant 16 : i32
    %mul3A_39 = arith.muli %scan3A_36#2, %mul3A_38 : i32
    %add3A_40 = arith.addi %mul3A_28, %mul3A_39 : i32
    %get3A_41 = arith.index_cast %add3A_40 : i32 to index
    %get3A_42 = tpu.vector_load %arg7[%get3A_41] {strides = array<i32>} : memref<2048xf32, #tpu.memory_space<vmem>>, vector<16xf32>,
    %add3A_43 = arith.addf %get3A_42, %scan3A_36#0 : vector<16xf32>
    %swap3A = arith.index_cast %add3A_40 : i32 to index
    %swap3A_44 = tpu.vector_load %arg7[%swap3A] {strides = array<i32>} : memref<2048xf32, #tpu.memory_space<vmem>>, vector<16xf32>,
    tpu.vector_store %arg7[%swap3A], %add3A_43 {strides = array<i32>} : memref<2048xf32, #tpu.memory_space<vmem>>, vector<16xf32>,
    %add3A_45 = arith.constant 1024 : i32
    %add3A_46 = arith.addi %add3A_40, %add3A_45 : i32
    %get3A_47 = arith.index_cast %add3A_46 : i32 to index
    %get3A_48 = tpu.vector_load %arg7[%get3A_47] {strides = array<i32>} : memref<2048xf32, #tpu.memory_space<vmem>>, vector<16xf32>,
    %add3A_49 = arith.addf %get3A_48, %scan3A_36#1 : vector<16xf32>
    %swap3A_50 = arith.index_cast %add3A_46 : i32 to index
    %swap3A_51 = tpu.vector_load %arg7[%swap3A_50] {strides = array<i32>} : memref<2048xf32, #tpu.memory_space<vmem>>, vector<16xf32>,
    tpu.vector_store %arg7[%swap3A_50], %add3A_49 {strides = array<i32>} : memref<2048xf32, #tpu.memory_space<vmem>>, vector<16xf32>,
    %scan3A_52 = arith.constant 0 : i32
    %scan3A_53 = arith.constant 1 : i32
    "tpu.region"() ({
      %run_scoped3A = tpu.sem_alloc : memref<!tpu.dma_semaphore, #tpu.memory_space<semaphore_mem>>
      %dma_start3A = arith.constant 0 : i32
      %dma_start3A_909 = tpu.memref_slice %arg14[%arg1, %dma_start3A] : memref<16x2048xf32, #tpu.memory_space<vmem_shared>> -> memref<1x2048xf32, #tpu.memory_space<vmem_shared>>
      %dma_start3A_910 = tpu.memref_squeeze %dma_start3A_909 : memref<1x2048xf32, #tpu.memory_space<vmem_shared>> -> memref<2048xf32, #tpu.memory_space<vmem_shared>>
      %dma_start3A_911 = arith.constant 0 : i32
      %dma_start3A_912 = tpu.memref_slice %arg14[%arg1, %dma_start3A_911] : memref<16x2048xf32, #tpu.memory_space<vmem_shared>> -> memref<1x2048xf32, #tpu.memory_space<vmem_shared>>
      %dma_start3A_913 = tpu.memref_squeeze %dma_start3A_912 : memref<1x2048xf32, #tpu.memory_space<vmem_shared>> -> memref<2048xf32, #tpu.memory_space<vmem_shared>>
      tpu.enqueue_dma source(%arg7 : memref<2048xf32, #tpu.memory_space<vmem>>) target(%dma_start3A_913 : memref<2048xf32, #tpu.memory_space<vmem_shared>>) target_semaphore(%run_scoped3A : memref<!tpu.dma_semaphore, #tpu.memory_space<semaphore_mem>>)
      %dma_wait3A = arith.constant 0 : i32
      %dma_wait3A_914 = tpu.memref_slice %arg14[%arg1, %dma_wait3A] : memref<16x2048xf32, #tpu.memory_space<vmem_shared>> -> memref<1x2048xf32, #tpu.memory_space<vmem_shared>>
      %dma_wait3A_915 = tpu.memref_squeeze %dma_wait3A_914 : memref<1x2048xf32, #tpu.memory_space<vmem_shared>> -> memref<2048xf32, #tpu.memory_space<vmem_shared>>
      %dma_wait3A_916 = arith.constant 0 : i32
      %dma_wait3A_917 = tpu.memref_slice %arg14[%arg1, %dma_wait3A_916] : memref<16x2048xf32, #tpu.memory_space<vmem_shared>> -> memref<1x2048xf32, #tpu.memory_space<vmem_shared>>
      %dma_wait3A_918 = tpu.memref_squeeze %dma_wait3A_917 : memref<1x2048xf32, #tpu.memory_space<vmem_shared>> -> memref<2048xf32, #tpu.memory_space<vmem_shared>>
      tpu.wait_dma2 semaphore(%run_scoped3A : memref<!tpu.dma_semaphore, #tpu.memory_space<semaphore_mem>>) src(%arg7 : memref<2048xf32, #tpu.memory_space<vmem>>) dst(%dma_wait3A_918 : memref<2048xf32, #tpu.memory_space<vmem_shared>>)
      tpu.yield
    }) : () -> ()
    %barrier3A = arith.constant 0 : index
    tpu.barrier barrier_id(%barrier3A)
    %mul3A_54 = arith.constant 128 : i32
    %mul3A_55 = arith.muli %arg1, %mul3A_54 : i32
    "tpu.region"() ({
      %run_scoped3A = tpu.sem_alloc : memref<!tpu.dma_semaphore, #tpu.memory_space<semaphore_mem>>
      %dma_start3A = arith.constant 0 : i32
      %dma_start3A_909 = tpu.memref_slice %arg14[%dma_start3A, %mul3A_55] : memref<16x2048xf32, #tpu.memory_space<vmem_shared>> -> memref<16x128xf32, #tpu.memory_space<vmem_shared>>
      %dma_start3A_910 = arith.constant 0 : i32
      %dma_start3A_911 = tpu.memref_slice %arg14[%dma_start3A_910, %mul3A_55] : memref<16x2048xf32, #tpu.memory_space<vmem_shared>> -> memref<16x128xf32, #tpu.memory_space<vmem_shared>>
      tpu.enqueue_dma source(%dma_start3A_911 : memref<16x128xf32, #tpu.memory_space<vmem_shared>>) target(%arg11 : memref<16x128xf32, #tpu.memory_space<vmem>>) target_semaphore(%run_scoped3A : memref<!tpu.dma_semaphore, #tpu.memory_space<semaphore_mem>>)
      %dma_wait3A = arith.constant 0 : i32
      %dma_wait3A_912 = tpu.memref_slice %arg14[%dma_wait3A, %mul3A_55] : memref<16x2048xf32, #tpu.memory_space<vmem_shared>> -> memref<16x128xf32, #tpu.memory_space<vmem_shared>>
      %dma_wait3A_913 = arith.constant 0 : i32
      %dma_wait3A_914 = tpu.memref_slice %arg14[%dma_wait3A_913, %mul3A_55] : memref<16x2048xf32, #tpu.memory_space<vmem_shared>> -> memref<16x128xf32, #tpu.memory_space<vmem_shared>>
      tpu.wait_dma2 semaphore(%run_scoped3A : memref<!tpu.dma_semaphore, #tpu.memory_space<semaphore_mem>>) src(%dma_wait3A_914 : memref<16x128xf32, #tpu.memory_space<vmem_shared>>) dst(%arg11 : memref<16x128xf32, #tpu.memory_space<vmem>>)
      tpu.yield
    }) : () -> ()
    %get3A_56 = arith.constant 0 : i32
    %get3A_57 = arith.index_cast %get3A_56 : i32 to index
    %get3A_58 = arith.constant 0 : index
    %get3A_59 = tpu.vector_load %arg11[%get3A_57, %get3A_58] {strides = array<i32>} : memref<16x128xf32, #tpu.memory_space<vmem>>, vector<16xf32>,
    %get3A_60 = arith.constant 1 : i32
    %get3A_61 = arith.index_cast %get3A_60 : i32 to index
    %get3A_62 = arith.constant 0 : index
    %get3A_63 = tpu.vector_load %arg11[%get3A_61, %get3A_62] {strides = array<i32>} : memref<16x128xf32, #tpu.memory_space<vmem>>, vector<16xf32>,
    %add3A_64 = arith.addf %get3A_59, %get3A_63 : vector<16xf32>
    %get3A_65 = arith.constant 2 : i32
    %get3A_66 = arith.index_cast %get3A_65 : i32 to index
    %get3A_67 = arith.constant 0 : index
    %get3A_68 = tpu.vector_load %arg11[%get3A_66, %get3A_67] {strides = array<i32>} : memref<16x128xf32, #tpu.memory_space<vmem>>, vector<16xf32>,
    %add3A_69 = arith.addf %add3A_64, %get3A_68 : vector<16xf32>
    %get3A_70 = arith.constant 3 : i32
    %get3A_71 = arith.index_cast %get3A_70 : i32 to index
    %get3A_72 = arith.constant 0 : index
    %get3A_73 = tpu.vector_load %arg11[%get3A_71, %get3A_72] {strides = array<i32>} : memref<16x128xf32, #tpu.memory_space<vmem>>, vector<16xf32>,
    %add3A_74 = arith.addf %add3A_69, %get3A_73 : vector<16xf32>
    %get3A_75 = arith.constant 4 : i32
    %get3A_76 = arith.index_cast %get3A_75 : i32 to index
    %get3A_77 = arith.constant 0 : index
    %get3A_78 = tpu.vector_load %arg11[%get3A_76, %get3A_77] {strides = array<i32>} : memref<16x128xf32, #tpu.memory_space<vmem>>, vector<16xf32>,
    %add3A_79 = arith.addf %add3A_74, %get3A_78 : vector<16xf32>
    %get3A_80 = arith.constant 5 : i32
    %get3A_81 = arith.index_cast %get3A_80 : i32 to index
    %get3A_82 = arith.constant 0 : index
    %get3A_83 = tpu.vector_load %arg11[%get3A_81, %get3A_82] {strides = array<i32>} : memref<16x128xf32, #tpu.memory_space<vmem>>, vector<16xf32>,
    %add3A_84 = arith.addf %add3A_79, %get3A_83 : vector<16xf32>
    %get3A_85 = arith.constant 6 : i32
    %get3A_86 = arith.index_cast %get3A_85 : i32 to index
    %get3A_87 = arith.constant 0 : index
    %get3A_88 = tpu.vector_load %arg11[%get3A_86, %get3A_87] {strides = array<i32>} : memref<16x128xf32, #tpu.memory_space<vmem>>, vector<16xf32>,
    %add3A_89 = arith.addf %add3A_84, %get3A_88 : vector<16xf32>
    %get3A_90 = arith.constant 7 : i32
    %get3A_91 = arith.index_cast %get3A_90 : i32 to index
    %get3A_92 = arith.constant 0 : index
    %get3A_93 = tpu.vector_load %arg11[%get3A_91, %get3A_92] {strides = array<i32>} : memref<16x128xf32, #tpu.memory_space<vmem>>, vector<16xf32>,
    %add3A_94 = arith.addf %add3A_89, %get3A_93 : vector<16xf32>
    %get3A_95 = arith.constant 8 : i32
    %get3A_96 = arith.index_cast %get3A_95 : i32 to index
    %get3A_97 = arith.constant 0 : index
    %get3A_98 = tpu.vector_load %arg11[%get3A_96, %get3A_97] {strides = array<i32>} : memref<16x128xf32, #tpu.memory_space<vmem>>, vector<16xf32>,
    %add3A_99 = arith.addf %add3A_94, %get3A_98 : vector<16xf32>
    %get3A_100 = arith.constant 9 : i32
    %get3A_101 = arith.index_cast %get3A_100 : i32 to index
    %get3A_102 = arith.constant 0 : index
    %get3A_103 = tpu.vector_load %arg11[%get3A_101, %get3A_102] {strides = array<i32>} : memref<16x128xf32, #tpu.memory_space<vmem>>, vector<16xf32>,
    %add3A_104 = arith.addf %add3A_99, %get3A_103 : vector<16xf32>
    %get3A_105 = arith.constant 10 : i32
    %get3A_106 = arith.index_cast %get3A_105 : i32 to index
    %get3A_107 = arith.constant 0 : index
    %get3A_108 = tpu.vector_load %arg11[%get3A_106, %get3A_107] {strides = array<i32>} : memref<16x128xf32, #tpu.memory_space<vmem>>, vector<16xf32>,
    %add3A_109 = arith.addf %add3A_104, %get3A_108 : vector<16xf32>
    %get3A_110 = arith.constant 11 : i32
    %get3A_111 = arith.index_cast %get3A_110 : i32 to index
    %get3A_112 = arith.constant 0 : index
    %get3A_113 = tpu.vector_load %arg11[%get3A_111, %get3A_112] {strides = array<i32>} : memref<16x128xf32, #tpu.memory_space<vmem>>, vector<16xf32>,
    %add3A_114 = arith.addf %add3A_109, %get3A_113 : vector<16xf32>
    %get3A_115 = arith.constant 12 : i32
    %get3A_116 = arith.index_cast %get3A_115 : i32 to index
    %get3A_117 = arith.constant 0 : index
    %get3A_118 = tpu.vector_load %arg11[%get3A_116, %get3A_117] {strides = array<i32>} : memref<16x128xf32, #tpu.memory_space<vmem>>, vector<16xf32>,
    %add3A_119 = arith.addf %add3A_114, %get3A_118 : vector<16xf32>
    %get3A_120 = arith.constant 13 : i32
    %get3A_121 = arith.index_cast %get3A_120 : i32 to index
    %get3A_122 = arith.constant 0 : index
    %get3A_123 = tpu.vector_load %arg11[%get3A_121, %get3A_122] {strides = array<i32>} : memref<16x128xf32, #tpu.memory_space<vmem>>, vector<16xf32>,
    %add3A_124 = arith.addf %add3A_119, %get3A_123 : vector<16xf32>
    %get3A_125 = arith.constant 14 : i32
    %get3A_126 = arith.index_cast %get3A_125 : i32 to index
    %get3A_127 = arith.constant 0 : index
    %get3A_128 = tpu.vector_load %arg11[%get3A_126, %get3A_127] {strides = array<i32>} : memref<16x128xf32, #tpu.memory_space<vmem>>, vector<16xf32>,
    %add3A_129 = arith.addf %add3A_124, %get3A_128 : vector<16xf32>
    %get3A_130 = arith.constant 15 : i32
    %get3A_131 = arith.index_cast %get3A_130 : i32 to index
    %get3A_132 = arith.constant 0 : index
    %get3A_133 = tpu.vector_load %arg11[%get3A_131, %get3A_132] {strides = array<i32>} : memref<16x128xf32, #tpu.memory_space<vmem>>, vector<16xf32>,
    %add3A_134 = arith.addf %add3A_129, %get3A_133 : vector<16xf32>
    %swap3A_135 = arith.constant 0 : index
    %swap3A_136 = tpu.vector_load %arg12[%swap3A_135] {strides = array<i32>} : memref<128xf32, #tpu.memory_space<vmem>>, vector<16xf32>,
    tpu.vector_store %arg12[%swap3A_135], %add3A_134 {strides = array<i32>} : memref<128xf32, #tpu.memory_space<vmem>>, vector<16xf32>,
    %get3A_137 = arith.constant 0 : i32
    %get3A_138 = arith.index_cast %get3A_137 : i32 to index
    %get3A_139 = arith.constant 16 : index
    %get3A_140 = tpu.vector_load %arg11[%get3A_138, %get3A_139] {strides = array<i32>} : memref<16x128xf32, #tpu.memory_space<vmem>>, vector<16xf32>,
    %get3A_141 = arith.constant 1 : i32
    %get3A_142 = arith.index_cast %get3A_141 : i32 to index
    %get3A_143 = arith.constant 16 : index
    %get3A_144 = tpu.vector_load %arg11[%get3A_142, %get3A_143] {strides = array<i32>} : memref<16x128xf32, #tpu.memory_space<vmem>>, vector<16xf32>,
    %add3A_145 = arith.addf %get3A_140, %get3A_144 : vector<16xf32>
    %get3A_146 = arith.constant 2 : i32
    %get3A_147 = arith.index_cast %get3A_146 : i32 to index
    %get3A_148 = arith.constant 16 : index
    %get3A_149 = tpu.vector_load %arg11[%get3A_147, %get3A_148] {strides = array<i32>} : memref<16x128xf32, #tpu.memory_space<vmem>>, vector<16xf32>,
    %add3A_150 = arith.addf %add3A_145, %get3A_149 : vector<16xf32>
    %get3A_151 = arith.constant 3 : i32
    %get3A_152 = arith.index_cast %get3A_151 : i32 to index
    %get3A_153 = arith.constant 16 : index
    %get3A_154 = tpu.vector_load %arg11[%get3A_152, %get3A_153] {strides = array<i32>} : memref<16x128xf32, #tpu.memory_space<vmem>>, vector<16xf32>,
    %add3A_155 = arith.addf %add3A_150, %get3A_154 : vector<16xf32>
    %get3A_156 = arith.constant 4 : i32
    %get3A_157 = arith.index_cast %get3A_156 : i32 to index
    %get3A_158 = arith.constant 16 : index
    %get3A_159 = tpu.vector_load %arg11[%get3A_157, %get3A_158] {strides = array<i32>} : memref<16x128xf32, #tpu.memory_space<vmem>>, vector<16xf32>,
    %add3A_160 = arith.addf %add3A_155, %get3A_159 : vector<16xf32>
    %get3A_161 = arith.constant 5 : i32
    %get3A_162 = arith.index_cast %get3A_161 : i32 to index
    %get3A_163 = arith.constant 16 : index
    %get3A_164 = tpu.vector_load %arg11[%get3A_162, %get3A_163] {strides = array<i32>} : memref<16x128xf32, #tpu.memory_space<vmem>>, vector<16xf32>,
    %add3A_165 = arith.addf %add3A_160, %get3A_164 : vector<16xf32>
    %get3A_166 = arith.constant 6 : i32
    %get3A_167 = arith.index_cast %get3A_166 : i32 to index
    %get3A_168 = arith.constant 16 : index
    %get3A_169 = tpu.vector_load %arg11[%get3A_167, %get3A_168] {strides = array<i32>} : memref<16x128xf32, #tpu.memory_space<vmem>>, vector<16xf32>,
    %add3A_170 = arith.addf %add3A_165, %get3A_169 : vector<16xf32>
    %get3A_171 = arith.constant 7 : i32
    %get3A_172 = arith.index_cast %get3A_171 : i32 to index
    %get3A_173 = arith.constant 16 : index
    %get3A_174 = tpu.vector_load %arg11[%get3A_172, %get3A_173] {strides = array<i32>} : memref<16x128xf32, #tpu.memory_space<vmem>>, vector<16xf32>,
    %add3A_175 = arith.addf %add3A_170, %get3A_174 : vector<16xf32>
    %get3A_176 = arith.constant 8 : i32
    %get3A_177 = arith.index_cast %get3A_176 : i32 to index
    %get3A_178 = arith.constant 16 : index
    %get3A_179 = tpu.vector_load %arg11[%get3A_177, %get3A_178] {strides = array<i32>} : memref<16x128xf32, #tpu.memory_space<vmem>>, vector<16xf32>,
    %add3A_180 = arith.addf %add3A_175, %get3A_179 : vector<16xf32>
    %get3A_181 = arith.constant 9 : i32
    %get3A_182 = arith.index_cast %get3A_181 : i32 to index
    %get3A_183 = arith.constant 16 : index
    %get3A_184 = tpu.vector_load %arg11[%get3A_182, %get3A_183] {strides = array<i32>} : memref<16x128xf32, #tpu.memory_space<vmem>>, vector<16xf32>,
    %add3A_185 = arith.addf %add3A_180, %get3A_184 : vector<16xf32>
    %get3A_186 = arith.constant 10 : i32
    %get3A_187 = arith.index_cast %get3A_186 : i32 to index
    %get3A_188 = arith.constant 16 : index
    %get3A_189 = tpu.vector_load %arg11[%get3A_187, %get3A_188] {strides = array<i32>} : memref<16x128xf32, #tpu.memory_space<vmem>>, vector<16xf32>,
    %add3A_190 = arith.addf %add3A_185, %get3A_189 : vector<16xf32>
    %get3A_191 = arith.constant 11 : i32
    %get3A_192 = arith.index_cast %get3A_191 : i32 to index
    %get3A_193 = arith.constant 16 : index
    %get3A_194 = tpu.vector_load %arg11[%get3A_192, %get3A_193] {strides = array<i32>} : memref<16x128xf32, #tpu.memory_space<vmem>>, vector<16xf32>,
    %add3A_195 = arith.addf %add3A_190, %get3A_194 : vector<16xf32>
    %get3A_196 = arith.constant 12 : i32
    %get3A_197 = arith.index_cast %get3A_196 : i32 to index
    %get3A_198 = arith.constant 16 : index
    %get3A_199 = tpu.vector_load %arg11[%get3A_197, %get3A_198] {strides = array<i32>} : memref<16x128xf32, #tpu.memory_space<vmem>>, vector<16xf32>,
    %add3A_200 = arith.addf %add3A_195, %get3A_199 : vector<16xf32>
    %get3A_201 = arith.constant 13 : i32
    %get3A_202 = arith.index_cast %get3A_201 : i32 to index
    %get3A_203 = arith.constant 16 : index
    %get3A_204 = tpu.vector_load %arg11[%get3A_202, %get3A_203] {strides = array<i32>} : memref<16x128xf32, #tpu.memory_space<vmem>>, vector<16xf32>,
    %add3A_205 = arith.addf %add3A_200, %get3A_204 : vector<16xf32>
    %get3A_206 = arith.constant 14 : i32
    %get3A_207 = arith.index_cast %get3A_206 : i32 to index
    %get3A_208 = arith.constant 16 : index
    %get3A_209 = tpu.vector_load %arg11[%get3A_207, %get3A_208] {strides = array<i32>} : memref<16x128xf32, #tpu.memory_space<vmem>>, vector<16xf32>,
    %add3A_210 = arith.addf %add3A_205, %get3A_209 : vector<16xf32>
    %get3A_211 = arith.constant 15 : i32
    %get3A_212 = arith.index_cast %get3A_211 : i32 to index
    %get3A_213 = arith.constant 16 : index
    %get3A_214 = tpu.vector_load %arg11[%get3A_212, %get3A_213] {strides = array<i32>} : memref<16x128xf32, #tpu.memory_space<vmem>>, vector<16xf32>,
    %add3A_215 = arith.addf %add3A_210, %get3A_214 : vector<16xf32>
    %swap3A_216 = arith.constant 16 : index
    %swap3A_217 = tpu.vector_load %arg12[%swap3A_216] {strides = array<i32>} : memref<128xf32, #tpu.memory_space<vmem>>, vector<16xf32>,
    tpu.vector_store %arg12[%swap3A_216], %add3A_215 {strides = array<i32>} : memref<128xf32, #tpu.memory_space<vmem>>, vector<16xf32>,
    %get3A_218 = arith.constant 0 : i32
    %get3A_219 = arith.index_cast %get3A_218 : i32 to index
    %get3A_220 = arith.constant 32 : index
    %get3A_221 = tpu.vector_load %arg11[%get3A_219, %get3A_220] {strides = array<i32>} : memref<16x128xf32, #tpu.memory_space<vmem>>, vector<16xf32>,
    %get3A_222 = arith.constant 1 : i32
    %get3A_223 = arith.index_cast %get3A_222 : i32 to index
    %get3A_224 = arith.constant 32 : index
    %get3A_225 = tpu.vector_load %arg11[%get3A_223, %get3A_224] {strides = array<i32>} : memref<16x128xf32, #tpu.memory_space<vmem>>, vector<16xf32>,
    %add3A_226 = arith.addf %get3A_221, %get3A_225 : vector<16xf32>
    %get3A_227 = arith.constant 2 : i32
    %get3A_228 = arith.index_cast %get3A_227 : i32 to index
    %get3A_229 = arith.constant 32 : index
    %get3A_230 = tpu.vector_load %arg11[%get3A_228, %get3A_229] {strides = array<i32>} : memref<16x128xf32, #tpu.memory_space<vmem>>, vector<16xf32>,
    %add3A_231 = arith.addf %add3A_226, %get3A_230 : vector<16xf32>
    %get3A_232 = arith.constant 3 : i32
    %get3A_233 = arith.index_cast %get3A_232 : i32 to index
    %get3A_234 = arith.constant 32 : index
    %get3A_235 = tpu.vector_load %arg11[%get3A_233, %get3A_234] {strides = array<i32>} : memref<16x128xf32, #tpu.memory_space<vmem>>, vector<16xf32>,
    %add3A_236 = arith.addf %add3A_231, %get3A_235 : vector<16xf32>
    %get3A_237 = arith.constant 4 : i32
    %get3A_238 = arith.index_cast %get3A_237 : i32 to index
    %get3A_239 = arith.constant 32 : index
    %get3A_240 = tpu.vector_load %arg11[%get3A_238, %get3A_239] {strides = array<i32>} : memref<16x128xf32, #tpu.memory_space<vmem>>, vector<16xf32>,
    %add3A_241 = arith.addf %add3A_236, %get3A_240 : vector<16xf32>
    %get3A_242 = arith.constant 5 : i32
    %get3A_243 = arith.index_cast %get3A_242 : i32 to index
    %get3A_244 = arith.constant 32 : index
    %get3A_245 = tpu.vector_load %arg11[%get3A_243, %get3A_244] {strides = array<i32>} : memref<16x128xf32, #tpu.memory_space<vmem>>, vector<16xf32>,
    %add3A_246 = arith.addf %add3A_241, %get3A_245 : vector<16xf32>
    %get3A_247 = arith.constant 6 : i32
    %get3A_248 = arith.index_cast %get3A_247 : i32 to index
    %get3A_249 = arith.constant 32 : index
    %get3A_250 = tpu.vector_load %arg11[%get3A_248, %get3A_249] {strides = array<i32>} : memref<16x128xf32, #tpu.memory_space<vmem>>, vector<16xf32>,
    %add3A_251 = arith.addf %add3A_246, %get3A_250 : vector<16xf32>
    %get3A_252 = arith.constant 7 : i32
    %get3A_253 = arith.index_cast %get3A_252 : i32 to index
    %get3A_254 = arith.constant 32 : index
    %get3A_255 = tpu.vector_load %arg11[%get3A_253, %get3A_254] {strides = array<i32>} : memref<16x128xf32, #tpu.memory_space<vmem>>, vector<16xf32>,
    %add3A_256 = arith.addf %add3A_251, %get3A_255 : vector<16xf32>
    %get3A_257 = arith.constant 8 : i32
    %get3A_258 = arith.index_cast %get3A_257 : i32 to index
    %get3A_259 = arith.constant 32 : index
    %get3A_260 = tpu.vector_load %arg11[%get3A_258, %get3A_259] {strides = array<i32>} : memref<16x128xf32, #tpu.memory_space<vmem>>, vector<16xf32>,
    %add3A_261 = arith.addf %add3A_256, %get3A_260 : vector<16xf32>
    %get3A_262 = arith.constant 9 : i32
    %get3A_263 = arith.index_cast %get3A_262 : i32 to index
    %get3A_264 = arith.constant 32 : index
    %get3A_265 = tpu.vector_load %arg11[%get3A_263, %get3A_264] {strides = array<i32>} : memref<16x128xf32, #tpu.memory_space<vmem>>, vector<16xf32>,
    %add3A_266 = arith.addf %add3A_261, %get3A_265 : vector<16xf32>
    %get3A_267 = arith.constant 10 : i32
    %get3A_268 = arith.index_cast %get3A_267 : i32 to index
    %get3A_269 = arith.constant 32 : index
    %get3A_270 = tpu.vector_load %arg11[%get3A_268, %get3A_269] {strides = array<i32>} : memref<16x128xf32, #tpu.memory_space<vmem>>, vector<16xf32>,
    %add3A_271 = arith.addf %add3A_266, %get3A_270 : vector<16xf32>
    %get3A_272 = arith.constant 11 : i32
    %get3A_273 = arith.index_cast %get3A_272 : i32 to index
    %get3A_274 = arith.constant 32 : index
    %get3A_275 = tpu.vector_load %arg11[%get3A_273, %get3A_274] {strides = array<i32>} : memref<16x128xf32, #tpu.memory_space<vmem>>, vector<16xf32>,
    %add3A_276 = arith.addf %add3A_271, %get3A_275 : vector<16xf32>
    %get3A_277 = arith.constant 12 : i32
    %get3A_278 = arith.index_cast %get3A_277 : i32 to index
    %get3A_279 = arith.constant 32 : index
    %get3A_280 = tpu.vector_load %arg11[%get3A_278, %get3A_279] {strides = array<i32>} : memref<16x128xf32, #tpu.memory_space<vmem>>, vector<16xf32>,
    %add3A_281 = arith.addf %add3A_276, %get3A_280 : vector<16xf32>
    %get3A_282 = arith.constant 13 : i32
    %get3A_283 = arith.index_cast %get3A_282 : i32 to index
    %get3A_284 = arith.constant 32 : index
    %get3A_285 = tpu.vector_load %arg11[%get3A_283, %get3A_284] {strides = array<i32>} : memref<16x128xf32, #tpu.memory_space<vmem>>, vector<16xf32>,
    %add3A_286 = arith.addf %add3A_281, %get3A_285 : vector<16xf32>
    %get3A_287 = arith.constant 14 : i32
    %get3A_288 = arith.index_cast %get3A_287 : i32 to index
    %get3A_289 = arith.constant 32 : index
    %get3A_290 = tpu.vector_load %arg11[%get3A_288, %get3A_289] {strides = array<i32>} : memref<16x128xf32, #tpu.memory_space<vmem>>, vector<16xf32>,
    %add3A_291 = arith.addf %add3A_286, %get3A_290 : vector<16xf32>
    %get3A_292 = arith.constant 15 : i32
    %get3A_293 = arith.index_cast %get3A_292 : i32 to index
    %get3A_294 = arith.constant 32 : index
    %get3A_295 = tpu.vector_load %arg11[%get3A_293, %get3A_294] {strides = array<i32>} : memref<16x128xf32, #tpu.memory_space<vmem>>, vector<16xf32>,
    %add3A_296 = arith.addf %add3A_291, %get3A_295 : vector<16xf32>
    %swap3A_297 = arith.constant 32 : index
    %swap3A_298 = tpu.vector_load %arg12[%swap3A_297] {strides = array<i32>} : memref<128xf32, #tpu.memory_space<vmem>>, vector<16xf32>,
    tpu.vector_store %arg12[%swap3A_297], %add3A_296 {strides = array<i32>} : memref<128xf32, #tpu.memory_space<vmem>>, vector<16xf32>,
    %get3A_299 = arith.constant 0 : i32
    %get3A_300 = arith.index_cast %get3A_299 : i32 to index
    %get3A_301 = arith.constant 48 : index
    %get3A_302 = tpu.vector_load %arg11[%get3A_300, %get3A_301] {strides = array<i32>} : memref<16x128xf32, #tpu.memory_space<vmem>>, vector<16xf32>,
    %get3A_303 = arith.constant 1 : i32
    %get3A_304 = arith.index_cast %get3A_303 : i32 to index
    %get3A_305 = arith.constant 48 : index
    %get3A_306 = tpu.vector_load %arg11[%get3A_304, %get3A_305] {strides = array<i32>} : memref<16x128xf32, #tpu.memory_space<vmem>>, vector<16xf32>,
    %add3A_307 = arith.addf %get3A_302, %get3A_306 : vector<16xf32>
    %get3A_308 = arith.constant 2 : i32
    %get3A_309 = arith.index_cast %get3A_308 : i32 to index
    %get3A_310 = arith.constant 48 : index
    %get3A_311 = tpu.vector_load %arg11[%get3A_309, %get3A_310] {strides = array<i32>} : memref<16x128xf32, #tpu.memory_space<vmem>>, vector<16xf32>,
    %add3A_312 = arith.addf %add3A_307, %get3A_311 : vector<16xf32>
    %get3A_313 = arith.constant 3 : i32
    %get3A_314 = arith.index_cast %get3A_313 : i32 to index
    %get3A_315 = arith.constant 48 : index
    %get3A_316 = tpu.vector_load %arg11[%get3A_314, %get3A_315] {strides = array<i32>} : memref<16x128xf32, #tpu.memory_space<vmem>>, vector<16xf32>,
    %add3A_317 = arith.addf %add3A_312, %get3A_316 : vector<16xf32>
    %get3A_318 = arith.constant 4 : i32
    %get3A_319 = arith.index_cast %get3A_318 : i32 to index
    %get3A_320 = arith.constant 48 : index
    %get3A_321 = tpu.vector_load %arg11[%get3A_319, %get3A_320] {strides = array<i32>} : memref<16x128xf32, #tpu.memory_space<vmem>>, vector<16xf32>,
    %add3A_322 = arith.addf %add3A_317, %get3A_321 : vector<16xf32>
    %get3A_323 = arith.constant 5 : i32
    %get3A_324 = arith.index_cast %get3A_323 : i32 to index
    %get3A_325 = arith.constant 48 : index
    %get3A_326 = tpu.vector_load %arg11[%get3A_324, %get3A_325] {strides = array<i32>} : memref<16x128xf32, #tpu.memory_space<vmem>>, vector<16xf32>,
    %add3A_327 = arith.addf %add3A_322, %get3A_326 : vector<16xf32>
    %get3A_328 = arith.constant 6 : i32
    %get3A_329 = arith.index_cast %get3A_328 : i32 to index
    %get3A_330 = arith.constant 48 : index
    %get3A_331 = tpu.vector_load %arg11[%get3A_329, %get3A_330] {strides = array<i32>} : memref<16x128xf32, #tpu.memory_space<vmem>>, vector<16xf32>,
    %add3A_332 = arith.addf %add3A_327, %get3A_331 : vector<16xf32>
    %get3A_333 = arith.constant 7 : i32
    %get3A_334 = arith.index_cast %get3A_333 : i32 to index
    %get3A_335 = arith.constant 48 : index
    %get3A_336 = tpu.vector_load %arg11[%get3A_334, %get3A_335] {strides = array<i32>} : memref<16x128xf32, #tpu.memory_space<vmem>>, vector<16xf32>,
    %add3A_337 = arith.addf %add3A_332, %get3A_336 : vector<16xf32>
    %get3A_338 = arith.constant 8 : i32
    %get3A_339 = arith.index_cast %get3A_338 : i32 to index
    %get3A_340 = arith.constant 48 : index
    %get3A_341 = tpu.vector_load %arg11[%get3A_339, %get3A_340] {strides = array<i32>} : memref<16x128xf32, #tpu.memory_space<vmem>>, vector<16xf32>,
    %add3A_342 = arith.addf %add3A_337, %get3A_341 : vector<16xf32>
    %get3A_343 = arith.constant 9 : i32
    %get3A_344 = arith.index_cast %get3A_343 : i32 to index
    %get3A_345 = arith.constant 48 : index
    %get3A_346 = tpu.vector_load %arg11[%get3A_344, %get3A_345] {strides = array<i32>} : memref<16x128xf32, #tpu.memory_space<vmem>>, vector<16xf32>,
    %add3A_347 = arith.addf %add3A_342, %get3A_346 : vector<16xf32>
    %get3A_348 = arith.constant 10 : i32
    %get3A_349 = arith.index_cast %get3A_348 : i32 to index
    %get3A_350 = arith.constant 48 : index
    %get3A_351 = tpu.vector_load %arg11[%get3A_349, %get3A_350] {strides = array<i32>} : memref<16x128xf32, #tpu.memory_space<vmem>>, vector<16xf32>,
    %add3A_352 = arith.addf %add3A_347, %get3A_351 : vector<16xf32>
    %get3A_353 = arith.constant 11 : i32
    %get3A_354 = arith.index_cast %get3A_353 : i32 to index
    %get3A_355 = arith.constant 48 : index
    %get3A_356 = tpu.vector_load %arg11[%get3A_354, %get3A_355] {strides = array<i32>} : memref<16x128xf32, #tpu.memory_space<vmem>>, vector<16xf32>,
    %add3A_357 = arith.addf %add3A_352, %get3A_356 : vector<16xf32>
    %get3A_358 = arith.constant 12 : i32
    %get3A_359 = arith.index_cast %get3A_358 : i32 to index
    %get3A_360 = arith.constant 48 : index
    %get3A_361 = tpu.vector_load %arg11[%get3A_359, %get3A_360] {strides = array<i32>} : memref<16x128xf32, #tpu.memory_space<vmem>>, vector<16xf32>,
    %add3A_362 = arith.addf %add3A_357, %get3A_361 : vector<16xf32>
    %get3A_363 = arith.constant 13 : i32
    %get3A_364 = arith.index_cast %get3A_363 : i32 to index
    %get3A_365 = arith.constant 48 : index
    %get3A_366 = tpu.vector_load %arg11[%get3A_364, %get3A_365] {strides = array<i32>} : memref<16x128xf32, #tpu.memory_space<vmem>>, vector<16xf32>,
    %add3A_367 = arith.addf %add3A_362, %get3A_366 : vector<16xf32>
    %get3A_368 = arith.constant 14 : i32
    %get3A_369 = arith.index_cast %get3A_368 : i32 to index
    %get3A_370 = arith.constant 48 : index
    %get3A_371 = tpu.vector_load %arg11[%get3A_369, %get3A_370] {strides = array<i32>} : memref<16x128xf32, #tpu.memory_space<vmem>>, vector<16xf32>,
    %add3A_372 = arith.addf %add3A_367, %get3A_371 : vector<16xf32>
    %get3A_373 = arith.constant 15 : i32
    %get3A_374 = arith.index_cast %get3A_373 : i32 to index
    %get3A_375 = arith.constant 48 : index
    %get3A_376 = tpu.vector_load %arg11[%get3A_374, %get3A_375] {strides = array<i32>} : memref<16x128xf32, #tpu.memory_space<vmem>>, vector<16xf32>,
    %add3A_377 = arith.addf %add3A_372, %get3A_376 : vector<16xf32>
    %swap3A_378 = arith.constant 48 : index
    %swap3A_379 = tpu.vector_load %arg12[%swap3A_378] {strides = array<i32>} : memref<128xf32, #tpu.memory_space<vmem>>, vector<16xf32>,
    tpu.vector_store %arg12[%swap3A_378], %add3A_377 {strides = array<i32>} : memref<128xf32, #tpu.memory_space<vmem>>, vector<16xf32>,
    %get3A_380 = arith.constant 0 : i32
    %get3A_381 = arith.index_cast %get3A_380 : i32 to index
    %get3A_382 = arith.constant 64 : index
    %get3A_383 = tpu.vector_load %arg11[%get3A_381, %get3A_382] {strides = array<i32>} : memref<16x128xf32, #tpu.memory_space<vmem>>, vector<16xf32>,
    %get3A_384 = arith.constant 1 : i32
    %get3A_385 = arith.index_cast %get3A_384 : i32 to index
    %get3A_386 = arith.constant 64 : index
    %get3A_387 = tpu.vector_load %arg11[%get3A_385, %get3A_386] {strides = array<i32>} : memref<16x128xf32, #tpu.memory_space<vmem>>, vector<16xf32>,
    %add3A_388 = arith.addf %get3A_383, %get3A_387 : vector<16xf32>
    %get3A_389 = arith.constant 2 : i32
    %get3A_390 = arith.index_cast %get3A_389 : i32 to index
    %get3A_391 = arith.constant 64 : index
    %get3A_392 = tpu.vector_load %arg11[%get3A_390, %get3A_391] {strides = array<i32>} : memref<16x128xf32, #tpu.memory_space<vmem>>, vector<16xf32>,
    %add3A_393 = arith.addf %add3A_388, %get3A_392 : vector<16xf32>
    %get3A_394 = arith.constant 3 : i32
    %get3A_395 = arith.index_cast %get3A_394 : i32 to index
    %get3A_396 = arith.constant 64 : index
    %get3A_397 = tpu.vector_load %arg11[%get3A_395, %get3A_396] {strides = array<i32>} : memref<16x128xf32, #tpu.memory_space<vmem>>, vector<16xf32>,
    %add3A_398 = arith.addf %add3A_393, %get3A_397 : vector<16xf32>
    %get3A_399 = arith.constant 4 : i32
    %get3A_400 = arith.index_cast %get3A_399 : i32 to index
    %get3A_401 = arith.constant 64 : index
    %get3A_402 = tpu.vector_load %arg11[%get3A_400, %get3A_401] {strides = array<i32>} : memref<16x128xf32, #tpu.memory_space<vmem>>, vector<16xf32>,
    %add3A_403 = arith.addf %add3A_398, %get3A_402 : vector<16xf32>
    %get3A_404 = arith.constant 5 : i32
    %get3A_405 = arith.index_cast %get3A_404 : i32 to index
    %get3A_406 = arith.constant 64 : index
    %get3A_407 = tpu.vector_load %arg11[%get3A_405, %get3A_406] {strides = array<i32>} : memref<16x128xf32, #tpu.memory_space<vmem>>, vector<16xf32>,
    %add3A_408 = arith.addf %add3A_403, %get3A_407 : vector<16xf32>
    %get3A_409 = arith.constant 6 : i32
    %get3A_410 = arith.index_cast %get3A_409 : i32 to index
    %get3A_411 = arith.constant 64 : index
    %get3A_412 = tpu.vector_load %arg11[%get3A_410, %get3A_411] {strides = array<i32>} : memref<16x128xf32, #tpu.memory_space<vmem>>, vector<16xf32>,
    %add3A_413 = arith.addf %add3A_408, %get3A_412 : vector<16xf32>
    %get3A_414 = arith.constant 7 : i32
    %get3A_415 = arith.index_cast %get3A_414 : i32 to index
    %get3A_416 = arith.constant 64 : index
    %get3A_417 = tpu.vector_load %arg11[%get3A_415, %get3A_416] {strides = array<i32>} : memref<16x128xf32, #tpu.memory_space<vmem>>, vector<16xf32>,
    %add3A_418 = arith.addf %add3A_413, %get3A_417 : vector<16xf32>
    %get3A_419 = arith.constant 8 : i32
    %get3A_420 = arith.index_cast %get3A_419 : i32 to index
    %get3A_421 = arith.constant 64 : index
    %get3A_422 = tpu.vector_load %arg11[%get3A_420, %get3A_421] {strides = array<i32>} : memref<16x128xf32, #tpu.memory_space<vmem>>, vector<16xf32>,
    %add3A_423 = arith.addf %add3A_418, %get3A_422 : vector<16xf32>
    %get3A_424 = arith.constant 9 : i32
    %get3A_425 = arith.index_cast %get3A_424 : i32 to index
    %get3A_426 = arith.constant 64 : index
    %get3A_427 = tpu.vector_load %arg11[%get3A_425, %get3A_426] {strides = array<i32>} : memref<16x128xf32, #tpu.memory_space<vmem>>, vector<16xf32>,
    %add3A_428 = arith.addf %add3A_423, %get3A_427 : vector<16xf32>
    %get3A_429 = arith.constant 10 : i32
    %get3A_430 = arith.index_cast %get3A_429 : i32 to index
    %get3A_431 = arith.constant 64 : index
    %get3A_432 = tpu.vector_load %arg11[%get3A_430, %get3A_431] {strides = array<i32>} : memref<16x128xf32, #tpu.memory_space<vmem>>, vector<16xf32>,
    %add3A_433 = arith.addf %add3A_428, %get3A_432 : vector<16xf32>
    %get3A_434 = arith.constant 11 : i32
    %get3A_435 = arith.index_cast %get3A_434 : i32 to index
    %get3A_436 = arith.constant 64 : index
    %get3A_437 = tpu.vector_load %arg11[%get3A_435, %get3A_436] {strides = array<i32>} : memref<16x128xf32, #tpu.memory_space<vmem>>, vector<16xf32>,
    %add3A_438 = arith.addf %add3A_433, %get3A_437 : vector<16xf32>
    %get3A_439 = arith.constant 12 : i32
    %get3A_440 = arith.index_cast %get3A_439 : i32 to index
    %get3A_441 = arith.constant 64 : index
    %get3A_442 = tpu.vector_load %arg11[%get3A_440, %get3A_441] {strides = array<i32>} : memref<16x128xf32, #tpu.memory_space<vmem>>, vector<16xf32>,
    %add3A_443 = arith.addf %add3A_438, %get3A_442 : vector<16xf32>
    %get3A_444 = arith.constant 13 : i32
    %get3A_445 = arith.index_cast %get3A_444 : i32 to index
    %get3A_446 = arith.constant 64 : index
    %get3A_447 = tpu.vector_load %arg11[%get3A_445, %get3A_446] {strides = array<i32>} : memref<16x128xf32, #tpu.memory_space<vmem>>, vector<16xf32>,
    %add3A_448 = arith.addf %add3A_443, %get3A_447 : vector<16xf32>
    %get3A_449 = arith.constant 14 : i32
    %get3A_450 = arith.index_cast %get3A_449 : i32 to index
    %get3A_451 = arith.constant 64 : index
    %get3A_452 = tpu.vector_load %arg11[%get3A_450, %get3A_451] {strides = array<i32>} : memref<16x128xf32, #tpu.memory_space<vmem>>, vector<16xf32>,
    %add3A_453 = arith.addf %add3A_448, %get3A_452 : vector<16xf32>
    %get3A_454 = arith.constant 15 : i32
    %get3A_455 = arith.index_cast %get3A_454 : i32 to index
    %get3A_456 = arith.constant 64 : index
    %get3A_457 = tpu.vector_load %arg11[%get3A_455, %get3A_456] {strides = array<i32>} : memref<16x128xf32, #tpu.memory_space<vmem>>, vector<16xf32>,
    %add3A_458 = arith.addf %add3A_453, %get3A_457 : vector<16xf32>
    %swap3A_459 = arith.constant 64 : index
    %swap3A_460 = tpu.vector_load %arg12[%swap3A_459] {strides = array<i32>} : memref<128xf32, #tpu.memory_space<vmem>>, vector<16xf32>,
    tpu.vector_store %arg12[%swap3A_459], %add3A_458 {strides = array<i32>} : memref<128xf32, #tpu.memory_space<vmem>>, vector<16xf32>,
    %get3A_461 = arith.constant 0 : i32
    %get3A_462 = arith.index_cast %get3A_461 : i32 to index
    %get3A_463 = arith.constant 80 : index
    %get3A_464 = tpu.vector_load %arg11[%get3A_462, %get3A_463] {strides = array<i32>} : memref<16x128xf32, #tpu.memory_space<vmem>>, vector<16xf32>,
    %get3A_465 = arith.constant 1 : i32
    %get3A_466 = arith.index_cast %get3A_465 : i32 to index
    %get3A_467 = arith.constant 80 : index
    %get3A_468 = tpu.vector_load %arg11[%get3A_466, %get3A_467] {strides = array<i32>} : memref<16x128xf32, #tpu.memory_space<vmem>>, vector<16xf32>,
    %add3A_469 = arith.addf %get3A_464, %get3A_468 : vector<16xf32>
    %get3A_470 = arith.constant 2 : i32
    %get3A_471 = arith.index_cast %get3A_470 : i32 to index
    %get3A_472 = arith.constant 80 : index
    %get3A_473 = tpu.vector_load %arg11[%get3A_471, %get3A_472] {strides = array<i32>} : memref<16x128xf32, #tpu.memory_space<vmem>>, vector<16xf32>,
    %add3A_474 = arith.addf %add3A_469, %get3A_473 : vector<16xf32>
    %get3A_475 = arith.constant 3 : i32
    %get3A_476 = arith.index_cast %get3A_475 : i32 to index
    %get3A_477 = arith.constant 80 : index
    %get3A_478 = tpu.vector_load %arg11[%get3A_476, %get3A_477] {strides = array<i32>} : memref<16x128xf32, #tpu.memory_space<vmem>>, vector<16xf32>,
    %add3A_479 = arith.addf %add3A_474, %get3A_478 : vector<16xf32>
    %get3A_480 = arith.constant 4 : i32
    %get3A_481 = arith.index_cast %get3A_480 : i32 to index
    %get3A_482 = arith.constant 80 : index
    %get3A_483 = tpu.vector_load %arg11[%get3A_481, %get3A_482] {strides = array<i32>} : memref<16x128xf32, #tpu.memory_space<vmem>>, vector<16xf32>,
    %add3A_484 = arith.addf %add3A_479, %get3A_483 : vector<16xf32>
    %get3A_485 = arith.constant 5 : i32
    %get3A_486 = arith.index_cast %get3A_485 : i32 to index
    %get3A_487 = arith.constant 80 : index
    %get3A_488 = tpu.vector_load %arg11[%get3A_486, %get3A_487] {strides = array<i32>} : memref<16x128xf32, #tpu.memory_space<vmem>>, vector<16xf32>,
    %add3A_489 = arith.addf %add3A_484, %get3A_488 : vector<16xf32>
    %get3A_490 = arith.constant 6 : i32
    %get3A_491 = arith.index_cast %get3A_490 : i32 to index
    %get3A_492 = arith.constant 80 : index
    %get3A_493 = tpu.vector_load %arg11[%get3A_491, %get3A_492] {strides = array<i32>} : memref<16x128xf32, #tpu.memory_space<vmem>>, vector<16xf32>,
    %add3A_494 = arith.addf %add3A_489, %get3A_493 : vector<16xf32>
    %get3A_495 = arith.constant 7 : i32
    %get3A_496 = arith.index_cast %get3A_495 : i32 to index
    %get3A_497 = arith.constant 80 : index
    %get3A_498 = tpu.vector_load %arg11[%get3A_496, %get3A_497] {strides = array<i32>} : memref<16x128xf32, #tpu.memory_space<vmem>>, vector<16xf32>,
    %add3A_499 = arith.addf %add3A_494, %get3A_498 : vector<16xf32>
    %get3A_500 = arith.constant 8 : i32
    %get3A_501 = arith.index_cast %get3A_500 : i32 to index
    %get3A_502 = arith.constant 80 : index
    %get3A_503 = tpu.vector_load %arg11[%get3A_501, %get3A_502] {strides = array<i32>} : memref<16x128xf32, #tpu.memory_space<vmem>>, vector<16xf32>,
    %add3A_504 = arith.addf %add3A_499, %get3A_503 : vector<16xf32>
    %get3A_505 = arith.constant 9 : i32
    %get3A_506 = arith.index_cast %get3A_505 : i32 to index
    %get3A_507 = arith.constant 80 : index
    %get3A_508 = tpu.vector_load %arg11[%get3A_506, %get3A_507] {strides = array<i32>} : memref<16x128xf32, #tpu.memory_space<vmem>>, vector<16xf32>,
    %add3A_509 = arith.addf %add3A_504, %get3A_508 : vector<16xf32>
    %get3A_510 = arith.constant 10 : i32
    %get3A_511 = arith.index_cast %get3A_510 : i32 to index
    %get3A_512 = arith.constant 80 : index
    %get3A_513 = tpu.vector_load %arg11[%get3A_511, %get3A_512] {strides = array<i32>} : memref<16x128xf32, #tpu.memory_space<vmem>>, vector<16xf32>,
    %add3A_514 = arith.addf %add3A_509, %get3A_513 : vector<16xf32>
    %get3A_515 = arith.constant 11 : i32
    %get3A_516 = arith.index_cast %get3A_515 : i32 to index
    %get3A_517 = arith.constant 80 : index
    %get3A_518 = tpu.vector_load %arg11[%get3A_516, %get3A_517] {strides = array<i32>} : memref<16x128xf32, #tpu.memory_space<vmem>>, vector<16xf32>,
    %add3A_519 = arith.addf %add3A_514, %get3A_518 : vector<16xf32>
    %get3A_520 = arith.constant 12 : i32
    %get3A_521 = arith.index_cast %get3A_520 : i32 to index
    %get3A_522 = arith.constant 80 : index
    %get3A_523 = tpu.vector_load %arg11[%get3A_521, %get3A_522] {strides = array<i32>} : memref<16x128xf32, #tpu.memory_space<vmem>>, vector<16xf32>,
    %add3A_524 = arith.addf %add3A_519, %get3A_523 : vector<16xf32>
    %get3A_525 = arith.constant 13 : i32
    %get3A_526 = arith.index_cast %get3A_525 : i32 to index
    %get3A_527 = arith.constant 80 : index
    %get3A_528 = tpu.vector_load %arg11[%get3A_526, %get3A_527] {strides = array<i32>} : memref<16x128xf32, #tpu.memory_space<vmem>>, vector<16xf32>,
    %add3A_529 = arith.addf %add3A_524, %get3A_528 : vector<16xf32>
    %get3A_530 = arith.constant 14 : i32
    %get3A_531 = arith.index_cast %get3A_530 : i32 to index
    %get3A_532 = arith.constant 80 : index
    %get3A_533 = tpu.vector_load %arg11[%get3A_531, %get3A_532] {strides = array<i32>} : memref<16x128xf32, #tpu.memory_space<vmem>>, vector<16xf32>,
    %add3A_534 = arith.addf %add3A_529, %get3A_533 : vector<16xf32>
    %get3A_535 = arith.constant 15 : i32
    %get3A_536 = arith.index_cast %get3A_535 : i32 to index
    %get3A_537 = arith.constant 80 : index
    %get3A_538 = tpu.vector_load %arg11[%get3A_536, %get3A_537] {strides = array<i32>} : memref<16x128xf32, #tpu.memory_space<vmem>>, vector<16xf32>,
    %add3A_539 = arith.addf %add3A_534, %get3A_538 : vector<16xf32>
    %swap3A_540 = arith.constant 80 : index
    %swap3A_541 = tpu.vector_load %arg12[%swap3A_540] {strides = array<i32>} : memref<128xf32, #tpu.memory_space<vmem>>, vector<16xf32>,
    tpu.vector_store %arg12[%swap3A_540], %add3A_539 {strides = array<i32>} : memref<128xf32, #tpu.memory_space<vmem>>, vector<16xf32>,
    %get3A_542 = arith.constant 0 : i32
    %get3A_543 = arith.index_cast %get3A_542 : i32 to index
    %get3A_544 = arith.constant 96 : index
    %get3A_545 = tpu.vector_load %arg11[%get3A_543, %get3A_544] {strides = array<i32>} : memref<16x128xf32, #tpu.memory_space<vmem>>, vector<16xf32>,
    %get3A_546 = arith.constant 1 : i32
    %get3A_547 = arith.index_cast %get3A_546 : i32 to index
    %get3A_548 = arith.constant 96 : index
    %get3A_549 = tpu.vector_load %arg11[%get3A_547, %get3A_548] {strides = array<i32>} : memref<16x128xf32, #tpu.memory_space<vmem>>, vector<16xf32>,
    %add3A_550 = arith.addf %get3A_545, %get3A_549 : vector<16xf32>
    %get3A_551 = arith.constant 2 : i32
    %get3A_552 = arith.index_cast %get3A_551 : i32 to index
    %get3A_553 = arith.constant 96 : index
    %get3A_554 = tpu.vector_load %arg11[%get3A_552, %get3A_553] {strides = array<i32>} : memref<16x128xf32, #tpu.memory_space<vmem>>, vector<16xf32>,
    %add3A_555 = arith.addf %add3A_550, %get3A_554 : vector<16xf32>
    %get3A_556 = arith.constant 3 : i32
    %get3A_557 = arith.index_cast %get3A_556 : i32 to index
    %get3A_558 = arith.constant 96 : index
    %get3A_559 = tpu.vector_load %arg11[%get3A_557, %get3A_558] {strides = array<i32>} : memref<16x128xf32, #tpu.memory_space<vmem>>, vector<16xf32>,
    %add3A_560 = arith.addf %add3A_555, %get3A_559 : vector<16xf32>
    %get3A_561 = arith.constant 4 : i32
    %get3A_562 = arith.index_cast %get3A_561 : i32 to index
    %get3A_563 = arith.constant 96 : index
    %get3A_564 = tpu.vector_load %arg11[%get3A_562, %get3A_563] {strides = array<i32>} : memref<16x128xf32, #tpu.memory_space<vmem>>, vector<16xf32>,
    %add3A_565 = arith.addf %add3A_560, %get3A_564 : vector<16xf32>
    %get3A_566 = arith.constant 5 : i32
    %get3A_567 = arith.index_cast %get3A_566 : i32 to index
    %get3A_568 = arith.constant 96 : index
    %get3A_569 = tpu.vector_load %arg11[%get3A_567, %get3A_568] {strides = array<i32>} : memref<16x128xf32, #tpu.memory_space<vmem>>, vector<16xf32>,
    %add3A_570 = arith.addf %add3A_565, %get3A_569 : vector<16xf32>
    %get3A_571 = arith.constant 6 : i32
    %get3A_572 = arith.index_cast %get3A_571 : i32 to index
    %get3A_573 = arith.constant 96 : index
    %get3A_574 = tpu.vector_load %arg11[%get3A_572, %get3A_573] {strides = array<i32>} : memref<16x128xf32, #tpu.memory_space<vmem>>, vector<16xf32>,
    %add3A_575 = arith.addf %add3A_570, %get3A_574 : vector<16xf32>
    %get3A_576 = arith.constant 7 : i32
    %get3A_577 = arith.index_cast %get3A_576 : i32 to index
    %get3A_578 = arith.constant 96 : index
    %get3A_579 = tpu.vector_load %arg11[%get3A_577, %get3A_578] {strides = array<i32>} : memref<16x128xf32, #tpu.memory_space<vmem>>, vector<16xf32>,
    %add3A_580 = arith.addf %add3A_575, %get3A_579 : vector<16xf32>
    %get3A_581 = arith.constant 8 : i32
    %get3A_582 = arith.index_cast %get3A_581 : i32 to index
    %get3A_583 = arith.constant 96 : index
    %get3A_584 = tpu.vector_load %arg11[%get3A_582, %get3A_583] {strides = array<i32>} : memref<16x128xf32, #tpu.memory_space<vmem>>, vector<16xf32>,
    %add3A_585 = arith.addf %add3A_580, %get3A_584 : vector<16xf32>
    %get3A_586 = arith.constant 9 : i32
    %get3A_587 = arith.index_cast %get3A_586 : i32 to index
    %get3A_588 = arith.constant 96 : index
    %get3A_589 = tpu.vector_load %arg11[%get3A_587, %get3A_588] {strides = array<i32>} : memref<16x128xf32, #tpu.memory_space<vmem>>, vector<16xf32>,
    %add3A_590 = arith.addf %add3A_585, %get3A_589 : vector<16xf32>
    %get3A_591 = arith.constant 10 : i32
    %get3A_592 = arith.index_cast %get3A_591 : i32 to index
    %get3A_593 = arith.constant 96 : index
    %get3A_594 = tpu.vector_load %arg11[%get3A_592, %get3A_593] {strides = array<i32>} : memref<16x128xf32, #tpu.memory_space<vmem>>, vector<16xf32>,
    %add3A_595 = arith.addf %add3A_590, %get3A_594 : vector<16xf32>
    %get3A_596 = arith.constant 11 : i32
    %get3A_597 = arith.index_cast %get3A_596 : i32 to index
    %get3A_598 = arith.constant 96 : index
    %get3A_599 = tpu.vector_load %arg11[%get3A_597, %get3A_598] {strides = array<i32>} : memref<16x128xf32, #tpu.memory_space<vmem>>, vector<16xf32>,
    %add3A_600 = arith.addf %add3A_595, %get3A_599 : vector<16xf32>
    %get3A_601 = arith.constant 12 : i32
    %get3A_602 = arith.index_cast %get3A_601 : i32 to index
    %get3A_603 = arith.constant 96 : index
    %get3A_604 = tpu.vector_load %arg11[%get3A_602, %get3A_603] {strides = array<i32>} : memref<16x128xf32, #tpu.memory_space<vmem>>, vector<16xf32>,
    %add3A_605 = arith.addf %add3A_600, %get3A_604 : vector<16xf32>
    %get3A_606 = arith.constant 13 : i32
    %get3A_607 = arith.index_cast %get3A_606 : i32 to index
    %get3A_608 = arith.constant 96 : index
    %get3A_609 = tpu.vector_load %arg11[%get3A_607, %get3A_608] {strides = array<i32>} : memref<16x128xf32, #tpu.memory_space<vmem>>, vector<16xf32>,
    %add3A_610 = arith.addf %add3A_605, %get3A_609 : vector<16xf32>
    %get3A_611 = arith.constant 14 : i32
    %get3A_612 = arith.index_cast %get3A_611 : i32 to index
    %get3A_613 = arith.constant 96 : index
    %get3A_614 = tpu.vector_load %arg11[%get3A_612, %get3A_613] {strides = array<i32>} : memref<16x128xf32, #tpu.memory_space<vmem>>, vector<16xf32>,
    %add3A_615 = arith.addf %add3A_610, %get3A_614 : vector<16xf32>
    %get3A_616 = arith.constant 15 : i32
    %get3A_617 = arith.index_cast %get3A_616 : i32 to index
    %get3A_618 = arith.constant 96 : index
    %get3A_619 = tpu.vector_load %arg11[%get3A_617, %get3A_618] {strides = array<i32>} : memref<16x128xf32, #tpu.memory_space<vmem>>, vector<16xf32>,
    %add3A_620 = arith.addf %add3A_615, %get3A_619 : vector<16xf32>
    %swap3A_621 = arith.constant 96 : index
    %swap3A_622 = tpu.vector_load %arg12[%swap3A_621] {strides = array<i32>} : memref<128xf32, #tpu.memory_space<vmem>>, vector<16xf32>,
    tpu.vector_store %arg12[%swap3A_621], %add3A_620 {strides = array<i32>} : memref<128xf32, #tpu.memory_space<vmem>>, vector<16xf32>,
    %get3A_623 = arith.constant 0 : i32
    %get3A_624 = arith.index_cast %get3A_623 : i32 to index
    %get3A_625 = arith.constant 112 : index
    %get3A_626 = tpu.vector_load %arg11[%get3A_624, %get3A_625] {strides = array<i32>} : memref<16x128xf32, #tpu.memory_space<vmem>>, vector<16xf32>,
    %get3A_627 = arith.constant 1 : i32
    %get3A_628 = arith.index_cast %get3A_627 : i32 to index
    %get3A_629 = arith.constant 112 : index
    %get3A_630 = tpu.vector_load %arg11[%get3A_628, %get3A_629] {strides = array<i32>} : memref<16x128xf32, #tpu.memory_space<vmem>>, vector<16xf32>,
    %add3A_631 = arith.addf %get3A_626, %get3A_630 : vector<16xf32>
    %get3A_632 = arith.constant 2 : i32
    %get3A_633 = arith.index_cast %get3A_632 : i32 to index
    %get3A_634 = arith.constant 112 : index
    %get3A_635 = tpu.vector_load %arg11[%get3A_633, %get3A_634] {strides = array<i32>} : memref<16x128xf32, #tpu.memory_space<vmem>>, vector<16xf32>,
    %add3A_636 = arith.addf %add3A_631, %get3A_635 : vector<16xf32>
    %get3A_637 = arith.constant 3 : i32
    %get3A_638 = arith.index_cast %get3A_637 : i32 to index
    %get3A_639 = arith.constant 112 : index
    %get3A_640 = tpu.vector_load %arg11[%get3A_638, %get3A_639] {strides = array<i32>} : memref<16x128xf32, #tpu.memory_space<vmem>>, vector<16xf32>,
    %add3A_641 = arith.addf %add3A_636, %get3A_640 : vector<16xf32>
    %get3A_642 = arith.constant 4 : i32
    %get3A_643 = arith.index_cast %get3A_642 : i32 to index
    %get3A_644 = arith.constant 112 : index
    %get3A_645 = tpu.vector_load %arg11[%get3A_643, %get3A_644] {strides = array<i32>} : memref<16x128xf32, #tpu.memory_space<vmem>>, vector<16xf32>,
    %add3A_646 = arith.addf %add3A_641, %get3A_645 : vector<16xf32>
    %get3A_647 = arith.constant 5 : i32
    %get3A_648 = arith.index_cast %get3A_647 : i32 to index
    %get3A_649 = arith.constant 112 : index
    %get3A_650 = tpu.vector_load %arg11[%get3A_648, %get3A_649] {strides = array<i32>} : memref<16x128xf32, #tpu.memory_space<vmem>>, vector<16xf32>,
    %add3A_651 = arith.addf %add3A_646, %get3A_650 : vector<16xf32>
    %get3A_652 = arith.constant 6 : i32
    %get3A_653 = arith.index_cast %get3A_652 : i32 to index
    %get3A_654 = arith.constant 112 : index
    %get3A_655 = tpu.vector_load %arg11[%get3A_653, %get3A_654] {strides = array<i32>} : memref<16x128xf32, #tpu.memory_space<vmem>>, vector<16xf32>,
    %add3A_656 = arith.addf %add3A_651, %get3A_655 : vector<16xf32>
    %get3A_657 = arith.constant 7 : i32
    %get3A_658 = arith.index_cast %get3A_657 : i32 to index
    %get3A_659 = arith.constant 112 : index
    %get3A_660 = tpu.vector_load %arg11[%get3A_658, %get3A_659] {strides = array<i32>} : memref<16x128xf32, #tpu.memory_space<vmem>>, vector<16xf32>,
    %add3A_661 = arith.addf %add3A_656, %get3A_660 : vector<16xf32>
    %get3A_662 = arith.constant 8 : i32
    %get3A_663 = arith.index_cast %get3A_662 : i32 to index
    %get3A_664 = arith.constant 112 : index
    %get3A_665 = tpu.vector_load %arg11[%get3A_663, %get3A_664] {strides = array<i32>} : memref<16x128xf32, #tpu.memory_space<vmem>>, vector<16xf32>,
    %add3A_666 = arith.addf %add3A_661, %get3A_665 : vector<16xf32>
    %get3A_667 = arith.constant 9 : i32
    %get3A_668 = arith.index_cast %get3A_667 : i32 to index
    %get3A_669 = arith.constant 112 : index
    %get3A_670 = tpu.vector_load %arg11[%get3A_668, %get3A_669] {strides = array<i32>} : memref<16x128xf32, #tpu.memory_space<vmem>>, vector<16xf32>,
    %add3A_671 = arith.addf %add3A_666, %get3A_670 : vector<16xf32>
    %get3A_672 = arith.constant 10 : i32
    %get3A_673 = arith.index_cast %get3A_672 : i32 to index
    %get3A_674 = arith.constant 112 : index
    %get3A_675 = tpu.vector_load %arg11[%get3A_673, %get3A_674] {strides = array<i32>} : memref<16x128xf32, #tpu.memory_space<vmem>>, vector<16xf32>,
    %add3A_676 = arith.addf %add3A_671, %get3A_675 : vector<16xf32>
    %get3A_677 = arith.constant 11 : i32
    %get3A_678 = arith.index_cast %get3A_677 : i32 to index
    %get3A_679 = arith.constant 112 : index
    %get3A_680 = tpu.vector_load %arg11[%get3A_678, %get3A_679] {strides = array<i32>} : memref<16x128xf32, #tpu.memory_space<vmem>>, vector<16xf32>,
    %add3A_681 = arith.addf %add3A_676, %get3A_680 : vector<16xf32>
    %get3A_682 = arith.constant 12 : i32
    %get3A_683 = arith.index_cast %get3A_682 : i32 to index
    %get3A_684 = arith.constant 112 : index
    %get3A_685 = tpu.vector_load %arg11[%get3A_683, %get3A_684] {strides = array<i32>} : memref<16x128xf32, #tpu.memory_space<vmem>>, vector<16xf32>,
    %add3A_686 = arith.addf %add3A_681, %get3A_685 : vector<16xf32>
    %get3A_687 = arith.constant 13 : i32
    %get3A_688 = arith.index_cast %get3A_687 : i32 to index
    %get3A_689 = arith.constant 112 : index
    %get3A_690 = tpu.vector_load %arg11[%get3A_688, %get3A_689] {strides = array<i32>} : memref<16x128xf32, #tpu.memory_space<vmem>>, vector<16xf32>,
    %add3A_691 = arith.addf %add3A_686, %get3A_690 : vector<16xf32>
    %get3A_692 = arith.constant 14 : i32
    %get3A_693 = arith.index_cast %get3A_692 : i32 to index
    %get3A_694 = arith.constant 112 : index
    %get3A_695 = tpu.vector_load %arg11[%get3A_693, %get3A_694] {strides = array<i32>} : memref<16x128xf32, #tpu.memory_space<vmem>>, vector<16xf32>,
    %add3A_696 = arith.addf %add3A_691, %get3A_695 : vector<16xf32>
    %get3A_697 = arith.constant 15 : i32
    %get3A_698 = arith.index_cast %get3A_697 : i32 to index
    %get3A_699 = arith.constant 112 : index
    %get3A_700 = tpu.vector_load %arg11[%get3A_698, %get3A_699] {strides = array<i32>} : memref<16x128xf32, #tpu.memory_space<vmem>>, vector<16xf32>,
    %add3A_701 = arith.addf %add3A_696, %get3A_700 : vector<16xf32>
    %swap3A_702 = arith.constant 112 : index
    %swap3A_703 = tpu.vector_load %arg12[%swap3A_702] {strides = array<i32>} : memref<128xf32, #tpu.memory_space<vmem>>, vector<16xf32>,
    tpu.vector_store %arg12[%swap3A_702], %add3A_701 {strides = array<i32>} : memref<128xf32, #tpu.memory_space<vmem>>, vector<16xf32>,
    %mul3A_704 = arith.constant 128 : i32
    %mul3A_705 = arith.muli %arg1, %mul3A_704 : i32
    "tpu.region"() ({
      %run_scoped3A = tpu.sem_alloc : memref<!tpu.dma_semaphore, #tpu.memory_space<semaphore_mem>>
      %dma_start3A = tpu.memref_slice %arg15[%mul3A_705] : memref<2048xf32, #tpu.memory_space<vmem_shared>> -> memref<128xf32, #tpu.memory_space<vmem_shared>>
      %dma_start3A_909 = tpu.memref_slice %arg15[%mul3A_705] : memref<2048xf32, #tpu.memory_space<vmem_shared>> -> memref<128xf32, #tpu.memory_space<vmem_shared>>
      tpu.enqueue_dma source(%arg12 : memref<128xf32, #tpu.memory_space<vmem>>) target(%dma_start3A_909 : memref<128xf32, #tpu.memory_space<vmem_shared>>) target_semaphore(%run_scoped3A : memref<!tpu.dma_semaphore, #tpu.memory_space<semaphore_mem>>)
      %dma_wait3A = tpu.memref_slice %arg15[%mul3A_705] : memref<2048xf32, #tpu.memory_space<vmem_shared>> -> memref<128xf32, #tpu.memory_space<vmem_shared>>
      %dma_wait3A_910 = tpu.memref_slice %arg15[%mul3A_705] : memref<2048xf32, #tpu.memory_space<vmem_shared>> -> memref<128xf32, #tpu.memory_space<vmem_shared>>
      tpu.wait_dma2 semaphore(%run_scoped3A : memref<!tpu.dma_semaphore, #tpu.memory_space<semaphore_mem>>) src(%arg12 : memref<128xf32, #tpu.memory_space<vmem>>) dst(%dma_wait3A_910 : memref<128xf32, #tpu.memory_space<vmem_shared>>)
      tpu.yield
    }) : () -> ()
    %barrier3A_706 = arith.constant 0 : index
    tpu.barrier barrier_id(%barrier3A_706)
    "tpu.region"() ({
      %run_scoped3A = tpu.sem_alloc : memref<!tpu.dma_semaphore, #tpu.memory_space<semaphore_mem>>
      tpu.enqueue_dma source(%arg15 : memref<2048xf32, #tpu.memory_space<vmem_shared>>) target(%arg8 : memref<2048xf32, #tpu.memory_space<vmem>>) target_semaphore(%run_scoped3A : memref<!tpu.dma_semaphore, #tpu.memory_space<semaphore_mem>>)
      tpu.wait_dma2 semaphore(%run_scoped3A : memref<!tpu.dma_semaphore, #tpu.memory_space<semaphore_mem>>) src(%arg15 : memref<2048xf32, #tpu.memory_space<vmem_shared>>) dst(%arg8 : memref<2048xf32, #tpu.memory_space<vmem>>)
      tpu.yield
    }) : () -> ()
    %scan3A_707 = arith.constant 0 : i32
    %scan3A_708 = arith.constant 0 : i32
    %scan3A_709 = arith.constant 64 : i32
    %scan3A_710 = arith.addi %scan3A_708, %scan3A_709 : i32
    %scan3A_711 = arith.constant 1 : i32
    %scan3A_712 = scf.for %scan3A_909 = %scan3A_708 to %scan3A_710 step %scan3A_711 iter_args(%scan3A_910 = %scan3A_707) -> (i32)  : i32 {
      %jit3A_911 = arith.constant 64 : i32
      %div3A = arith.divsi %scan3A_909, %jit3A_911 : i32
      %sign3A = arith.constant 0 : i32
      %sign3A_912 = arith.cmpi sgt, %scan3A_909, %sign3A : i32
      %sign3A_913 = arith.extui %sign3A_912 : i1 to i32
      %sign3A_914 = arith.constant 0 : i32
      %sign3A_915 = arith.cmpi slt, %scan3A_909, %sign3A_914 : i32
      %sign3A_916 = arith.extui %sign3A_915 : i1 to i32
      %sign3A_917 = arith.subi %sign3A_913, %sign3A_916 : i32
      %sign3A_918 = arith.constant 0 : i32
      %sign3A_919 = arith.cmpi sgt, %jit3A_911, %sign3A_918 : i32
      %sign3A_920 = arith.extui %sign3A_919 : i1 to i32
      %sign3A_921 = arith.constant 0 : i32
      %sign3A_922 = arith.cmpi slt, %jit3A_911, %sign3A_921 : i32
      %sign3A_923 = arith.extui %sign3A_922 : i1 to i32
      %sign3A_924 = arith.subi %sign3A_920, %sign3A_923 : i32
      %ne3A = arith.cmpi ne, %sign3A_917, %sign3A_924 : i32
      %rem3A = arith.remsi %scan3A_909, %jit3A_911 : i32
      %ne3A_925 = arith.constant 0 : i32
      %ne3A_926 = arith.cmpi ne, %rem3A, %ne3A_925 : i32
      %and3A = arith.andi %ne3A, %ne3A_926 : i1
      %sub3A_927 = arith.constant 1 : i32
      %sub3A_928 = arith.subi %div3A, %sub3A_927 : i32
      %select_n3A_929 = arith.select %and3A, %sub3A_928, %div3A : i32
      %jit3A_930 = arith.constant 64 : i32
      %eq3A_931 = arith.constant 0 : i32
      %eq3A_932 = arith.cmpi eq, %jit3A_930, %eq3A_931 : i32
      %jit3A_933 = arith.constant 1 : i32
      %select_n3A_934 = arith.select %eq3A_932, %jit3A_933, %jit3A_930 : i32
      %rem3A_935 = arith.remsi %scan3A_909, %select_n3A_934 : i32
      %ne3A_936 = arith.constant 0 : i32
      %ne3A_937 = arith.cmpi ne, %rem3A_935, %ne3A_936 : i32
      %lt3A_938 = arith.constant 0 : i32
      %lt3A_939 = arith.cmpi slt, %rem3A_935, %lt3A_938 : i32
      %lt3A_940 = arith.constant 0 : i32
      %lt3A_941 = arith.cmpi slt, %select_n3A_934, %lt3A_940 : i32
      %ne3A_942 = arith.xori %lt3A_939, %lt3A_941 : i1
      %and3A_943 = arith.andi %ne3A_942, %ne3A_937 : i1
      %add3A_944 = arith.addi %rem3A_935, %select_n3A_934 : i32
      %select_n3A_945 = arith.select %and3A_943, %add3A_944, %rem3A_935 : i32
      %mul3A_946 = arith.constant 2048 : i32
      %mul3A_947 = arith.muli %select_n3A_929, %mul3A_946 : i32
      %mul3A_948 = arith.constant 16 : i32
      %mul3A_949 = arith.muli %select_n3A_945, %mul3A_948 : i32
      %add3A_950 = arith.addi %mul3A_947, %mul3A_949 : i32
      %mul3A_951 = arith.constant 64 : i32
      %mul3A_952 = arith.muli %select_n3A_929, %mul3A_951 : i32
      %mul3A_953 = arith.constant 16 : i32
      %mul3A_954 = arith.muli %mul3A_952, %mul3A_953 : i32
      %mul3A_955 = arith.constant 16 : i32
      %mul3A_956 = arith.muli %select_n3A_945, %mul3A_955 : i32
      %add3A_957 = arith.addi %mul3A_954, %mul3A_956 : i32
      %add3A_958 = arith.constant 1024 : i32
      %add3A_959 = arith.addi %add3A_950, %add3A_958 : i32
      %get3A_960 = arith.index_cast %add3A_959 : i32 to index
      %get3A_961 = tpu.vector_load %arg8[%get3A_960] {strides = array<i32>} : memref<2048xf32, #tpu.memory_space<vmem>>, vector<16xf32>,
      %max3A_962 = arith.constant 1.000000e+00 : f32
      %max3A_963 = vector.broadcast %max3A_962 : f32 to vector<16xf32>
      %max3A_964 = arith.maximumf %get3A_961, %max3A_963 : vector<16xf32>
      %div3A_965 = arith.constant 1.000000e+00 : f32
      %div3A_966 = vector.broadcast %div3A_965 : f32 to vector<16xf32>
      %div3A_967 = arith.divf %div3A_966, %max3A_964 : vector<16xf32>
      %swap3A_968 = arith.index_cast %add3A_957 : i32 to index
      %swap3A_969 = tpu.vector_load %arg10[%swap3A_968] {strides = array<i32>} : memref<1024xf32, #tpu.memory_space<vmem>>, vector<16xf32>,
      tpu.vector_store %arg10[%swap3A_968], %div3A_967 {strides = array<i32>} : memref<1024xf32, #tpu.memory_space<vmem>>, vector<16xf32>,
      %get3A_970 = arith.index_cast %add3A_950 : i32 to index
      %get3A_971 = tpu.vector_load %arg8[%get3A_970] {strides = array<i32>} : memref<2048xf32, #tpu.memory_space<vmem>>, vector<16xf32>,
      %mul3A_972 = arith.mulf %get3A_971, %div3A_967 : vector<16xf32>
      %swap3A_973 = arith.index_cast %add3A_957 : i32 to index
      %swap3A_974 = tpu.vector_load %arg9[%swap3A_973] {strides = array<i32>} : memref<1024xf32, #tpu.memory_space<vmem>>, vector<16xf32>,
      tpu.vector_store %arg9[%swap3A_973], %mul3A_972 {strides = array<i32>} : memref<1024xf32, #tpu.memory_space<vmem>>, vector<16xf32>,
      %scan3A_975 = arith.constant 0 : i32
      scf.yield %scan3A_975 : i32
    }
    %scan3A_713 = arith.constant 64 : i32
    %broadcast_in_dim3A_714 = arith.constant 0.000000e+00 : f32
    %broadcast_in_dim3A_715 = vector.broadcast %broadcast_in_dim3A_714 : f32 to vector<16xf32>
    %scan3A_716 = arith.constant 0 : i32
    %mul3A_717 = arith.constant 1 : i32
    %mul3A_718 = arith.muli %arg0, %mul3A_717 : i32
    %add3A_719 = arith.addi %mul3A_718, %scan3A_716 : i32
    %mul3A_720 = arith.constant 64 : i32
    %mul3A_721 = arith.muli %scan3A_716, %mul3A_720 : i32
    %mul3A_722 = arith.constant 16 : i32
    %mul3A_723 = arith.muli %mul3A_721, %mul3A_722 : i32
    %mul3A_724 = arith.constant 32768 : i32
    %mul3A_725 = arith.muli %add3A_719, %mul3A_724 : i32
    %mul3A_726 = arith.constant 2048 : i32
    %mul3A_727 = arith.muli %arg1, %mul3A_726 : i32
    %add3A_728 = arith.addi %mul3A_725, %mul3A_727 : i32
    %mul3A_729 = arith.constant 16 : i32
    %mul3A_730 = arith.muli %add3A_728, %mul3A_729 : i32
    "tpu.region"() ({
      %run_scoped3A = tpu.sem_alloc : memref<!tpu.dma_semaphore, #tpu.memory_space<semaphore_mem>>
      %dma_start3A = tpu.memref_slice %arg2[%mul3A_730] : memref<1048576xf32, #tpu.memory_space<hbm>> -> memref<32768xf32, #tpu.memory_space<hbm>>
      %dma_start3A_909 = tpu.memref_slice %arg2[%mul3A_730] : memref<1048576xf32, #tpu.memory_space<hbm>> -> memref<32768xf32, #tpu.memory_space<hbm>>
      tpu.enqueue_dma source(%dma_start3A_909 : memref<32768xf32, #tpu.memory_space<hbm>>) target(%arg5 : memref<32768xf32, #tpu.memory_space<vmem>>) target_semaphore(%run_scoped3A : memref<!tpu.dma_semaphore, #tpu.memory_space<semaphore_mem>>)
      %dma_wait3A = tpu.memref_slice %arg2[%mul3A_730] : memref<1048576xf32, #tpu.memory_space<hbm>> -> memref<32768xf32, #tpu.memory_space<hbm>>
      %dma_wait3A_910 = tpu.memref_slice %arg2[%mul3A_730] : memref<1048576xf32, #tpu.memory_space<hbm>> -> memref<32768xf32, #tpu.memory_space<hbm>>
      tpu.wait_dma2 semaphore(%run_scoped3A : memref<!tpu.dma_semaphore, #tpu.memory_space<semaphore_mem>>) src(%dma_wait3A_910 : memref<32768xf32, #tpu.memory_space<hbm>>) dst(%arg5 : memref<32768xf32, #tpu.memory_space<vmem>>)
      tpu.yield
    }) : () -> ()
    %mul3A_731 = arith.constant 2048 : i32
    %mul3A_732 = arith.muli %scan3A_716, %mul3A_731 : i32
    %get3A_733 = arith.index_cast %mul3A_732 : i32 to index
    %get3A_734 = tpu.vector_load %arg6[%get3A_733] {strides = array<i32>} : memref<2048xi32, #tpu.memory_space<vmem>>, vector<16xi32>,
    %slice3A_735 = vector.extract_strided_slice %get3A_734 {offsets = [0], sizes = [1], strides = [1]} : vector<16xi32> to vector<1xi32>
    %squeeze3A_736 = vector.extract %slice3A_735[0] : i32 from vector<1xi32>
    %mul3A_737 = arith.constant 16 : i32
    %mul3A_738 = arith.muli %squeeze3A_736, %mul3A_737 : i32
    %add3A_739 = arith.addi %mul3A_723, %mul3A_738 : i32
    %get3A_740 = arith.index_cast %add3A_739 : i32 to index
    %get3A_741 = tpu.vector_load %arg9[%get3A_740] {strides = array<i32>} : memref<1024xf32, #tpu.memory_space<vmem>>, vector<16xf32>,
    %mul3A_742 = arith.constant 16 : i32
    %mul3A_743 = arith.muli %squeeze3A_736, %mul3A_742 : i32
    %add3A_744 = arith.addi %mul3A_723, %mul3A_743 : i32
    %get3A_745 = arith.index_cast %add3A_744 : i32 to index
    %get3A_746 = tpu.vector_load %arg10[%get3A_745] {strides = array<i32>} : memref<1024xf32, #tpu.memory_space<vmem>>, vector<16xf32>,
    %scan3A_747 = arith.constant 0 : i32
    %scan3A_748 = arith.constant 128 : i32
    %scan3A_749 = arith.addi %scan3A_747, %scan3A_748 : i32
    %scan3A_750 = arith.constant 1 : i32
    %scan3A_751:4 = scf.for %scan3A_909 = %scan3A_747 to %scan3A_749 step %scan3A_750 iter_args(%scan3A_910 = %broadcast_in_dim3A_715, %scan3A_911 = %get3A_741, %scan3A_912 = %get3A_746, %scan3A_913 = %squeeze3A_736) -> (vector<16xf32>, vector<16xf32>, vector<16xf32>, i32)  : i32 {
      %mul3A_914 = arith.constant 16 : i32
      %mul3A_915 = arith.muli %scan3A_909, %mul3A_914 : i32
      %mul3A_916 = arith.constant 2048 : i32
      %mul3A_917 = arith.muli %scan3A_716, %mul3A_916 : i32
      %add3A_918 = arith.addi %mul3A_917, %mul3A_915 : i32
      %get3A_919 = arith.index_cast %add3A_918 : i32 to index
      %get3A_920 = tpu.vector_load %arg6[%get3A_919] {strides = array<i32>} : memref<2048xi32, #tpu.memory_space<vmem>>, vector<16xi32>,
      %slice3A_921 = vector.extract_strided_slice %get3A_920 {offsets = [0], sizes = [1], strides = [1]} : vector<16xi32> to vector<1xi32>
      %squeeze3A_922 = vector.extract %slice3A_921[0] : i32 from vector<1xi32>
      %eq3A_923 = arith.cmpi eq, %squeeze3A_922, %scan3A_913 : i32
      %slice3A_924 = vector.extract_strided_slice %get3A_920 {offsets = [15], sizes = [1], strides = [1]} : vector<16xi32> to vector<1xi32>
      %squeeze3A_925 = vector.extract %slice3A_924[0] : i32 from vector<1xi32>
      %eq3A_926 = arith.cmpi eq, %squeeze3A_925, %scan3A_913 : i32
      %and3A = arith.andi %eq3A_923, %eq3A_926 : i1
      %convert_element_type3A = arith.extui %and3A : i1 to i32
      %cond3A = arith.constant 0 : i32
      %cond3A_927 = arith.cmpi ne, %convert_element_type3A, %cond3A : i32
      %cond3A_928:4 = scf.if %cond3A_927 -> (vector<16xf32>, vector<16xf32>, vector<16xf32>, i32) {
        %add3A_929 = arith.constant 0 : i32
        %add3A_930 = arith.addi %mul3A_915, %add3A_929 : i32
        %mul3A_931 = arith.constant 16 : i32
        %mul3A_932 = arith.muli %add3A_930, %mul3A_931 : i32
        %get3A_933 = arith.index_cast %mul3A_932 : i32 to index
        %get3A_934 = tpu.vector_load %arg5[%get3A_933] {strides = array<i32>} : memref<32768xf32, #tpu.memory_space<vmem>>, vector<16xf32>,
        %sub3A_935 = arith.subf %get3A_934, %scan3A_911 : vector<16xf32>
        %eq3A_936 = arith.constant 0 : i32
        %eq3A_937 = vector.broadcast %eq3A_936 : i32 to vector<16xi32>
        %eq3A_938 = arith.cmpi eq, %iota3A, %eq3A_937 : vector<16xi32>
        %mul3A_939 = arith.mulf %sub3A_935, %sub3A_935 : vector<16xf32>
        %reduce_sum3A_940 = arith.constant true
        %reduce_sum3A_941 = vector.broadcast %reduce_sum3A_940 : i1 to vector<16xi1>
        %reduce_sum3A_942 = tpu.scan <sum>, %mul3A_939 masked %reduce_sum3A_941 : vector<16xf32>, vector<16xi1> -> vector<16xf32>
        %reduce_sum3A_943 = vector.extract %reduce_sum3A_942[15] : f32 from vector<16xf32>
        %broadcast_in_dim3A_944 = vector.broadcast %reduce_sum3A_943 : f32 to vector<16xf32>
        %select_n3A_945 = arith.select %eq3A_938, %broadcast_in_dim3A_944, %broadcast_in_dim3A_1 : vector<16xi1>, vector<16xf32>
        %add3A_946 = arith.constant 1 : i32
        %add3A_947 = arith.addi %mul3A_915, %add3A_946 : i32
        %mul3A_948 = arith.constant 16 : i32
        %mul3A_949 = arith.muli %add3A_947, %mul3A_948 : i32
        %get3A_950 = arith.index_cast %mul3A_949 : i32 to index
        %get3A_951 = tpu.vector_load %arg5[%get3A_950] {strides = array<i32>} : memref<32768xf32, #tpu.memory_space<vmem>>, vector<16xf32>,
        %sub3A_952 = arith.subf %get3A_951, %scan3A_911 : vector<16xf32>
        %eq3A_953 = arith.constant 1 : i32
        %eq3A_954 = vector.broadcast %eq3A_953 : i32 to vector<16xi32>
        %eq3A_955 = arith.cmpi eq, %iota3A, %eq3A_954 : vector<16xi32>
        %mul3A_956 = arith.mulf %sub3A_952, %sub3A_952 : vector<16xf32>
        %reduce_sum3A_957 = arith.constant true
        %reduce_sum3A_958 = vector.broadcast %reduce_sum3A_957 : i1 to vector<16xi1>
        %reduce_sum3A_959 = tpu.scan <sum>, %mul3A_956 masked %reduce_sum3A_958 : vector<16xf32>, vector<16xi1> -> vector<16xf32>
        %reduce_sum3A_960 = vector.extract %reduce_sum3A_959[15] : f32 from vector<16xf32>
        %broadcast_in_dim3A_961 = vector.broadcast %reduce_sum3A_960 : f32 to vector<16xf32>
        %select_n3A_962 = arith.select %eq3A_955, %broadcast_in_dim3A_961, %select_n3A_945 : vector<16xi1>, vector<16xf32>
        %add3A_963 = arith.constant 2 : i32
        %add3A_964 = arith.addi %mul3A_915, %add3A_963 : i32
        %mul3A_965 = arith.constant 16 : i32
        %mul3A_966 = arith.muli %add3A_964, %mul3A_965 : i32
        %get3A_967 = arith.index_cast %mul3A_966 : i32 to index
        %get3A_968 = tpu.vector_load %arg5[%get3A_967] {strides = array<i32>} : memref<32768xf32, #tpu.memory_space<vmem>>, vector<16xf32>,
        %sub3A_969 = arith.subf %get3A_968, %scan3A_911 : vector<16xf32>
        %eq3A_970 = arith.constant 2 : i32
        %eq3A_971 = vector.broadcast %eq3A_970 : i32 to vector<16xi32>
        %eq3A_972 = arith.cmpi eq, %iota3A, %eq3A_971 : vector<16xi32>
        %mul3A_973 = arith.mulf %sub3A_969, %sub3A_969 : vector<16xf32>
        %reduce_sum3A_974 = arith.constant true
        %reduce_sum3A_975 = vector.broadcast %reduce_sum3A_974 : i1 to vector<16xi1>
        %reduce_sum3A_976 = tpu.scan <sum>, %mul3A_973 masked %reduce_sum3A_975 : vector<16xf32>, vector<16xi1> -> vector<16xf32>
        %reduce_sum3A_977 = vector.extract %reduce_sum3A_976[15] : f32 from vector<16xf32>
        %broadcast_in_dim3A_978 = vector.broadcast %reduce_sum3A_977 : f32 to vector<16xf32>
        %select_n3A_979 = arith.select %eq3A_972, %broadcast_in_dim3A_978, %select_n3A_962 : vector<16xi1>, vector<16xf32>
        %add3A_980 = arith.constant 3 : i32
        %add3A_981 = arith.addi %mul3A_915, %add3A_980 : i32
        %mul3A_982 = arith.constant 16 : i32
        %mul3A_983 = arith.muli %add3A_981, %mul3A_982 : i32
        %get3A_984 = arith.index_cast %mul3A_983 : i32 to index
        %get3A_985 = tpu.vector_load %arg5[%get3A_984] {strides = array<i32>} : memref<32768xf32, #tpu.memory_space<vmem>>, vector<16xf32>,
        %sub3A_986 = arith.subf %get3A_985, %scan3A_911 : vector<16xf32>
        %eq3A_987 = arith.constant 3 : i32
        %eq3A_988 = vector.broadcast %eq3A_987 : i32 to vector<16xi32>
        %eq3A_989 = arith.cmpi eq, %iota3A, %eq3A_988 : vector<16xi32>
        %mul3A_990 = arith.mulf %sub3A_986, %sub3A_986 : vector<16xf32>
        %reduce_sum3A_991 = arith.constant true
        %reduce_sum3A_992 = vector.broadcast %reduce_sum3A_991 : i1 to vector<16xi1>
        %reduce_sum3A_993 = tpu.scan <sum>, %mul3A_990 masked %reduce_sum3A_992 : vector<16xf32>, vector<16xi1> -> vector<16xf32>
        %reduce_sum3A_994 = vector.extract %reduce_sum3A_993[15] : f32 from vector<16xf32>
        %broadcast_in_dim3A_995 = vector.broadcast %reduce_sum3A_994 : f32 to vector<16xf32>
        %select_n3A_996 = arith.select %eq3A_989, %broadcast_in_dim3A_995, %select_n3A_979 : vector<16xi1>, vector<16xf32>
        %add3A_997 = arith.constant 4 : i32
        %add3A_998 = arith.addi %mul3A_915, %add3A_997 : i32
        %mul3A_999 = arith.constant 16 : i32
        %mul3A_1000 = arith.muli %add3A_998, %mul3A_999 : i32
        %get3A_1001 = arith.index_cast %mul3A_1000 : i32 to index
        %get3A_1002 = tpu.vector_load %arg5[%get3A_1001] {strides = array<i32>} : memref<32768xf32, #tpu.memory_space<vmem>>, vector<16xf32>,
        %sub3A_1003 = arith.subf %get3A_1002, %scan3A_911 : vector<16xf32>
        %eq3A_1004 = arith.constant 4 : i32
        %eq3A_1005 = vector.broadcast %eq3A_1004 : i32 to vector<16xi32>
        %eq3A_1006 = arith.cmpi eq, %iota3A, %eq3A_1005 : vector<16xi32>
        %mul3A_1007 = arith.mulf %sub3A_1003, %sub3A_1003 : vector<16xf32>
        %reduce_sum3A_1008 = arith.constant true
        %reduce_sum3A_1009 = vector.broadcast %reduce_sum3A_1008 : i1 to vector<16xi1>
        %reduce_sum3A_1010 = tpu.scan <sum>, %mul3A_1007 masked %reduce_sum3A_1009 : vector<16xf32>, vector<16xi1> -> vector<16xf32>
        %reduce_sum3A_1011 = vector.extract %reduce_sum3A_1010[15] : f32 from vector<16xf32>
        %broadcast_in_dim3A_1012 = vector.broadcast %reduce_sum3A_1011 : f32 to vector<16xf32>
        %select_n3A_1013 = arith.select %eq3A_1006, %broadcast_in_dim3A_1012, %select_n3A_996 : vector<16xi1>, vector<16xf32>
        %add3A_1014 = arith.constant 5 : i32
        %add3A_1015 = arith.addi %mul3A_915, %add3A_1014 : i32
        %mul3A_1016 = arith.constant 16 : i32
        %mul3A_1017 = arith.muli %add3A_1015, %mul3A_1016 : i32
        %get3A_1018 = arith.index_cast %mul3A_1017 : i32 to index
        %get3A_1019 = tpu.vector_load %arg5[%get3A_1018] {strides = array<i32>} : memref<32768xf32, #tpu.memory_space<vmem>>, vector<16xf32>,
        %sub3A_1020 = arith.subf %get3A_1019, %scan3A_911 : vector<16xf32>
        %eq3A_1021 = arith.constant 5 : i32
        %eq3A_1022 = vector.broadcast %eq3A_1021 : i32 to vector<16xi32>
        %eq3A_1023 = arith.cmpi eq, %iota3A, %eq3A_1022 : vector<16xi32>
        %mul3A_1024 = arith.mulf %sub3A_1020, %sub3A_1020 : vector<16xf32>
        %reduce_sum3A_1025 = arith.constant true
        %reduce_sum3A_1026 = vector.broadcast %reduce_sum3A_1025 : i1 to vector<16xi1>
        %reduce_sum3A_1027 = tpu.scan <sum>, %mul3A_1024 masked %reduce_sum3A_1026 : vector<16xf32>, vector<16xi1> -> vector<16xf32>
        %reduce_sum3A_1028 = vector.extract %reduce_sum3A_1027[15] : f32 from vector<16xf32>
        %broadcast_in_dim3A_1029 = vector.broadcast %reduce_sum3A_1028 : f32 to vector<16xf32>
        %select_n3A_1030 = arith.select %eq3A_1023, %broadcast_in_dim3A_1029, %select_n3A_1013 : vector<16xi1>, vector<16xf32>
        %add3A_1031 = arith.constant 6 : i32
        %add3A_1032 = arith.addi %mul3A_915, %add3A_1031 : i32
        %mul3A_1033 = arith.constant 16 : i32
        %mul3A_1034 = arith.muli %add3A_1032, %mul3A_1033 : i32
        %get3A_1035 = arith.index_cast %mul3A_1034 : i32 to index
        %get3A_1036 = tpu.vector_load %arg5[%get3A_1035] {strides = array<i32>} : memref<32768xf32, #tpu.memory_space<vmem>>, vector<16xf32>,
        %sub3A_1037 = arith.subf %get3A_1036, %scan3A_911 : vector<16xf32>
        %eq3A_1038 = arith.constant 6 : i32
        %eq3A_1039 = vector.broadcast %eq3A_1038 : i32 to vector<16xi32>
        %eq3A_1040 = arith.cmpi eq, %iota3A, %eq3A_1039 : vector<16xi32>
        %mul3A_1041 = arith.mulf %sub3A_1037, %sub3A_1037 : vector<16xf32>
        %reduce_sum3A_1042 = arith.constant true
        %reduce_sum3A_1043 = vector.broadcast %reduce_sum3A_1042 : i1 to vector<16xi1>
        %reduce_sum3A_1044 = tpu.scan <sum>, %mul3A_1041 masked %reduce_sum3A_1043 : vector<16xf32>, vector<16xi1> -> vector<16xf32>
        %reduce_sum3A_1045 = vector.extract %reduce_sum3A_1044[15] : f32 from vector<16xf32>
        %broadcast_in_dim3A_1046 = vector.broadcast %reduce_sum3A_1045 : f32 to vector<16xf32>
        %select_n3A_1047 = arith.select %eq3A_1040, %broadcast_in_dim3A_1046, %select_n3A_1030 : vector<16xi1>, vector<16xf32>
        %add3A_1048 = arith.constant 7 : i32
        %add3A_1049 = arith.addi %mul3A_915, %add3A_1048 : i32
        %mul3A_1050 = arith.constant 16 : i32
        %mul3A_1051 = arith.muli %add3A_1049, %mul3A_1050 : i32
        %get3A_1052 = arith.index_cast %mul3A_1051 : i32 to index
        %get3A_1053 = tpu.vector_load %arg5[%get3A_1052] {strides = array<i32>} : memref<32768xf32, #tpu.memory_space<vmem>>, vector<16xf32>,
        %sub3A_1054 = arith.subf %get3A_1053, %scan3A_911 : vector<16xf32>
        %eq3A_1055 = arith.constant 7 : i32
        %eq3A_1056 = vector.broadcast %eq3A_1055 : i32 to vector<16xi32>
        %eq3A_1057 = arith.cmpi eq, %iota3A, %eq3A_1056 : vector<16xi32>
        %mul3A_1058 = arith.mulf %sub3A_1054, %sub3A_1054 : vector<16xf32>
        %reduce_sum3A_1059 = arith.constant true
        %reduce_sum3A_1060 = vector.broadcast %reduce_sum3A_1059 : i1 to vector<16xi1>
        %reduce_sum3A_1061 = tpu.scan <sum>, %mul3A_1058 masked %reduce_sum3A_1060 : vector<16xf32>, vector<16xi1> -> vector<16xf32>
        %reduce_sum3A_1062 = vector.extract %reduce_sum3A_1061[15] : f32 from vector<16xf32>
        %broadcast_in_dim3A_1063 = vector.broadcast %reduce_sum3A_1062 : f32 to vector<16xf32>
        %select_n3A_1064 = arith.select %eq3A_1057, %broadcast_in_dim3A_1063, %select_n3A_1047 : vector<16xi1>, vector<16xf32>
        %add3A_1065 = arith.constant 8 : i32
        %add3A_1066 = arith.addi %mul3A_915, %add3A_1065 : i32
        %mul3A_1067 = arith.constant 16 : i32
        %mul3A_1068 = arith.muli %add3A_1066, %mul3A_1067 : i32
        %get3A_1069 = arith.index_cast %mul3A_1068 : i32 to index
        %get3A_1070 = tpu.vector_load %arg5[%get3A_1069] {strides = array<i32>} : memref<32768xf32, #tpu.memory_space<vmem>>, vector<16xf32>,
        %sub3A_1071 = arith.subf %get3A_1070, %scan3A_911 : vector<16xf32>
        %eq3A_1072 = arith.constant 8 : i32
        %eq3A_1073 = vector.broadcast %eq3A_1072 : i32 to vector<16xi32>
        %eq3A_1074 = arith.cmpi eq, %iota3A, %eq3A_1073 : vector<16xi32>
        %mul3A_1075 = arith.mulf %sub3A_1071, %sub3A_1071 : vector<16xf32>
        %reduce_sum3A_1076 = arith.constant true
        %reduce_sum3A_1077 = vector.broadcast %reduce_sum3A_1076 : i1 to vector<16xi1>
        %reduce_sum3A_1078 = tpu.scan <sum>, %mul3A_1075 masked %reduce_sum3A_1077 : vector<16xf32>, vector<16xi1> -> vector<16xf32>
        %reduce_sum3A_1079 = vector.extract %reduce_sum3A_1078[15] : f32 from vector<16xf32>
        %broadcast_in_dim3A_1080 = vector.broadcast %reduce_sum3A_1079 : f32 to vector<16xf32>
        %select_n3A_1081 = arith.select %eq3A_1074, %broadcast_in_dim3A_1080, %select_n3A_1064 : vector<16xi1>, vector<16xf32>
        %add3A_1082 = arith.constant 9 : i32
        %add3A_1083 = arith.addi %mul3A_915, %add3A_1082 : i32
        %mul3A_1084 = arith.constant 16 : i32
        %mul3A_1085 = arith.muli %add3A_1083, %mul3A_1084 : i32
        %get3A_1086 = arith.index_cast %mul3A_1085 : i32 to index
        %get3A_1087 = tpu.vector_load %arg5[%get3A_1086] {strides = array<i32>} : memref<32768xf32, #tpu.memory_space<vmem>>, vector<16xf32>,
        %sub3A_1088 = arith.subf %get3A_1087, %scan3A_911 : vector<16xf32>
        %eq3A_1089 = arith.constant 9 : i32
        %eq3A_1090 = vector.broadcast %eq3A_1089 : i32 to vector<16xi32>
        %eq3A_1091 = arith.cmpi eq, %iota3A, %eq3A_1090 : vector<16xi32>
        %mul3A_1092 = arith.mulf %sub3A_1088, %sub3A_1088 : vector<16xf32>
        %reduce_sum3A_1093 = arith.constant true
        %reduce_sum3A_1094 = vector.broadcast %reduce_sum3A_1093 : i1 to vector<16xi1>
        %reduce_sum3A_1095 = tpu.scan <sum>, %mul3A_1092 masked %reduce_sum3A_1094 : vector<16xf32>, vector<16xi1> -> vector<16xf32>
        %reduce_sum3A_1096 = vector.extract %reduce_sum3A_1095[15] : f32 from vector<16xf32>
        %broadcast_in_dim3A_1097 = vector.broadcast %reduce_sum3A_1096 : f32 to vector<16xf32>
        %select_n3A_1098 = arith.select %eq3A_1091, %broadcast_in_dim3A_1097, %select_n3A_1081 : vector<16xi1>, vector<16xf32>
        %add3A_1099 = arith.constant 10 : i32
        %add3A_1100 = arith.addi %mul3A_915, %add3A_1099 : i32
        %mul3A_1101 = arith.constant 16 : i32
        %mul3A_1102 = arith.muli %add3A_1100, %mul3A_1101 : i32
        %get3A_1103 = arith.index_cast %mul3A_1102 : i32 to index
        %get3A_1104 = tpu.vector_load %arg5[%get3A_1103] {strides = array<i32>} : memref<32768xf32, #tpu.memory_space<vmem>>, vector<16xf32>,
        %sub3A_1105 = arith.subf %get3A_1104, %scan3A_911 : vector<16xf32>
        %eq3A_1106 = arith.constant 10 : i32
        %eq3A_1107 = vector.broadcast %eq3A_1106 : i32 to vector<16xi32>
        %eq3A_1108 = arith.cmpi eq, %iota3A, %eq3A_1107 : vector<16xi32>
        %mul3A_1109 = arith.mulf %sub3A_1105, %sub3A_1105 : vector<16xf32>
        %reduce_sum3A_1110 = arith.constant true
        %reduce_sum3A_1111 = vector.broadcast %reduce_sum3A_1110 : i1 to vector<16xi1>
        %reduce_sum3A_1112 = tpu.scan <sum>, %mul3A_1109 masked %reduce_sum3A_1111 : vector<16xf32>, vector<16xi1> -> vector<16xf32>
        %reduce_sum3A_1113 = vector.extract %reduce_sum3A_1112[15] : f32 from vector<16xf32>
        %broadcast_in_dim3A_1114 = vector.broadcast %reduce_sum3A_1113 : f32 to vector<16xf32>
        %select_n3A_1115 = arith.select %eq3A_1108, %broadcast_in_dim3A_1114, %select_n3A_1098 : vector<16xi1>, vector<16xf32>
        %add3A_1116 = arith.constant 11 : i32
        %add3A_1117 = arith.addi %mul3A_915, %add3A_1116 : i32
        %mul3A_1118 = arith.constant 16 : i32
        %mul3A_1119 = arith.muli %add3A_1117, %mul3A_1118 : i32
        %get3A_1120 = arith.index_cast %mul3A_1119 : i32 to index
        %get3A_1121 = tpu.vector_load %arg5[%get3A_1120] {strides = array<i32>} : memref<32768xf32, #tpu.memory_space<vmem>>, vector<16xf32>,
        %sub3A_1122 = arith.subf %get3A_1121, %scan3A_911 : vector<16xf32>
        %eq3A_1123 = arith.constant 11 : i32
        %eq3A_1124 = vector.broadcast %eq3A_1123 : i32 to vector<16xi32>
        %eq3A_1125 = arith.cmpi eq, %iota3A, %eq3A_1124 : vector<16xi32>
        %mul3A_1126 = arith.mulf %sub3A_1122, %sub3A_1122 : vector<16xf32>
        %reduce_sum3A_1127 = arith.constant true
        %reduce_sum3A_1128 = vector.broadcast %reduce_sum3A_1127 : i1 to vector<16xi1>
        %reduce_sum3A_1129 = tpu.scan <sum>, %mul3A_1126 masked %reduce_sum3A_1128 : vector<16xf32>, vector<16xi1> -> vector<16xf32>
        %reduce_sum3A_1130 = vector.extract %reduce_sum3A_1129[15] : f32 from vector<16xf32>
        %broadcast_in_dim3A_1131 = vector.broadcast %reduce_sum3A_1130 : f32 to vector<16xf32>
        %select_n3A_1132 = arith.select %eq3A_1125, %broadcast_in_dim3A_1131, %select_n3A_1115 : vector<16xi1>, vector<16xf32>
        %add3A_1133 = arith.constant 12 : i32
        %add3A_1134 = arith.addi %mul3A_915, %add3A_1133 : i32
        %mul3A_1135 = arith.constant 16 : i32
        %mul3A_1136 = arith.muli %add3A_1134, %mul3A_1135 : i32
        %get3A_1137 = arith.index_cast %mul3A_1136 : i32 to index
        %get3A_1138 = tpu.vector_load %arg5[%get3A_1137] {strides = array<i32>} : memref<32768xf32, #tpu.memory_space<vmem>>, vector<16xf32>,
        %sub3A_1139 = arith.subf %get3A_1138, %scan3A_911 : vector<16xf32>
        %eq3A_1140 = arith.constant 12 : i32
        %eq3A_1141 = vector.broadcast %eq3A_1140 : i32 to vector<16xi32>
        %eq3A_1142 = arith.cmpi eq, %iota3A, %eq3A_1141 : vector<16xi32>
        %mul3A_1143 = arith.mulf %sub3A_1139, %sub3A_1139 : vector<16xf32>
        %reduce_sum3A_1144 = arith.constant true
        %reduce_sum3A_1145 = vector.broadcast %reduce_sum3A_1144 : i1 to vector<16xi1>
        %reduce_sum3A_1146 = tpu.scan <sum>, %mul3A_1143 masked %reduce_sum3A_1145 : vector<16xf32>, vector<16xi1> -> vector<16xf32>
        %reduce_sum3A_1147 = vector.extract %reduce_sum3A_1146[15] : f32 from vector<16xf32>
        %broadcast_in_dim3A_1148 = vector.broadcast %reduce_sum3A_1147 : f32 to vector<16xf32>
        %select_n3A_1149 = arith.select %eq3A_1142, %broadcast_in_dim3A_1148, %select_n3A_1132 : vector<16xi1>, vector<16xf32>
        %add3A_1150 = arith.constant 13 : i32
        %add3A_1151 = arith.addi %mul3A_915, %add3A_1150 : i32
        %mul3A_1152 = arith.constant 16 : i32
        %mul3A_1153 = arith.muli %add3A_1151, %mul3A_1152 : i32
        %get3A_1154 = arith.index_cast %mul3A_1153 : i32 to index
        %get3A_1155 = tpu.vector_load %arg5[%get3A_1154] {strides = array<i32>} : memref<32768xf32, #tpu.memory_space<vmem>>, vector<16xf32>,
        %sub3A_1156 = arith.subf %get3A_1155, %scan3A_911 : vector<16xf32>
        %eq3A_1157 = arith.constant 13 : i32
        %eq3A_1158 = vector.broadcast %eq3A_1157 : i32 to vector<16xi32>
        %eq3A_1159 = arith.cmpi eq, %iota3A, %eq3A_1158 : vector<16xi32>
        %mul3A_1160 = arith.mulf %sub3A_1156, %sub3A_1156 : vector<16xf32>
        %reduce_sum3A_1161 = arith.constant true
        %reduce_sum3A_1162 = vector.broadcast %reduce_sum3A_1161 : i1 to vector<16xi1>
        %reduce_sum3A_1163 = tpu.scan <sum>, %mul3A_1160 masked %reduce_sum3A_1162 : vector<16xf32>, vector<16xi1> -> vector<16xf32>
        %reduce_sum3A_1164 = vector.extract %reduce_sum3A_1163[15] : f32 from vector<16xf32>
        %broadcast_in_dim3A_1165 = vector.broadcast %reduce_sum3A_1164 : f32 to vector<16xf32>
        %select_n3A_1166 = arith.select %eq3A_1159, %broadcast_in_dim3A_1165, %select_n3A_1149 : vector<16xi1>, vector<16xf32>
        %add3A_1167 = arith.constant 14 : i32
        %add3A_1168 = arith.addi %mul3A_915, %add3A_1167 : i32
        %mul3A_1169 = arith.constant 16 : i32
        %mul3A_1170 = arith.muli %add3A_1168, %mul3A_1169 : i32
        %get3A_1171 = arith.index_cast %mul3A_1170 : i32 to index
        %get3A_1172 = tpu.vector_load %arg5[%get3A_1171] {strides = array<i32>} : memref<32768xf32, #tpu.memory_space<vmem>>, vector<16xf32>,
        %sub3A_1173 = arith.subf %get3A_1172, %scan3A_911 : vector<16xf32>
        %eq3A_1174 = arith.constant 14 : i32
        %eq3A_1175 = vector.broadcast %eq3A_1174 : i32 to vector<16xi32>
        %eq3A_1176 = arith.cmpi eq, %iota3A, %eq3A_1175 : vector<16xi32>
        %mul3A_1177 = arith.mulf %sub3A_1173, %sub3A_1173 : vector<16xf32>
        %reduce_sum3A_1178 = arith.constant true
        %reduce_sum3A_1179 = vector.broadcast %reduce_sum3A_1178 : i1 to vector<16xi1>
        %reduce_sum3A_1180 = tpu.scan <sum>, %mul3A_1177 masked %reduce_sum3A_1179 : vector<16xf32>, vector<16xi1> -> vector<16xf32>
        %reduce_sum3A_1181 = vector.extract %reduce_sum3A_1180[15] : f32 from vector<16xf32>
        %broadcast_in_dim3A_1182 = vector.broadcast %reduce_sum3A_1181 : f32 to vector<16xf32>
        %select_n3A_1183 = arith.select %eq3A_1176, %broadcast_in_dim3A_1182, %select_n3A_1166 : vector<16xi1>, vector<16xf32>
        %add3A_1184 = arith.constant 15 : i32
        %add3A_1185 = arith.addi %mul3A_915, %add3A_1184 : i32
        %mul3A_1186 = arith.constant 16 : i32
        %mul3A_1187 = arith.muli %add3A_1185, %mul3A_1186 : i32
        %get3A_1188 = arith.index_cast %mul3A_1187 : i32 to index
        %get3A_1189 = tpu.vector_load %arg5[%get3A_1188] {strides = array<i32>} : memref<32768xf32, #tpu.memory_space<vmem>>, vector<16xf32>,
        %sub3A_1190 = arith.subf %get3A_1189, %scan3A_911 : vector<16xf32>
        %eq3A_1191 = arith.constant 15 : i32
        %eq3A_1192 = vector.broadcast %eq3A_1191 : i32 to vector<16xi32>
        %eq3A_1193 = arith.cmpi eq, %iota3A, %eq3A_1192 : vector<16xi32>
        %mul3A_1194 = arith.mulf %sub3A_1190, %sub3A_1190 : vector<16xf32>
        %reduce_sum3A_1195 = arith.constant true
        %reduce_sum3A_1196 = vector.broadcast %reduce_sum3A_1195 : i1 to vector<16xi1>
        %reduce_sum3A_1197 = tpu.scan <sum>, %mul3A_1194 masked %reduce_sum3A_1196 : vector<16xf32>, vector<16xi1> -> vector<16xf32>
        %reduce_sum3A_1198 = vector.extract %reduce_sum3A_1197[15] : f32 from vector<16xf32>
        %broadcast_in_dim3A_1199 = vector.broadcast %reduce_sum3A_1198 : f32 to vector<16xf32>
        %select_n3A_1200 = arith.select %eq3A_1193, %broadcast_in_dim3A_1199, %select_n3A_1183 : vector<16xi1>, vector<16xf32>
        %add3A_1201 = arith.constant 9.99999996E-13 : f32
        %add3A_1202 = vector.broadcast %add3A_1201 : f32 to vector<16xf32>
        %add3A_1203 = arith.addf %select_n3A_1200, %add3A_1202 : vector<16xf32>
        %max3A_1204 = arith.constant 1.000000e-30 : f32
        %max3A_1205 = vector.broadcast %max3A_1204 : f32 to vector<16xf32>
        %max3A_1206 = arith.maximumf %add3A_1203, %max3A_1205 : vector<16xf32>
        %bitcast3A_1207 = vector.bitcast %max3A_1206 : vector<16xf32> to vector<16xi32>
        %shift_right_arithmetic3A_1208 = arith.constant 1 : i32
        %shift_right_arithmetic3A_1209 = vector.broadcast %shift_right_arithmetic3A_1208 : i32 to vector<16xi32>
        %shift_right_arithmetic3A_1210 = arith.shrsi %bitcast3A_1207, %shift_right_arithmetic3A_1209 : vector<16xi32>
        %sub3A_1211 = arith.constant 1597463007 : i32
        %sub3A_1212 = vector.broadcast %sub3A_1211 : i32 to vector<16xi32>
        %sub3A_1213 = arith.subi %sub3A_1212, %shift_right_arithmetic3A_1210 : vector<16xi32>
        %bitcast3A_1214 = vector.bitcast %sub3A_1213 : vector<16xi32> to vector<16xf32>
        %mul3A_1215 = arith.constant 5.000000e-01 : f32
        %mul3A_1216 = vector.broadcast %mul3A_1215 : f32 to vector<16xf32>
        %mul3A_1217 = arith.mulf %mul3A_1216, %max3A_1206 : vector<16xf32>
        %mul3A_1218 = arith.mulf %mul3A_1217, %bitcast3A_1214 : vector<16xf32>
        %mul3A_1219 = arith.mulf %mul3A_1218, %bitcast3A_1214 : vector<16xf32>
        %sub3A_1220 = arith.constant 1.500000e+00 : f32
        %sub3A_1221 = vector.broadcast %sub3A_1220 : f32 to vector<16xf32>
        %sub3A_1222 = arith.subf %sub3A_1221, %mul3A_1219 : vector<16xf32>
        %mul3A_1223 = arith.mulf %bitcast3A_1214, %sub3A_1222 : vector<16xf32>
        %mul3A_1224 = arith.constant 5.000000e-01 : f32
        %mul3A_1225 = vector.broadcast %mul3A_1224 : f32 to vector<16xf32>
        %mul3A_1226 = arith.mulf %mul3A_1225, %max3A_1206 : vector<16xf32>
        %mul3A_1227 = arith.mulf %mul3A_1226, %mul3A_1223 : vector<16xf32>
        %mul3A_1228 = arith.mulf %mul3A_1227, %mul3A_1223 : vector<16xf32>
        %sub3A_1229 = arith.constant 1.500000e+00 : f32
        %sub3A_1230 = vector.broadcast %sub3A_1229 : f32 to vector<16xf32>
        %sub3A_1231 = arith.subf %sub3A_1230, %mul3A_1228 : vector<16xf32>
        %mul3A_1232 = arith.mulf %mul3A_1223, %sub3A_1231 : vector<16xf32>
        %mul3A_1233 = arith.constant 5.000000e-01 : f32
        %mul3A_1234 = vector.broadcast %mul3A_1233 : f32 to vector<16xf32>
        %mul3A_1235 = arith.mulf %mul3A_1234, %max3A_1206 : vector<16xf32>
        %mul3A_1236 = arith.mulf %mul3A_1235, %mul3A_1232 : vector<16xf32>
        %mul3A_1237 = arith.mulf %mul3A_1236, %mul3A_1232 : vector<16xf32>
        %sub3A_1238 = arith.constant 1.500000e+00 : f32
        %sub3A_1239 = vector.broadcast %sub3A_1238 : f32 to vector<16xf32>
        %sub3A_1240 = arith.subf %sub3A_1239, %mul3A_1237 : vector<16xf32>
        %mul3A_1241 = arith.mulf %mul3A_1232, %sub3A_1240 : vector<16xf32>
        %mul3A_1242 = arith.mulf %add3A_1203, %mul3A_1241 : vector<16xf32>
        %sub3A_1243 = arith.constant 5.000000e-01 : f32
        %sub3A_1244 = vector.broadcast %sub3A_1243 : f32 to vector<16xf32>
        %sub3A_1245 = arith.subf %mul3A_1242, %sub3A_1244 : vector<16xf32>
        %max3A_1246 = arith.constant 0.000000e+00 : f32
        %max3A_1247 = vector.broadcast %max3A_1246 : f32 to vector<16xf32>
        %max3A_1248 = arith.maximumf %sub3A_1245, %max3A_1247 : vector<16xf32>
        %mul3A_1249 = arith.mulf %max3A_1248, %max3A_1248 : vector<16xf32>
        %mul3A_1250 = arith.mulf %mul3A_1249, %scan3A_912 : vector<16xf32>
        %add3A_1251 = arith.addf %scan3A_910, %mul3A_1250 : vector<16xf32>
        scf.yield %add3A_1251, %scan3A_911, %scan3A_912, %scan3A_913 : vector<16xf32>, vector<16xf32>, vector<16xf32>, i32
      } else {
        %slice3A_929 = vector.extract_strided_slice %get3A_920 {offsets = [0], sizes = [1], strides = [1]} : vector<16xi32> to vector<1xi32>
        %squeeze3A_930 = vector.extract %slice3A_929[0] : i32 from vector<1xi32>
        %add3A_931 = arith.constant 0 : i32
        %add3A_932 = arith.addi %mul3A_915, %add3A_931 : i32
        %mul3A_933 = arith.constant 16 : i32
        %mul3A_934 = arith.muli %add3A_932, %mul3A_933 : i32
        %get3A_935 = arith.index_cast %mul3A_934 : i32 to index
        %get3A_936 = tpu.vector_load %arg5[%get3A_935] {strides = array<i32>} : memref<32768xf32, #tpu.memory_space<vmem>>, vector<16xf32>,
        %mul3A_937 = arith.constant 16 : i32
        %mul3A_938 = arith.muli %squeeze3A_930, %mul3A_937 : i32
        %add3A_939 = arith.addi %mul3A_723, %mul3A_938 : i32
        %get3A_940 = arith.index_cast %add3A_939 : i32 to index
        %get3A_941 = tpu.vector_load %arg9[%get3A_940] {strides = array<i32>} : memref<1024xf32, #tpu.memory_space<vmem>>, vector<16xf32>,
        %sub3A_942 = arith.subf %get3A_936, %get3A_941 : vector<16xf32>
        %eq3A_943 = arith.constant 0 : i32
        %eq3A_944 = vector.broadcast %eq3A_943 : i32 to vector<16xi32>
        %eq3A_945 = arith.cmpi eq, %iota3A, %eq3A_944 : vector<16xi32>
        %mul3A_946 = arith.mulf %sub3A_942, %sub3A_942 : vector<16xf32>
        %reduce_sum3A_947 = arith.constant true
        %reduce_sum3A_948 = vector.broadcast %reduce_sum3A_947 : i1 to vector<16xi1>
        %reduce_sum3A_949 = tpu.scan <sum>, %mul3A_946 masked %reduce_sum3A_948 : vector<16xf32>, vector<16xi1> -> vector<16xf32>
        %reduce_sum3A_950 = vector.extract %reduce_sum3A_949[15] : f32 from vector<16xf32>
        %broadcast_in_dim3A_951 = vector.broadcast %reduce_sum3A_950 : f32 to vector<16xf32>
        %select_n3A_952 = arith.select %eq3A_945, %broadcast_in_dim3A_951, %broadcast_in_dim3A_1 : vector<16xi1>, vector<16xf32>
        %eq3A_953 = arith.constant 0 : i32
        %eq3A_954 = vector.broadcast %eq3A_953 : i32 to vector<16xi32>
        %eq3A_955 = arith.cmpi eq, %iota3A, %eq3A_954 : vector<16xi32>
        %mul3A_956 = arith.constant 16 : i32
        %mul3A_957 = arith.muli %squeeze3A_930, %mul3A_956 : i32
        %add3A_958 = arith.addi %mul3A_723, %mul3A_957 : i32
        %get3A_959 = arith.index_cast %add3A_958 : i32 to index
        %get3A_960 = tpu.vector_load %arg10[%get3A_959] {strides = array<i32>} : memref<1024xf32, #tpu.memory_space<vmem>>, vector<16xf32>,
        %select_n3A_961 = arith.select %eq3A_955, %get3A_960, %broadcast_in_dim3A_1 : vector<16xi1>, vector<16xf32>
        %slice3A_962 = vector.extract_strided_slice %get3A_920 {offsets = [1], sizes = [1], strides = [1]} : vector<16xi32> to vector<1xi32>
        %squeeze3A_963 = vector.extract %slice3A_962[0] : i32 from vector<1xi32>
        %add3A_964 = arith.constant 1 : i32
        %add3A_965 = arith.addi %mul3A_915, %add3A_964 : i32
        %mul3A_966 = arith.constant 16 : i32
        %mul3A_967 = arith.muli %add3A_965, %mul3A_966 : i32
        %get3A_968 = arith.index_cast %mul3A_967 : i32 to index
        %get3A_969 = tpu.vector_load %arg5[%get3A_968] {strides = array<i32>} : memref<32768xf32, #tpu.memory_space<vmem>>, vector<16xf32>,
        %mul3A_970 = arith.constant 16 : i32
        %mul3A_971 = arith.muli %squeeze3A_963, %mul3A_970 : i32
        %add3A_972 = arith.addi %mul3A_723, %mul3A_971 : i32
        %get3A_973 = arith.index_cast %add3A_972 : i32 to index
        %get3A_974 = tpu.vector_load %arg9[%get3A_973] {strides = array<i32>} : memref<1024xf32, #tpu.memory_space<vmem>>, vector<16xf32>,
        %sub3A_975 = arith.subf %get3A_969, %get3A_974 : vector<16xf32>
        %eq3A_976 = arith.constant 1 : i32
        %eq3A_977 = vector.broadcast %eq3A_976 : i32 to vector<16xi32>
        %eq3A_978 = arith.cmpi eq, %iota3A, %eq3A_977 : vector<16xi32>
        %mul3A_979 = arith.mulf %sub3A_975, %sub3A_975 : vector<16xf32>
        %reduce_sum3A_980 = arith.constant true
        %reduce_sum3A_981 = vector.broadcast %reduce_sum3A_980 : i1 to vector<16xi1>
        %reduce_sum3A_982 = tpu.scan <sum>, %mul3A_979 masked %reduce_sum3A_981 : vector<16xf32>, vector<16xi1> -> vector<16xf32>
        %reduce_sum3A_983 = vector.extract %reduce_sum3A_982[15] : f32 from vector<16xf32>
        %broadcast_in_dim3A_984 = vector.broadcast %reduce_sum3A_983 : f32 to vector<16xf32>
        %select_n3A_985 = arith.select %eq3A_978, %broadcast_in_dim3A_984, %select_n3A_952 : vector<16xi1>, vector<16xf32>
        %eq3A_986 = arith.constant 1 : i32
        %eq3A_987 = vector.broadcast %eq3A_986 : i32 to vector<16xi32>
        %eq3A_988 = arith.cmpi eq, %iota3A, %eq3A_987 : vector<16xi32>
        %mul3A_989 = arith.constant 16 : i32
        %mul3A_990 = arith.muli %squeeze3A_963, %mul3A_989 : i32
        %add3A_991 = arith.addi %mul3A_723, %mul3A_990 : i32
        %get3A_992 = arith.index_cast %add3A_991 : i32 to index
        %get3A_993 = tpu.vector_load %arg10[%get3A_992] {strides = array<i32>} : memref<1024xf32, #tpu.memory_space<vmem>>, vector<16xf32>,
        %select_n3A_994 = arith.select %eq3A_988, %get3A_993, %select_n3A_961 : vector<16xi1>, vector<16xf32>
        %slice3A_995 = vector.extract_strided_slice %get3A_920 {offsets = [2], sizes = [1], strides = [1]} : vector<16xi32> to vector<1xi32>
        %squeeze3A_996 = vector.extract %slice3A_995[0] : i32 from vector<1xi32>
        %add3A_997 = arith.constant 2 : i32
        %add3A_998 = arith.addi %mul3A_915, %add3A_997 : i32
        %mul3A_999 = arith.constant 16 : i32
        %mul3A_1000 = arith.muli %add3A_998, %mul3A_999 : i32
        %get3A_1001 = arith.index_cast %mul3A_1000 : i32 to index
        %get3A_1002 = tpu.vector_load %arg5[%get3A_1001] {strides = array<i32>} : memref<32768xf32, #tpu.memory_space<vmem>>, vector<16xf32>,
        %mul3A_1003 = arith.constant 16 : i32
        %mul3A_1004 = arith.muli %squeeze3A_996, %mul3A_1003 : i32
        %add3A_1005 = arith.addi %mul3A_723, %mul3A_1004 : i32
        %get3A_1006 = arith.index_cast %add3A_1005 : i32 to index
        %get3A_1007 = tpu.vector_load %arg9[%get3A_1006] {strides = array<i32>} : memref<1024xf32, #tpu.memory_space<vmem>>, vector<16xf32>,
        %sub3A_1008 = arith.subf %get3A_1002, %get3A_1007 : vector<16xf32>
        %eq3A_1009 = arith.constant 2 : i32
        %eq3A_1010 = vector.broadcast %eq3A_1009 : i32 to vector<16xi32>
        %eq3A_1011 = arith.cmpi eq, %iota3A, %eq3A_1010 : vector<16xi32>
        %mul3A_1012 = arith.mulf %sub3A_1008, %sub3A_1008 : vector<16xf32>
        %reduce_sum3A_1013 = arith.constant true
        %reduce_sum3A_1014 = vector.broadcast %reduce_sum3A_1013 : i1 to vector<16xi1>
        %reduce_sum3A_1015 = tpu.scan <sum>, %mul3A_1012 masked %reduce_sum3A_1014 : vector<16xf32>, vector<16xi1> -> vector<16xf32>
        %reduce_sum3A_1016 = vector.extract %reduce_sum3A_1015[15] : f32 from vector<16xf32>
        %broadcast_in_dim3A_1017 = vector.broadcast %reduce_sum3A_1016 : f32 to vector<16xf32>
        %select_n3A_1018 = arith.select %eq3A_1011, %broadcast_in_dim3A_1017, %select_n3A_985 : vector<16xi1>, vector<16xf32>
        %eq3A_1019 = arith.constant 2 : i32
        %eq3A_1020 = vector.broadcast %eq3A_1019 : i32 to vector<16xi32>
        %eq3A_1021 = arith.cmpi eq, %iota3A, %eq3A_1020 : vector<16xi32>
        %mul3A_1022 = arith.constant 16 : i32
        %mul3A_1023 = arith.muli %squeeze3A_996, %mul3A_1022 : i32
        %add3A_1024 = arith.addi %mul3A_723, %mul3A_1023 : i32
        %get3A_1025 = arith.index_cast %add3A_1024 : i32 to index
        %get3A_1026 = tpu.vector_load %arg10[%get3A_1025] {strides = array<i32>} : memref<1024xf32, #tpu.memory_space<vmem>>, vector<16xf32>,
        %select_n3A_1027 = arith.select %eq3A_1021, %get3A_1026, %select_n3A_994 : vector<16xi1>, vector<16xf32>
        %slice3A_1028 = vector.extract_strided_slice %get3A_920 {offsets = [3], sizes = [1], strides = [1]} : vector<16xi32> to vector<1xi32>
        %squeeze3A_1029 = vector.extract %slice3A_1028[0] : i32 from vector<1xi32>
        %add3A_1030 = arith.constant 3 : i32
        %add3A_1031 = arith.addi %mul3A_915, %add3A_1030 : i32
        %mul3A_1032 = arith.constant 16 : i32
        %mul3A_1033 = arith.muli %add3A_1031, %mul3A_1032 : i32
        %get3A_1034 = arith.index_cast %mul3A_1033 : i32 to index
        %get3A_1035 = tpu.vector_load %arg5[%get3A_1034] {strides = array<i32>} : memref<32768xf32, #tpu.memory_space<vmem>>, vector<16xf32>,
        %mul3A_1036 = arith.constant 16 : i32
        %mul3A_1037 = arith.muli %squeeze3A_1029, %mul3A_1036 : i32
        %add3A_1038 = arith.addi %mul3A_723, %mul3A_1037 : i32
        %get3A_1039 = arith.index_cast %add3A_1038 : i32 to index
        %get3A_1040 = tpu.vector_load %arg9[%get3A_1039] {strides = array<i32>} : memref<1024xf32, #tpu.memory_space<vmem>>, vector<16xf32>,
        %sub3A_1041 = arith.subf %get3A_1035, %get3A_1040 : vector<16xf32>
        %eq3A_1042 = arith.constant 3 : i32
        %eq3A_1043 = vector.broadcast %eq3A_1042 : i32 to vector<16xi32>
        %eq3A_1044 = arith.cmpi eq, %iota3A, %eq3A_1043 : vector<16xi32>
        %mul3A_1045 = arith.mulf %sub3A_1041, %sub3A_1041 : vector<16xf32>
        %reduce_sum3A_1046 = arith.constant true
        %reduce_sum3A_1047 = vector.broadcast %reduce_sum3A_1046 : i1 to vector<16xi1>
        %reduce_sum3A_1048 = tpu.scan <sum>, %mul3A_1045 masked %reduce_sum3A_1047 : vector<16xf32>, vector<16xi1> -> vector<16xf32>
        %reduce_sum3A_1049 = vector.extract %reduce_sum3A_1048[15] : f32 from vector<16xf32>
        %broadcast_in_dim3A_1050 = vector.broadcast %reduce_sum3A_1049 : f32 to vector<16xf32>
        %select_n3A_1051 = arith.select %eq3A_1044, %broadcast_in_dim3A_1050, %select_n3A_1018 : vector<16xi1>, vector<16xf32>
        %eq3A_1052 = arith.constant 3 : i32
        %eq3A_1053 = vector.broadcast %eq3A_1052 : i32 to vector<16xi32>
        %eq3A_1054 = arith.cmpi eq, %iota3A, %eq3A_1053 : vector<16xi32>
        %mul3A_1055 = arith.constant 16 : i32
        %mul3A_1056 = arith.muli %squeeze3A_1029, %mul3A_1055 : i32
        %add3A_1057 = arith.addi %mul3A_723, %mul3A_1056 : i32
        %get3A_1058 = arith.index_cast %add3A_1057 : i32 to index
        %get3A_1059 = tpu.vector_load %arg10[%get3A_1058] {strides = array<i32>} : memref<1024xf32, #tpu.memory_space<vmem>>, vector<16xf32>,
        %select_n3A_1060 = arith.select %eq3A_1054, %get3A_1059, %select_n3A_1027 : vector<16xi1>, vector<16xf32>
        %slice3A_1061 = vector.extract_strided_slice %get3A_920 {offsets = [4], sizes = [1], strides = [1]} : vector<16xi32> to vector<1xi32>
        %squeeze3A_1062 = vector.extract %slice3A_1061[0] : i32 from vector<1xi32>
        %add3A_1063 = arith.constant 4 : i32
        %add3A_1064 = arith.addi %mul3A_915, %add3A_1063 : i32
        %mul3A_1065 = arith.constant 16 : i32
        %mul3A_1066 = arith.muli %add3A_1064, %mul3A_1065 : i32
        %get3A_1067 = arith.index_cast %mul3A_1066 : i32 to index
        %get3A_1068 = tpu.vector_load %arg5[%get3A_1067] {strides = array<i32>} : memref<32768xf32, #tpu.memory_space<vmem>>, vector<16xf32>,
        %mul3A_1069 = arith.constant 16 : i32
        %mul3A_1070 = arith.muli %squeeze3A_1062, %mul3A_1069 : i32
        %add3A_1071 = arith.addi %mul3A_723, %mul3A_1070 : i32
        %get3A_1072 = arith.index_cast %add3A_1071 : i32 to index
        %get3A_1073 = tpu.vector_load %arg9[%get3A_1072] {strides = array<i32>} : memref<1024xf32, #tpu.memory_space<vmem>>, vector<16xf32>,
        %sub3A_1074 = arith.subf %get3A_1068, %get3A_1073 : vector<16xf32>
        %eq3A_1075 = arith.constant 4 : i32
        %eq3A_1076 = vector.broadcast %eq3A_1075 : i32 to vector<16xi32>
        %eq3A_1077 = arith.cmpi eq, %iota3A, %eq3A_1076 : vector<16xi32>
        %mul3A_1078 = arith.mulf %sub3A_1074, %sub3A_1074 : vector<16xf32>
        %reduce_sum3A_1079 = arith.constant true
        %reduce_sum3A_1080 = vector.broadcast %reduce_sum3A_1079 : i1 to vector<16xi1>
        %reduce_sum3A_1081 = tpu.scan <sum>, %mul3A_1078 masked %reduce_sum3A_1080 : vector<16xf32>, vector<16xi1> -> vector<16xf32>
        %reduce_sum3A_1082 = vector.extract %reduce_sum3A_1081[15] : f32 from vector<16xf32>
        %broadcast_in_dim3A_1083 = vector.broadcast %reduce_sum3A_1082 : f32 to vector<16xf32>
        %select_n3A_1084 = arith.select %eq3A_1077, %broadcast_in_dim3A_1083, %select_n3A_1051 : vector<16xi1>, vector<16xf32>
        %eq3A_1085 = arith.constant 4 : i32
        %eq3A_1086 = vector.broadcast %eq3A_1085 : i32 to vector<16xi32>
        %eq3A_1087 = arith.cmpi eq, %iota3A, %eq3A_1086 : vector<16xi32>
        %mul3A_1088 = arith.constant 16 : i32
        %mul3A_1089 = arith.muli %squeeze3A_1062, %mul3A_1088 : i32
        %add3A_1090 = arith.addi %mul3A_723, %mul3A_1089 : i32
        %get3A_1091 = arith.index_cast %add3A_1090 : i32 to index
        %get3A_1092 = tpu.vector_load %arg10[%get3A_1091] {strides = array<i32>} : memref<1024xf32, #tpu.memory_space<vmem>>, vector<16xf32>,
        %select_n3A_1093 = arith.select %eq3A_1087, %get3A_1092, %select_n3A_1060 : vector<16xi1>, vector<16xf32>
        %slice3A_1094 = vector.extract_strided_slice %get3A_920 {offsets = [5], sizes = [1], strides = [1]} : vector<16xi32> to vector<1xi32>
        %squeeze3A_1095 = vector.extract %slice3A_1094[0] : i32 from vector<1xi32>
        %add3A_1096 = arith.constant 5 : i32
        %add3A_1097 = arith.addi %mul3A_915, %add3A_1096 : i32
        %mul3A_1098 = arith.constant 16 : i32
        %mul3A_1099 = arith.muli %add3A_1097, %mul3A_1098 : i32
        %get3A_1100 = arith.index_cast %mul3A_1099 : i32 to index
        %get3A_1101 = tpu.vector_load %arg5[%get3A_1100] {strides = array<i32>} : memref<32768xf32, #tpu.memory_space<vmem>>, vector<16xf32>,
        %mul3A_1102 = arith.constant 16 : i32
        %mul3A_1103 = arith.muli %squeeze3A_1095, %mul3A_1102 : i32
        %add3A_1104 = arith.addi %mul3A_723, %mul3A_1103 : i32
        %get3A_1105 = arith.index_cast %add3A_1104 : i32 to index
        %get3A_1106 = tpu.vector_load %arg9[%get3A_1105] {strides = array<i32>} : memref<1024xf32, #tpu.memory_space<vmem>>, vector<16xf32>,
        %sub3A_1107 = arith.subf %get3A_1101, %get3A_1106 : vector<16xf32>
        %eq3A_1108 = arith.constant 5 : i32
        %eq3A_1109 = vector.broadcast %eq3A_1108 : i32 to vector<16xi32>
        %eq3A_1110 = arith.cmpi eq, %iota3A, %eq3A_1109 : vector<16xi32>
        %mul3A_1111 = arith.mulf %sub3A_1107, %sub3A_1107 : vector<16xf32>
        %reduce_sum3A_1112 = arith.constant true
        %reduce_sum3A_1113 = vector.broadcast %reduce_sum3A_1112 : i1 to vector<16xi1>
        %reduce_sum3A_1114 = tpu.scan <sum>, %mul3A_1111 masked %reduce_sum3A_1113 : vector<16xf32>, vector<16xi1> -> vector<16xf32>
        %reduce_sum3A_1115 = vector.extract %reduce_sum3A_1114[15] : f32 from vector<16xf32>
        %broadcast_in_dim3A_1116 = vector.broadcast %reduce_sum3A_1115 : f32 to vector<16xf32>
        %select_n3A_1117 = arith.select %eq3A_1110, %broadcast_in_dim3A_1116, %select_n3A_1084 : vector<16xi1>, vector<16xf32>
        %eq3A_1118 = arith.constant 5 : i32
        %eq3A_1119 = vector.broadcast %eq3A_1118 : i32 to vector<16xi32>
        %eq3A_1120 = arith.cmpi eq, %iota3A, %eq3A_1119 : vector<16xi32>
        %mul3A_1121 = arith.constant 16 : i32
        %mul3A_1122 = arith.muli %squeeze3A_1095, %mul3A_1121 : i32
        %add3A_1123 = arith.addi %mul3A_723, %mul3A_1122 : i32
        %get3A_1124 = arith.index_cast %add3A_1123 : i32 to index
        %get3A_1125 = tpu.vector_load %arg10[%get3A_1124] {strides = array<i32>} : memref<1024xf32, #tpu.memory_space<vmem>>, vector<16xf32>,
        %select_n3A_1126 = arith.select %eq3A_1120, %get3A_1125, %select_n3A_1093 : vector<16xi1>, vector<16xf32>
        %slice3A_1127 = vector.extract_strided_slice %get3A_920 {offsets = [6], sizes = [1], strides = [1]} : vector<16xi32> to vector<1xi32>
        %squeeze3A_1128 = vector.extract %slice3A_1127[0] : i32 from vector<1xi32>
        %add3A_1129 = arith.constant 6 : i32
        %add3A_1130 = arith.addi %mul3A_915, %add3A_1129 : i32
        %mul3A_1131 = arith.constant 16 : i32
        %mul3A_1132 = arith.muli %add3A_1130, %mul3A_1131 : i32
        %get3A_1133 = arith.index_cast %mul3A_1132 : i32 to index
        %get3A_1134 = tpu.vector_load %arg5[%get3A_1133] {strides = array<i32>} : memref<32768xf32, #tpu.memory_space<vmem>>, vector<16xf32>,
        %mul3A_1135 = arith.constant 16 : i32
        %mul3A_1136 = arith.muli %squeeze3A_1128, %mul3A_1135 : i32
        %add3A_1137 = arith.addi %mul3A_723, %mul3A_1136 : i32
        %get3A_1138 = arith.index_cast %add3A_1137 : i32 to index
        %get3A_1139 = tpu.vector_load %arg9[%get3A_1138] {strides = array<i32>} : memref<1024xf32, #tpu.memory_space<vmem>>, vector<16xf32>,
        %sub3A_1140 = arith.subf %get3A_1134, %get3A_1139 : vector<16xf32>
        %eq3A_1141 = arith.constant 6 : i32
        %eq3A_1142 = vector.broadcast %eq3A_1141 : i32 to vector<16xi32>
        %eq3A_1143 = arith.cmpi eq, %iota3A, %eq3A_1142 : vector<16xi32>
        %mul3A_1144 = arith.mulf %sub3A_1140, %sub3A_1140 : vector<16xf32>
        %reduce_sum3A_1145 = arith.constant true
        %reduce_sum3A_1146 = vector.broadcast %reduce_sum3A_1145 : i1 to vector<16xi1>
        %reduce_sum3A_1147 = tpu.scan <sum>, %mul3A_1144 masked %reduce_sum3A_1146 : vector<16xf32>, vector<16xi1> -> vector<16xf32>
        %reduce_sum3A_1148 = vector.extract %reduce_sum3A_1147[15] : f32 from vector<16xf32>
        %broadcast_in_dim3A_1149 = vector.broadcast %reduce_sum3A_1148 : f32 to vector<16xf32>
        %select_n3A_1150 = arith.select %eq3A_1143, %broadcast_in_dim3A_1149, %select_n3A_1117 : vector<16xi1>, vector<16xf32>
        %eq3A_1151 = arith.constant 6 : i32
        %eq3A_1152 = vector.broadcast %eq3A_1151 : i32 to vector<16xi32>
        %eq3A_1153 = arith.cmpi eq, %iota3A, %eq3A_1152 : vector<16xi32>
        %mul3A_1154 = arith.constant 16 : i32
        %mul3A_1155 = arith.muli %squeeze3A_1128, %mul3A_1154 : i32
        %add3A_1156 = arith.addi %mul3A_723, %mul3A_1155 : i32
        %get3A_1157 = arith.index_cast %add3A_1156 : i32 to index
        %get3A_1158 = tpu.vector_load %arg10[%get3A_1157] {strides = array<i32>} : memref<1024xf32, #tpu.memory_space<vmem>>, vector<16xf32>,
        %select_n3A_1159 = arith.select %eq3A_1153, %get3A_1158, %select_n3A_1126 : vector<16xi1>, vector<16xf32>
        %slice3A_1160 = vector.extract_strided_slice %get3A_920 {offsets = [7], sizes = [1], strides = [1]} : vector<16xi32> to vector<1xi32>
        %squeeze3A_1161 = vector.extract %slice3A_1160[0] : i32 from vector<1xi32>
        %add3A_1162 = arith.constant 7 : i32
        %add3A_1163 = arith.addi %mul3A_915, %add3A_1162 : i32
        %mul3A_1164 = arith.constant 16 : i32
        %mul3A_1165 = arith.muli %add3A_1163, %mul3A_1164 : i32
        %get3A_1166 = arith.index_cast %mul3A_1165 : i32 to index
        %get3A_1167 = tpu.vector_load %arg5[%get3A_1166] {strides = array<i32>} : memref<32768xf32, #tpu.memory_space<vmem>>, vector<16xf32>,
        %mul3A_1168 = arith.constant 16 : i32
        %mul3A_1169 = arith.muli %squeeze3A_1161, %mul3A_1168 : i32
        %add3A_1170 = arith.addi %mul3A_723, %mul3A_1169 : i32
        %get3A_1171 = arith.index_cast %add3A_1170 : i32 to index
        %get3A_1172 = tpu.vector_load %arg9[%get3A_1171] {strides = array<i32>} : memref<1024xf32, #tpu.memory_space<vmem>>, vector<16xf32>,
        %sub3A_1173 = arith.subf %get3A_1167, %get3A_1172 : vector<16xf32>
        %eq3A_1174 = arith.constant 7 : i32
        %eq3A_1175 = vector.broadcast %eq3A_1174 : i32 to vector<16xi32>
        %eq3A_1176 = arith.cmpi eq, %iota3A, %eq3A_1175 : vector<16xi32>
        %mul3A_1177 = arith.mulf %sub3A_1173, %sub3A_1173 : vector<16xf32>
        %reduce_sum3A_1178 = arith.constant true
        %reduce_sum3A_1179 = vector.broadcast %reduce_sum3A_1178 : i1 to vector<16xi1>
        %reduce_sum3A_1180 = tpu.scan <sum>, %mul3A_1177 masked %reduce_sum3A_1179 : vector<16xf32>, vector<16xi1> -> vector<16xf32>
        %reduce_sum3A_1181 = vector.extract %reduce_sum3A_1180[15] : f32 from vector<16xf32>
        %broadcast_in_dim3A_1182 = vector.broadcast %reduce_sum3A_1181 : f32 to vector<16xf32>
        %select_n3A_1183 = arith.select %eq3A_1176, %broadcast_in_dim3A_1182, %select_n3A_1150 : vector<16xi1>, vector<16xf32>
        %eq3A_1184 = arith.constant 7 : i32
        %eq3A_1185 = vector.broadcast %eq3A_1184 : i32 to vector<16xi32>
        %eq3A_1186 = arith.cmpi eq, %iota3A, %eq3A_1185 : vector<16xi32>
        %mul3A_1187 = arith.constant 16 : i32
        %mul3A_1188 = arith.muli %squeeze3A_1161, %mul3A_1187 : i32
        %add3A_1189 = arith.addi %mul3A_723, %mul3A_1188 : i32
        %get3A_1190 = arith.index_cast %add3A_1189 : i32 to index
        %get3A_1191 = tpu.vector_load %arg10[%get3A_1190] {strides = array<i32>} : memref<1024xf32, #tpu.memory_space<vmem>>, vector<16xf32>,
        %select_n3A_1192 = arith.select %eq3A_1186, %get3A_1191, %select_n3A_1159 : vector<16xi1>, vector<16xf32>
        %slice3A_1193 = vector.extract_strided_slice %get3A_920 {offsets = [8], sizes = [1], strides = [1]} : vector<16xi32> to vector<1xi32>
        %squeeze3A_1194 = vector.extract %slice3A_1193[0] : i32 from vector<1xi32>
        %add3A_1195 = arith.constant 8 : i32
        %add3A_1196 = arith.addi %mul3A_915, %add3A_1195 : i32
        %mul3A_1197 = arith.constant 16 : i32
        %mul3A_1198 = arith.muli %add3A_1196, %mul3A_1197 : i32
        %get3A_1199 = arith.index_cast %mul3A_1198 : i32 to index
        %get3A_1200 = tpu.vector_load %arg5[%get3A_1199] {strides = array<i32>} : memref<32768xf32, #tpu.memory_space<vmem>>, vector<16xf32>,
        %mul3A_1201 = arith.constant 16 : i32
        %mul3A_1202 = arith.muli %squeeze3A_1194, %mul3A_1201 : i32
        %add3A_1203 = arith.addi %mul3A_723, %mul3A_1202 : i32
        %get3A_1204 = arith.index_cast %add3A_1203 : i32 to index
        %get3A_1205 = tpu.vector_load %arg9[%get3A_1204] {strides = array<i32>} : memref<1024xf32, #tpu.memory_space<vmem>>, vector<16xf32>,
        %sub3A_1206 = arith.subf %get3A_1200, %get3A_1205 : vector<16xf32>
        %eq3A_1207 = arith.constant 8 : i32
        %eq3A_1208 = vector.broadcast %eq3A_1207 : i32 to vector<16xi32>
        %eq3A_1209 = arith.cmpi eq, %iota3A, %eq3A_1208 : vector<16xi32>
        %mul3A_1210 = arith.mulf %sub3A_1206, %sub3A_1206 : vector<16xf32>
        %reduce_sum3A_1211 = arith.constant true
        %reduce_sum3A_1212 = vector.broadcast %reduce_sum3A_1211 : i1 to vector<16xi1>
        %reduce_sum3A_1213 = tpu.scan <sum>, %mul3A_1210 masked %reduce_sum3A_1212 : vector<16xf32>, vector<16xi1> -> vector<16xf32>
        %reduce_sum3A_1214 = vector.extract %reduce_sum3A_1213[15] : f32 from vector<16xf32>
        %broadcast_in_dim3A_1215 = vector.broadcast %reduce_sum3A_1214 : f32 to vector<16xf32>
        %select_n3A_1216 = arith.select %eq3A_1209, %broadcast_in_dim3A_1215, %select_n3A_1183 : vector<16xi1>, vector<16xf32>
        %eq3A_1217 = arith.constant 8 : i32
        %eq3A_1218 = vector.broadcast %eq3A_1217 : i32 to vector<16xi32>
        %eq3A_1219 = arith.cmpi eq, %iota3A, %eq3A_1218 : vector<16xi32>
        %mul3A_1220 = arith.constant 16 : i32
        %mul3A_1221 = arith.muli %squeeze3A_1194, %mul3A_1220 : i32
        %add3A_1222 = arith.addi %mul3A_723, %mul3A_1221 : i32
        %get3A_1223 = arith.index_cast %add3A_1222 : i32 to index
        %get3A_1224 = tpu.vector_load %arg10[%get3A_1223] {strides = array<i32>} : memref<1024xf32, #tpu.memory_space<vmem>>, vector<16xf32>,
        %select_n3A_1225 = arith.select %eq3A_1219, %get3A_1224, %select_n3A_1192 : vector<16xi1>, vector<16xf32>
        %slice3A_1226 = vector.extract_strided_slice %get3A_920 {offsets = [9], sizes = [1], strides = [1]} : vector<16xi32> to vector<1xi32>
        %squeeze3A_1227 = vector.extract %slice3A_1226[0] : i32 from vector<1xi32>
        %add3A_1228 = arith.constant 9 : i32
        %add3A_1229 = arith.addi %mul3A_915, %add3A_1228 : i32
        %mul3A_1230 = arith.constant 16 : i32
        %mul3A_1231 = arith.muli %add3A_1229, %mul3A_1230 : i32
        %get3A_1232 = arith.index_cast %mul3A_1231 : i32 to index
        %get3A_1233 = tpu.vector_load %arg5[%get3A_1232] {strides = array<i32>} : memref<32768xf32, #tpu.memory_space<vmem>>, vector<16xf32>,
        %mul3A_1234 = arith.constant 16 : i32
        %mul3A_1235 = arith.muli %squeeze3A_1227, %mul3A_1234 : i32
        %add3A_1236 = arith.addi %mul3A_723, %mul3A_1235 : i32
        %get3A_1237 = arith.index_cast %add3A_1236 : i32 to index
        %get3A_1238 = tpu.vector_load %arg9[%get3A_1237] {strides = array<i32>} : memref<1024xf32, #tpu.memory_space<vmem>>, vector<16xf32>,
        %sub3A_1239 = arith.subf %get3A_1233, %get3A_1238 : vector<16xf32>
        %eq3A_1240 = arith.constant 9 : i32
        %eq3A_1241 = vector.broadcast %eq3A_1240 : i32 to vector<16xi32>
        %eq3A_1242 = arith.cmpi eq, %iota3A, %eq3A_1241 : vector<16xi32>
        %mul3A_1243 = arith.mulf %sub3A_1239, %sub3A_1239 : vector<16xf32>
        %reduce_sum3A_1244 = arith.constant true
        %reduce_sum3A_1245 = vector.broadcast %reduce_sum3A_1244 : i1 to vector<16xi1>
        %reduce_sum3A_1246 = tpu.scan <sum>, %mul3A_1243 masked %reduce_sum3A_1245 : vector<16xf32>, vector<16xi1> -> vector<16xf32>
        %reduce_sum3A_1247 = vector.extract %reduce_sum3A_1246[15] : f32 from vector<16xf32>
        %broadcast_in_dim3A_1248 = vector.broadcast %reduce_sum3A_1247 : f32 to vector<16xf32>
        %select_n3A_1249 = arith.select %eq3A_1242, %broadcast_in_dim3A_1248, %select_n3A_1216 : vector<16xi1>, vector<16xf32>
        %eq3A_1250 = arith.constant 9 : i32
        %eq3A_1251 = vector.broadcast %eq3A_1250 : i32 to vector<16xi32>
        %eq3A_1252 = arith.cmpi eq, %iota3A, %eq3A_1251 : vector<16xi32>
        %mul3A_1253 = arith.constant 16 : i32
        %mul3A_1254 = arith.muli %squeeze3A_1227, %mul3A_1253 : i32
        %add3A_1255 = arith.addi %mul3A_723, %mul3A_1254 : i32
        %get3A_1256 = arith.index_cast %add3A_1255 : i32 to index
        %get3A_1257 = tpu.vector_load %arg10[%get3A_1256] {strides = array<i32>} : memref<1024xf32, #tpu.memory_space<vmem>>, vector<16xf32>,
        %select_n3A_1258 = arith.select %eq3A_1252, %get3A_1257, %select_n3A_1225 : vector<16xi1>, vector<16xf32>
        %slice3A_1259 = vector.extract_strided_slice %get3A_920 {offsets = [10], sizes = [1], strides = [1]} : vector<16xi32> to vector<1xi32>
        %squeeze3A_1260 = vector.extract %slice3A_1259[0] : i32 from vector<1xi32>
        %add3A_1261 = arith.constant 10 : i32
        %add3A_1262 = arith.addi %mul3A_915, %add3A_1261 : i32
        %mul3A_1263 = arith.constant 16 : i32
        %mul3A_1264 = arith.muli %add3A_1262, %mul3A_1263 : i32
        %get3A_1265 = arith.index_cast %mul3A_1264 : i32 to index
        %get3A_1266 = tpu.vector_load %arg5[%get3A_1265] {strides = array<i32>} : memref<32768xf32, #tpu.memory_space<vmem>>, vector<16xf32>,
        %mul3A_1267 = arith.constant 16 : i32
        %mul3A_1268 = arith.muli %squeeze3A_1260, %mul3A_1267 : i32
        %add3A_1269 = arith.addi %mul3A_723, %mul3A_1268 : i32
        %get3A_1270 = arith.index_cast %add3A_1269 : i32 to index
        %get3A_1271 = tpu.vector_load %arg9[%get3A_1270] {strides = array<i32>} : memref<1024xf32, #tpu.memory_space<vmem>>, vector<16xf32>,
        %sub3A_1272 = arith.subf %get3A_1266, %get3A_1271 : vector<16xf32>
        %eq3A_1273 = arith.constant 10 : i32
        %eq3A_1274 = vector.broadcast %eq3A_1273 : i32 to vector<16xi32>
        %eq3A_1275 = arith.cmpi eq, %iota3A, %eq3A_1274 : vector<16xi32>
        %mul3A_1276 = arith.mulf %sub3A_1272, %sub3A_1272 : vector<16xf32>
        %reduce_sum3A_1277 = arith.constant true
        %reduce_sum3A_1278 = vector.broadcast %reduce_sum3A_1277 : i1 to vector<16xi1>
        %reduce_sum3A_1279 = tpu.scan <sum>, %mul3A_1276 masked %reduce_sum3A_1278 : vector<16xf32>, vector<16xi1> -> vector<16xf32>
        %reduce_sum3A_1280 = vector.extract %reduce_sum3A_1279[15] : f32 from vector<16xf32>
        %broadcast_in_dim3A_1281 = vector.broadcast %reduce_sum3A_1280 : f32 to vector<16xf32>
        %select_n3A_1282 = arith.select %eq3A_1275, %broadcast_in_dim3A_1281, %select_n3A_1249 : vector<16xi1>, vector<16xf32>
        %eq3A_1283 = arith.constant 10 : i32
        %eq3A_1284 = vector.broadcast %eq3A_1283 : i32 to vector<16xi32>
        %eq3A_1285 = arith.cmpi eq, %iota3A, %eq3A_1284 : vector<16xi32>
        %mul3A_1286 = arith.constant 16 : i32
        %mul3A_1287 = arith.muli %squeeze3A_1260, %mul3A_1286 : i32
        %add3A_1288 = arith.addi %mul3A_723, %mul3A_1287 : i32
        %get3A_1289 = arith.index_cast %add3A_1288 : i32 to index
        %get3A_1290 = tpu.vector_load %arg10[%get3A_1289] {strides = array<i32>} : memref<1024xf32, #tpu.memory_space<vmem>>, vector<16xf32>,
        %select_n3A_1291 = arith.select %eq3A_1285, %get3A_1290, %select_n3A_1258 : vector<16xi1>, vector<16xf32>
        %slice3A_1292 = vector.extract_strided_slice %get3A_920 {offsets = [11], sizes = [1], strides = [1]} : vector<16xi32> to vector<1xi32>
        %squeeze3A_1293 = vector.extract %slice3A_1292[0] : i32 from vector<1xi32>
        %add3A_1294 = arith.constant 11 : i32
        %add3A_1295 = arith.addi %mul3A_915, %add3A_1294 : i32
        %mul3A_1296 = arith.constant 16 : i32
        %mul3A_1297 = arith.muli %add3A_1295, %mul3A_1296 : i32
        %get3A_1298 = arith.index_cast %mul3A_1297 : i32 to index
        %get3A_1299 = tpu.vector_load %arg5[%get3A_1298] {strides = array<i32>} : memref<32768xf32, #tpu.memory_space<vmem>>, vector<16xf32>,
        %mul3A_1300 = arith.constant 16 : i32
        %mul3A_1301 = arith.muli %squeeze3A_1293, %mul3A_1300 : i32
        %add3A_1302 = arith.addi %mul3A_723, %mul3A_1301 : i32
        %get3A_1303 = arith.index_cast %add3A_1302 : i32 to index
        %get3A_1304 = tpu.vector_load %arg9[%get3A_1303] {strides = array<i32>} : memref<1024xf32, #tpu.memory_space<vmem>>, vector<16xf32>,
        %sub3A_1305 = arith.subf %get3A_1299, %get3A_1304 : vector<16xf32>
        %eq3A_1306 = arith.constant 11 : i32
        %eq3A_1307 = vector.broadcast %eq3A_1306 : i32 to vector<16xi32>
        %eq3A_1308 = arith.cmpi eq, %iota3A, %eq3A_1307 : vector<16xi32>
        %mul3A_1309 = arith.mulf %sub3A_1305, %sub3A_1305 : vector<16xf32>
        %reduce_sum3A_1310 = arith.constant true
        %reduce_sum3A_1311 = vector.broadcast %reduce_sum3A_1310 : i1 to vector<16xi1>
        %reduce_sum3A_1312 = tpu.scan <sum>, %mul3A_1309 masked %reduce_sum3A_1311 : vector<16xf32>, vector<16xi1> -> vector<16xf32>
        %reduce_sum3A_1313 = vector.extract %reduce_sum3A_1312[15] : f32 from vector<16xf32>
        %broadcast_in_dim3A_1314 = vector.broadcast %reduce_sum3A_1313 : f32 to vector<16xf32>
        %select_n3A_1315 = arith.select %eq3A_1308, %broadcast_in_dim3A_1314, %select_n3A_1282 : vector<16xi1>, vector<16xf32>
        %eq3A_1316 = arith.constant 11 : i32
        %eq3A_1317 = vector.broadcast %eq3A_1316 : i32 to vector<16xi32>
        %eq3A_1318 = arith.cmpi eq, %iota3A, %eq3A_1317 : vector<16xi32>
        %mul3A_1319 = arith.constant 16 : i32
        %mul3A_1320 = arith.muli %squeeze3A_1293, %mul3A_1319 : i32
        %add3A_1321 = arith.addi %mul3A_723, %mul3A_1320 : i32
        %get3A_1322 = arith.index_cast %add3A_1321 : i32 to index
        %get3A_1323 = tpu.vector_load %arg10[%get3A_1322] {strides = array<i32>} : memref<1024xf32, #tpu.memory_space<vmem>>, vector<16xf32>,
        %select_n3A_1324 = arith.select %eq3A_1318, %get3A_1323, %select_n3A_1291 : vector<16xi1>, vector<16xf32>
        %slice3A_1325 = vector.extract_strided_slice %get3A_920 {offsets = [12], sizes = [1], strides = [1]} : vector<16xi32> to vector<1xi32>
        %squeeze3A_1326 = vector.extract %slice3A_1325[0] : i32 from vector<1xi32>
        %add3A_1327 = arith.constant 12 : i32
        %add3A_1328 = arith.addi %mul3A_915, %add3A_1327 : i32
        %mul3A_1329 = arith.constant 16 : i32
        %mul3A_1330 = arith.muli %add3A_1328, %mul3A_1329 : i32
        %get3A_1331 = arith.index_cast %mul3A_1330 : i32 to index
        %get3A_1332 = tpu.vector_load %arg5[%get3A_1331] {strides = array<i32>} : memref<32768xf32, #tpu.memory_space<vmem>>, vector<16xf32>,
        %mul3A_1333 = arith.constant 16 : i32
        %mul3A_1334 = arith.muli %squeeze3A_1326, %mul3A_1333 : i32
        %add3A_1335 = arith.addi %mul3A_723, %mul3A_1334 : i32
        %get3A_1336 = arith.index_cast %add3A_1335 : i32 to index
        %get3A_1337 = tpu.vector_load %arg9[%get3A_1336] {strides = array<i32>} : memref<1024xf32, #tpu.memory_space<vmem>>, vector<16xf32>,
        %sub3A_1338 = arith.subf %get3A_1332, %get3A_1337 : vector<16xf32>
        %eq3A_1339 = arith.constant 12 : i32
        %eq3A_1340 = vector.broadcast %eq3A_1339 : i32 to vector<16xi32>
        %eq3A_1341 = arith.cmpi eq, %iota3A, %eq3A_1340 : vector<16xi32>
        %mul3A_1342 = arith.mulf %sub3A_1338, %sub3A_1338 : vector<16xf32>
        %reduce_sum3A_1343 = arith.constant true
        %reduce_sum3A_1344 = vector.broadcast %reduce_sum3A_1343 : i1 to vector<16xi1>
        %reduce_sum3A_1345 = tpu.scan <sum>, %mul3A_1342 masked %reduce_sum3A_1344 : vector<16xf32>, vector<16xi1> -> vector<16xf32>
        %reduce_sum3A_1346 = vector.extract %reduce_sum3A_1345[15] : f32 from vector<16xf32>
        %broadcast_in_dim3A_1347 = vector.broadcast %reduce_sum3A_1346 : f32 to vector<16xf32>
        %select_n3A_1348 = arith.select %eq3A_1341, %broadcast_in_dim3A_1347, %select_n3A_1315 : vector<16xi1>, vector<16xf32>
        %eq3A_1349 = arith.constant 12 : i32
        %eq3A_1350 = vector.broadcast %eq3A_1349 : i32 to vector<16xi32>
        %eq3A_1351 = arith.cmpi eq, %iota3A, %eq3A_1350 : vector<16xi32>
        %mul3A_1352 = arith.constant 16 : i32
        %mul3A_1353 = arith.muli %squeeze3A_1326, %mul3A_1352 : i32
        %add3A_1354 = arith.addi %mul3A_723, %mul3A_1353 : i32
        %get3A_1355 = arith.index_cast %add3A_1354 : i32 to index
        %get3A_1356 = tpu.vector_load %arg10[%get3A_1355] {strides = array<i32>} : memref<1024xf32, #tpu.memory_space<vmem>>, vector<16xf32>,
        %select_n3A_1357 = arith.select %eq3A_1351, %get3A_1356, %select_n3A_1324 : vector<16xi1>, vector<16xf32>
        %slice3A_1358 = vector.extract_strided_slice %get3A_920 {offsets = [13], sizes = [1], strides = [1]} : vector<16xi32> to vector<1xi32>
        %squeeze3A_1359 = vector.extract %slice3A_1358[0] : i32 from vector<1xi32>
        %add3A_1360 = arith.constant 13 : i32
        %add3A_1361 = arith.addi %mul3A_915, %add3A_1360 : i32
        %mul3A_1362 = arith.constant 16 : i32
        %mul3A_1363 = arith.muli %add3A_1361, %mul3A_1362 : i32
        %get3A_1364 = arith.index_cast %mul3A_1363 : i32 to index
        %get3A_1365 = tpu.vector_load %arg5[%get3A_1364] {strides = array<i32>} : memref<32768xf32, #tpu.memory_space<vmem>>, vector<16xf32>,
        %mul3A_1366 = arith.constant 16 : i32
        %mul3A_1367 = arith.muli %squeeze3A_1359, %mul3A_1366 : i32
        %add3A_1368 = arith.addi %mul3A_723, %mul3A_1367 : i32
        %get3A_1369 = arith.index_cast %add3A_1368 : i32 to index
        %get3A_1370 = tpu.vector_load %arg9[%get3A_1369] {strides = array<i32>} : memref<1024xf32, #tpu.memory_space<vmem>>, vector<16xf32>,
        %sub3A_1371 = arith.subf %get3A_1365, %get3A_1370 : vector<16xf32>
        %eq3A_1372 = arith.constant 13 : i32
        %eq3A_1373 = vector.broadcast %eq3A_1372 : i32 to vector<16xi32>
        %eq3A_1374 = arith.cmpi eq, %iota3A, %eq3A_1373 : vector<16xi32>
        %mul3A_1375 = arith.mulf %sub3A_1371, %sub3A_1371 : vector<16xf32>
        %reduce_sum3A_1376 = arith.constant true
        %reduce_sum3A_1377 = vector.broadcast %reduce_sum3A_1376 : i1 to vector<16xi1>
        %reduce_sum3A_1378 = tpu.scan <sum>, %mul3A_1375 masked %reduce_sum3A_1377 : vector<16xf32>, vector<16xi1> -> vector<16xf32>
        %reduce_sum3A_1379 = vector.extract %reduce_sum3A_1378[15] : f32 from vector<16xf32>
        %broadcast_in_dim3A_1380 = vector.broadcast %reduce_sum3A_1379 : f32 to vector<16xf32>
        %select_n3A_1381 = arith.select %eq3A_1374, %broadcast_in_dim3A_1380, %select_n3A_1348 : vector<16xi1>, vector<16xf32>
        %eq3A_1382 = arith.constant 13 : i32
        %eq3A_1383 = vector.broadcast %eq3A_1382 : i32 to vector<16xi32>
        %eq3A_1384 = arith.cmpi eq, %iota3A, %eq3A_1383 : vector<16xi32>
        %mul3A_1385 = arith.constant 16 : i32
        %mul3A_1386 = arith.muli %squeeze3A_1359, %mul3A_1385 : i32
        %add3A_1387 = arith.addi %mul3A_723, %mul3A_1386 : i32
        %get3A_1388 = arith.index_cast %add3A_1387 : i32 to index
        %get3A_1389 = tpu.vector_load %arg10[%get3A_1388] {strides = array<i32>} : memref<1024xf32, #tpu.memory_space<vmem>>, vector<16xf32>,
        %select_n3A_1390 = arith.select %eq3A_1384, %get3A_1389, %select_n3A_1357 : vector<16xi1>, vector<16xf32>
        %slice3A_1391 = vector.extract_strided_slice %get3A_920 {offsets = [14], sizes = [1], strides = [1]} : vector<16xi32> to vector<1xi32>
        %squeeze3A_1392 = vector.extract %slice3A_1391[0] : i32 from vector<1xi32>
        %add3A_1393 = arith.constant 14 : i32
        %add3A_1394 = arith.addi %mul3A_915, %add3A_1393 : i32
        %mul3A_1395 = arith.constant 16 : i32
        %mul3A_1396 = arith.muli %add3A_1394, %mul3A_1395 : i32
        %get3A_1397 = arith.index_cast %mul3A_1396 : i32 to index
        %get3A_1398 = tpu.vector_load %arg5[%get3A_1397] {strides = array<i32>} : memref<32768xf32, #tpu.memory_space<vmem>>, vector<16xf32>,
        %mul3A_1399 = arith.constant 16 : i32
        %mul3A_1400 = arith.muli %squeeze3A_1392, %mul3A_1399 : i32
        %add3A_1401 = arith.addi %mul3A_723, %mul3A_1400 : i32
        %get3A_1402 = arith.index_cast %add3A_1401 : i32 to index
        %get3A_1403 = tpu.vector_load %arg9[%get3A_1402] {strides = array<i32>} : memref<1024xf32, #tpu.memory_space<vmem>>, vector<16xf32>,
        %sub3A_1404 = arith.subf %get3A_1398, %get3A_1403 : vector<16xf32>
        %eq3A_1405 = arith.constant 14 : i32
        %eq3A_1406 = vector.broadcast %eq3A_1405 : i32 to vector<16xi32>
        %eq3A_1407 = arith.cmpi eq, %iota3A, %eq3A_1406 : vector<16xi32>
        %mul3A_1408 = arith.mulf %sub3A_1404, %sub3A_1404 : vector<16xf32>
        %reduce_sum3A_1409 = arith.constant true
        %reduce_sum3A_1410 = vector.broadcast %reduce_sum3A_1409 : i1 to vector<16xi1>
        %reduce_sum3A_1411 = tpu.scan <sum>, %mul3A_1408 masked %reduce_sum3A_1410 : vector<16xf32>, vector<16xi1> -> vector<16xf32>
        %reduce_sum3A_1412 = vector.extract %reduce_sum3A_1411[15] : f32 from vector<16xf32>
        %broadcast_in_dim3A_1413 = vector.broadcast %reduce_sum3A_1412 : f32 to vector<16xf32>
        %select_n3A_1414 = arith.select %eq3A_1407, %broadcast_in_dim3A_1413, %select_n3A_1381 : vector<16xi1>, vector<16xf32>
        %eq3A_1415 = arith.constant 14 : i32
        %eq3A_1416 = vector.broadcast %eq3A_1415 : i32 to vector<16xi32>
        %eq3A_1417 = arith.cmpi eq, %iota3A, %eq3A_1416 : vector<16xi32>
        %mul3A_1418 = arith.constant 16 : i32
        %mul3A_1419 = arith.muli %squeeze3A_1392, %mul3A_1418 : i32
        %add3A_1420 = arith.addi %mul3A_723, %mul3A_1419 : i32
        %get3A_1421 = arith.index_cast %add3A_1420 : i32 to index
        %get3A_1422 = tpu.vector_load %arg10[%get3A_1421] {strides = array<i32>} : memref<1024xf32, #tpu.memory_space<vmem>>, vector<16xf32>,
        %select_n3A_1423 = arith.select %eq3A_1417, %get3A_1422, %select_n3A_1390 : vector<16xi1>, vector<16xf32>
        %slice3A_1424 = vector.extract_strided_slice %get3A_920 {offsets = [15], sizes = [1], strides = [1]} : vector<16xi32> to vector<1xi32>
        %squeeze3A_1425 = vector.extract %slice3A_1424[0] : i32 from vector<1xi32>
        %add3A_1426 = arith.constant 15 : i32
        %add3A_1427 = arith.addi %mul3A_915, %add3A_1426 : i32
        %mul3A_1428 = arith.constant 16 : i32
        %mul3A_1429 = arith.muli %add3A_1427, %mul3A_1428 : i32
        %get3A_1430 = arith.index_cast %mul3A_1429 : i32 to index
        %get3A_1431 = tpu.vector_load %arg5[%get3A_1430] {strides = array<i32>} : memref<32768xf32, #tpu.memory_space<vmem>>, vector<16xf32>,
        %mul3A_1432 = arith.constant 16 : i32
        %mul3A_1433 = arith.muli %squeeze3A_1425, %mul3A_1432 : i32
        %add3A_1434 = arith.addi %mul3A_723, %mul3A_1433 : i32
        %get3A_1435 = arith.index_cast %add3A_1434 : i32 to index
        %get3A_1436 = tpu.vector_load %arg9[%get3A_1435] {strides = array<i32>} : memref<1024xf32, #tpu.memory_space<vmem>>, vector<16xf32>,
        %sub3A_1437 = arith.subf %get3A_1431, %get3A_1436 : vector<16xf32>
        %eq3A_1438 = arith.constant 15 : i32
        %eq3A_1439 = vector.broadcast %eq3A_1438 : i32 to vector<16xi32>
        %eq3A_1440 = arith.cmpi eq, %iota3A, %eq3A_1439 : vector<16xi32>
        %mul3A_1441 = arith.mulf %sub3A_1437, %sub3A_1437 : vector<16xf32>
        %reduce_sum3A_1442 = arith.constant true
        %reduce_sum3A_1443 = vector.broadcast %reduce_sum3A_1442 : i1 to vector<16xi1>
        %reduce_sum3A_1444 = tpu.scan <sum>, %mul3A_1441 masked %reduce_sum3A_1443 : vector<16xf32>, vector<16xi1> -> vector<16xf32>
        %reduce_sum3A_1445 = vector.extract %reduce_sum3A_1444[15] : f32 from vector<16xf32>
        %broadcast_in_dim3A_1446 = vector.broadcast %reduce_sum3A_1445 : f32 to vector<16xf32>
        %select_n3A_1447 = arith.select %eq3A_1440, %broadcast_in_dim3A_1446, %select_n3A_1414 : vector<16xi1>, vector<16xf32>
        %eq3A_1448 = arith.constant 15 : i32
        %eq3A_1449 = vector.broadcast %eq3A_1448 : i32 to vector<16xi32>
        %eq3A_1450 = arith.cmpi eq, %iota3A, %eq3A_1449 : vector<16xi32>
        %mul3A_1451 = arith.constant 16 : i32
        %mul3A_1452 = arith.muli %squeeze3A_1425, %mul3A_1451 : i32
        %add3A_1453 = arith.addi %mul3A_723, %mul3A_1452 : i32
        %get3A_1454 = arith.index_cast %add3A_1453 : i32 to index
        %get3A_1455 = tpu.vector_load %arg10[%get3A_1454] {strides = array<i32>} : memref<1024xf32, #tpu.memory_space<vmem>>, vector<16xf32>,
        %select_n3A_1456 = arith.select %eq3A_1450, %get3A_1455, %select_n3A_1423 : vector<16xi1>, vector<16xf32>
        %add3A_1457 = arith.constant 9.99999996E-13 : f32
        %add3A_1458 = vector.broadcast %add3A_1457 : f32 to vector<16xf32>
        %add3A_1459 = arith.addf %select_n3A_1447, %add3A_1458 : vector<16xf32>
        %max3A_1460 = arith.constant 1.000000e-30 : f32
        %max3A_1461 = vector.broadcast %max3A_1460 : f32 to vector<16xf32>
        %max3A_1462 = arith.maximumf %add3A_1459, %max3A_1461 : vector<16xf32>
        %bitcast3A_1463 = vector.bitcast %max3A_1462 : vector<16xf32> to vector<16xi32>
        %shift_right_arithmetic3A_1464 = arith.constant 1 : i32
        %shift_right_arithmetic3A_1465 = vector.broadcast %shift_right_arithmetic3A_1464 : i32 to vector<16xi32>
        %shift_right_arithmetic3A_1466 = arith.shrsi %bitcast3A_1463, %shift_right_arithmetic3A_1465 : vector<16xi32>
        %sub3A_1467 = arith.constant 1597463007 : i32
        %sub3A_1468 = vector.broadcast %sub3A_1467 : i32 to vector<16xi32>
        %sub3A_1469 = arith.subi %sub3A_1468, %shift_right_arithmetic3A_1466 : vector<16xi32>
        %bitcast3A_1470 = vector.bitcast %sub3A_1469 : vector<16xi32> to vector<16xf32>
        %mul3A_1471 = arith.constant 5.000000e-01 : f32
        %mul3A_1472 = vector.broadcast %mul3A_1471 : f32 to vector<16xf32>
        %mul3A_1473 = arith.mulf %mul3A_1472, %max3A_1462 : vector<16xf32>
        %mul3A_1474 = arith.mulf %mul3A_1473, %bitcast3A_1470 : vector<16xf32>
        %mul3A_1475 = arith.mulf %mul3A_1474, %bitcast3A_1470 : vector<16xf32>
        %sub3A_1476 = arith.constant 1.500000e+00 : f32
        %sub3A_1477 = vector.broadcast %sub3A_1476 : f32 to vector<16xf32>
        %sub3A_1478 = arith.subf %sub3A_1477, %mul3A_1475 : vector<16xf32>
        %mul3A_1479 = arith.mulf %bitcast3A_1470, %sub3A_1478 : vector<16xf32>
        %mul3A_1480 = arith.constant 5.000000e-01 : f32
        %mul3A_1481 = vector.broadcast %mul3A_1480 : f32 to vector<16xf32>
        %mul3A_1482 = arith.mulf %mul3A_1481, %max3A_1462 : vector<16xf32>
        %mul3A_1483 = arith.mulf %mul3A_1482, %mul3A_1479 : vector<16xf32>
        %mul3A_1484 = arith.mulf %mul3A_1483, %mul3A_1479 : vector<16xf32>
        %sub3A_1485 = arith.constant 1.500000e+00 : f32
        %sub3A_1486 = vector.broadcast %sub3A_1485 : f32 to vector<16xf32>
        %sub3A_1487 = arith.subf %sub3A_1486, %mul3A_1484 : vector<16xf32>
        %mul3A_1488 = arith.mulf %mul3A_1479, %sub3A_1487 : vector<16xf32>
        %mul3A_1489 = arith.constant 5.000000e-01 : f32
        %mul3A_1490 = vector.broadcast %mul3A_1489 : f32 to vector<16xf32>
        %mul3A_1491 = arith.mulf %mul3A_1490, %max3A_1462 : vector<16xf32>
        %mul3A_1492 = arith.mulf %mul3A_1491, %mul3A_1488 : vector<16xf32>
        %mul3A_1493 = arith.mulf %mul3A_1492, %mul3A_1488 : vector<16xf32>
        %sub3A_1494 = arith.constant 1.500000e+00 : f32
        %sub3A_1495 = vector.broadcast %sub3A_1494 : f32 to vector<16xf32>
        %sub3A_1496 = arith.subf %sub3A_1495, %mul3A_1493 : vector<16xf32>
        %mul3A_1497 = arith.mulf %mul3A_1488, %sub3A_1496 : vector<16xf32>
        %mul3A_1498 = arith.mulf %add3A_1459, %mul3A_1497 : vector<16xf32>
        %sub3A_1499 = arith.constant 5.000000e-01 : f32
        %sub3A_1500 = vector.broadcast %sub3A_1499 : f32 to vector<16xf32>
        %sub3A_1501 = arith.subf %mul3A_1498, %sub3A_1500 : vector<16xf32>
        %max3A_1502 = arith.constant 0.000000e+00 : f32
        %max3A_1503 = vector.broadcast %max3A_1502 : f32 to vector<16xf32>
        %max3A_1504 = arith.maximumf %sub3A_1501, %max3A_1503 : vector<16xf32>
        %slice3A_1505 = vector.extract_strided_slice %get3A_920 {offsets = [15], sizes = [1], strides = [1]} : vector<16xi32> to vector<1xi32>
        %squeeze3A_1506 = vector.extract %slice3A_1505[0] : i32 from vector<1xi32>
        %mul3A_1507 = arith.mulf %max3A_1504, %max3A_1504 : vector<16xf32>
        %mul3A_1508 = arith.mulf %mul3A_1507, %select_n3A_1456 : vector<16xf32>
        %add3A_1509 = arith.addf %scan3A_910, %mul3A_1508 : vector<16xf32>
        %mul3A_1510 = arith.constant 16 : i32
        %mul3A_1511 = arith.muli %squeeze3A_1506, %mul3A_1510 : i32
        %add3A_1512 = arith.addi %mul3A_723, %mul3A_1511 : i32
        %get3A_1513 = arith.index_cast %add3A_1512 : i32 to index
        %get3A_1514 = tpu.vector_load %arg9[%get3A_1513] {strides = array<i32>} : memref<1024xf32, #tpu.memory_space<vmem>>, vector<16xf32>,
        %mul3A_1515 = arith.constant 16 : i32
        %mul3A_1516 = arith.muli %squeeze3A_1506, %mul3A_1515 : i32
        %add3A_1517 = arith.addi %mul3A_723, %mul3A_1516 : i32
        %get3A_1518 = arith.index_cast %add3A_1517 : i32 to index
        %get3A_1519 = tpu.vector_load %arg10[%get3A_1518] {strides = array<i32>} : memref<1024xf32, #tpu.memory_space<vmem>>, vector<16xf32>,
        scf.yield %add3A_1509, %get3A_1514, %get3A_1519, %squeeze3A_1506 : vector<16xf32>, vector<16xf32>, vector<16xf32>, i32
      }
      scf.yield %cond3A_928#0, %cond3A_928#1, %cond3A_928#2, %cond3A_928#3 : vector<16xf32>, vector<16xf32>, vector<16xf32>, i32
    }
    %scan3A_752 = arith.constant 128 : i32
    %scan3A_753 = arith.constant 0 : i32
    %scan3A_754 = arith.constant 4 : i32
    %scan3A_755 = arith.addi %scan3A_753, %scan3A_754 : i32
    %scan3A_756 = arith.constant 1 : i32
    %scan3A_757 = scf.for %scan3A_909 = %scan3A_753 to %scan3A_755 step %scan3A_756 iter_args(%scan3A_910 = %broadcast_in_dim3A_715) -> (vector<16xf32>)  : i32 {
      %mul3A_911 = arith.constant 4 : i32
      %mul3A_912 = arith.muli %arg1, %mul3A_911 : i32
      %add3A_913 = arith.addi %mul3A_912, %scan3A_909 : i32
      %mul3A_914 = arith.constant 16 : i32
      %mul3A_915 = arith.muli %add3A_913, %mul3A_914 : i32
      %add3A_916 = arith.addi %mul3A_723, %mul3A_915 : i32
      %get3A_917 = arith.index_cast %add3A_916 : i32 to index
      %get3A_918 = tpu.vector_load %arg9[%get3A_917] {strides = array<i32>} : memref<1024xf32, #tpu.memory_space<vmem>>, vector<16xf32>,
      %scan3A_919 = arith.constant 0 : i32
      %scan3A_920 = arith.constant 4 : i32
      %scan3A_921 = arith.addi %scan3A_919, %scan3A_920 : i32
      %scan3A_922 = arith.constant 1 : i32
      %scan3A_923 = scf.for %scan3A_925 = %scan3A_919 to %scan3A_921 step %scan3A_922 iter_args(%scan3A_926 = %scan3A_910) -> (vector<16xf32>)  : i32 {
        %broadcast_in_dim3A_927 = arith.constant 1.000000e+00 : f32
        %broadcast_in_dim3A_928 = vector.broadcast %broadcast_in_dim3A_927 : f32 to vector<16xf32>
        %mul3A_929 = arith.constant 16 : i32
        %mul3A_930 = arith.muli %scan3A_925, %mul3A_929 : i32
        %add3A_931 = arith.constant 0 : i32
        %add3A_932 = arith.addi %mul3A_930, %add3A_931 : i32
        %mul3A_933 = arith.constant 16 : i32
        %mul3A_934 = arith.muli %add3A_932, %mul3A_933 : i32
        %add3A_935 = arith.addi %mul3A_723, %mul3A_934 : i32
        %get3A_936 = arith.index_cast %add3A_935 : i32 to index
        %get3A_937 = tpu.vector_load %arg9[%get3A_936] {strides = array<i32>} : memref<1024xf32, #tpu.memory_space<vmem>>, vector<16xf32>,
        %sub3A_938 = arith.subf %get3A_918, %get3A_937 : vector<16xf32>
        %eq3A_939 = arith.constant 0 : i32
        %eq3A_940 = vector.broadcast %eq3A_939 : i32 to vector<16xi32>
        %eq3A_941 = arith.cmpi eq, %iota3A, %eq3A_940 : vector<16xi32>
        %mul3A_942 = arith.mulf %sub3A_938, %sub3A_938 : vector<16xf32>
        %reduce_sum3A_943 = arith.constant true
        %reduce_sum3A_944 = vector.broadcast %reduce_sum3A_943 : i1 to vector<16xi1>
        %reduce_sum3A_945 = tpu.scan <sum>, %mul3A_942 masked %reduce_sum3A_944 : vector<16xf32>, vector<16xi1> -> vector<16xf32>
        %reduce_sum3A_946 = vector.extract %reduce_sum3A_945[15] : f32 from vector<16xf32>
        %broadcast_in_dim3A_947 = vector.broadcast %reduce_sum3A_946 : f32 to vector<16xf32>
        %select_n3A_948 = arith.select %eq3A_941, %broadcast_in_dim3A_947, %broadcast_in_dim3A_928 : vector<16xi1>, vector<16xf32>
        %mul3A_949 = arith.constant 16 : i32
        %mul3A_950 = arith.muli %scan3A_925, %mul3A_949 : i32
        %add3A_951 = arith.constant 1 : i32
        %add3A_952 = arith.addi %mul3A_950, %add3A_951 : i32
        %mul3A_953 = arith.constant 16 : i32
        %mul3A_954 = arith.muli %add3A_952, %mul3A_953 : i32
        %add3A_955 = arith.addi %mul3A_723, %mul3A_954 : i32
        %get3A_956 = arith.index_cast %add3A_955 : i32 to index
        %get3A_957 = tpu.vector_load %arg9[%get3A_956] {strides = array<i32>} : memref<1024xf32, #tpu.memory_space<vmem>>, vector<16xf32>,
        %sub3A_958 = arith.subf %get3A_918, %get3A_957 : vector<16xf32>
        %eq3A_959 = arith.constant 1 : i32
        %eq3A_960 = vector.broadcast %eq3A_959 : i32 to vector<16xi32>
        %eq3A_961 = arith.cmpi eq, %iota3A, %eq3A_960 : vector<16xi32>
        %mul3A_962 = arith.mulf %sub3A_958, %sub3A_958 : vector<16xf32>
        %reduce_sum3A_963 = arith.constant true
        %reduce_sum3A_964 = vector.broadcast %reduce_sum3A_963 : i1 to vector<16xi1>
        %reduce_sum3A_965 = tpu.scan <sum>, %mul3A_962 masked %reduce_sum3A_964 : vector<16xf32>, vector<16xi1> -> vector<16xf32>
        %reduce_sum3A_966 = vector.extract %reduce_sum3A_965[15] : f32 from vector<16xf32>
        %broadcast_in_dim3A_967 = vector.broadcast %reduce_sum3A_966 : f32 to vector<16xf32>
        %select_n3A_968 = arith.select %eq3A_961, %broadcast_in_dim3A_967, %select_n3A_948 : vector<16xi1>, vector<16xf32>
        %mul3A_969 = arith.constant 16 : i32
        %mul3A_970 = arith.muli %scan3A_925, %mul3A_969 : i32
        %add3A_971 = arith.constant 2 : i32
        %add3A_972 = arith.addi %mul3A_970, %add3A_971 : i32
        %mul3A_973 = arith.constant 16 : i32
        %mul3A_974 = arith.muli %add3A_972, %mul3A_973 : i32
        %add3A_975 = arith.addi %mul3A_723, %mul3A_974 : i32
        %get3A_976 = arith.index_cast %add3A_975 : i32 to index
        %get3A_977 = tpu.vector_load %arg9[%get3A_976] {strides = array<i32>} : memref<1024xf32, #tpu.memory_space<vmem>>, vector<16xf32>,
        %sub3A_978 = arith.subf %get3A_918, %get3A_977 : vector<16xf32>
        %eq3A_979 = arith.constant 2 : i32
        %eq3A_980 = vector.broadcast %eq3A_979 : i32 to vector<16xi32>
        %eq3A_981 = arith.cmpi eq, %iota3A, %eq3A_980 : vector<16xi32>
        %mul3A_982 = arith.mulf %sub3A_978, %sub3A_978 : vector<16xf32>
        %reduce_sum3A_983 = arith.constant true
        %reduce_sum3A_984 = vector.broadcast %reduce_sum3A_983 : i1 to vector<16xi1>
        %reduce_sum3A_985 = tpu.scan <sum>, %mul3A_982 masked %reduce_sum3A_984 : vector<16xf32>, vector<16xi1> -> vector<16xf32>
        %reduce_sum3A_986 = vector.extract %reduce_sum3A_985[15] : f32 from vector<16xf32>
        %broadcast_in_dim3A_987 = vector.broadcast %reduce_sum3A_986 : f32 to vector<16xf32>
        %select_n3A_988 = arith.select %eq3A_981, %broadcast_in_dim3A_987, %select_n3A_968 : vector<16xi1>, vector<16xf32>
        %mul3A_989 = arith.constant 16 : i32
        %mul3A_990 = arith.muli %scan3A_925, %mul3A_989 : i32
        %add3A_991 = arith.constant 3 : i32
        %add3A_992 = arith.addi %mul3A_990, %add3A_991 : i32
        %mul3A_993 = arith.constant 16 : i32
        %mul3A_994 = arith.muli %add3A_992, %mul3A_993 : i32
        %add3A_995 = arith.addi %mul3A_723, %mul3A_994 : i32
        %get3A_996 = arith.index_cast %add3A_995 : i32 to index
        %get3A_997 = tpu.vector_load %arg9[%get3A_996] {strides = array<i32>} : memref<1024xf32, #tpu.memory_space<vmem>>, vector<16xf32>,
        %sub3A_998 = arith.subf %get3A_918, %get3A_997 : vector<16xf32>
        %eq3A_999 = arith.constant 3 : i32
        %eq3A_1000 = vector.broadcast %eq3A_999 : i32 to vector<16xi32>
        %eq3A_1001 = arith.cmpi eq, %iota3A, %eq3A_1000 : vector<16xi32>
        %mul3A_1002 = arith.mulf %sub3A_998, %sub3A_998 : vector<16xf32>
        %reduce_sum3A_1003 = arith.constant true
        %reduce_sum3A_1004 = vector.broadcast %reduce_sum3A_1003 : i1 to vector<16xi1>
        %reduce_sum3A_1005 = tpu.scan <sum>, %mul3A_1002 masked %reduce_sum3A_1004 : vector<16xf32>, vector<16xi1> -> vector<16xf32>
        %reduce_sum3A_1006 = vector.extract %reduce_sum3A_1005[15] : f32 from vector<16xf32>
        %broadcast_in_dim3A_1007 = vector.broadcast %reduce_sum3A_1006 : f32 to vector<16xf32>
        %select_n3A_1008 = arith.select %eq3A_1001, %broadcast_in_dim3A_1007, %select_n3A_988 : vector<16xi1>, vector<16xf32>
        %mul3A_1009 = arith.constant 16 : i32
        %mul3A_1010 = arith.muli %scan3A_925, %mul3A_1009 : i32
        %add3A_1011 = arith.constant 4 : i32
        %add3A_1012 = arith.addi %mul3A_1010, %add3A_1011 : i32
        %mul3A_1013 = arith.constant 16 : i32
        %mul3A_1014 = arith.muli %add3A_1012, %mul3A_1013 : i32
        %add3A_1015 = arith.addi %mul3A_723, %mul3A_1014 : i32
        %get3A_1016 = arith.index_cast %add3A_1015 : i32 to index
        %get3A_1017 = tpu.vector_load %arg9[%get3A_1016] {strides = array<i32>} : memref<1024xf32, #tpu.memory_space<vmem>>, vector<16xf32>,
        %sub3A_1018 = arith.subf %get3A_918, %get3A_1017 : vector<16xf32>
        %eq3A_1019 = arith.constant 4 : i32
        %eq3A_1020 = vector.broadcast %eq3A_1019 : i32 to vector<16xi32>
        %eq3A_1021 = arith.cmpi eq, %iota3A, %eq3A_1020 : vector<16xi32>
        %mul3A_1022 = arith.mulf %sub3A_1018, %sub3A_1018 : vector<16xf32>
        %reduce_sum3A_1023 = arith.constant true
        %reduce_sum3A_1024 = vector.broadcast %reduce_sum3A_1023 : i1 to vector<16xi1>
        %reduce_sum3A_1025 = tpu.scan <sum>, %mul3A_1022 masked %reduce_sum3A_1024 : vector<16xf32>, vector<16xi1> -> vector<16xf32>
        %reduce_sum3A_1026 = vector.extract %reduce_sum3A_1025[15] : f32 from vector<16xf32>
        %broadcast_in_dim3A_1027 = vector.broadcast %reduce_sum3A_1026 : f32 to vector<16xf32>
        %select_n3A_1028 = arith.select %eq3A_1021, %broadcast_in_dim3A_1027, %select_n3A_1008 : vector<16xi1>, vector<16xf32>
        %mul3A_1029 = arith.constant 16 : i32
        %mul3A_1030 = arith.muli %scan3A_925, %mul3A_1029 : i32
        %add3A_1031 = arith.constant 5 : i32
        %add3A_1032 = arith.addi %mul3A_1030, %add3A_1031 : i32
        %mul3A_1033 = arith.constant 16 : i32
        %mul3A_1034 = arith.muli %add3A_1032, %mul3A_1033 : i32
        %add3A_1035 = arith.addi %mul3A_723, %mul3A_1034 : i32
        %get3A_1036 = arith.index_cast %add3A_1035 : i32 to index
        %get3A_1037 = tpu.vector_load %arg9[%get3A_1036] {strides = array<i32>} : memref<1024xf32, #tpu.memory_space<vmem>>, vector<16xf32>,
        %sub3A_1038 = arith.subf %get3A_918, %get3A_1037 : vector<16xf32>
        %eq3A_1039 = arith.constant 5 : i32
        %eq3A_1040 = vector.broadcast %eq3A_1039 : i32 to vector<16xi32>
        %eq3A_1041 = arith.cmpi eq, %iota3A, %eq3A_1040 : vector<16xi32>
        %mul3A_1042 = arith.mulf %sub3A_1038, %sub3A_1038 : vector<16xf32>
        %reduce_sum3A_1043 = arith.constant true
        %reduce_sum3A_1044 = vector.broadcast %reduce_sum3A_1043 : i1 to vector<16xi1>
        %reduce_sum3A_1045 = tpu.scan <sum>, %mul3A_1042 masked %reduce_sum3A_1044 : vector<16xf32>, vector<16xi1> -> vector<16xf32>
        %reduce_sum3A_1046 = vector.extract %reduce_sum3A_1045[15] : f32 from vector<16xf32>
        %broadcast_in_dim3A_1047 = vector.broadcast %reduce_sum3A_1046 : f32 to vector<16xf32>
        %select_n3A_1048 = arith.select %eq3A_1041, %broadcast_in_dim3A_1047, %select_n3A_1028 : vector<16xi1>, vector<16xf32>
        %mul3A_1049 = arith.constant 16 : i32
        %mul3A_1050 = arith.muli %scan3A_925, %mul3A_1049 : i32
        %add3A_1051 = arith.constant 6 : i32
        %add3A_1052 = arith.addi %mul3A_1050, %add3A_1051 : i32
        %mul3A_1053 = arith.constant 16 : i32
        %mul3A_1054 = arith.muli %add3A_1052, %mul3A_1053 : i32
        %add3A_1055 = arith.addi %mul3A_723, %mul3A_1054 : i32
        %get3A_1056 = arith.index_cast %add3A_1055 : i32 to index
        %get3A_1057 = tpu.vector_load %arg9[%get3A_1056] {strides = array<i32>} : memref<1024xf32, #tpu.memory_space<vmem>>, vector<16xf32>,
        %sub3A_1058 = arith.subf %get3A_918, %get3A_1057 : vector<16xf32>
        %eq3A_1059 = arith.constant 6 : i32
        %eq3A_1060 = vector.broadcast %eq3A_1059 : i32 to vector<16xi32>
        %eq3A_1061 = arith.cmpi eq, %iota3A, %eq3A_1060 : vector<16xi32>
        %mul3A_1062 = arith.mulf %sub3A_1058, %sub3A_1058 : vector<16xf32>
        %reduce_sum3A_1063 = arith.constant true
        %reduce_sum3A_1064 = vector.broadcast %reduce_sum3A_1063 : i1 to vector<16xi1>
        %reduce_sum3A_1065 = tpu.scan <sum>, %mul3A_1062 masked %reduce_sum3A_1064 : vector<16xf32>, vector<16xi1> -> vector<16xf32>
        %reduce_sum3A_1066 = vector.extract %reduce_sum3A_1065[15] : f32 from vector<16xf32>
        %broadcast_in_dim3A_1067 = vector.broadcast %reduce_sum3A_1066 : f32 to vector<16xf32>
        %select_n3A_1068 = arith.select %eq3A_1061, %broadcast_in_dim3A_1067, %select_n3A_1048 : vector<16xi1>, vector<16xf32>
        %mul3A_1069 = arith.constant 16 : i32
        %mul3A_1070 = arith.muli %scan3A_925, %mul3A_1069 : i32
        %add3A_1071 = arith.constant 7 : i32
        %add3A_1072 = arith.addi %mul3A_1070, %add3A_1071 : i32
        %mul3A_1073 = arith.constant 16 : i32
        %mul3A_1074 = arith.muli %add3A_1072, %mul3A_1073 : i32
        %add3A_1075 = arith.addi %mul3A_723, %mul3A_1074 : i32
        %get3A_1076 = arith.index_cast %add3A_1075 : i32 to index
        %get3A_1077 = tpu.vector_load %arg9[%get3A_1076] {strides = array<i32>} : memref<1024xf32, #tpu.memory_space<vmem>>, vector<16xf32>,
        %sub3A_1078 = arith.subf %get3A_918, %get3A_1077 : vector<16xf32>
        %eq3A_1079 = arith.constant 7 : i32
        %eq3A_1080 = vector.broadcast %eq3A_1079 : i32 to vector<16xi32>
        %eq3A_1081 = arith.cmpi eq, %iota3A, %eq3A_1080 : vector<16xi32>
        %mul3A_1082 = arith.mulf %sub3A_1078, %sub3A_1078 : vector<16xf32>
        %reduce_sum3A_1083 = arith.constant true
        %reduce_sum3A_1084 = vector.broadcast %reduce_sum3A_1083 : i1 to vector<16xi1>
        %reduce_sum3A_1085 = tpu.scan <sum>, %mul3A_1082 masked %reduce_sum3A_1084 : vector<16xf32>, vector<16xi1> -> vector<16xf32>
        %reduce_sum3A_1086 = vector.extract %reduce_sum3A_1085[15] : f32 from vector<16xf32>
        %broadcast_in_dim3A_1087 = vector.broadcast %reduce_sum3A_1086 : f32 to vector<16xf32>
        %select_n3A_1088 = arith.select %eq3A_1081, %broadcast_in_dim3A_1087, %select_n3A_1068 : vector<16xi1>, vector<16xf32>
        %mul3A_1089 = arith.constant 16 : i32
        %mul3A_1090 = arith.muli %scan3A_925, %mul3A_1089 : i32
        %add3A_1091 = arith.constant 8 : i32
        %add3A_1092 = arith.addi %mul3A_1090, %add3A_1091 : i32
        %mul3A_1093 = arith.constant 16 : i32
        %mul3A_1094 = arith.muli %add3A_1092, %mul3A_1093 : i32
        %add3A_1095 = arith.addi %mul3A_723, %mul3A_1094 : i32
        %get3A_1096 = arith.index_cast %add3A_1095 : i32 to index
        %get3A_1097 = tpu.vector_load %arg9[%get3A_1096] {strides = array<i32>} : memref<1024xf32, #tpu.memory_space<vmem>>, vector<16xf32>,
        %sub3A_1098 = arith.subf %get3A_918, %get3A_1097 : vector<16xf32>
        %eq3A_1099 = arith.constant 8 : i32
        %eq3A_1100 = vector.broadcast %eq3A_1099 : i32 to vector<16xi32>
        %eq3A_1101 = arith.cmpi eq, %iota3A, %eq3A_1100 : vector<16xi32>
        %mul3A_1102 = arith.mulf %sub3A_1098, %sub3A_1098 : vector<16xf32>
        %reduce_sum3A_1103 = arith.constant true
        %reduce_sum3A_1104 = vector.broadcast %reduce_sum3A_1103 : i1 to vector<16xi1>
        %reduce_sum3A_1105 = tpu.scan <sum>, %mul3A_1102 masked %reduce_sum3A_1104 : vector<16xf32>, vector<16xi1> -> vector<16xf32>
        %reduce_sum3A_1106 = vector.extract %reduce_sum3A_1105[15] : f32 from vector<16xf32>
        %broadcast_in_dim3A_1107 = vector.broadcast %reduce_sum3A_1106 : f32 to vector<16xf32>
        %select_n3A_1108 = arith.select %eq3A_1101, %broadcast_in_dim3A_1107, %select_n3A_1088 : vector<16xi1>, vector<16xf32>
        %mul3A_1109 = arith.constant 16 : i32
        %mul3A_1110 = arith.muli %scan3A_925, %mul3A_1109 : i32
        %add3A_1111 = arith.constant 9 : i32
        %add3A_1112 = arith.addi %mul3A_1110, %add3A_1111 : i32
        %mul3A_1113 = arith.constant 16 : i32
        %mul3A_1114 = arith.muli %add3A_1112, %mul3A_1113 : i32
        %add3A_1115 = arith.addi %mul3A_723, %mul3A_1114 : i32
        %get3A_1116 = arith.index_cast %add3A_1115 : i32 to index
        %get3A_1117 = tpu.vector_load %arg9[%get3A_1116] {strides = array<i32>} : memref<1024xf32, #tpu.memory_space<vmem>>, vector<16xf32>,
        %sub3A_1118 = arith.subf %get3A_918, %get3A_1117 : vector<16xf32>
        %eq3A_1119 = arith.constant 9 : i32
        %eq3A_1120 = vector.broadcast %eq3A_1119 : i32 to vector<16xi32>
        %eq3A_1121 = arith.cmpi eq, %iota3A, %eq3A_1120 : vector<16xi32>
        %mul3A_1122 = arith.mulf %sub3A_1118, %sub3A_1118 : vector<16xf32>
        %reduce_sum3A_1123 = arith.constant true
        %reduce_sum3A_1124 = vector.broadcast %reduce_sum3A_1123 : i1 to vector<16xi1>
        %reduce_sum3A_1125 = tpu.scan <sum>, %mul3A_1122 masked %reduce_sum3A_1124 : vector<16xf32>, vector<16xi1> -> vector<16xf32>
        %reduce_sum3A_1126 = vector.extract %reduce_sum3A_1125[15] : f32 from vector<16xf32>
        %broadcast_in_dim3A_1127 = vector.broadcast %reduce_sum3A_1126 : f32 to vector<16xf32>
        %select_n3A_1128 = arith.select %eq3A_1121, %broadcast_in_dim3A_1127, %select_n3A_1108 : vector<16xi1>, vector<16xf32>
        %mul3A_1129 = arith.constant 16 : i32
        %mul3A_1130 = arith.muli %scan3A_925, %mul3A_1129 : i32
        %add3A_1131 = arith.constant 10 : i32
        %add3A_1132 = arith.addi %mul3A_1130, %add3A_1131 : i32
        %mul3A_1133 = arith.constant 16 : i32
        %mul3A_1134 = arith.muli %add3A_1132, %mul3A_1133 : i32
        %add3A_1135 = arith.addi %mul3A_723, %mul3A_1134 : i32
        %get3A_1136 = arith.index_cast %add3A_1135 : i32 to index
        %get3A_1137 = tpu.vector_load %arg9[%get3A_1136] {strides = array<i32>} : memref<1024xf32, #tpu.memory_space<vmem>>, vector<16xf32>,
        %sub3A_1138 = arith.subf %get3A_918, %get3A_1137 : vector<16xf32>
        %eq3A_1139 = arith.constant 10 : i32
        %eq3A_1140 = vector.broadcast %eq3A_1139 : i32 to vector<16xi32>
        %eq3A_1141 = arith.cmpi eq, %iota3A, %eq3A_1140 : vector<16xi32>
        %mul3A_1142 = arith.mulf %sub3A_1138, %sub3A_1138 : vector<16xf32>
        %reduce_sum3A_1143 = arith.constant true
        %reduce_sum3A_1144 = vector.broadcast %reduce_sum3A_1143 : i1 to vector<16xi1>
        %reduce_sum3A_1145 = tpu.scan <sum>, %mul3A_1142 masked %reduce_sum3A_1144 : vector<16xf32>, vector<16xi1> -> vector<16xf32>
        %reduce_sum3A_1146 = vector.extract %reduce_sum3A_1145[15] : f32 from vector<16xf32>
        %broadcast_in_dim3A_1147 = vector.broadcast %reduce_sum3A_1146 : f32 to vector<16xf32>
        %select_n3A_1148 = arith.select %eq3A_1141, %broadcast_in_dim3A_1147, %select_n3A_1128 : vector<16xi1>, vector<16xf32>
        %mul3A_1149 = arith.constant 16 : i32
        %mul3A_1150 = arith.muli %scan3A_925, %mul3A_1149 : i32
        %add3A_1151 = arith.constant 11 : i32
        %add3A_1152 = arith.addi %mul3A_1150, %add3A_1151 : i32
        %mul3A_1153 = arith.constant 16 : i32
        %mul3A_1154 = arith.muli %add3A_1152, %mul3A_1153 : i32
        %add3A_1155 = arith.addi %mul3A_723, %mul3A_1154 : i32
        %get3A_1156 = arith.index_cast %add3A_1155 : i32 to index
        %get3A_1157 = tpu.vector_load %arg9[%get3A_1156] {strides = array<i32>} : memref<1024xf32, #tpu.memory_space<vmem>>, vector<16xf32>,
        %sub3A_1158 = arith.subf %get3A_918, %get3A_1157 : vector<16xf32>
        %eq3A_1159 = arith.constant 11 : i32
        %eq3A_1160 = vector.broadcast %eq3A_1159 : i32 to vector<16xi32>
        %eq3A_1161 = arith.cmpi eq, %iota3A, %eq3A_1160 : vector<16xi32>
        %mul3A_1162 = arith.mulf %sub3A_1158, %sub3A_1158 : vector<16xf32>
        %reduce_sum3A_1163 = arith.constant true
        %reduce_sum3A_1164 = vector.broadcast %reduce_sum3A_1163 : i1 to vector<16xi1>
        %reduce_sum3A_1165 = tpu.scan <sum>, %mul3A_1162 masked %reduce_sum3A_1164 : vector<16xf32>, vector<16xi1> -> vector<16xf32>
        %reduce_sum3A_1166 = vector.extract %reduce_sum3A_1165[15] : f32 from vector<16xf32>
        %broadcast_in_dim3A_1167 = vector.broadcast %reduce_sum3A_1166 : f32 to vector<16xf32>
        %select_n3A_1168 = arith.select %eq3A_1161, %broadcast_in_dim3A_1167, %select_n3A_1148 : vector<16xi1>, vector<16xf32>
        %mul3A_1169 = arith.constant 16 : i32
        %mul3A_1170 = arith.muli %scan3A_925, %mul3A_1169 : i32
        %add3A_1171 = arith.constant 12 : i32
        %add3A_1172 = arith.addi %mul3A_1170, %add3A_1171 : i32
        %mul3A_1173 = arith.constant 16 : i32
        %mul3A_1174 = arith.muli %add3A_1172, %mul3A_1173 : i32
        %add3A_1175 = arith.addi %mul3A_723, %mul3A_1174 : i32
        %get3A_1176 = arith.index_cast %add3A_1175 : i32 to index
        %get3A_1177 = tpu.vector_load %arg9[%get3A_1176] {strides = array<i32>} : memref<1024xf32, #tpu.memory_space<vmem>>, vector<16xf32>,
        %sub3A_1178 = arith.subf %get3A_918, %get3A_1177 : vector<16xf32>
        %eq3A_1179 = arith.constant 12 : i32
        %eq3A_1180 = vector.broadcast %eq3A_1179 : i32 to vector<16xi32>
        %eq3A_1181 = arith.cmpi eq, %iota3A, %eq3A_1180 : vector<16xi32>
        %mul3A_1182 = arith.mulf %sub3A_1178, %sub3A_1178 : vector<16xf32>
        %reduce_sum3A_1183 = arith.constant true
        %reduce_sum3A_1184 = vector.broadcast %reduce_sum3A_1183 : i1 to vector<16xi1>
        %reduce_sum3A_1185 = tpu.scan <sum>, %mul3A_1182 masked %reduce_sum3A_1184 : vector<16xf32>, vector<16xi1> -> vector<16xf32>
        %reduce_sum3A_1186 = vector.extract %reduce_sum3A_1185[15] : f32 from vector<16xf32>
        %broadcast_in_dim3A_1187 = vector.broadcast %reduce_sum3A_1186 : f32 to vector<16xf32>
        %select_n3A_1188 = arith.select %eq3A_1181, %broadcast_in_dim3A_1187, %select_n3A_1168 : vector<16xi1>, vector<16xf32>
        %mul3A_1189 = arith.constant 16 : i32
        %mul3A_1190 = arith.muli %scan3A_925, %mul3A_1189 : i32
        %add3A_1191 = arith.constant 13 : i32
        %add3A_1192 = arith.addi %mul3A_1190, %add3A_1191 : i32
        %mul3A_1193 = arith.constant 16 : i32
        %mul3A_1194 = arith.muli %add3A_1192, %mul3A_1193 : i32
        %add3A_1195 = arith.addi %mul3A_723, %mul3A_1194 : i32
        %get3A_1196 = arith.index_cast %add3A_1195 : i32 to index
        %get3A_1197 = tpu.vector_load %arg9[%get3A_1196] {strides = array<i32>} : memref<1024xf32, #tpu.memory_space<vmem>>, vector<16xf32>,
        %sub3A_1198 = arith.subf %get3A_918, %get3A_1197 : vector<16xf32>
        %eq3A_1199 = arith.constant 13 : i32
        %eq3A_1200 = vector.broadcast %eq3A_1199 : i32 to vector<16xi32>
        %eq3A_1201 = arith.cmpi eq, %iota3A, %eq3A_1200 : vector<16xi32>
        %mul3A_1202 = arith.mulf %sub3A_1198, %sub3A_1198 : vector<16xf32>
        %reduce_sum3A_1203 = arith.constant true
        %reduce_sum3A_1204 = vector.broadcast %reduce_sum3A_1203 : i1 to vector<16xi1>
        %reduce_sum3A_1205 = tpu.scan <sum>, %mul3A_1202 masked %reduce_sum3A_1204 : vector<16xf32>, vector<16xi1> -> vector<16xf32>
        %reduce_sum3A_1206 = vector.extract %reduce_sum3A_1205[15] : f32 from vector<16xf32>
        %broadcast_in_dim3A_1207 = vector.broadcast %reduce_sum3A_1206 : f32 to vector<16xf32>
        %select_n3A_1208 = arith.select %eq3A_1201, %broadcast_in_dim3A_1207, %select_n3A_1188 : vector<16xi1>, vector<16xf32>
        %mul3A_1209 = arith.constant 16 : i32
        %mul3A_1210 = arith.muli %scan3A_925, %mul3A_1209 : i32
        %add3A_1211 = arith.constant 14 : i32
        %add3A_1212 = arith.addi %mul3A_1210, %add3A_1211 : i32
        %mul3A_1213 = arith.constant 16 : i32
        %mul3A_1214 = arith.muli %add3A_1212, %mul3A_1213 : i32
        %add3A_1215 = arith.addi %mul3A_723, %mul3A_1214 : i32
        %get3A_1216 = arith.index_cast %add3A_1215 : i32 to index
        %get3A_1217 = tpu.vector_load %arg9[%get3A_1216] {strides = array<i32>} : memref<1024xf32, #tpu.memory_space<vmem>>, vector<16xf32>,
        %sub3A_1218 = arith.subf %get3A_918, %get3A_1217 : vector<16xf32>
        %eq3A_1219 = arith.constant 14 : i32
        %eq3A_1220 = vector.broadcast %eq3A_1219 : i32 to vector<16xi32>
        %eq3A_1221 = arith.cmpi eq, %iota3A, %eq3A_1220 : vector<16xi32>
        %mul3A_1222 = arith.mulf %sub3A_1218, %sub3A_1218 : vector<16xf32>
        %reduce_sum3A_1223 = arith.constant true
        %reduce_sum3A_1224 = vector.broadcast %reduce_sum3A_1223 : i1 to vector<16xi1>
        %reduce_sum3A_1225 = tpu.scan <sum>, %mul3A_1222 masked %reduce_sum3A_1224 : vector<16xf32>, vector<16xi1> -> vector<16xf32>
        %reduce_sum3A_1226 = vector.extract %reduce_sum3A_1225[15] : f32 from vector<16xf32>
        %broadcast_in_dim3A_1227 = vector.broadcast %reduce_sum3A_1226 : f32 to vector<16xf32>
        %select_n3A_1228 = arith.select %eq3A_1221, %broadcast_in_dim3A_1227, %select_n3A_1208 : vector<16xi1>, vector<16xf32>
        %mul3A_1229 = arith.constant 16 : i32
        %mul3A_1230 = arith.muli %scan3A_925, %mul3A_1229 : i32
        %add3A_1231 = arith.constant 15 : i32
        %add3A_1232 = arith.addi %mul3A_1230, %add3A_1231 : i32
        %mul3A_1233 = arith.constant 16 : i32
        %mul3A_1234 = arith.muli %add3A_1232, %mul3A_1233 : i32
        %add3A_1235 = arith.addi %mul3A_723, %mul3A_1234 : i32
        %get3A_1236 = arith.index_cast %add3A_1235 : i32 to index
        %get3A_1237 = tpu.vector_load %arg9[%get3A_1236] {strides = array<i32>} : memref<1024xf32, #tpu.memory_space<vmem>>, vector<16xf32>,
        %sub3A_1238 = arith.subf %get3A_918, %get3A_1237 : vector<16xf32>
        %eq3A_1239 = arith.constant 15 : i32
        %eq3A_1240 = vector.broadcast %eq3A_1239 : i32 to vector<16xi32>
        %eq3A_1241 = arith.cmpi eq, %iota3A, %eq3A_1240 : vector<16xi32>
        %mul3A_1242 = arith.mulf %sub3A_1238, %sub3A_1238 : vector<16xf32>
        %reduce_sum3A_1243 = arith.constant true
        %reduce_sum3A_1244 = vector.broadcast %reduce_sum3A_1243 : i1 to vector<16xi1>
        %reduce_sum3A_1245 = tpu.scan <sum>, %mul3A_1242 masked %reduce_sum3A_1244 : vector<16xf32>, vector<16xi1> -> vector<16xf32>
        %reduce_sum3A_1246 = vector.extract %reduce_sum3A_1245[15] : f32 from vector<16xf32>
        %broadcast_in_dim3A_1247 = vector.broadcast %reduce_sum3A_1246 : f32 to vector<16xf32>
        %select_n3A_1248 = arith.select %eq3A_1241, %broadcast_in_dim3A_1247, %select_n3A_1228 : vector<16xi1>, vector<16xf32>
        %max3A_1249 = arith.constant 1.000000e-30 : f32
        %max3A_1250 = vector.broadcast %max3A_1249 : f32 to vector<16xf32>
        %max3A_1251 = arith.maximumf %select_n3A_1248, %max3A_1250 : vector<16xf32>
        %bitcast3A_1252 = vector.bitcast %max3A_1251 : vector<16xf32> to vector<16xi32>
        %shift_right_arithmetic3A_1253 = arith.constant 1 : i32
        %shift_right_arithmetic3A_1254 = vector.broadcast %shift_right_arithmetic3A_1253 : i32 to vector<16xi32>
        %shift_right_arithmetic3A_1255 = arith.shrsi %bitcast3A_1252, %shift_right_arithmetic3A_1254 : vector<16xi32>
        %sub3A_1256 = arith.constant 1597463007 : i32
        %sub3A_1257 = vector.broadcast %sub3A_1256 : i32 to vector<16xi32>
        %sub3A_1258 = arith.subi %sub3A_1257, %shift_right_arithmetic3A_1255 : vector<16xi32>
        %bitcast3A_1259 = vector.bitcast %sub3A_1258 : vector<16xi32> to vector<16xf32>
        %mul3A_1260 = arith.constant 5.000000e-01 : f32
        %mul3A_1261 = vector.broadcast %mul3A_1260 : f32 to vector<16xf32>
        %mul3A_1262 = arith.mulf %mul3A_1261, %max3A_1251 : vector<16xf32>
        %mul3A_1263 = arith.mulf %mul3A_1262, %bitcast3A_1259 : vector<16xf32>
        %mul3A_1264 = arith.mulf %mul3A_1263, %bitcast3A_1259 : vector<16xf32>
        %sub3A_1265 = arith.constant 1.500000e+00 : f32
        %sub3A_1266 = vector.broadcast %sub3A_1265 : f32 to vector<16xf32>
        %sub3A_1267 = arith.subf %sub3A_1266, %mul3A_1264 : vector<16xf32>
        %mul3A_1268 = arith.mulf %bitcast3A_1259, %sub3A_1267 : vector<16xf32>
        %mul3A_1269 = arith.constant 5.000000e-01 : f32
        %mul3A_1270 = vector.broadcast %mul3A_1269 : f32 to vector<16xf32>
        %mul3A_1271 = arith.mulf %mul3A_1270, %max3A_1251 : vector<16xf32>
        %mul3A_1272 = arith.mulf %mul3A_1271, %mul3A_1268 : vector<16xf32>
        %mul3A_1273 = arith.mulf %mul3A_1272, %mul3A_1268 : vector<16xf32>
        %sub3A_1274 = arith.constant 1.500000e+00 : f32
        %sub3A_1275 = vector.broadcast %sub3A_1274 : f32 to vector<16xf32>
        %sub3A_1276 = arith.subf %sub3A_1275, %mul3A_1273 : vector<16xf32>
        %mul3A_1277 = arith.mulf %mul3A_1268, %sub3A_1276 : vector<16xf32>
        %mul3A_1278 = arith.constant 5.000000e-01 : f32
        %mul3A_1279 = vector.broadcast %mul3A_1278 : f32 to vector<16xf32>
        %mul3A_1280 = arith.mulf %mul3A_1279, %max3A_1251 : vector<16xf32>
        %mul3A_1281 = arith.mulf %mul3A_1280, %mul3A_1277 : vector<16xf32>
        %mul3A_1282 = arith.mulf %mul3A_1281, %mul3A_1277 : vector<16xf32>
        %sub3A_1283 = arith.constant 1.500000e+00 : f32
        %sub3A_1284 = vector.broadcast %sub3A_1283 : f32 to vector<16xf32>
        %sub3A_1285 = arith.subf %sub3A_1284, %mul3A_1282 : vector<16xf32>
        %mul3A_1286 = arith.mulf %mul3A_1277, %sub3A_1285 : vector<16xf32>
        %mul3A_1287 = arith.mulf %select_n3A_1248, %mul3A_1286 : vector<16xf32>
        %sub3A_1288 = arith.constant 3.000000e+00 : f32
        %sub3A_1289 = vector.broadcast %sub3A_1288 : f32 to vector<16xf32>
        %sub3A_1290 = arith.subf %sub3A_1289, %mul3A_1287 : vector<16xf32>
        %max3A_1291 = arith.constant 0.000000e+00 : f32
        %max3A_1292 = vector.broadcast %max3A_1291 : f32 to vector<16xf32>
        %max3A_1293 = arith.maximumf %sub3A_1290, %max3A_1292 : vector<16xf32>
        %mul3A_1294 = arith.constant 16 : i32
        %mul3A_1295 = arith.muli %scan3A_925, %mul3A_1294 : i32
        %add3A_1296 = vector.broadcast %mul3A_1295 : i32 to vector<16xi32>
        %add3A_1297 = arith.addi %add3A_1296, %iota3A : vector<16xi32>
        %eq3A_1298 = vector.broadcast %add3A_913 : i32 to vector<16xi32>
        %eq3A_1299 = arith.cmpi eq, %add3A_1297, %eq3A_1298 : vector<16xi32>
        %mul3A_1300 = arith.mulf %max3A_1293, %max3A_1293 : vector<16xf32>
        %jit3A_1301 = arith.constant 0.000000e+00 : f32
        %broadcast_in_dim3A_1302 = vector.broadcast %jit3A_1301 : f32 to vector<16xf32>
        %select_n3A_1303 = arith.select %eq3A_1299, %broadcast_in_dim3A_1302, %mul3A_1300 : vector<16xi1>, vector<16xf32>
        %add3A_1304 = arith.addf %scan3A_926, %select_n3A_1303 : vector<16xf32>
        scf.yield %add3A_1304 : vector<16xf32>
      }
      %scan3A_924 = arith.constant 4 : i32
      scf.yield %scan3A_923 : vector<16xf32>
    }
    %scan3A_758 = arith.constant 4 : i32
    %broadcast_in_dim3A_759 = arith.constant 1.000000e+00 : f32
    %broadcast_in_dim3A_760 = vector.broadcast %broadcast_in_dim3A_759 : f32 to vector<16xf32>
    %mul3A_761 = arith.constant 4 : i32
    %mul3A_762 = arith.muli %arg1, %mul3A_761 : i32
    %add3A_763 = arith.constant 0 : i32
    %add3A_764 = arith.addi %mul3A_762, %add3A_763 : i32
    %mul3A_765 = arith.constant 16 : i32
    %mul3A_766 = arith.muli %add3A_764, %mul3A_765 : i32
    %add3A_767 = arith.addi %mul3A_723, %mul3A_766 : i32
    %get3A_768 = arith.index_cast %add3A_767 : i32 to index
    %get3A_769 = tpu.vector_load %arg9[%get3A_768] {strides = array<i32>} : memref<1024xf32, #tpu.memory_space<vmem>>, vector<16xf32>,
    %eq3A = arith.constant 0 : i32
    %eq3A_770 = vector.broadcast %eq3A : i32 to vector<16xi32>
    %eq3A_771 = arith.cmpi eq, %iota3A, %eq3A_770 : vector<16xi32>
    %mul3A_772 = arith.mulf %get3A_769, %get3A_769 : vector<16xf32>
    %reduce_sum3A = arith.constant true
    %reduce_sum3A_773 = vector.broadcast %reduce_sum3A : i1 to vector<16xi1>
    %reduce_sum3A_774 = tpu.scan <sum>, %mul3A_772 masked %reduce_sum3A_773 : vector<16xf32>, vector<16xi1> -> vector<16xf32>
    %reduce_sum3A_775 = vector.extract %reduce_sum3A_774[15] : f32 from vector<16xf32>
    %broadcast_in_dim3A_776 = vector.broadcast %reduce_sum3A_775 : f32 to vector<16xf32>
    %select_n3A = arith.select %eq3A_771, %broadcast_in_dim3A_776, %broadcast_in_dim3A_760 : vector<16xi1>, vector<16xf32>
    %mul3A_777 = arith.constant 4 : i32
    %mul3A_778 = arith.muli %arg1, %mul3A_777 : i32
    %add3A_779 = arith.constant 1 : i32
    %add3A_780 = arith.addi %mul3A_778, %add3A_779 : i32
    %mul3A_781 = arith.constant 16 : i32
    %mul3A_782 = arith.muli %add3A_780, %mul3A_781 : i32
    %add3A_783 = arith.addi %mul3A_723, %mul3A_782 : i32
    %get3A_784 = arith.index_cast %add3A_783 : i32 to index
    %get3A_785 = tpu.vector_load %arg9[%get3A_784] {strides = array<i32>} : memref<1024xf32, #tpu.memory_space<vmem>>, vector<16xf32>,
    %eq3A_786 = arith.constant 1 : i32
    %eq3A_787 = vector.broadcast %eq3A_786 : i32 to vector<16xi32>
    %eq3A_788 = arith.cmpi eq, %iota3A, %eq3A_787 : vector<16xi32>
    %mul3A_789 = arith.mulf %get3A_785, %get3A_785 : vector<16xf32>
    %reduce_sum3A_790 = arith.constant true
    %reduce_sum3A_791 = vector.broadcast %reduce_sum3A_790 : i1 to vector<16xi1>
    %reduce_sum3A_792 = tpu.scan <sum>, %mul3A_789 masked %reduce_sum3A_791 : vector<16xf32>, vector<16xi1> -> vector<16xf32>
    %reduce_sum3A_793 = vector.extract %reduce_sum3A_792[15] : f32 from vector<16xf32>
    %broadcast_in_dim3A_794 = vector.broadcast %reduce_sum3A_793 : f32 to vector<16xf32>
    %select_n3A_795 = arith.select %eq3A_788, %broadcast_in_dim3A_794, %select_n3A : vector<16xi1>, vector<16xf32>
    %mul3A_796 = arith.constant 4 : i32
    %mul3A_797 = arith.muli %arg1, %mul3A_796 : i32
    %add3A_798 = arith.constant 2 : i32
    %add3A_799 = arith.addi %mul3A_797, %add3A_798 : i32
    %mul3A_800 = arith.constant 16 : i32
    %mul3A_801 = arith.muli %add3A_799, %mul3A_800 : i32
    %add3A_802 = arith.addi %mul3A_723, %mul3A_801 : i32
    %get3A_803 = arith.index_cast %add3A_802 : i32 to index
    %get3A_804 = tpu.vector_load %arg9[%get3A_803] {strides = array<i32>} : memref<1024xf32, #tpu.memory_space<vmem>>, vector<16xf32>,
    %eq3A_805 = arith.constant 2 : i32
    %eq3A_806 = vector.broadcast %eq3A_805 : i32 to vector<16xi32>
    %eq3A_807 = arith.cmpi eq, %iota3A, %eq3A_806 : vector<16xi32>
    %mul3A_808 = arith.mulf %get3A_804, %get3A_804 : vector<16xf32>
    %reduce_sum3A_809 = arith.constant true
    %reduce_sum3A_810 = vector.broadcast %reduce_sum3A_809 : i1 to vector<16xi1>
    %reduce_sum3A_811 = tpu.scan <sum>, %mul3A_808 masked %reduce_sum3A_810 : vector<16xf32>, vector<16xi1> -> vector<16xf32>
    %reduce_sum3A_812 = vector.extract %reduce_sum3A_811[15] : f32 from vector<16xf32>
    %broadcast_in_dim3A_813 = vector.broadcast %reduce_sum3A_812 : f32 to vector<16xf32>
    %select_n3A_814 = arith.select %eq3A_807, %broadcast_in_dim3A_813, %select_n3A_795 : vector<16xi1>, vector<16xf32>
    %mul3A_815 = arith.constant 4 : i32
    %mul3A_816 = arith.muli %arg1, %mul3A_815 : i32
    %add3A_817 = arith.constant 3 : i32
    %add3A_818 = arith.addi %mul3A_816, %add3A_817 : i32
    %mul3A_819 = arith.constant 16 : i32
    %mul3A_820 = arith.muli %add3A_818, %mul3A_819 : i32
    %add3A_821 = arith.addi %mul3A_723, %mul3A_820 : i32
    %get3A_822 = arith.index_cast %add3A_821 : i32 to index
    %get3A_823 = tpu.vector_load %arg9[%get3A_822] {strides = array<i32>} : memref<1024xf32, #tpu.memory_space<vmem>>, vector<16xf32>,
    %eq3A_824 = arith.constant 3 : i32
    %eq3A_825 = vector.broadcast %eq3A_824 : i32 to vector<16xi32>
    %eq3A_826 = arith.cmpi eq, %iota3A, %eq3A_825 : vector<16xi32>
    %mul3A_827 = arith.mulf %get3A_823, %get3A_823 : vector<16xf32>
    %reduce_sum3A_828 = arith.constant true
    %reduce_sum3A_829 = vector.broadcast %reduce_sum3A_828 : i1 to vector<16xi1>
    %reduce_sum3A_830 = tpu.scan <sum>, %mul3A_827 masked %reduce_sum3A_829 : vector<16xf32>, vector<16xi1> -> vector<16xf32>
    %reduce_sum3A_831 = vector.extract %reduce_sum3A_830[15] : f32 from vector<16xf32>
    %broadcast_in_dim3A_832 = vector.broadcast %reduce_sum3A_831 : f32 to vector<16xf32>
    %select_n3A_833 = arith.select %eq3A_826, %broadcast_in_dim3A_832, %select_n3A_814 : vector<16xi1>, vector<16xf32>
    %lt3A = arith.constant 4 : i32
    %lt3A_834 = vector.broadcast %lt3A : i32 to vector<16xi32>
    %lt3A_835 = arith.cmpi slt, %iota3A, %lt3A_834 : vector<16xi32>
    %add3A_836 = arith.constant 9.99999996E-13 : f32
    %add3A_837 = vector.broadcast %add3A_836 : f32 to vector<16xf32>
    %add3A_838 = arith.addf %select_n3A_833, %add3A_837 : vector<16xf32>
    %max3A = arith.constant 1.000000e-30 : f32
    %max3A_839 = vector.broadcast %max3A : f32 to vector<16xf32>
    %max3A_840 = arith.maximumf %add3A_838, %max3A_839 : vector<16xf32>
    %bitcast3A = vector.bitcast %max3A_840 : vector<16xf32> to vector<16xi32>
    %shift_right_arithmetic3A = arith.constant 1 : i32
    %shift_right_arithmetic3A_841 = vector.broadcast %shift_right_arithmetic3A : i32 to vector<16xi32>
    %shift_right_arithmetic3A_842 = arith.shrsi %bitcast3A, %shift_right_arithmetic3A_841 : vector<16xi32>
    %sub3A = arith.constant 1597463007 : i32
    %sub3A_843 = vector.broadcast %sub3A : i32 to vector<16xi32>
    %sub3A_844 = arith.subi %sub3A_843, %shift_right_arithmetic3A_842 : vector<16xi32>
    %bitcast3A_845 = vector.bitcast %sub3A_844 : vector<16xi32> to vector<16xf32>
    %mul3A_846 = arith.constant 5.000000e-01 : f32
    %mul3A_847 = vector.broadcast %mul3A_846 : f32 to vector<16xf32>
    %mul3A_848 = arith.mulf %mul3A_847, %max3A_840 : vector<16xf32>
    %mul3A_849 = arith.mulf %mul3A_848, %bitcast3A_845 : vector<16xf32>
    %mul3A_850 = arith.mulf %mul3A_849, %bitcast3A_845 : vector<16xf32>
    %sub3A_851 = arith.constant 1.500000e+00 : f32
    %sub3A_852 = vector.broadcast %sub3A_851 : f32 to vector<16xf32>
    %sub3A_853 = arith.subf %sub3A_852, %mul3A_850 : vector<16xf32>
    %mul3A_854 = arith.mulf %bitcast3A_845, %sub3A_853 : vector<16xf32>
    %mul3A_855 = arith.constant 5.000000e-01 : f32
    %mul3A_856 = vector.broadcast %mul3A_855 : f32 to vector<16xf32>
    %mul3A_857 = arith.mulf %mul3A_856, %max3A_840 : vector<16xf32>
    %mul3A_858 = arith.mulf %mul3A_857, %mul3A_854 : vector<16xf32>
    %mul3A_859 = arith.mulf %mul3A_858, %mul3A_854 : vector<16xf32>
    %sub3A_860 = arith.constant 1.500000e+00 : f32
    %sub3A_861 = vector.broadcast %sub3A_860 : f32 to vector<16xf32>
    %sub3A_862 = arith.subf %sub3A_861, %mul3A_859 : vector<16xf32>
    %mul3A_863 = arith.mulf %mul3A_854, %sub3A_862 : vector<16xf32>
    %mul3A_864 = arith.constant 5.000000e-01 : f32
    %mul3A_865 = vector.broadcast %mul3A_864 : f32 to vector<16xf32>
    %mul3A_866 = arith.mulf %mul3A_865, %max3A_840 : vector<16xf32>
    %mul3A_867 = arith.mulf %mul3A_866, %mul3A_863 : vector<16xf32>
    %mul3A_868 = arith.mulf %mul3A_867, %mul3A_863 : vector<16xf32>
    %sub3A_869 = arith.constant 1.500000e+00 : f32
    %sub3A_870 = vector.broadcast %sub3A_869 : f32 to vector<16xf32>
    %sub3A_871 = arith.subf %sub3A_870, %mul3A_868 : vector<16xf32>
    %mul3A_872 = arith.mulf %mul3A_863, %sub3A_871 : vector<16xf32>
    %mul3A_873 = arith.mulf %add3A_838, %mul3A_872 : vector<16xf32>
    %jit3A = arith.constant 0.000000e+00 : f32
    %broadcast_in_dim3A_874 = vector.broadcast %jit3A : f32 to vector<16xf32>
    %select_n3A_875 = arith.select %lt3A_835, %mul3A_873, %broadcast_in_dim3A_874 : vector<16xi1>, vector<16xf32>
    %add3A_876 = arith.addf %broadcast_in_dim3A_715, %select_n3A_875 : vector<16xf32>
    %scan3A_877 = arith.constant 1 : i32
    %reduce_sum3A_878 = arith.constant true
    %reduce_sum3A_879 = vector.broadcast %reduce_sum3A_878 : i1 to vector<16xi1>
    %reduce_sum3A_880 = tpu.scan <sum>, %scan3A_751#0 masked %reduce_sum3A_879 : vector<16xf32>, vector<16xi1> -> vector<16xf32>
    %reduce_sum3A_881 = vector.extract %reduce_sum3A_880[15] : f32 from vector<16xf32>
    %reduce_sum3A_882 = arith.constant true
    %reduce_sum3A_883 = vector.broadcast %reduce_sum3A_882 : i1 to vector<16xi1>
    %reduce_sum3A_884 = tpu.scan <sum>, %scan3A_757 masked %reduce_sum3A_883 : vector<16xf32>, vector<16xi1> -> vector<16xf32>
    %reduce_sum3A_885 = vector.extract %reduce_sum3A_884[15] : f32 from vector<16xf32>
    %reduce_sum3A_886 = arith.constant true
    %reduce_sum3A_887 = vector.broadcast %reduce_sum3A_886 : i1 to vector<16xi1>
    %reduce_sum3A_888 = tpu.scan <sum>, %add3A_876 masked %reduce_sum3A_887 : vector<16xf32>, vector<16xi1> -> vector<16xf32>
    %reduce_sum3A_889 = vector.extract %reduce_sum3A_888[15] : f32 from vector<16xf32>
    %eq3A_890 = arith.constant 0 : i32
    %eq3A_891 = vector.broadcast %eq3A_890 : i32 to vector<16xi32>
    %eq3A_892 = arith.cmpi eq, %iota3A, %eq3A_891 : vector<16xi32>
    %eq3A_893 = arith.constant 1 : i32
    %eq3A_894 = vector.broadcast %eq3A_893 : i32 to vector<16xi32>
    %eq3A_895 = arith.cmpi eq, %iota3A, %eq3A_894 : vector<16xi32>
    %eq3A_896 = arith.constant 2 : i32
    %eq3A_897 = vector.broadcast %eq3A_896 : i32 to vector<16xi32>
    %eq3A_898 = arith.cmpi eq, %iota3A, %eq3A_897 : vector<16xi32>
    %jit3A_899 = arith.constant 0.000000e+00 : f32
    %broadcast_in_dim3A_900 = vector.broadcast %reduce_sum3A_889 : f32 to vector<16xf32>
    %broadcast_in_dim3A_901 = vector.broadcast %jit3A_899 : f32 to vector<16xf32>
    %select_n3A_902 = arith.select %eq3A_898, %broadcast_in_dim3A_900, %broadcast_in_dim3A_901 : vector<16xi1>, vector<16xf32>
    %broadcast_in_dim3A_903 = vector.broadcast %reduce_sum3A_885 : f32 to vector<16xf32>
    %select_n3A_904 = arith.select %eq3A_895, %broadcast_in_dim3A_903, %select_n3A_902 : vector<16xi1>, vector<16xf32>
    %broadcast_in_dim3A_905 = vector.broadcast %reduce_sum3A_881 : f32 to vector<16xf32>
    %select_n3A_906 = arith.select %eq3A_892, %broadcast_in_dim3A_905, %select_n3A_904 : vector<16xi1>, vector<16xf32>
    %swap3A_907 = arith.constant 0 : index
    %swap3A_908 = tpu.vector_load %arg13[%swap3A_907] {strides = array<i32>} : memref<16xf32, #tpu.memory_space<vmem>>, vector<16xf32>,
    tpu.vector_store %arg13[%swap3A_907], %select_n3A_906 {strides = array<i32>} : memref<16xf32, #tpu.memory_space<vmem>>, vector<16xf32>,
    "tpu.region"() ({
      %run_scoped3A = tpu.sem_alloc : memref<!tpu.dma_semaphore, #tpu.memory_space<semaphore_mem>>
      %dma_start3A = arith.constant 0 : i32
      %dma_start3A_909 = tpu.memref_slice %arg4[%add3A, %dma_start3A] : memref<32x16xf32, #tpu.memory_space<hbm>> -> memref<1x16xf32, #tpu.memory_space<hbm>>
      %dma_start3A_910 = tpu.memref_squeeze %dma_start3A_909 : memref<1x16xf32, #tpu.memory_space<hbm>> -> memref<16xf32, #tpu.memory_space<hbm>>
      %dma_start3A_911 = arith.constant 0 : i32
      %dma_start3A_912 = tpu.memref_slice %arg4[%add3A, %dma_start3A_911] : memref<32x16xf32, #tpu.memory_space<hbm>> -> memref<1x16xf32, #tpu.memory_space<hbm>>
      %dma_start3A_913 = tpu.memref_squeeze %dma_start3A_912 : memref<1x16xf32, #tpu.memory_space<hbm>> -> memref<16xf32, #tpu.memory_space<hbm>>
      tpu.enqueue_dma source(%arg13 : memref<16xf32, #tpu.memory_space<vmem>>) target(%dma_start3A_913 : memref<16xf32, #tpu.memory_space<hbm>>) target_semaphore(%run_scoped3A : memref<!tpu.dma_semaphore, #tpu.memory_space<semaphore_mem>>)
      %dma_wait3A = arith.constant 0 : i32
      %dma_wait3A_914 = tpu.memref_slice %arg4[%add3A, %dma_wait3A] : memref<32x16xf32, #tpu.memory_space<hbm>> -> memref<1x16xf32, #tpu.memory_space<hbm>>
      %dma_wait3A_915 = tpu.memref_squeeze %dma_wait3A_914 : memref<1x16xf32, #tpu.memory_space<hbm>> -> memref<16xf32, #tpu.memory_space<hbm>>
      %dma_wait3A_916 = arith.constant 0 : i32
      %dma_wait3A_917 = tpu.memref_slice %arg4[%add3A, %dma_wait3A_916] : memref<32x16xf32, #tpu.memory_space<hbm>> -> memref<1x16xf32, #tpu.memory_space<hbm>>
      %dma_wait3A_918 = tpu.memref_squeeze %dma_wait3A_917 : memref<1x16xf32, #tpu.memory_space<hbm>> -> memref<16xf32, #tpu.memory_space<hbm>>
      tpu.wait_dma2 semaphore(%run_scoped3A : memref<!tpu.dma_semaphore, #tpu.memory_space<semaphore_mem>>) src(%arg13 : memref<16xf32, #tpu.memory_space<vmem>>) dst(%dma_wait3A_918 : memref<16xf32, #tpu.memory_space<hbm>>)
      tpu.yield
    }) : () -> ()
    return
  }
}

module attributes {stable_mosaic.version = 14 : i64} {
  func.func @_tc_row_body(%arg0: i32, %arg1: memref<1x1x32768xi32, #tpu.memory_space<vmem>>, %arg2: memref<1x16x32768xf32, #tpu.memory_space<vmem>>, %arg3: memref<1x1x128xf32, #tpu.memory_space<vmem>>, %arg4: memref<64x32768xf32, #tpu.memory_space<vmem>>) attributes {dimension_semantics = [#tpu.dimension_semantics<arbitrary>], iteration_bounds = array<i64: 6>, scalar_prefetch = 0 : i64, scratch_operands = 1 : i64, tpu.core_type = #tpu.core_type<tc>, window_params = [{transform_indices = @transform_0, window_bounds = array<i64: 1, 1, 32768>}, {transform_indices = @transform_1, window_bounds = array<i64: 1, 16, 32768>}, {transform_indices = @transform_2, window_bounds = array<i64: 1, 1, 128>}]} {
    %iota3A = tpu.iota {dimensions = array<i32: 0>} : vector<64x8192xi32>
    %broadcast_in_dim3A = arith.constant 1.000000e+00 : f32
    %broadcast_in_dim3A_0 = vector.broadcast %broadcast_in_dim3A : f32 to vector<1x8192xf32>
    %broadcast_in_dim3A_1 = arith.constant 0.000000e+00 : f32
    %broadcast_in_dim3A_2 = vector.broadcast %broadcast_in_dim3A_1 : f32 to vector<16x64xf32>
    %broadcast_in_dim3A_3 = arith.constant 0.000000e+00 : f32
    %broadcast_in_dim3A_4 = vector.broadcast %broadcast_in_dim3A_3 : f32 to vector<1x64xf32>
    %get3A = arith.constant 0 : index
    %get3A_5 = arith.constant 0 : index
    %get3A_6 = arith.constant 0 : index
    %get3A_7 = vector.load %arg1[%get3A, %get3A_5, %get3A_6] : memref<1x1x32768xi32, #tpu.memory_space<vmem>>, vector<1x1x8192xi32>
    %get3A_8 = vector.shape_cast %get3A_7 : vector<1x1x8192xi32> to vector<1x8192xi32>
    %eq3A = vector.broadcast %get3A_8 : vector<1x8192xi32> to vector<64x8192xi32>
    %eq3A_9 = arith.cmpi eq, %eq3A, %iota3A : vector<64x8192xi32>
    %jit3A = arith.constant 1.000000e+00 : f32
    %jit3A_10 = arith.constant 0.000000e+00 : f32
    %broadcast_in_dim3A_11 = vector.broadcast %jit3A : f32 to vector<64x8192xf32>
    %broadcast_in_dim3A_12 = vector.broadcast %jit3A_10 : f32 to vector<64x8192xf32>
    %select_n3A = arith.select %eq3A_9, %broadcast_in_dim3A_11, %broadcast_in_dim3A_12 : vector<64x8192xi1>, vector<64x8192xf32>
    %swap3A = arith.constant 0 : index
    %swap3A_13 = arith.constant 0 : index
    %swap3A_14 = vector.load %arg4[%swap3A, %swap3A_13] : memref<64x32768xf32, #tpu.memory_space<vmem>>, vector<64x8192xf32>
    tpu.vector_store %arg4[%swap3A, %swap3A_13], %select_n3A {strides = array<i32>} : memref<64x32768xf32, #tpu.memory_space<vmem>>, vector<64x8192xf32>,
    %get3A_15 = arith.constant 0 : index
    %get3A_16 = arith.constant 0 : index
    %get3A_17 = arith.constant 0 : index
    %get3A_18 = vector.load %arg2[%get3A_15, %get3A_16, %get3A_17] : memref<1x16x32768xf32, #tpu.memory_space<vmem>>, vector<1x16x8192xf32>
    %get3A_19 = vector.shape_cast %get3A_18 : vector<1x16x8192xf32> to vector<16x8192xf32>
    %dot_general3A = arith.constant dense<0.000000e+00> : vector<16x64xf32>
    %dot_general3A_20 = tpu.matmul %get3A_19, %select_n3A, %dot_general3A {dimension_numbers = #tpu.dot_dimension_numbers<[1], [1], [0], [0], [0, 0, 1, 0], [], []>, transpose_lhs_hint = false} : vector<16x8192xf32>, vector<64x8192xf32>, vector<16x64xf32> -> vector<16x64xf32>
    %add3A = arith.addf %broadcast_in_dim3A_2, %dot_general3A_20 : vector<16x64xf32>
    %dot_general3A_21 = arith.constant dense<0.000000e+00> : vector<1x64xf32>
    %dot_general3A_22 = tpu.matmul %broadcast_in_dim3A_0, %select_n3A, %dot_general3A_21 {dimension_numbers = #tpu.dot_dimension_numbers<[1], [1], [0], [0], [0, 0, 1, 0], [], []>, transpose_lhs_hint = false} : vector<1x8192xf32>, vector<64x8192xf32>, vector<1x64xf32> -> vector<1x64xf32>
    %add3A_23 = arith.addf %broadcast_in_dim3A_4, %dot_general3A_22 : vector<1x64xf32>
    %get3A_24 = arith.constant 0 : index
    %get3A_25 = arith.constant 0 : index
    %get3A_26 = arith.constant 8192 : index
    %get3A_27 = vector.load %arg1[%get3A_24, %get3A_25, %get3A_26] : memref<1x1x32768xi32, #tpu.memory_space<vmem>>, vector<1x1x8192xi32>
    %get3A_28 = vector.shape_cast %get3A_27 : vector<1x1x8192xi32> to vector<1x8192xi32>
    %eq3A_29 = vector.broadcast %get3A_28 : vector<1x8192xi32> to vector<64x8192xi32>
    %eq3A_30 = arith.cmpi eq, %eq3A_29, %iota3A : vector<64x8192xi32>
    %jit3A_31 = arith.constant 1.000000e+00 : f32
    %jit3A_32 = arith.constant 0.000000e+00 : f32
    %broadcast_in_dim3A_33 = vector.broadcast %jit3A_31 : f32 to vector<64x8192xf32>
    %broadcast_in_dim3A_34 = vector.broadcast %jit3A_32 : f32 to vector<64x8192xf32>
    %select_n3A_35 = arith.select %eq3A_30, %broadcast_in_dim3A_33, %broadcast_in_dim3A_34 : vector<64x8192xi1>, vector<64x8192xf32>
    %swap3A_36 = arith.constant 0 : index
    %swap3A_37 = arith.constant 8192 : index
    %swap3A_38 = vector.load %arg4[%swap3A_36, %swap3A_37] : memref<64x32768xf32, #tpu.memory_space<vmem>>, vector<64x8192xf32>
    tpu.vector_store %arg4[%swap3A_36, %swap3A_37], %select_n3A_35 {strides = array<i32>} : memref<64x32768xf32, #tpu.memory_space<vmem>>, vector<64x8192xf32>,
    %get3A_39 = arith.constant 0 : index
    %get3A_40 = arith.constant 0 : index
    %get3A_41 = arith.constant 8192 : index
    %get3A_42 = vector.load %arg2[%get3A_39, %get3A_40, %get3A_41] : memref<1x16x32768xf32, #tpu.memory_space<vmem>>, vector<1x16x8192xf32>
    %get3A_43 = vector.shape_cast %get3A_42 : vector<1x16x8192xf32> to vector<16x8192xf32>
    %dot_general3A_44 = arith.constant dense<0.000000e+00> : vector<16x64xf32>
    %dot_general3A_45 = tpu.matmul %get3A_43, %select_n3A_35, %dot_general3A_44 {dimension_numbers = #tpu.dot_dimension_numbers<[1], [1], [0], [0], [0, 0, 1, 0], [], []>, transpose_lhs_hint = false} : vector<16x8192xf32>, vector<64x8192xf32>, vector<16x64xf32> -> vector<16x64xf32>
    %add3A_46 = arith.addf %add3A, %dot_general3A_45 : vector<16x64xf32>
    %dot_general3A_47 = arith.constant dense<0.000000e+00> : vector<1x64xf32>
    %dot_general3A_48 = tpu.matmul %broadcast_in_dim3A_0, %select_n3A_35, %dot_general3A_47 {dimension_numbers = #tpu.dot_dimension_numbers<[1], [1], [0], [0], [0, 0, 1, 0], [], []>, transpose_lhs_hint = false} : vector<1x8192xf32>, vector<64x8192xf32>, vector<1x64xf32> -> vector<1x64xf32>
    %add3A_49 = arith.addf %add3A_23, %dot_general3A_48 : vector<1x64xf32>
    %get3A_50 = arith.constant 0 : index
    %get3A_51 = arith.constant 0 : index
    %get3A_52 = arith.constant 16384 : index
    %get3A_53 = vector.load %arg1[%get3A_50, %get3A_51, %get3A_52] : memref<1x1x32768xi32, #tpu.memory_space<vmem>>, vector<1x1x8192xi32>
    %get3A_54 = vector.shape_cast %get3A_53 : vector<1x1x8192xi32> to vector<1x8192xi32>
    %eq3A_55 = vector.broadcast %get3A_54 : vector<1x8192xi32> to vector<64x8192xi32>
    %eq3A_56 = arith.cmpi eq, %eq3A_55, %iota3A : vector<64x8192xi32>
    %jit3A_57 = arith.constant 1.000000e+00 : f32
    %jit3A_58 = arith.constant 0.000000e+00 : f32
    %broadcast_in_dim3A_59 = vector.broadcast %jit3A_57 : f32 to vector<64x8192xf32>
    %broadcast_in_dim3A_60 = vector.broadcast %jit3A_58 : f32 to vector<64x8192xf32>
    %select_n3A_61 = arith.select %eq3A_56, %broadcast_in_dim3A_59, %broadcast_in_dim3A_60 : vector<64x8192xi1>, vector<64x8192xf32>
    %swap3A_62 = arith.constant 0 : index
    %swap3A_63 = arith.constant 16384 : index
    %swap3A_64 = vector.load %arg4[%swap3A_62, %swap3A_63] : memref<64x32768xf32, #tpu.memory_space<vmem>>, vector<64x8192xf32>
    tpu.vector_store %arg4[%swap3A_62, %swap3A_63], %select_n3A_61 {strides = array<i32>} : memref<64x32768xf32, #tpu.memory_space<vmem>>, vector<64x8192xf32>,
    %get3A_65 = arith.constant 0 : index
    %get3A_66 = arith.constant 0 : index
    %get3A_67 = arith.constant 16384 : index
    %get3A_68 = vector.load %arg2[%get3A_65, %get3A_66, %get3A_67] : memref<1x16x32768xf32, #tpu.memory_space<vmem>>, vector<1x16x8192xf32>
    %get3A_69 = vector.shape_cast %get3A_68 : vector<1x16x8192xf32> to vector<16x8192xf32>
    %dot_general3A_70 = arith.constant dense<0.000000e+00> : vector<16x64xf32>
    %dot_general3A_71 = tpu.matmul %get3A_69, %select_n3A_61, %dot_general3A_70 {dimension_numbers = #tpu.dot_dimension_numbers<[1], [1], [0], [0], [0, 0, 1, 0], [], []>, transpose_lhs_hint = false} : vector<16x8192xf32>, vector<64x8192xf32>, vector<16x64xf32> -> vector<16x64xf32>
    %add3A_72 = arith.addf %add3A_46, %dot_general3A_71 : vector<16x64xf32>
    %dot_general3A_73 = arith.constant dense<0.000000e+00> : vector<1x64xf32>
    %dot_general3A_74 = tpu.matmul %broadcast_in_dim3A_0, %select_n3A_61, %dot_general3A_73 {dimension_numbers = #tpu.dot_dimension_numbers<[1], [1], [0], [0], [0, 0, 1, 0], [], []>, transpose_lhs_hint = false} : vector<1x8192xf32>, vector<64x8192xf32>, vector<1x64xf32> -> vector<1x64xf32>
    %add3A_75 = arith.addf %add3A_49, %dot_general3A_74 : vector<1x64xf32>
    %get3A_76 = arith.constant 0 : index
    %get3A_77 = arith.constant 0 : index
    %get3A_78 = arith.constant 24576 : index
    %get3A_79 = vector.load %arg1[%get3A_76, %get3A_77, %get3A_78] : memref<1x1x32768xi32, #tpu.memory_space<vmem>>, vector<1x1x8192xi32>
    %get3A_80 = vector.shape_cast %get3A_79 : vector<1x1x8192xi32> to vector<1x8192xi32>
    %eq3A_81 = vector.broadcast %get3A_80 : vector<1x8192xi32> to vector<64x8192xi32>
    %eq3A_82 = arith.cmpi eq, %eq3A_81, %iota3A : vector<64x8192xi32>
    %jit3A_83 = arith.constant 1.000000e+00 : f32
    %jit3A_84 = arith.constant 0.000000e+00 : f32
    %broadcast_in_dim3A_85 = vector.broadcast %jit3A_83 : f32 to vector<64x8192xf32>
    %broadcast_in_dim3A_86 = vector.broadcast %jit3A_84 : f32 to vector<64x8192xf32>
    %select_n3A_87 = arith.select %eq3A_82, %broadcast_in_dim3A_85, %broadcast_in_dim3A_86 : vector<64x8192xi1>, vector<64x8192xf32>
    %swap3A_88 = arith.constant 0 : index
    %swap3A_89 = arith.constant 24576 : index
    %swap3A_90 = vector.load %arg4[%swap3A_88, %swap3A_89] : memref<64x32768xf32, #tpu.memory_space<vmem>>, vector<64x8192xf32>
    tpu.vector_store %arg4[%swap3A_88, %swap3A_89], %select_n3A_87 {strides = array<i32>} : memref<64x32768xf32, #tpu.memory_space<vmem>>, vector<64x8192xf32>,
    %get3A_91 = arith.constant 0 : index
    %get3A_92 = arith.constant 0 : index
    %get3A_93 = arith.constant 24576 : index
    %get3A_94 = vector.load %arg2[%get3A_91, %get3A_92, %get3A_93] : memref<1x16x32768xf32, #tpu.memory_space<vmem>>, vector<1x16x8192xf32>
    %get3A_95 = vector.shape_cast %get3A_94 : vector<1x16x8192xf32> to vector<16x8192xf32>
    %dot_general3A_96 = arith.constant dense<0.000000e+00> : vector<16x64xf32>
    %dot_general3A_97 = tpu.matmul %get3A_95, %select_n3A_87, %dot_general3A_96 {dimension_numbers = #tpu.dot_dimension_numbers<[1], [1], [0], [0], [0, 0, 1, 0], [], []>, transpose_lhs_hint = false} : vector<16x8192xf32>, vector<64x8192xf32>, vector<16x64xf32> -> vector<16x64xf32>
    %add3A_98 = arith.addf %add3A_72, %dot_general3A_97 : vector<16x64xf32>
    %dot_general3A_99 = arith.constant dense<0.000000e+00> : vector<1x64xf32>
    %dot_general3A_100 = tpu.matmul %broadcast_in_dim3A_0, %select_n3A_87, %dot_general3A_99 {dimension_numbers = #tpu.dot_dimension_numbers<[1], [1], [0], [0], [0, 0, 1, 0], [], []>, transpose_lhs_hint = false} : vector<1x8192xf32>, vector<64x8192xf32>, vector<1x64xf32> -> vector<1x64xf32>
    %add3A_101 = arith.addf %add3A_75, %dot_general3A_100 : vector<1x64xf32>
    %max3A = arith.constant 1.000000e+00 : f32
    %max3A_102 = vector.broadcast %max3A : f32 to vector<1x64xf32>
    %max3A_103 = arith.maximumf %add3A_101, %max3A_102 : vector<1x64xf32>
    %div3A = arith.constant 1.000000e+00 : f32
    %div3A_104 = vector.broadcast %div3A : f32 to vector<1x64xf32>
    %div3A_105 = arith.divf %div3A_104, %max3A_103 : vector<1x64xf32>
    %mul3A = vector.broadcast %div3A_105 : vector<1x64xf32> to vector<16x64xf32>
    %mul3A_106 = arith.mulf %add3A_98, %mul3A : vector<16x64xf32>
    %get3A_107 = arith.constant 0 : index
    %get3A_108 = arith.constant 0 : index
    %get3A_109 = vector.load %arg4[%get3A_107, %get3A_108] : memref<64x32768xf32, #tpu.memory_space<vmem>>, vector<64x8192xf32>
    %dot_general3A_110 = arith.constant dense<0.000000e+00> : vector<16x8192xf32>
    %dot_general3A_111 = tpu.matmul %mul3A_106, %get3A_109, %dot_general3A_110 {dimension_numbers = #tpu.dot_dimension_numbers<[1], [0], [0], [1], [0, 0, 1, 1], [], []>, transpose_lhs_hint = false} : vector<16x64xf32>, vector<64x8192xf32>, vector<16x8192xf32> -> vector<16x8192xf32>
    %dot_general3A_112 = arith.constant dense<0.000000e+00> : vector<1x8192xf32>
    %dot_general3A_113 = tpu.matmul %div3A_105, %get3A_109, %dot_general3A_112 {dimension_numbers = #tpu.dot_dimension_numbers<[1], [0], [0], [1], [0, 0, 1, 1], [], []>, transpose_lhs_hint = false} : vector<1x64xf32>, vector<64x8192xf32>, vector<1x8192xf32> -> vector<1x8192xf32>
    %get3A_114 = arith.constant 0 : index
    %get3A_115 = arith.constant 0 : index
    %get3A_116 = arith.constant 0 : index
    %get3A_117 = vector.load %arg2[%get3A_114, %get3A_115, %get3A_116] : memref<1x16x32768xf32, #tpu.memory_space<vmem>>, vector<1x16x8192xf32>
    %get3A_118 = vector.shape_cast %get3A_117 : vector<1x16x8192xf32> to vector<16x8192xf32>
    %sub3A = arith.subf %get3A_118, %dot_general3A_111 : vector<16x8192xf32>
    %mul3A_119 = arith.mulf %sub3A, %sub3A : vector<16x8192xf32>
    %reduce_sum3A = arith.constant dense<0.000000e+00> : vector<8192xf32>
    %reduce_sum3A_120 = vector.multi_reduction <add>, %mul3A_119, %reduce_sum3A [0] : vector<16x8192xf32> to vector<8192xf32>
    %add3A_121 = arith.constant 9.99999996E-13 : f32
    %add3A_122 = vector.broadcast %add3A_121 : f32 to vector<8192xf32>
    %add3A_123 = arith.addf %reduce_sum3A_120, %add3A_122 : vector<8192xf32>
    %sqrt3A = math.sqrt %add3A_123 : vector<8192xf32>
    %sub3A_124 = arith.constant 5.000000e-01 : f32
    %sub3A_125 = vector.broadcast %sub3A_124 : f32 to vector<8192xf32>
    %sub3A_126 = arith.subf %sqrt3A, %sub3A_125 : vector<8192xf32>
    %max3A_127 = arith.constant 0.000000e+00 : f32
    %max3A_128 = vector.broadcast %max3A_127 : f32 to vector<8192xf32>
    %max3A_129 = arith.maximumf %sub3A_126, %max3A_128 : vector<8192xf32>
    %mul3A_130 = arith.mulf %max3A_129, %max3A_129 : vector<8192xf32>
    %squeeze3A = vector.shape_cast %dot_general3A_113 : vector<1x8192xf32> to vector<8192xf32>
    %mul3A_131 = arith.mulf %mul3A_130, %squeeze3A : vector<8192xf32>
    %reduce_sum3A_132 = vector.shape_cast %mul3A_131 : vector<8192xf32> to vector<1x8192xf32>
    %reduce_sum3A_133 = arith.constant dense<0.000000e+00> : vector<1xf32>
    %reduce_sum3A_134 = vector.multi_reduction <add>, %reduce_sum3A_132, %reduce_sum3A_133 [1] : vector<1x8192xf32> to vector<1xf32>
    %reduce_sum3A_135 = vector.shape_cast %reduce_sum3A_134 : vector<1xf32> to vector<1x1xf32>
    %reduce_sum3A_136 = vector.extract %reduce_sum3A_135[0, 0] : f32 from vector<1x1xf32>
    %add3A_137 = arith.constant 0.000000e+00 : f32
    %add3A_138 = arith.addf %add3A_137, %reduce_sum3A_136 : f32
    %get3A_139 = arith.constant 0 : index
    %get3A_140 = arith.constant 8192 : index
    %get3A_141 = vector.load %arg4[%get3A_139, %get3A_140] : memref<64x32768xf32, #tpu.memory_space<vmem>>, vector<64x8192xf32>
    %dot_general3A_142 = arith.constant dense<0.000000e+00> : vector<16x8192xf32>
    %dot_general3A_143 = tpu.matmul %mul3A_106, %get3A_141, %dot_general3A_142 {dimension_numbers = #tpu.dot_dimension_numbers<[1], [0], [0], [1], [0, 0, 1, 1], [], []>, transpose_lhs_hint = false} : vector<16x64xf32>, vector<64x8192xf32>, vector<16x8192xf32> -> vector<16x8192xf32>
    %dot_general3A_144 = arith.constant dense<0.000000e+00> : vector<1x8192xf32>
    %dot_general3A_145 = tpu.matmul %div3A_105, %get3A_141, %dot_general3A_144 {dimension_numbers = #tpu.dot_dimension_numbers<[1], [0], [0], [1], [0, 0, 1, 1], [], []>, transpose_lhs_hint = false} : vector<1x64xf32>, vector<64x8192xf32>, vector<1x8192xf32> -> vector<1x8192xf32>
    %get3A_146 = arith.constant 0 : index
    %get3A_147 = arith.constant 0 : index
    %get3A_148 = arith.constant 8192 : index
    %get3A_149 = vector.load %arg2[%get3A_146, %get3A_147, %get3A_148] : memref<1x16x32768xf32, #tpu.memory_space<vmem>>, vector<1x16x8192xf32>
    %get3A_150 = vector.shape_cast %get3A_149 : vector<1x16x8192xf32> to vector<16x8192xf32>
    %sub3A_151 = arith.subf %get3A_150, %dot_general3A_143 : vector<16x8192xf32>
    %mul3A_152 = arith.mulf %sub3A_151, %sub3A_151 : vector<16x8192xf32>
    %reduce_sum3A_153 = arith.constant dense<0.000000e+00> : vector<8192xf32>
    %reduce_sum3A_154 = vector.multi_reduction <add>, %mul3A_152, %reduce_sum3A_153 [0] : vector<16x8192xf32> to vector<8192xf32>
    %add3A_155 = arith.constant 9.99999996E-13 : f32
    %add3A_156 = vector.broadcast %add3A_155 : f32 to vector<8192xf32>
    %add3A_157 = arith.addf %reduce_sum3A_154, %add3A_156 : vector<8192xf32>
    %sqrt3A_158 = math.sqrt %add3A_157 : vector<8192xf32>
    %sub3A_159 = arith.constant 5.000000e-01 : f32
    %sub3A_160 = vector.broadcast %sub3A_159 : f32 to vector<8192xf32>
    %sub3A_161 = arith.subf %sqrt3A_158, %sub3A_160 : vector<8192xf32>
    %max3A_162 = arith.constant 0.000000e+00 : f32
    %max3A_163 = vector.broadcast %max3A_162 : f32 to vector<8192xf32>
    %max3A_164 = arith.maximumf %sub3A_161, %max3A_163 : vector<8192xf32>
    %mul3A_165 = arith.mulf %max3A_164, %max3A_164 : vector<8192xf32>
    %squeeze3A_166 = vector.shape_cast %dot_general3A_145 : vector<1x8192xf32> to vector<8192xf32>
    %mul3A_167 = arith.mulf %mul3A_165, %squeeze3A_166 : vector<8192xf32>
    %reduce_sum3A_168 = vector.shape_cast %mul3A_167 : vector<8192xf32> to vector<1x8192xf32>
    %reduce_sum3A_169 = arith.constant dense<0.000000e+00> : vector<1xf32>
    %reduce_sum3A_170 = vector.multi_reduction <add>, %reduce_sum3A_168, %reduce_sum3A_169 [1] : vector<1x8192xf32> to vector<1xf32>
    %reduce_sum3A_171 = vector.shape_cast %reduce_sum3A_170 : vector<1xf32> to vector<1x1xf32>
    %reduce_sum3A_172 = vector.extract %reduce_sum3A_171[0, 0] : f32 from vector<1x1xf32>
    %add3A_173 = arith.addf %add3A_138, %reduce_sum3A_172 : f32
    %get3A_174 = arith.constant 0 : index
    %get3A_175 = arith.constant 16384 : index
    %get3A_176 = vector.load %arg4[%get3A_174, %get3A_175] : memref<64x32768xf32, #tpu.memory_space<vmem>>, vector<64x8192xf32>
    %dot_general3A_177 = arith.constant dense<0.000000e+00> : vector<16x8192xf32>
    %dot_general3A_178 = tpu.matmul %mul3A_106, %get3A_176, %dot_general3A_177 {dimension_numbers = #tpu.dot_dimension_numbers<[1], [0], [0], [1], [0, 0, 1, 1], [], []>, transpose_lhs_hint = false} : vector<16x64xf32>, vector<64x8192xf32>, vector<16x8192xf32> -> vector<16x8192xf32>
    %dot_general3A_179 = arith.constant dense<0.000000e+00> : vector<1x8192xf32>
    %dot_general3A_180 = tpu.matmul %div3A_105, %get3A_176, %dot_general3A_179 {dimension_numbers = #tpu.dot_dimension_numbers<[1], [0], [0], [1], [0, 0, 1, 1], [], []>, transpose_lhs_hint = false} : vector<1x64xf32>, vector<64x8192xf32>, vector<1x8192xf32> -> vector<1x8192xf32>
    %get3A_181 = arith.constant 0 : index
    %get3A_182 = arith.constant 0 : index
    %get3A_183 = arith.constant 16384 : index
    %get3A_184 = vector.load %arg2[%get3A_181, %get3A_182, %get3A_183] : memref<1x16x32768xf32, #tpu.memory_space<vmem>>, vector<1x16x8192xf32>
    %get3A_185 = vector.shape_cast %get3A_184 : vector<1x16x8192xf32> to vector<16x8192xf32>
    %sub3A_186 = arith.subf %get3A_185, %dot_general3A_178 : vector<16x8192xf32>
    %mul3A_187 = arith.mulf %sub3A_186, %sub3A_186 : vector<16x8192xf32>
    %reduce_sum3A_188 = arith.constant dense<0.000000e+00> : vector<8192xf32>
    %reduce_sum3A_189 = vector.multi_reduction <add>, %mul3A_187, %reduce_sum3A_188 [0] : vector<16x8192xf32> to vector<8192xf32>
    %add3A_190 = arith.constant 9.99999996E-13 : f32
    %add3A_191 = vector.broadcast %add3A_190 : f32 to vector<8192xf32>
    %add3A_192 = arith.addf %reduce_sum3A_189, %add3A_191 : vector<8192xf32>
    %sqrt3A_193 = math.sqrt %add3A_192 : vector<8192xf32>
    %sub3A_194 = arith.constant 5.000000e-01 : f32
    %sub3A_195 = vector.broadcast %sub3A_194 : f32 to vector<8192xf32>
    %sub3A_196 = arith.subf %sqrt3A_193, %sub3A_195 : vector<8192xf32>
    %max3A_197 = arith.constant 0.000000e+00 : f32
    %max3A_198 = vector.broadcast %max3A_197 : f32 to vector<8192xf32>
    %max3A_199 = arith.maximumf %sub3A_196, %max3A_198 : vector<8192xf32>
    %mul3A_200 = arith.mulf %max3A_199, %max3A_199 : vector<8192xf32>
    %squeeze3A_201 = vector.shape_cast %dot_general3A_180 : vector<1x8192xf32> to vector<8192xf32>
    %mul3A_202 = arith.mulf %mul3A_200, %squeeze3A_201 : vector<8192xf32>
    %reduce_sum3A_203 = vector.shape_cast %mul3A_202 : vector<8192xf32> to vector<1x8192xf32>
    %reduce_sum3A_204 = arith.constant dense<0.000000e+00> : vector<1xf32>
    %reduce_sum3A_205 = vector.multi_reduction <add>, %reduce_sum3A_203, %reduce_sum3A_204 [1] : vector<1x8192xf32> to vector<1xf32>
    %reduce_sum3A_206 = vector.shape_cast %reduce_sum3A_205 : vector<1xf32> to vector<1x1xf32>
    %reduce_sum3A_207 = vector.extract %reduce_sum3A_206[0, 0] : f32 from vector<1x1xf32>
    %add3A_208 = arith.addf %add3A_173, %reduce_sum3A_207 : f32
    %get3A_209 = arith.constant 0 : index
    %get3A_210 = arith.constant 24576 : index
    %get3A_211 = vector.load %arg4[%get3A_209, %get3A_210] : memref<64x32768xf32, #tpu.memory_space<vmem>>, vector<64x8192xf32>
    %dot_general3A_212 = arith.constant dense<0.000000e+00> : vector<16x8192xf32>
    %dot_general3A_213 = tpu.matmul %mul3A_106, %get3A_211, %dot_general3A_212 {dimension_numbers = #tpu.dot_dimension_numbers<[1], [0], [0], [1], [0, 0, 1, 1], [], []>, transpose_lhs_hint = false} : vector<16x64xf32>, vector<64x8192xf32>, vector<16x8192xf32> -> vector<16x8192xf32>
    %dot_general3A_214 = arith.constant dense<0.000000e+00> : vector<1x8192xf32>
    %dot_general3A_215 = tpu.matmul %div3A_105, %get3A_211, %dot_general3A_214 {dimension_numbers = #tpu.dot_dimension_numbers<[1], [0], [0], [1], [0, 0, 1, 1], [], []>, transpose_lhs_hint = false} : vector<1x64xf32>, vector<64x8192xf32>, vector<1x8192xf32> -> vector<1x8192xf32>
    %get3A_216 = arith.constant 0 : index
    %get3A_217 = arith.constant 0 : index
    %get3A_218 = arith.constant 24576 : index
    %get3A_219 = vector.load %arg2[%get3A_216, %get3A_217, %get3A_218] : memref<1x16x32768xf32, #tpu.memory_space<vmem>>, vector<1x16x8192xf32>
    %get3A_220 = vector.shape_cast %get3A_219 : vector<1x16x8192xf32> to vector<16x8192xf32>
    %sub3A_221 = arith.subf %get3A_220, %dot_general3A_213 : vector<16x8192xf32>
    %mul3A_222 = arith.mulf %sub3A_221, %sub3A_221 : vector<16x8192xf32>
    %reduce_sum3A_223 = arith.constant dense<0.000000e+00> : vector<8192xf32>
    %reduce_sum3A_224 = vector.multi_reduction <add>, %mul3A_222, %reduce_sum3A_223 [0] : vector<16x8192xf32> to vector<8192xf32>
    %add3A_225 = arith.constant 9.99999996E-13 : f32
    %add3A_226 = vector.broadcast %add3A_225 : f32 to vector<8192xf32>
    %add3A_227 = arith.addf %reduce_sum3A_224, %add3A_226 : vector<8192xf32>
    %sqrt3A_228 = math.sqrt %add3A_227 : vector<8192xf32>
    %sub3A_229 = arith.constant 5.000000e-01 : f32
    %sub3A_230 = vector.broadcast %sub3A_229 : f32 to vector<8192xf32>
    %sub3A_231 = arith.subf %sqrt3A_228, %sub3A_230 : vector<8192xf32>
    %max3A_232 = arith.constant 0.000000e+00 : f32
    %max3A_233 = vector.broadcast %max3A_232 : f32 to vector<8192xf32>
    %max3A_234 = arith.maximumf %sub3A_231, %max3A_233 : vector<8192xf32>
    %mul3A_235 = arith.mulf %max3A_234, %max3A_234 : vector<8192xf32>
    %squeeze3A_236 = vector.shape_cast %dot_general3A_215 : vector<1x8192xf32> to vector<8192xf32>
    %mul3A_237 = arith.mulf %mul3A_235, %squeeze3A_236 : vector<8192xf32>
    %reduce_sum3A_238 = vector.shape_cast %mul3A_237 : vector<8192xf32> to vector<1x8192xf32>
    %reduce_sum3A_239 = arith.constant dense<0.000000e+00> : vector<1xf32>
    %reduce_sum3A_240 = vector.multi_reduction <add>, %reduce_sum3A_238, %reduce_sum3A_239 [1] : vector<1x8192xf32> to vector<1xf32>
    %reduce_sum3A_241 = vector.shape_cast %reduce_sum3A_240 : vector<1xf32> to vector<1x1xf32>
    %reduce_sum3A_242 = vector.extract %reduce_sum3A_241[0, 0] : f32 from vector<1x1xf32>
    %add3A_243 = arith.addf %add3A_208, %reduce_sum3A_242 : f32
    %div3A_244 = arith.constant 6.400000e+01 : f32
    %div3A_245 = arith.divf %add3A_243, %div3A_244 : f32
    %broadcast_in_dim3A_246 = vector.shape_cast %mul3A_106 : vector<16x64xf32> to vector<16x64x1xf32>
    %broadcast_in_dim3A_247 = vector.shape_cast %mul3A_106 : vector<16x64xf32> to vector<16x1x64xf32>
    %sub3A_248 = vector.broadcast %broadcast_in_dim3A_246 : vector<16x64x1xf32> to vector<16x64x64xf32>
    %sub3A_249 = vector.broadcast %broadcast_in_dim3A_247 : vector<16x1x64xf32> to vector<16x64x64xf32>
    %sub3A_250 = arith.subf %sub3A_248, %sub3A_249 : vector<16x64x64xf32>
    %mul3A_251 = arith.mulf %sub3A_250, %sub3A_250 : vector<16x64x64xf32>
    %reduce_sum3A_252 = arith.constant dense<0.000000e+00> : vector<64x64xf32>
    %reduce_sum3A_253 = vector.multi_reduction <add>, %mul3A_251, %reduce_sum3A_252 [0] : vector<16x64x64xf32> to vector<64x64xf32>
    %iota3A_254 = tpu.iota {dimensions = array<i32: 0>} : vector<64x64xi32>
    %iota3A_255 = tpu.iota {dimensions = array<i32: 1>} : vector<64x64xi32>
    %ne3A = arith.cmpi ne, %iota3A_254, %iota3A_255 : vector<64x64xi32>
    %jit3A_256 = arith.constant 1.000000e+00 : f32
    %broadcast_in_dim3A_257 = vector.broadcast %jit3A_256 : f32 to vector<64x64xf32>
    %select_n3A_258 = arith.select %ne3A, %reduce_sum3A_253, %broadcast_in_dim3A_257 : vector<64x64xi1>, vector<64x64xf32>
    %sqrt3A_259 = math.sqrt %select_n3A_258 : vector<64x64xf32>
    %sub3A_260 = arith.constant 3.000000e+00 : f32
    %sub3A_261 = vector.broadcast %sub3A_260 : f32 to vector<64x64xf32>
    %sub3A_262 = arith.subf %sub3A_261, %sqrt3A_259 : vector<64x64xf32>
    %max3A_263 = arith.constant 0.000000e+00 : f32
    %max3A_264 = vector.broadcast %max3A_263 : f32 to vector<64x64xf32>
    %max3A_265 = arith.maximumf %sub3A_262, %max3A_264 : vector<64x64xf32>
    %mul3A_266 = arith.mulf %max3A_265, %max3A_265 : vector<64x64xf32>
    %jit3A_267 = arith.constant 0.000000e+00 : f32
    %broadcast_in_dim3A_268 = vector.broadcast %jit3A_267 : f32 to vector<64x64xf32>
    %select_n3A_269 = arith.select %ne3A, %mul3A_266, %broadcast_in_dim3A_268 : vector<64x64xi1>, vector<64x64xf32>
    %reduce_sum3A_270 = vector.shape_cast %select_n3A_269 : vector<64x64xf32> to vector<1x64x64xf32>
    %reduce_sum3A_271 = arith.constant dense<0.000000e+00> : vector<1xf32>
    %reduce_sum3A_272 = vector.multi_reduction <add>, %reduce_sum3A_270, %reduce_sum3A_271 [1, 2] : vector<1x64x64xf32> to vector<1xf32>
    %reduce_sum3A_273 = vector.shape_cast %reduce_sum3A_272 : vector<1xf32> to vector<1x1x1xf32>
    %reduce_sum3A_274 = vector.extract %reduce_sum3A_273[0, 0, 0] : f32 from vector<1x1x1xf32>
    %div3A_275 = arith.constant 4.032000e+03 : f32
    %div3A_276 = arith.divf %reduce_sum3A_274, %div3A_275 : f32
    %mul3A_277 = arith.mulf %mul3A_106, %mul3A_106 : vector<16x64xf32>
    %reduce_sum3A_278 = arith.constant dense<0.000000e+00> : vector<64xf32>
    %reduce_sum3A_279 = vector.multi_reduction <add>, %mul3A_277, %reduce_sum3A_278 [0] : vector<16x64xf32> to vector<64xf32>
    %add3A_280 = arith.constant 9.99999996E-13 : f32
    %add3A_281 = vector.broadcast %add3A_280 : f32 to vector<64xf32>
    %add3A_282 = arith.addf %reduce_sum3A_279, %add3A_281 : vector<64xf32>
    %sqrt3A_283 = math.sqrt %add3A_282 : vector<64xf32>
    %reduce_sum3A_284 = vector.shape_cast %sqrt3A_283 : vector<64xf32> to vector<1x64xf32>
    %reduce_sum3A_285 = arith.constant dense<0.000000e+00> : vector<1xf32>
    %reduce_sum3A_286 = vector.multi_reduction <add>, %reduce_sum3A_284, %reduce_sum3A_285 [1] : vector<1x64xf32> to vector<1xf32>
    %reduce_sum3A_287 = vector.shape_cast %reduce_sum3A_286 : vector<1xf32> to vector<1x1xf32>
    %reduce_sum3A_288 = vector.extract %reduce_sum3A_287[0, 0] : f32 from vector<1x1xf32>
    %div3A_289 = arith.constant 6.400000e+01 : f32
    %div3A_290 = arith.divf %reduce_sum3A_288, %div3A_289 : f32
    %iota3A_291 = tpu.iota {dimensions = array<i32: 1>} : vector<1x128xi32>
    %eq3A_292 = arith.constant 0 : i32
    %eq3A_293 = vector.broadcast %eq3A_292 : i32 to vector<1x128xi32>
    %eq3A_294 = arith.cmpi eq, %iota3A_291, %eq3A_293 : vector<1x128xi32>
    %eq3A_295 = arith.constant 1 : i32
    %eq3A_296 = vector.broadcast %eq3A_295 : i32 to vector<1x128xi32>
    %eq3A_297 = arith.cmpi eq, %iota3A_291, %eq3A_296 : vector<1x128xi32>
    %eq3A_298 = arith.constant 2 : i32
    %eq3A_299 = vector.broadcast %eq3A_298 : i32 to vector<1x128xi32>
    %eq3A_300 = arith.cmpi eq, %iota3A_291, %eq3A_299 : vector<1x128xi32>
    %jit3A_301 = arith.constant 0.000000e+00 : f32
    %broadcast_in_dim3A_302 = vector.broadcast %div3A_290 : f32 to vector<1x128xf32>
    %broadcast_in_dim3A_303 = vector.broadcast %jit3A_301 : f32 to vector<1x128xf32>
    %select_n3A_304 = arith.select %eq3A_300, %broadcast_in_dim3A_302, %broadcast_in_dim3A_303 : vector<1x128xi1>, vector<1x128xf32>
    %broadcast_in_dim3A_305 = vector.broadcast %div3A_276 : f32 to vector<1x128xf32>
    %select_n3A_306 = arith.select %eq3A_297, %broadcast_in_dim3A_305, %select_n3A_304 : vector<1x128xi1>, vector<1x128xf32>
    %broadcast_in_dim3A_307 = vector.broadcast %div3A_245 : f32 to vector<1x128xf32>
    %select_n3A_308 = arith.select %eq3A_294, %broadcast_in_dim3A_307, %select_n3A_306 : vector<1x128xi1>, vector<1x128xf32>
    %swap3A_309 = arith.constant 0 : index
    %swap3A_310 = arith.constant 0 : index
    %swap3A_311 = arith.constant 0 : index
    %swap3A_312 = vector.load %arg3[%swap3A_309, %swap3A_310, %swap3A_311] : memref<1x1x128xf32, #tpu.memory_space<vmem>>, vector<1x1x128xf32>
    %swap3A_313 = vector.shape_cast %swap3A_312 : vector<1x1x128xf32> to vector<1x128xf32>
    %swap3A_314 = vector.shape_cast %select_n3A_308 : vector<1x128xf32> to vector<1x1x128xf32>
    tpu.vector_store %arg3[%swap3A_309, %swap3A_310, %swap3A_311], %swap3A_314 {strides = array<i32>} : memref<1x1x128xf32, #tpu.memory_space<vmem>>, vector<1x1x128xf32>,
    return
  }
  func.func @transform_0(%arg0: i32) -> (i32, i32, i32) {
    %c0_i32 = arith.constant 0 : i32
    %c0_i32_0 = arith.constant 0 : i32
    %c0_i32_1 = arith.constant 0 : i32
    return %arg0, %c0_i32, %c0_i32_0 : i32, i32, i32
  }
  func.func @transform_1(%arg0: i32) -> (i32, i32, i32) {
    %c0_i32 = arith.constant 0 : i32
    %c0_i32_0 = arith.constant 0 : i32
    %c0_i32_1 = arith.constant 0 : i32
    return %arg0, %c0_i32, %c0_i32_0 : i32, i32, i32
  }
  func.func @transform_2(%arg0: i32) -> (i32, i32, i32) {
    %c0_i32 = arith.constant 0 : i32
    %c0_i32_0 = arith.constant 0 : i32
    %c0_i32_1 = arith.constant 0 : i32
    return %arg0, %c0_i32, %c0_i32_0 : i32, i32, i32
  }
}

</mosaic_0001>

<sc_bundles>
// kernel: kernel.4.cloned.1.call-start
scs
__scs_entry_jumppad:
0x0: {  	(pc) =	sbr.rel $0x88, $3  }
0x1: {  	(tag) =	ssettag $0x0;
	lr =	simm.s32 $0x1  }
0x2: {  	[smem:$0x3F9F] =	sst lr;
	_ =	strace $0xD0000000  }
0x3: {  	_ = 	snop  }
0x4: {  	_ = 	snop  }
0x5: {  	_ = 	snop  }
0x6: {  	_ = 	snop  }
0x7: {  	_ = 	snop  }
__scs_overlays_trampoline_lowered:
0x8: {  	[smem:$0x3FAE] =	sst s0  }
0x9: {  	[smem:$0x3FAF] =	sst s1  }
0xa: {  	[smem:$0x3FB0] =	sst s2  }
0xb: {  	[smem:$0x3FB1] =	sst s3  }
0xc: {  	[smem:$0x3FB2] =	sst s4  }
0xd: {  	[smem:$0x3FB3] =	sst s5  }
0xe: {  	[smem:$0x3FB4] =	sst s6  }
0xf: {  	[smem:$0x3FB5] =	sst s7  }
0x10: {  	[smem:$0x3FB6] =	sst s8  }
0x11: {  	[smem:$0x3FB7] =	sst s9;
	s0 =	simm.s32 @!p0 $0x0  }
0x12: {  	s1 =	sld [smem:$0x3F9D];
	s0 =	simm.s32 @p0 $0x1  }
0x13: {  	[smem:$0x3FB8] =	sst s0;
	s0 =	simm.s32 @!p1 $0x0  }
0x14: {  	s2 =	sld [smem:$0x3F9C];
	s0 =	simm.s32 @p1 $0x1  }
0x15: {  	[smem:$0x3FB9] =	sst s0;
	s0 =	simm.s32 @!p2 $0x0  }
0x16: {  	s3 =	sld [smem:$0x3FDB];
	s0 =	simm.s32 @p2 $0x1  }
0x17: {  	s4 =	simm.s32 $0x1BF5;
	[smem:$0x3FBB] =	sst s0  }
0x18: {  	s0 =	sld [smem:$0x3F9E];
	_ =	swait.ge [sflag:s4], $0x0  }
0x19: {  	s7 =	sld [smem:$0x3F9F]  }
0x1a: {  	s8 =	sadd.s32 $0xFFFFE003, lr  }
0x1b: {  	s9 =	sadd.s32 $0xFFFFFEF7, lr;
	s5 =	simm.s32 $0xFFFFFFFF;
	p2 =	slt.u32 s8, $0xFFFFF086  }
0x1c: {  	p1 =	slt.u32 s9, $0xF7A;
	s5 =	simm.s32 @!p2 $0x0  }
0x1d: {  	s5 =	simm.s32 @p1 $0x1;
	p0 =	seq.s32 s7, s2  }
0x1e: {  	s7 =	smul.u32 @!p0 $0xF7A, s2;
	p2 =	seq.s32 @!p0 s5, $0x0  }
0x1f: {  	s9 =	smul.u32 $0xF7A, s1;
	s8 =	simm.s32 @!p0 $0x1BF5;
	p2 =	por !p2, p0  }
0x20: {  	[sflag:s8] =	ssyncset.s32 @!p0 $0xFFFFF086;
	s6 =	sadd.s32 @!p0 s3, s7;
	s7 =	simm.s32 @!p0 $0x108  }
0x21: {  	s3 =	sadd.s32 s3, s9;
	s6 =	sadd.s32 @!p0 $0x88, s6;
	s7 =	simm.s32 @p2 $0x1082  }
0x22: {  	[simem:s7], [sflag:s8] =	dma.local @!p0 [hbm:s6], $0xF7A  }
0x23: {  	s9 =	sor.u32 $0xD0000000, s2;
	s6 =	simm.s32 $0x108;
	_ =	swait.ge @!p0 [sflag:s8], $0x0  }
0x24: {  	s3 =	sadd.s32 $0x88, s3;
	s6 =	simm.s32 @!p1 $0x1082;
	[sflag:s4] =	ssyncset.s32 $0xFFFFF086  }
0x25: {  	[simem:s6], [sflag:s4] =	dma.local [hbm:s3], $0xF7A  }
0x26: {  	[smem:$0x3F9F] =	sst s1;
	(tag) =	ssettag s2;
	_ =	strace s9  }
0x27: {  	s1 =	sld [smem:$0x3FAF]  }
0x28: {  	s2 =	sld [smem:$0x3FB0]  }
0x29: {  	s4 =	sld [smem:$0x3FB2]  }
0x2a: {  	p0 =	seq.s32 s5, $0x0;
	s5 =	sld [smem:$0x3FB3]  }
0x2b: {  	s6 =	sld [smem:$0x3FB4]  }
0x2c: {  	s7 =	sld [smem:$0x3FB5]  }
0x2d: {  	s3 =	simm.s32 $0x108;
	s8 =	sld [smem:$0x3FB6]  }
0x2e: {  	s3 =	simm.s32 @!p0 $0x1082;
	s9 =	sld [smem:$0x3FB7]  }
0x2f: {  	lr =	sadd.s32 s0, s3;
	s0 =	sld [smem:$0x3FAE]  }
0x30: {  	s3 =	sld [smem:$0x3FB1]  }
0x31: {  	[smem:$0x3FBA] =	sst s10  }
0x32: {  	s10 =	sld [smem:$0x3FB8];
	_ =	sdelay $0x3  }
0x33: {  	p0 =	seq.s32 s10, $0x1;
	s10 =	sld [smem:$0x3FBA];
	_ =	sdelay $0x3  }
0x34: {  	[smem:$0x3FBA] =	sst s10  }
0x35: {  	s10 =	sld [smem:$0x3FB9];
	_ =	sdelay $0x3  }
0x36: {  	p1 =	seq.s32 s10, $0x1;
	s10 =	sld [smem:$0x3FBA];
	_ =	sdelay $0x3  }
0x37: {  	[smem:$0x3FBA] =	sst s10  }
0x38: {  	s10 =	sld [smem:$0x3FBB]  }
0x39: {  	_ = 	snop;
	(pc) =	sbr.ind lr, $3  }
0x3a: {  	_ = 	snop  }
0x3b: {  	_ = 	snop  }
0x3c: {  	p2 =	seq.s32 s10, $0x1;
	s10 =	sld [smem:$0x3FBA]  }
0x3d: {  	_ =	shalt  }
0x3e: {  	_ =	shalt  }
0x3f: {  	_ =	shalt  }
0x40: {  	_ =	shalt  }
0x41: {  	_ =	shalt  }
0x42: {  	_ =	shalt  }
0x43: {  	_ =	shalt  }
0x44: {  	_ =	shalt  }
0x45: {  	_ =	shalt  }
0x46: {  	_ =	shalt  }
0x47: {  	_ =	shalt  }
0x48: {  	_ =	shalt  }
0x49: {  	_ =	shalt  }
0x4a: {  	_ =	shalt  }
0x4b: {  	_ =	shalt  }
0x4c: {  	_ =	shalt  }
0x4d: {  	_ =	shalt  }
0x4e: {  	_ =	shalt  }
0x4f: {  	_ =	shalt  }
0x50: {  	_ =	shalt  }
0x51: {  	_ =	shalt  }
0x52: {  	_ =	shalt  }
0x53: {  	_ =	shalt  }
0x54: {  	_ =	shalt  }
0x55: {  	_ =	shalt  }
0x56: {  	_ =	shalt  }
0x57: {  	_ =	shalt  }
0x58: {  	_ =	shalt  }
0x59: {  	_ =	shalt  }
0x5a: {  	_ =	shalt  }
0x5b: {  	_ =	shalt  }
0x5c: {  	_ =	shalt  }
0x5d: {  	_ =	shalt  }
0x5e: {  	_ =	shalt  }
0x5f: {  	_ =	shalt  }
0x60: {  	_ =	shalt  }
0x61: {  	_ =	shalt  }
0x62: {  	_ =	shalt  }
0x63: {  	_ =	shalt  }
0x64: {  	_ =	shalt  }
0x65: {  	_ =	shalt  }
0x66: {  	_ =	shalt  }
0x67: {  	_ =	shalt  }
0x68: {  	_ =	shalt  }
0x69: {  	_ =	shalt  }
0x6a: {  	_ =	shalt  }
0x6b: {  	_ =	shalt  }
0x6c: {  	_ =	shalt  }
0x6d: {  	_ =	shalt  }
0x6e: {  	_ =	shalt  }
0x6f: {  	_ =	shalt  }
0x70: {  	_ =	shalt  }
0x71: {  	_ =	shalt  }
0x72: {  	_ =	shalt  }
0x73: {  	_ =	shalt  }
0x74: {  	_ =	shalt  }
0x75: {  	_ =	shalt  }
0x76: {  	_ =	shalt  }
0x77: {  	_ =	shalt  }
0x78: {  	_ =	shalt  }
0x79: {  	_ =	shalt  }
0x7a: {  	_ =	shalt  }
0x7b: {  	_ =	shalt  }
0x7c: {  	_ =	shalt  }
0x7d: {  	_ =	shalt  }
0x7e: {  	_ =	shalt  }
0x7f: {  	_ =	shalt  }
0x80: {  	_ =	shalt  }
0x81: {  	_ =	shalt  }
0x82: {  	_ =	shalt  }
0x83: {  	_ =	shalt  }
0x84: {  	_ =	shalt  }
0x85: {  	_ =	shalt  }
0x86: {  	_ =	shalt  }
0x87: {  	_ =	shalt  }
.Lfunc_end0:
.L_simem_size_0:
called_computation_lowered:
.L_overlay_start_0:
0x88: {  	s2 =	sld [smem:$0x3FD9]  }
0x89: {  	s3 =	sld [smem:$0x3FFE];
	_ =	sdelay $0x1  }
0x8a: {  	s1 =	srdreg.scid  }
0x8b: {  	s0 =	sand.u32 $0x1, s1  }
0x8c: {  	s16 =	sshll.u32 s0, $0xA;
	s2 =	sadd.s32 s3, s2  }
0x8d: {  	s2 =	sadd.s32 s2, s16  }
0x8e: {  	[smem:$0x3FC6] =	sst s2  }
0x8f: {  	_ = 	snop  }
0x90: {  	(tm) =	ssettm $0x1  }
0x91: {  	s17 =	sld [smem:$0x3FFB];
	_ =	sdelay $0x3  }
0x92: {  	_ =	strace s17  }
0x93: {  	s2 =	sld [smem:$0x3FFC];
	_ =	sdelay $0x3  }
0x94: {  	_ =	strace s2  }
0x95: {  	s2 =	sld [smem:$0x3FFD];
	_ =	sdelay $0x3  }
0x96: {  	_ =	strace s2  }
0x97: {  	_ =	strace $0x8FFFFFFF  }
0x98: {  	s18 =	sld [smem:$0x3FDB];
	_ =	sdelay $0x1  }
0x99: {  	s19 =	simm.s32 $_scs_section_size  }
0x9a: {  	s4 =	simm.s32 $_size__tile_overlayer_lowered;
	s5 =	simm.s32 $_tile_overlayer_lowered  }
0x9b: {  	s22 =	simm.s32 $0x1BFF;
	s21 =	sshll.u32 s5, $0x1;
	s2 =	sadd.s32 s19, s18  }
0x9c: {  	s6 =	simm.s32 $0x0;
	s20 =	sshll.u32 s4, $0x1;
	s4 =	sadd.s32 s21, s2  }
0x9d: {  	[timem:s6], [sflag:s22] =	dma.local [hbm:s4], s20  }
0x9e: {  	_ =	swait.ge [sflag:s22], s20  }
0x9f: {  	s3 =	ssub.s32 $0x0, s20;
	[sflag:s22] =	ssyncset.done $0x0  }
0xa0: {  	[sflag:s22] =	ssyncadd.s32 s3;
	_ =	sdelay $0x1  }
0xa1: {  	s23 =	simm.s32 $0x1B8B  }
0xa2: {  	_ =	swait.ge [sflag:s23], $0x1  }
0xa3: {  	[sflag:s23] =	ssyncset.done $0x0  }
0xa4: {  	s25 =	simm.s32 $0x1B8E;
	s24 =	sld [smem:$0x3FFE];
	[sflag:s23] =	ssyncadd.s32 $0xFFFFFFFF  }
0xa5: {  	s26 =	simm.s32 $execute0_lowered;
	[smem:$0x3FD2] =	sst s25  }
0xa6: {  	s4 =	sshll.u32 s26, $0x1;
	_ =	strace $0x80000046;
	[dreg:$0x1] =	wrdreg $0xFFFFFFFF  }
0xa7: {  	s28 =	simm.s32 $_size_execute0_lowered;
	s2 =	sadd.s32 s2, s4;
	[dreg:$0x0] =	wrdreg $0x0  }
0xa8: {  	s4 =	sshll.u32 s28, $0x1;
	[dreg:$0x2] =	wrdreg s2  }
0xa9: {  	[dreg:$0x3] =	wrdreg s4  }
0xaa: {  	[dreg:$0x4] =	wrdreg $0xC0  }
0xab: {  	_ =	task [dreg:s6], $0x5FFFF  }
0xac: {  	[dreg:$0x1] =	wrdreg $0xFFFFFFFF  }
0xad: {  	[dreg:$0x0] =	wrdreg $0x60  }
0xae: {  	[dreg:$0x2] =	wrdreg s24  }
0xaf: {  	[dreg:$0x3] =	wrdreg $0xA8900  }
0xb0: {  	[dreg:$0x4] =	wrdreg $0xB0900  }
0xb1: {  	[dreg:$0x5] =	wrdreg $0x9  }
0xb2: {  	_ =	task.clear_ibuf [dreg:s6], $0x6FFFF;
	_ =	strace $0x90000046  }
0xb3: {  	s29 =	simm.s32 $0x9;
	_ =	strace $0x80000048  }
0xb4: {  	_ =	swait.ge [sflag:s29], $0x1  }
0xb5: {  	[sflag:s29] =	ssyncadd.s32 $0xFFFFFFFF  }
0xb6: {  	_ =	strace $0x90000048  }
0xb7: {  	_ =	sfence  }
0xb8: {  	s30 =	sld [smem:$0x0];
	_ =	sdelay $0x2  }
0xb9: {  	s31 =	sshll.u32 s1, $0xD;
	s1 =	sshrl.u32 s1, $0x2  }
0xba: {  	s3 =	sand.u32 $0x4000, s31;
	s1 =	sadd.s32 s1, s30  }
0xbb: {  	s0 =	sor.u32 s3, s0;
	s1 =	sshll.u32 s1, $0x11  }
0xbc: {  	s0 =	sor.u32 s1, s0  }
0xbd: {  	s0 =	sadd.s32 $0x8F2B, s0  }
0xbe: {  	[sflag:s0] =	ssyncadd.remote.s32 $0x1  }
0xbf: {  	_ =	sfence.sel $0xFFFF  }
0xc0: {  	[dreg:$0x0] =	wrdreg $0xFFFFFFFF;
	(pc) =	sbr.abs _section_cstart, $3  }
0xc1: {  	[dreg:$0x1] =	wrdreg $0xFFFFFFFF  }
0xc2: {  	_ =	task.clear_ibuf [dreg:s6], $0x2FFFF;
	_ =	strace $0x9FFFFFFF  }
0xc3: {  	(tm) =	ssettm $0x7FFFFFFF  }
tec
execute0_lowered:
.L_overlay_start_1:
0x0: {  	(tag) =	ssettag $0x1  }
0x1: {  	s0 =	rddreg [dreg:$0x0]  }
0x2: {  	s1 =	rddreg [dreg:$0x1]  }
0x3: {  	s8 =	rddreg [dreg:$0x2]  }
0x4: {  	s2 =	srdreg.scid;
	s3 =	simm.s32 $0x0;
	s10 =	stileid.u32  }
0x5: {  	s13 =	simm.s32 $0x1;
	s20 =	simm.s32 $0x9000;
	s21 =	simm.s32 $0xA880  }
0x6: {  	s22 =	simm.s32 $0x0;
	s2 =	sand.u32 $0x1, s2;
	[smem:$0x7FF] =	sst s3  }
0x7: {  	s6 =	sshll.u32 s10, $0xB;
	s5 =	sshll.u32 s10, $0x1;
	s30 =	sshll.u32 s10, $0x7  }
0x8: {  	s9 =	sshll.u32 s10, $0x2;
	s10 =	sshll.u32 s10, $0x6;
	s28 =	sshll.u32 s2, $0xF  }
0x9: {  	v0 =	vimm.f32 $0.0e+00;
	vm0 =	vmmov $0x1;
	_ =	strace $0x80000047;
	s7 =	ssub.s32 $0x2, s2;
	s11 =	sadd.s32 s5, s0  }
0xa: {  	vm1 =	vmmov $0x3;
	vm2 =	vmmov $0x7;
	vm3 =	vmmov $0xf;
	s8 =	sadd.s32 s30, s8;
	s31 =	sshll.u32 s2, $0x5;
	s3 =	sor.u32 s6, s28  }
0xb: {  	vm4 =	vmmov $0x1f;
	vm5 =	vmmov $0x3f;
	vm6 =	vmmov $0x7f;
	s29 =	sshrl.u32 s7, $0x1;
	s6 =	sadd.s32 s6, s1;
	s4 =	sshll.u32 s3, $0x1  }
0xc: {  	vm7 =	vmmov $0xff;
	vm8 =	vmmov $0x1ff;
	vm9 =	vmmov $0x3ff;
	s12 =	ssub.s32 s7, s29;
	s3 =	sshrl.u32 s3, $0x3;
	s7 =	sadd.s32 s30, s1  }
0xd: {  	vm10 =	vmmov $0x7ff;
	vm11 =	vmmov $0xfff;
	vm12 =	vmmov $0x1fff;
	s4 =	sadd.s32 s4, s0;
	s5 =	sadd.s32 s0, s3;
	s0 =	sadd.s32 s31, s11  }
0xe: {  	vm13 =	vmmov $0x3fff;
	vm14 =	vmmov $0x7fff;
	v1 =	vlaneseq.u32;
	s12 =	smax.u32 s12, $0x1;
	s4 =	sadd.s32 $0x100000, s4;
	s11 =	sadd.s32 $0x2000, s0  }
.LBB2_1:
0xf: {  	s0 =	simm.s32 $0x40;
	s1 =	simm.s32 $0x0  }
.LBB2_2:
0x10: {  	p0 =	sne.s32 s0, $0x1FC0;
	[tilespmem:s1+$0x8800] =	vst v0;
	s1 =	smov.u32 s0;
	s0 =	sadd.s32 $0x40, s0  }
.Ltmp0:
0x11: {  	(pc) =	sbr.rel @p0 .LBB2_2-.Ltmp0, $2  }
0x12: {  	_ =	sdelay $0x2  }
0x13: {  	s1 =	sshra.s32 s1, $0x2  }
0x14: {  	[tilespmem:s1+$0x8800] =	vst v0;
	s23 =	simm.s32 $0x0  }
0x15: {  	[tilespmem:s23], [sflag:$0x1] =	stream.linear.gather [hbm4b:s4+s23], $0x8000, $0x38;
	[tilespmem:$0xB110] =	vst v63  }
0x16: {  	_ =	swait.ge [sflag:s13], $0x8000  }
0x17: {  	[sflag:s13] =	ssyncset.done $0x0  }
0x18: {  	s0 =	simm.s32 $0x8000;
	[sflag:s13] =	ssyncadd.s32 $0xFFFF8000  }
0x19: {  	[tilespmem:s0], [sflag:$0x1] =	stream.linear.gather [hbm4b:s5+s23], $0x800, $0x38;
	[tilespmem:$0xB110] =	vst v63  }
0x1a: {  	_ =	swait.ge [sflag:s13], $0x800  }
0x1b: {  	[sflag:s13] =	ssyncset.done $0x0  }
0x1c: {  	[sflag:s13] =	ssyncadd.s32 $0xFFFFF800  }
0x1d: {  	v2 =	vld [tilespmem:$0x8000];
	_ =	sdelay $0x4  }
0x1e: {  	(v2sf) =	vpush v2, $0x0;
	_ =	sdelay $0xa  }
.Ltmp1:
0x1f: {  	_ = 	snop;
	(pc) =	sbr.rel .LBB2_4-.Ltmp1, $2  }
0x20: {  	_ =	sdelay $0x2  }
0x21: {  	s24 =	simm.s32 $0x80;
	v3 =	vimm.f32 $0.0e+00;
	v2 =	vimm.f32 $0.0e+00;
	s0 =	spop (v2sf)  }
.LBB2_6:
0x22: {  	s0 =	sshll.u32 s0, $0x6  }
0x23: {  	s0 =	sshra.s32 s0, $0x2  }
0x24: {  	v5 =	vld [tilespmem:s0+$0x8800]  }
0x25: {  	v4 =	vshll.u32 v4, $0x6;
	v6 =	vld [tilespmem:s0+$0x8C00]  }
0x26: {  	v4 =	vshra.s32 v4, $0x2  }
0x27: {  	(v2sf) =	vpush v4, $0x1;
	_ =	sdelay $0x1  }
0x28: {  	v3 =	vadd.f32 v5, v3  }
0x29: {  	v2 =	vadd.f32 v6, v2  }
0x2a: {  	s1 =	sshll.u32 s1, $0x6;
	[tilespmem:s0+$0x8800] =	vst v3  }
0x2b: {  	s29 =	sshra.s32 s1, $0x2;
	[tilespmem:s0+$0x8C00] =	vst v2  }
0x2c: {  	v2 =	vld [tilespmem:s29+$0x8800]  }
0x2d: {  	v3 =	vld [tilespmem:s24+$0xFFFFFF80]  }
0x2e: {  	v5 =	vld [tilespmem:s29+$0x8C00];
	_ =	sdelay $0x1  }
0x2f: {  	(v2sf) =	vpush v4, $0x2;
	_ =	sdelay $0x1  }
0x30: {  	v2 =	vadd.f32 v3, v2  }
0x31: {  	v3 =	vadd.f32 $1.000000000e+00, v5  }
0x32: {  	[tilespmem:s29+$0x8800] =	vst v2  }
0x33: {  	[tilespmem:s29+$0x8C00] =	vst v3;
	s30 =	spop (v2sf)  }
0x34: {  	v2 =	vld [tilespmem:s30+$0x8800]  }
0x35: {  	v3 =	vld [tilespmem:s24+$0xFFFFFF90]  }
0x36: {  	v5 =	vld [tilespmem:s30+$0x8C00];
	_ =	sdelay $0x1  }
0x37: {  	(v2sf) =	vpush v4, $0x3;
	_ =	sdelay $0x1  }
0x38: {  	v2 =	vadd.f32 v3, v2  }
0x39: {  	v3 =	vadd.f32 $1.000000000e+00, v5  }
0x3a: {  	[tilespmem:s30+$0x8800] =	vst v2  }
0x3b: {  	s31 =	spop (v2sf);
	[tilespmem:s30+$0x8C00] =	vst v3  }
0x3c: {  	v2 =	vld [tilespmem:s31+$0x8800]  }
0x3d: {  	v3 =	vld [tilespmem:s24+$0xFFFFFFA0]  }
0x3e: {  	v5 =	vld [tilespmem:s31+$0x8C00];
	_ =	sdelay $0x1  }
0x3f: {  	(v2sf) =	vpush v4, $0x4;
	_ =	sdelay $0x1  }
0x40: {  	v2 =	vadd.f32 v3, v2  }
0x41: {  	v3 =	vadd.f32 $1.000000000e+00, v5  }
0x42: {  	[tilespmem:s31+$0x8800] =	vst v2  }
0x43: {  	s1 =	spop (v2sf);
	[tilespmem:s31+$0x8C00] =	vst v3  }
0x44: {  	v2 =	vld [tilespmem:s1+$0x8800]  }
0x45: {  	v3 =	vld [tilespmem:s24+$0xFFFFFFB0]  }
0x46: {  	v5 =	vld [tilespmem:s1+$0x8C00];
	_ =	sdelay $0x1  }
0x47: {  	(v2sf) =	vpush v4, $0x5;
	_ =	sdelay $0x1  }
0x48: {  	v2 =	vadd.f32 v3, v2  }
0x49: {  	v3 =	vadd.f32 $1.000000000e+00, v5  }
0x4a: {  	[tilespmem:s1+$0x8800] =	vst v2  }
0x4b: {  	s2 =	spop (v2sf);
	[tilespmem:s1+$0x8C00] =	vst v3  }
0x4c: {  	v2 =	vld [tilespmem:s2+$0x8800]  }
0x4d: {  	v3 =	vld [tilespmem:s24+$0xFFFFFFC0]  }
0x4e: {  	v5 =	vld [tilespmem:s2+$0x8C00];
	_ =	sdelay $0x1  }
0x4f: {  	(v2sf) =	vpush v4, $0x6;
	_ =	sdelay $0x1  }
0x50: {  	v2 =	vadd.f32 v3, v2  }
0x51: {  	v3 =	vadd.f32 $1.000000000e+00, v5  }
0x52: {  	[tilespmem:s2+$0x8800] =	vst v2  }
0x53: {  	s3 =	spop (v2sf);
	[tilespmem:s2+$0x8C00] =	vst v3  }
0x54: {  	v2 =	vld [tilespmem:s3+$0x8800]  }
0x55: {  	v3 =	vld [tilespmem:s24+$0xFFFFFFD0]  }
0x56: {  	v5 =	vld [tilespmem:s3+$0x8C00];
	_ =	sdelay $0x1  }
0x57: {  	(v2sf) =	vpush v4, $0x7;
	_ =	sdelay $0x1  }
0x58: {  	v2 =	vadd.f32 v3, v2  }
0x59: {  	v3 =	vadd.f32 $1.000000000e+00, v5  }
0x5a: {  	[tilespmem:s3+$0x8800] =	vst v2  }
0x5b: {  	s14 =	spop (v2sf);
	[tilespmem:s3+$0x8C00] =	vst v3  }
0x5c: {  	v2 =	vld [tilespmem:s14+$0x8800]  }
0x5d: {  	v3 =	vld [tilespmem:s24+$0xFFFFFFE0]  }
0x5e: {  	v5 =	vld [tilespmem:s14+$0x8C00];
	_ =	sdelay $0x1  }
0x5f: {  	(v2sf) =	vpush v4, $0x8;
	_ =	sdelay $0x1  }
0x60: {  	v2 =	vadd.f32 v3, v2  }
0x61: {  	v3 =	vadd.f32 $1.000000000e+00, v5  }
0x62: {  	[tilespmem:s14+$0x8800] =	vst v2  }
0x63: {  	s15 =	spop (v2sf);
	[tilespmem:s14+$0x8C00] =	vst v3  }
0x64: {  	v2 =	vld [tilespmem:s15+$0x8800]  }
0x65: {  	v3 =	vld [tilespmem:s24+$0xFFFFFFF0]  }
0x66: {  	v5 =	vld [tilespmem:s15+$0x8C00];
	_ =	sdelay $0x1  }
0x67: {  	(v2sf) =	vpush v4, $0x9;
	_ =	sdelay $0x1  }
0x68: {  	v2 =	vadd.f32 v3, v2  }
0x69: {  	v3 =	vadd.f32 $1.000000000e+00, v5  }
0x6a: {  	[tilespmem:s15+$0x8800] =	vst v2  }
0x6b: {  	s16 =	spop (v2sf);
	[tilespmem:s15+$0x8C00] =	vst v3  }
0x6c: {  	v2 =	vld [tilespmem:s16+$0x8800]  }
0x6d: {  	v3 =	vld [tilespmem:s24+$0x0]  }
0x6e: {  	v5 =	vld [tilespmem:s16+$0x8C00];
	_ =	sdelay $0x1  }
0x6f: {  	(v2sf) =	vpush v4, $0xA;
	_ =	sdelay $0x1  }
0x70: {  	v2 =	vadd.f32 v3, v2  }
0x71: {  	v3 =	vadd.f32 $1.000000000e+00, v5  }
0x72: {  	[tilespmem:s16+$0x8800] =	vst v2  }
0x73: {  	s17 =	spop (v2sf);
	[tilespmem:s16+$0x8C00] =	vst v3  }
0x74: {  	v2 =	vld [tilespmem:s17+$0x8800]  }
0x75: {  	v3 =	vld [tilespmem:s24+$0x10]  }
0x76: {  	v5 =	vld [tilespmem:s17+$0x8C00];
	_ =	sdelay $0x1  }
0x77: {  	(v2sf) =	vpush v4, $0xB;
	_ =	sdelay $0x1  }
0x78: {  	v2 =	vadd.f32 v3, v2  }
0x79: {  	v3 =	vadd.f32 $1.000000000e+00, v5  }
0x7a: {  	[tilespmem:s17+$0x8800] =	vst v2  }
0x7b: {  	s18 =	spop (v2sf);
	[tilespmem:s17+$0x8C00] =	vst v3  }
0x7c: {  	v2 =	vld [tilespmem:s18+$0x8800]  }
0x7d: {  	v3 =	vld [tilespmem:s24+$0x20]  }
0x7e: {  	v5 =	vld [tilespmem:s18+$0x8C00];
	_ =	sdelay $0x1  }
0x7f: {  	(v2sf) =	vpush v4, $0xC;
	_ =	sdelay $0x1  }
0x80: {  	v2 =	vadd.f32 v3, v2  }
0x81: {  	v3 =	vadd.f32 $1.000000000e+00, v5  }
0x82: {  	[tilespmem:s18+$0x8800] =	vst v2  }
0x83: {  	s19 =	spop (v2sf);
	[tilespmem:s18+$0x8C00] =	vst v3  }
0x84: {  	v2 =	vld [tilespmem:s19+$0x8800]  }
0x85: {  	v3 =	vld [tilespmem:s24+$0x30]  }
0x86: {  	v5 =	vld [tilespmem:s19+$0x8C00];
	_ =	sdelay $0x1  }
0x87: {  	(v2sf) =	vpush v4, $0xD;
	_ =	sdelay $0x1  }
0x88: {  	v2 =	vadd.f32 v3, v2  }
0x89: {  	v3 =	vadd.f32 $1.000000000e+00, v5  }
0x8a: {  	[tilespmem:s19+$0x8800] =	vst v2  }
0x8b: {  	s26 =	spop (v2sf);
	[tilespmem:s19+$0x8C00] =	vst v3  }
0x8c: {  	v2 =	vld [tilespmem:s26+$0x8800]  }
0x8d: {  	v3 =	vld [tilespmem:s24+$0x40]  }
0x8e: {  	v5 =	vld [tilespmem:s26+$0x8C00];
	_ =	sdelay $0x1  }
0x8f: {  	(v2sf) =	vpush v4, $0xE;
	_ =	sdelay $0x1  }
0x90: {  	v2 =	vadd.f32 v3, v2  }
0x91: {  	v3 =	vadd.f32 $1.000000000e+00, v5  }
0x92: {  	[tilespmem:s26+$0x8800] =	vst v2  }
0x93: {  	s28 =	spop (v2sf);
	[tilespmem:s26+$0x8C00] =	vst v3  }
0x94: {  	v2 =	vld [tilespmem:s28+$0x8800]  }
0x95: {  	v3 =	vld [tilespmem:s24+$0x50]  }
0x96: {  	v4 =	vld [tilespmem:s28+$0x8C00];
	_ =	sdelay $0x3  }
0x97: {  	v2 =	vadd.f32 v3, v2  }
0x98: {  	v3 =	vadd.f32 $1.000000000e+00, v4  }
0x99: {  	[tilespmem:s28+$0x8800] =	vst v2  }
0x9a: {  	s29 =	spop (v2sf);
	[tilespmem:s28+$0x8C00] =	vst v3  }
0x9b: {  	v2 =	vld [tilespmem:s29+$0x8800]  }
0x9c: {  	v3 =	vld [tilespmem:s24+$0x60]  }
0x9d: {  	v4 =	vld [tilespmem:s29+$0x8C00];
	_ =	sdelay $0x3  }
0x9e: {  	v2 =	vadd.f32 v3, v2  }
0x9f: {  	v3 =	vadd.f32 $1.000000000e+00, v4  }
0xa0: {  	s30 =	sshll.u32 s25, $0x6;
	[tilespmem:s29+$0x8800] =	vst v2  }
0xa1: {  	s31 =	sshra.s32 s30, $0x2;
	[tilespmem:s29+$0x8C00] =	vst v3  }
0xa2: {  	v2 =	vld [tilespmem:s31+$0x8800]  }
0xa3: {  	v3 =	vld [tilespmem:s24+$0x70]  }
0xa4: {  	v4 =	vld [tilespmem:s31+$0x8C00];
	_ =	sdelay $0x3  }
0xa5: {  	v2 =	vadd.f32 v3, v2  }
0xa6: {  	v3 =	vadd.f32 $1.000000000e+00, v4  }
0xa7: {  	[tilespmem:s31+$0x8800] =	vst v2  }
0xa8: {  	[tilespmem:s31+$0x8C00] =	vst v3;
	v3 =	vimm.f32 $0.0e+00;
	v2 =	vimm.f32 $0.0e+00  }
.LBB2_7:
0xa9: {  	s23 =	sadd.s32 $0x40, s23  }
0xaa: {  	p0 =	sne.s32 s23, $0x2000  }
.Ltmp2:
0xab: {  	_ = 	snop;
	(pc) =	sbr.rel @!p0 .LBB2_8-.Ltmp2, $2  }
0xac: {  	_ =	sdelay $0x2  }
0xad: {  	s24 =	sadd.s32 $0x100, s24;
	s0 =	smov.u32 s25  }
.LBB2_4:
0xae: {  	s1 =	sshra.s32 s23, $0x2  }
0xaf: {  	v4 =	vld [tilespmem:s1+$0x8000];
	_ =	sdelay $0x4  }
0xb0: {  	(v2sf) =	vpush v4, $0x0  }
0xb1: {  	(v2sf) =	vpush v4, $0xF;
	_ =	sdelay $0xd  }
0xb2: {  	s1 =	spop (v2sf)  }
0xb3: {  	p0 =	sne.s32 s1, s0;
	s25 =	spop (v2sf)  }
0xb4: {  	p1 =	sne.s32 @!p0 s25, s0  }
0xb5: {  	p0 =	por p0, p1  }
.Ltmp3:
0xb6: {  	_ = 	snop;
	(pc) =	sbr.rel @p0 .LBB2_6-.Ltmp3, $1  }
0xb7: {  	_ =	sdelay $0x3  }
0xb8: {  	v4 =	vld [tilespmem:s24+$0xFFFFFF80]  }
0xb9: {  	v5 =	vld [tilespmem:s24+$0xFFFFFF90]  }
0xba: {  	v6 =	vld [tilespmem:s24+$0xFFFFFFA0]  }
0xbb: {  	v7 =	vld [tilespmem:s24+$0xFFFFFFB0]  }
0xbc: {  	v8 =	vld [tilespmem:s24+$0xFFFFFFC0]  }
0xbd: {  	v9 =	vld [tilespmem:s24+$0xFFFFFFD0]  }
0xbe: {  	v10 =	vld [tilespmem:s24+$0xFFFFFFE0]  }
0xbf: {  	v11 =	vld [tilespmem:s24+$0xFFFFFFF0]  }
0xc0: {  	v12 =	vld [tilespmem:s24+$0x0]  }
0xc1: {  	v13 =	vld [tilespmem:s24+$0x10]  }
0xc2: {  	v14 =	vld [tilespmem:s24+$0x20]  }
0xc3: {  	v15 =	vld [tilespmem:s24+$0x30]  }
0xc4: {  	v16 =	vld [tilespmem:s24+$0x40]  }
0xc5: {  	v17 =	vld [tilespmem:s24+$0x50]  }
0xc6: {  	v18 =	vld [tilespmem:s24+$0x60]  }
0xc7: {  	v19 =	vld [tilespmem:s24+$0x70];
	_ =	sdelay $0x1  }
0xc8: {  	v4 =	vadd.f32 v5, v4;
	v5 =	vadd.f32 v7, v6  }
0xc9: {  	v56 =	vadd.f32 v9, v8;
	v57 =	vadd.f32 v11, v10  }
0xca: {  	v58 =	vadd.f32 v13, v12;
	v59 =	vadd.f32 v15, v14  }
0xcb: {  	v60 =	vadd.f32 v17, v16;
	v61 =	vadd.f32 v19, v18  }
0xcc: {  	v4 =	vadd.f32 v5, v4;
	v5 =	vadd.f32 v57, v56  }
0xcd: {  	v62 =	vadd.f32 v59, v58;
	v63 =	vadd.f32 v61, v60;
	_ =	sdelay $0x1  }
.Ltmp4:
0xce: {  	v4 =	vadd.f32 v5, v4;
	v5 =	vadd.f32 v63, v62;
	(pc) =	sbr.rel .LBB2_7-.Ltmp4, $3  }
0xcf: {  	_ = 	snop  }
0xd0: {  	v4 =	vadd.f32 v5, v4;
	_ =	sdelay $0x1  }
0xd1: {  	v2 =	vadd.f32 $1.600000000e+01, v2;
	v3 =	vadd.f32 v4, v3  }
.LBB2_8:
0xd2: {  	s0 =	sshll.u32 s25, $0x6  }
0xd3: {  	s0 =	sshra.s32 s0, $0x2  }
0xd4: {  	v4 =	vld [tilespmem:s0+$0x8800]  }
0xd5: {  	v5 =	vld [tilespmem:s0+$0x8C00];
	_ =	sdelay $0x3  }
0xd6: {  	v3 =	vadd.f32 v4, v3  }
0xd7: {  	v2 =	vadd.f32 v5, v2  }
0xd8: {  	[tilespmem:s0+$0x8800] =	vst v3  }
0xd9: {  	s28 =	simm.s32 $0x8800;
	[tilespmem:s0+$0x8C00] =	vst v2  }
0xda: {  	[spmem:s6] =	stream.linear.scatter [tilespmem:s28], [sflag:$0x1], $0x800, $0x38;
	[tilespmem:$0xB110] =	vst v63  }
0xdb: {  	_ =	swait.ge [sflag:s13], $0x800  }
0xdc: {  	[sflag:s13] =	ssyncset.done $0x0  }
0xdd: {  	s29 =	simm.s32 $0x80;
	[sflag:s13] =	ssyncadd.s32 $0xFFFFF800  }
0xde: {  	s1 =	simm.s32 $0x800;
	s2 =	simm.s32 $0xA000;
	[bflag:$0x0] =	sbarrier.arrive $0xFFFF  }
0xdf: {  	[tilespmem:s2], [sflag:$0x1] =	stream.strided.gather [spmem:s7], $0x800, s1, s29, $0x38;
	[tilespmem:$0xB110] =	vst v63  }
0xe0: {  	_ =	swait.ge [sflag:s13], $0x800  }
0xe1: {  	[sflag:s13] =	ssyncset.done $0x0  }
0xe2: {  	[sflag:s13] =	ssyncadd.s32 $0xFFFFF800  }
0xe3: {  	v2 =	vld [tilespmem:$0xA000]  }
0xe4: {  	v3 =	vld [tilespmem:$0xA080]  }
0xe5: {  	v4 =	vld [tilespmem:$0xA100]  }
0xe6: {  	v5 =	vld [tilespmem:$0xA180]  }
0xe7: {  	v11 =	vld [tilespmem:$0xA200]  }
0xe8: {  	v12 =	vld [tilespmem:$0xA280]  }
0xe9: {  	v13 =	vld [tilespmem:$0xA300]  }
0xea: {  	v15 =	vld [tilespmem:$0xA380]  }
0xeb: {  	v18 =	vld [tilespmem:$0xA400]  }
0xec: {  	v20 =	vld [tilespmem:$0xA480]  }
0xed: {  	v33 =	vld [tilespmem:$0xA500]  }
0xee: {  	v6 =	vld [tilespmem:$0xA580]  }
0xef: {  	v44 =	vld [tilespmem:$0xA600]  }
0xf0: {  	v45 =	vld [tilespmem:$0xA680]  }
0xf1: {  	v46 =	vld [tilespmem:$0xA700]  }
0xf2: {  	v47 =	vld [tilespmem:$0xA780]  }
0xf3: {  	v7 =	vld [tilespmem:$0xA010]  }
0xf4: {  	v9 =	vld [tilespmem:$0xA090]  }
0xf5: {  	v21 =	vld [tilespmem:$0xA110]  }
0xf6: {  	v22 =	vld [tilespmem:$0xA190]  }
0xf7: {  	v23 =	vld [tilespmem:$0xA210]  }
0xf8: {  	v24 =	vld [tilespmem:$0xA290]  }
0xf9: {  	v25 =	vld [tilespmem:$0xA310]  }
0xfa: {  	v26 =	vld [tilespmem:$0xA390]  }
0xfb: {  	v27 =	vld [tilespmem:$0xA410]  }
0xfc: {  	v28 =	vld [tilespmem:$0xA490]  }
0xfd: {  	v29 =	vld [tilespmem:$0xA510]  }
0xfe: {  	v30 =	vld [tilespmem:$0xA590]  }
0xff: {  	v32 =	vld [tilespmem:$0xA610]  }
0x100: {  	v48 =	vld [tilespmem:$0xA690]  }
0x101: {  	v49 =	vld [tilespmem:$0xA710]  }
0x102: {  	v50 =	vld [tilespmem:$0xA790]  }
0x103: {  	v10 =	vld [tilespmem:$0xA020]  }
0x104: {  	v35 =	vld [tilespmem:$0xA0A0]  }
0x105: {  	v36 =	vld [tilespmem:$0xA120]  }
0x106: {  	v37 =	vld [tilespmem:$0xA1A0]  }
0x107: {  	v38 =	vld [tilespmem:$0xA220]  }
0x108: {  	v39 =	vld [tilespmem:$0xA2A0]  }
0x109: {  	v40 =	vld [tilespmem:$0xA320]  }
0x10a: {  	v41 =	vld [tilespmem:$0xA3A0]  }
0x10b: {  	v42 =	vld [tilespmem:$0xA420]  }
0x10c: {  	v43 =	vld [tilespmem:$0xA4A0]  }
0x10d: {  	v51 =	vld [tilespmem:$0xA0B0]  }
0x10e: {  	v52 =	vld [tilespmem:$0xA130]  }
0x10f: {  	v53 =	vld [tilespmem:$0xA1B0]  }
0x110: {  	v54 =	vld [tilespmem:$0xA230]  }
0x111: {  	v55 =	vld [tilespmem:$0xA2B0]  }
0x112: {  	v56 =	vld [tilespmem:$0xA330]  }
0x113: {  	v57 =	vld [tilespmem:$0xA3B0]  }
0x114: {  	v58 =	vld [tilespmem:$0xA430]  }
0x115: {  	v59 =	vld [tilespmem:$0xA4B0]  }
0x116: {  	v60 =	vld [tilespmem:$0xA530]  }
0x117: {  	v61 =	vld [tilespmem:$0xA5B0]  }
0x118: {  	v62 =	vld [tilespmem:$0xA630]  }
0x119: {  	v63 =	vld [tilespmem:$0xA6B0]  }
0x11a: {  	v16 =	vld [tilespmem:$0xA7B0]  }
0x11b: {  	v14 =	vld [tilespmem:$0xA040]  }
0x11c: {  	v8 =	vld [tilespmem:$0xA0C0]  }
0x11d: {  	v17 =	vld [tilespmem:$0xA140]  }
0x11e: {  	v19 =	vld [tilespmem:$0xA1C0]  }
0x11f: {  	v31 =	vld [tilespmem:$0xA240]  }
0x120: {  	v34 =	vld [tilespmem:$0xA2C0]  }
0x121: {  	[tilespmem:$0x1FF70] =	vst v44;
	v44 =	vld [tilespmem:$0xA520]  }
0x122: {  	[tilespmem:$0x1FF80] =	vst v45;
	v45 =	vld [tilespmem:$0xA5A0]  }
0x123: {  	[tilespmem:$0x1FFA0] =	vst v46;
	v46 =	vld [tilespmem:$0xA620]  }
0x124: {  	[tilespmem:$0x1FFC0] =	vst v47;
	v47 =	vld [tilespmem:$0xA6A0]  }
0x125: {  	[tilespmem:$0x1FF90] =	vst v48;
	v48 =	vld [tilespmem:$0xA720]  }
0x126: {  	[tilespmem:$0x1FFB0] =	vst v49;
	v49 =	vld [tilespmem:$0xA7A0]  }
0x127: {  	[tilespmem:$0x1FFD0] =	vst v50;
	v50 =	vld [tilespmem:$0xA030]  }
0x128: {  	[tilespmem:$0x1FF60] =	vst v6;
	v6 =	vld [tilespmem:$0xA730]  }
0x129: {  	[tilespmem:$0x1FFE0] =	vst v34;
	v34 =	vld [tilespmem:$0xA340]  }
0x12a: {  	v2 =	vadd.f32 v3, v2;
	v3 =	vld [tilespmem:$0xA3C0]  }
0x12b: {  	v7 =	vadd.f32 v9, v7;
	v9 =	vld [tilespmem:$0xA440]  }
0x12c: {  	v2 =	vadd.f32 v4, v2;
	v4 =	vadd.f32 v35, v10;
	v10 =	vld [tilespmem:$0xA4C0]  }
0x12d: {  	v35 =	vadd.f32 v21, v7;
	v21 =	vld [tilespmem:$0xA540]  }
0x12e: {  	v7 =	vld [tilespmem:$0xA5C0]  }
0x12f: {  	v2 =	vadd.f32 v5, v2;
	v5 =	vld [tilespmem:$0xA640]  }
0x130: {  	v4 =	vadd.f32 v36, v4;
	v22 =	vadd.f32 v22, v35;
	v35 =	vld [tilespmem:$0xA0D0]  }
0x131: {  	[tilespmem:$0x1FFF0] =	vst v34;
	v34 =	vld [tilespmem:$0xA060]  }
0x132: {  	v36 =	vadd.f32 v37, v4;
	v4 =	vld [tilespmem:$0xA6C0]  }
0x133: {  	v50 =	vadd.f32 v51, v50;
	v2 =	vadd.f32 v11, v2;
	v11 =	vld [tilespmem:$0xA740]  }
0x134: {  	v37 =	vld [tilespmem:$0xA6D0]  }
0x135: {  	v22 =	vadd.f32 v23, v22;
	v51 =	vadd.f32 v52, v50;
	v50 =	vld [tilespmem:$0xA070]  }
0x136: {  	v12 =	vadd.f32 v12, v2;
	v2 =	vld [tilespmem:$0xA7C0]  }
0x137: {  	v22 =	vadd.f32 v24, v22;
	v24 =	vld [tilespmem:$0xA050]  }
0x138: {  	v52 =	vadd.f32 v53, v51;
	v53 =	vadd.f32 v38, v36;
	v36 =	vld [tilespmem:$0xA5D0]  }
0x139: {  	v51 =	vld [tilespmem:$0x1FFC0]  }
0x13a: {  	v22 =	vadd.f32 v25, v22;
	v25 =	vld [tilespmem:$0xA150]  }
0x13b: {  	v12 =	vadd.f32 v13, v12;
	v23 =	vadd.f32 v54, v52;
	v52 =	vld [tilespmem:$0xA0F0]  }
0x13c: {  	v54 =	vadd.f32 v39, v53;
	v53 =	vld [tilespmem:$0x1FFD0]  }
0x13d: {  	v12 =	vadd.f32 v15, v12;
	v15 =	vld [tilespmem:$0xA1D0]  }
0x13e: {  	v8 =	vadd.f32 v8, v14;
	v22 =	vadd.f32 v26, v22;
	v26 =	vld [tilespmem:$0xA250]  }
0x13f: {  	v13 =	vadd.f32 v40, v54;
	v54 =	vld [tilespmem:$0xA160]  }
0x140: {  	v8 =	vadd.f32 v17, v8;
	v23 =	vadd.f32 v55, v23;
	v55 =	vld [tilespmem:$0xA170]  }
0x141: {  	v40 =	vld [tilespmem:$0x1FFE0]  }
0x142: {  	v8 =	vadd.f32 v19, v8;
	v12 =	vadd.f32 v18, v12;
	v18 =	vld [tilespmem:$0xA2D0]  }
0x143: {  	v22 =	vadd.f32 v27, v22;
	v27 =	vld [tilespmem:$0xA350];
	v23 =	vadd.f32 v56, v23  }
0x144: {  	v13 =	vadd.f32 v41, v13;
	v56 =	vadd.f32 v35, v24;
	v35 =	vld [tilespmem:$0xA360]  }
0x145: {  	v41 =	vld [tilespmem:$0xA370];
	v22 =	vadd.f32 v28, v22;
	v23 =	vadd.f32 v57, v23  }
0x146: {  	v12 =	vadd.f32 v20, v12;
	v20 =	vld [tilespmem:$0xA3D0];
	v13 =	vadd.f32 v42, v13  }
0x147: {  	v22 =	vadd.f32 v29, v22;
	v23 =	vadd.f32 v58, v23;
	v58 =	vld [tilespmem:$0x1FF60]  }
0x148: {  	v8 =	vadd.f32 v31, v8;
	v13 =	vadd.f32 v43, v13;
	v43 =	vld [tilespmem:$0x1FFF0]  }
0x149: {  	v28 =	vld [tilespmem:$0xA450];
	v12 =	vadd.f32 v33, v12;
	v22 =	vadd.f32 v30, v22  }
0x14a: {  	v23 =	vadd.f32 v59, v23;
	v13 =	vadd.f32 v44, v13;
	v59 =	vld [tilespmem:$0x1FF70]  }
0x14b: {  	v57 =	vld [tilespmem:$0xA1E0];
	v8 =	vadd.f32 v40, v8;
	v22 =	vadd.f32 v32, v22  }
0x14c: {  	v23 =	vadd.f32 v60, v23;
	v13 =	vadd.f32 v45, v13;
	v60 =	vld [tilespmem:$0x1FF80]  }
0x14d: {  	v42 =	vld [tilespmem:$0xA3E0];
	v12 =	vadd.f32 v58, v12;
	v8 =	vadd.f32 v43, v8  }
0x14e: {  	v23 =	vadd.f32 v61, v23;
	v13 =	vadd.f32 v46, v13;
	v46 =	vld [tilespmem:$0xA0E0]  }
0x14f: {  	v61 =	vld [tilespmem:$0x1FF90];
	v12 =	vadd.f32 v59, v12;
	v3 =	vadd.f32 v3, v8  }
0x150: {  	v45 =	vld [tilespmem:$0x1FFA0];
	v23 =	vadd.f32 v62, v23;
	v13 =	vadd.f32 v47, v13  }
0x151: {  	v33 =	vld [tilespmem:$0xA4D0];
	v12 =	vadd.f32 v60, v12;
	v60 =	vadd.f32 v52, v50  }
0x152: {  	v29 =	vld [tilespmem:$0xA550];
	v3 =	vadd.f32 v9, v3;
	v23 =	vadd.f32 v63, v23  }
0x153: {  	v59 =	vld [tilespmem:$0xA1F0];
	v13 =	vadd.f32 v48, v13;
	v58 =	vadd.f32 v46, v34  }
0x154: {  	v22 =	vadd.f32 v61, v22;
	v61 =	vld [tilespmem:$0xA260];
	v6 =	vadd.f32 v6, v23  }
0x155: {  	v62 =	vld [tilespmem:$0xA270];
	v12 =	vadd.f32 v45, v12;
	v17 =	vadd.f32 v54, v58  }
0x156: {  	v63 =	vld [tilespmem:$0xA2E0];
	v6 =	vadd.f32 v16, v6;
	v16 =	vadd.f32 v25, v56  }
0x157: {  	v47 =	vld [tilespmem:$0x1FFB0];
	v14 =	vadd.f32 v55, v60;
	v17 =	vadd.f32 v57, v17  }
0x158: {  	v34 =	vld [tilespmem:$0xA2F0];
	v3 =	vadd.f32 v10, v3;
	v15 =	vadd.f32 v15, v16  }
0x159: {  	v30 =	vld [tilespmem:$0xA650];
	v14 =	vadd.f32 v59, v14;
	v17 =	vadd.f32 v61, v17  }
0x15a: {  	v44 =	vld [tilespmem:$0xA3F0];
	v13 =	vadd.f32 v49, v13;
	v15 =	vadd.f32 v26, v15  }
0x15b: {  	v32 =	vld [tilespmem:$0xA750];
	v14 =	vadd.f32 v62, v14;
	v16 =	vadd.f32 v63, v17  }
0x15c: {  	v45 =	vld [tilespmem:$0xA460];
	v22 =	vadd.f32 v47, v22;
	v15 =	vadd.f32 v18, v15  }
0x15d: {  	v48 =	vld [tilespmem:$0xA4E0];
	v14 =	vadd.f32 v34, v14;
	v46 =	vadd.f32 v35, v16  }
0x15e: {  	v12 =	vadd.f32 v51, v12;
	v47 =	vld [tilespmem:$0xA470];
	v15 =	vadd.f32 v27, v15  }
0x15f: {  	v50 =	vld [tilespmem:$0xA560];
	v14 =	vadd.f32 v41, v14;
	v8 =	vadd.f32 v42, v46  }
0x160: {  	v49 =	vld [tilespmem:$0xA4F0];
	v3 =	vadd.f32 v21, v3;
	v15 =	vadd.f32 v20, v15  }
0x161: {  	v52 =	vld [tilespmem:$0xA5E0];
	v14 =	vadd.f32 v44, v14;
	v8 =	vadd.f32 v45, v8  }
0x162: {  	v51 =	vld [tilespmem:$0xA570];
	v22 =	vadd.f32 v53, v22;
	v15 =	vadd.f32 v28, v15  }
0x163: {  	v54 =	vld [tilespmem:$0xA660];
	v14 =	vadd.f32 v47, v14;
	v8 =	vadd.f32 v48, v8  }
0x164: {  	v53 =	vld [tilespmem:$0xA5F0];
	v3 =	vadd.f32 v7, v3;
	v15 =	vadd.f32 v33, v15  }
0x165: {  	v56 =	vld [tilespmem:$0xA670];
	v9 =	vadd.f32 v49, v14;
	v55 =	vadd.f32 v50, v8  }
0x166: {  	v57 =	vld [tilespmem:$0xA6E0];
	v3 =	vadd.f32 v5, v3;
	v15 =	vadd.f32 v29, v15  }
0x167: {  	v58 =	vld [tilespmem:$0xA6F0];
	v9 =	vadd.f32 v51, v9;
	v5 =	vadd.f32 v52, v55  }
0x168: {  	v59 =	vld [tilespmem:$0xA760];
	v3 =	vadd.f32 v4, v3;
	v15 =	vadd.f32 v36, v15  }
0x169: {  	v61 =	vld [tilespmem:$0xA7E0];
	v9 =	vadd.f32 v53, v9;
	v4 =	vadd.f32 v54, v5  }
0x16a: {  	v3 =	vadd.f32 v11, v3;
	v5 =	vld [tilespmem:$0xA770];
	v15 =	vadd.f32 v30, v15  }
0x16b: {  	v38 =	vld [tilespmem:$0xA7D0];
	v8 =	vadd.f32 v56, v9;
	v4 =	vadd.f32 v57, v4  }
0x16c: {  	[tilespmem:$0xA820] =	vst v13;
	v62 =	vld [tilespmem:$0xA7F0];
	v2 =	vadd.f32 v2, v3;
	v60 =	vadd.f32 v37, v15  }
0x16d: {  	[tilespmem:$0xA800] =	vst v12;
	v7 =	vadd.f32 v58, v8;
	v3 =	vadd.f32 v59, v4  }
0x16e: {  	[tilespmem:$0xA830] =	vst v6;
	v63 =	vadd.f32 v32, v60  }
0x16f: {  	[tilespmem:$0xA840] =	vst v2;
	v5 =	vadd.f32 v5, v7;
	v2 =	vadd.f32 v61, v3  }
0x170: {  	[tilespmem:$0xA810] =	vst v22;
	v4 =	vadd.f32 v38, v63  }
0x171: {  	v3 =	vadd.f32 v62, v5;
	[tilespmem:$0xA860] =	vst v2  }
0x172: {  	[tilespmem:$0xA850] =	vst v4  }
0x173: {  	s30 =	simm.s32 $0xA800;
	[tilespmem:$0xA870] =	vst v3  }
0x174: {  	[spmem:s8] =	stream.linear.scatter [tilespmem:s30], [sflag:$0x1], $0x80, $0x38;
	[tilespmem:$0xB110] =	vst v63  }
0x175: {  	_ =	swait.ge [sflag:s13], $0x80  }
0x176: {  	[sflag:s13] =	ssyncset.done $0x0  }
0x177: {  	[sflag:s13] =	ssyncadd.s32 $0xFFFFFF80  }
0x178: {  	[bflag:$0x0] =	sbarrier.arrive $0xFFFF  }
0x179: {  	s31 =	rddreg [dreg:$0x2]  }
0x17a: {  	[tilespmem:s20], [sflag:$0x1] =	stream.linear.gather [spmem:s31], $0x800, $0x38;
	[tilespmem:$0xB110] =	vst v63  }
0x17b: {  	_ =	swait.ge [sflag:s13], $0x800  }
0x17c: {  	[sflag:s13] =	ssyncset.done $0x0  }
0x17d: {  	s2 =	simm.s32 $0x0;
	[sflag:s13] =	ssyncadd.s32 $0xFFFFF800  }
0x17e: {  	v2 =	vld [tilespmem:s2+$0x9400];
	_ =	sdelay $0x4  }
0x17f: {  	v2 =	vmax.f32 v2, $1.000000000e+00  }
0x180: {  	(erf) = vrcp.f32 v2;
	_ =	sdelay $0x1  }
0x181: {  	s0 =	simm.s32 $0x10  }
0x182: {  	v2 =	vld [tilespmem:s0+$0x9400];
	_ =	sdelay $0x4  }
0x183: {  	s1 =	simm.s32 $0x20;
	v3 =	vld [tilespmem:s2+$0x9000];
	v4 =	vmax.f32 v2, $1.000000000e+00  }
0x184: {  	v2 =	vld [tilespmem:s1+$0x9400];
	v5 =	vpop (erf);
	(erf) = vrcp.f32 v4;
	_ =	sdelay $0x3  }
0x185: {  	s3 =	simm.s32 $0xC0;
	[tilespmem:s2+$0x9C00] =	vst v5;
	v3 =	vmul.f32 v5, v3  }
.LBB2_9:
0x186: {  	s14 =	sshra.s32 s3, $0x2;
	p0 =	sne.s32 s3, $0xFC0;
	s3 =	sadd.s32 $0x40, s3;
	v4 =	vmax.f32 v2, $1.000000000e+00;
	v5 =	vld [tilespmem:s0+$0x9000]  }
.Ltmp5:
0x187: {  	v2 =	vld [tilespmem:s14+$0x9400];
	(erf) = vrcp.f32 v4;
	[tilespmem:s2+$0x9800] =	vst v3;
	s2 =	smov.u32 s0;
	s0 =	smov.u32 s1;
	(pc) =	sbr.rel @p0 .LBB2_9-.Ltmp5, $3  }
0x188: {  	s1 =	smov.u32 s14;
	_ =	sdelay $0x1  }
0x189: {  	v3 =	vpop (erf)  }
0x18a: {  	[tilespmem:s2+$0x9C00] =	vst v3;
	v3 =	vmul.f32 v3, v5  }
0x18b: {  	v2 =	vmax.f32 v2, $1.000000000e+00  }
0x18c: {  	(erf) = vrcp.f32 v2;
	_ =	sdelay $0x2  }
0x18d: {  	v2 =	vld [tilespmem:s0+$0x9000];
	[tilespmem:s2+$0x9800] =	vst v3;
	v3 =	vpop (erf)  }
0x18e: {  	[tilespmem:s0+$0x9C00] =	vst v3  }
0x18f: {  	v4 =	vld [tilespmem:s1+$0x9000];
	_ =	sdelay $0x2  }
0x190: {  	v2 =	vmul.f32 v3, v2  }
0x191: {  	v3 =	vpop (erf)  }
0x192: {  	[tilespmem:s0+$0x9800] =	vst v2;
	v2 =	vmul.f32 v3, v4  }
0x193: {  	[tilespmem:s1+$0x9C00] =	vst v3  }
0x194: {  	s23 =	simm.s32 $0x0;
	[tilespmem:s1+$0x9800] =	vst v2  }
0x195: {  	[tilespmem:s23], [sflag:$0x1] =	stream.linear.gather [hbm4b:s4+s23], $0x8000, $0x38;
	[tilespmem:$0xB110] =	vst v63  }
0x196: {  	_ =	swait.ge [sflag:s13], $0x8000  }
0x197: {  	[sflag:s13] =	ssyncset.done $0x0  }
0x198: {  	[sflag:s13] =	ssyncadd.s32 $0xFFFF8000  }
0x199: {  	v2 =	vld [tilespmem:$0x8000];
	_ =	sdelay $0x4  }
0x19a: {  	(v2sf) =	vpush v2, $0x0;
	_ =	sdelay $0xd  }
.Ltmp6:
0x19b: {  	_ = 	snop;
	(pc) =	sbr.rel .LBB2_11-.Ltmp6, $4  }
0x19c: {  	s24 =	spop (v2sf)  }
0x19d: {  	s31 =	sshll.u32 s24, $0x4  }
0x19e: {  	v3 =	vld [tilespmem:s31+$0x9800]  }
0x19f: {  	s25 =	simm.s32 $0x80;
	v2 =	vimm.f32 $0.0e+00;
	v4 =	vld [tilespmem:s31+$0x9C00]  }
.LBB2_13:
0x1a0: {  	v3 =	vshll.u32 v6, $0x4  }
0x1a1: {  	(v2sf) =	vpush v3, $0x1  }
0x1a2: {  	(v2sf) =	vpush v3, $0x2  }
0x1a3: {  	(v2sf) =	vpush v3, $0x3  }
0x1a4: {  	(v2sf) =	vpush v3, $0x4  }
0x1a5: {  	(v2sf) =	vpush v3, $0x5  }
0x1a6: {  	(v2sf) =	vpush v3, $0x6;
	_ =	sdelay $0x2  }
0x1a7: {  	v6 =	vld [tilespmem:s25+$0xFFFFFF90]  }
0x1a8: {  	v8 =	vld [tilespmem:s25+$0xFFFFFFA0]  }
0x1a9: {  	v10 =	vld [tilespmem:s25+$0xFFFFFFB0]  }
0x1aa: {  	v12 =	vld [tilespmem:s25+$0xFFFFFFC0]  }
0x1ab: {  	v14 =	vld [tilespmem:s25+$0xFFFFFFD0]  }
0x1ac: {  	v16 =	vld [tilespmem:s25+$0xFFFFFFE0];
	(v2sf) =	vpush v3, $0x7  }
0x1ad: {  	v19 =	vld [tilespmem:s25+$0x0];
	(v2sf) =	vpush v3, $0x8  }
0x1ae: {  	v21 =	vld [tilespmem:s25+$0x10];
	s18 =	spop (v2sf);
	(v2sf) =	vpush v3, $0x9  }
0x1af: {  	v22 =	vld [tilespmem:s25+$0x30];
	s17 =	spop (v2sf);
	(v2sf) =	vpush v3, $0xA  }
0x1b0: {  	v30 =	vld [tilespmem:s25+$0x40];
	s16 =	spop (v2sf);
	(v2sf) =	vpush v3, $0xB  }
0x1b1: {  	v33 =	vld [tilespmem:s25+$0x50];
	s2 =	spop (v2sf);
	(v2sf) =	vpush v3, $0xC  }
0x1b2: {  	s19 =	sshll.u32 s0, $0x4;
	v35 =	vld [tilespmem:s25+$0x60];
	s15 =	spop (v2sf);
	(v2sf) =	vpush v3, $0xD  }
0x1b3: {  	v4 =	vld [tilespmem:s19+$0x9800];
	s14 =	spop (v2sf);
	(v2sf) =	vpush v3, $0xE  }
0x1b4: {  	v7 =	vld [tilespmem:s18+$0x9800]  }
0x1b5: {  	v9 =	vld [tilespmem:s17+$0x9800]  }
0x1b6: {  	v11 =	vld [tilespmem:s16+$0x9800]  }
0x1b7: {  	v13 =	vld [tilespmem:s2+$0x9800]  }
0x1b8: {  	v15 =	vld [tilespmem:s15+$0x9800]  }
0x1b9: {  	v4 =	vsub.f32 v5, v4;
	v3 =	vld [tilespmem:s25+$0xFFFFFFF0]  }
0x1ba: {  	v17 =	vld [tilespmem:s14+$0x9800];
	v6 =	vsub.f32 v6, v7  }
0x1bb: {  	v4 =	vmul.f32 v4, v4;
	s0 =	spop (v2sf);
	v7 =	vld [tilespmem:s25+$0x20];
	v8 =	vsub.f32 v8, v9  }
0x1bc: {  	v18 =	vld [tilespmem:s0+$0x9800];
	s30 =	spop (v2sf);
	v6 =	vmul.f32 v6, v6  }
0x1bd: {  	(xrf2) =	vadd.scan.msk.f32 $0xffff, v4;
	v20 =	vld [tilespmem:s30+$0x9800];
	v4 =	vmul.f32 v8, v8;
	v8 =	vsub.f32 v10, v11;
	s29 =	spop (v2sf)  }
0x1be: {  	(xrf2) =	vadd.scan.msk.f32 $0xffff, v6;
	v6 =	vsub.f32 v12, v13;
	v5 =	vld [tilespmem:s29+$0x9800];
	s26 =	spop (v2sf)  }
0x1bf: {  	(xrf2) =	vadd.scan.msk.f32 $0xffff, v4;
	v4 =	vmul.f32 v8, v8;
	v8 =	vsub.f32 v14, v15;
	v28 =	vld [tilespmem:s26+$0x9800];
	s28 =	spop (v2sf)  }
0x1c0: {  	v6 =	vmul.f32 v6, v6;
	v29 =	vld [tilespmem:s28+$0x9800];
	s31 =	spop (v2sf)  }
0x1c1: {  	v32 =	vsub.f32 v16, v17;
	(xrf2) =	vadd.scan.msk.f32 $0xffff, v4;
	v4 =	vmul.f32 v8, v8;
	v31 =	vld [tilespmem:s31+$0x9800];
	s1 =	spop (v2sf)  }
0x1c2: {  	v3 =	vsub.f32 v3, v18;
	(xrf2) =	vadd.scan.msk.f32 $0xffff, v6;
	v8 =	vld [tilespmem:s1+$0x9800];
	s3 =	spop (v2sf)  }
0x1c3: {  	v34 =	vsub.f32 v19, v20;
	v6 =	vmul.f32 v32, v32;
	(xrf2) =	vadd.scan.msk.f32 $0xffff, v4;
	v4 =	vsub.f32 v21, v5;
	v5 =	vld [tilespmem:s3+$0x9800]  }
0x1c4: {  	v3 =	vmul.f32 v3, v3  }
0x1c5: {  	v37 =	vld [tilespmem:s25+$0x70];
	v13 =	vmul.f32 v34, v34;
	(xrf2) =	vadd.scan.msk.f32 $0xffff, v6;
	v7 =	vsub.f32 v7, v28  }
0x1c6: {  	v6 =	vld [tilespmem:s19+$0x9C00];
	s19 =	sshll.u32 s24, $0x4;
	(xrf2) =	vadd.scan.msk.f32 $0xffff, v3;
	v4 =	vmul.f32 v4, v4;
	v36 =	vsub.f32 v22, v29  }
0x1c7: {  	v3 =	vld [tilespmem:s19+$0x9800];
	(xrf2) =	vadd.scan.msk.f32 $0xffff, v13;
	v7 =	vmul.f32 v7, v7;
	v11 =	vsub.f32 v30, v31  }
0x1c8: {  	v38 =	vld [tilespmem:s18+$0x9C00];
	v39, _, _ =	vpop (xrf2);
	(xrf2) =	vadd.scan.msk.f32 $0xffff, v4;
	v4 =	vmul.f32 v36, v36;
	v8 =	vsub.f32 v33, v8;
	v5 =	vsub.f32 v35, v5  }
0x1c9: {  	v40 =	vld [tilespmem:s17+$0x9C00];
	v41, _, _ =	vpop (xrf2);
	(xrf2) =	vadd.scan.msk.f32 $0xffff, v7;
	v7 =	vmul.f32 v11, v11  }
0x1ca: {  	v42 =	vld [tilespmem:s16+$0x9C00];
	v43, _, _ =	vpop (xrf2);
	(xrf2) =	vadd.scan.msk.f32 $0xffff, v4;
	v4 =	vmul.f32 v8, v8;
	v5 =	vmul.f32 v5, v5  }
0x1cb: {  	v13 =	vbroadcast v39, $0xF;
	v14 =	vbroadcast v41, $0xF;
	v8 =	vld [tilespmem:s2+$0x9C00];
	(xrf2) =	vadd.scan.msk.f32 $0xffff, v7  }
0x1cc: {  	v15 =	vbroadcast v43, $0xF;
	v44, _, _ =	vpop (xrf2);
	(xrf2) =	vadd.scan.msk.f32 $0xffff, v4;
	v4 =	vsub.f32 v37, v3  }
0x1cd: {  	v6 =	vsel vm0, v6, v38;
	v13 =	vsel vm0, v13, v14;
	v47 =	vbroadcast v44, $0xF;
	v48, _, _ =	vpop (xrf2);
	v7 =	vld [tilespmem:s15+$0x9C00]  }
0x1ce: {  	v45 =	vld [tilespmem:s14+$0x9C00];
	v6 =	vsel vm1, v6, v40;
	v46 =	vsel vm1, v13, v15;
	(xrf2) =	vadd.scan.msk.f32 $0xffff, v5;
	v4 =	vmul.f32 v4, v4;
	v5, _, _ =	vpop (xrf2)  }
0x1cf: {  	v49 =	vld [tilespmem:s0+$0x9C00];
	v6 =	vsel vm2, v6, v42;
	v50 =	vbroadcast v48, $0xF;
	v12 =	vsel vm2, v46, v47;
	v51, _, _ =	vpop (xrf2)  }
0x1d0: {  	v52 =	vld [tilespmem:s30+$0x9C00];
	v6 =	vsel vm3, v6, v8;
	v5 =	vbroadcast v5, $0xF;
	v8 =	vbroadcast v51, $0xF  }
0x1d1: {  	v53 =	vld [tilespmem:s29+$0x9C00];
	v9 =	vsel vm3, v12, v50;
	v54, _, _ =	vpop (xrf2)  }
0x1d2: {  	v55 =	vld [tilespmem:s26+$0x9C00];
	v6 =	vsel vm4, v6, v7;
	(xrf2) =	vadd.scan.msk.f32 $0xffff, v4;
	v4, _, _ =	vpop (xrf2);
	v5 =	vsel vm4, v9, v5;
	v7 =	vbroadcast v54, $0xF  }
0x1d3: {  	v57 =	vld [tilespmem:s28+$0x9C00];
	v6 =	vsel vm5, v6, v45;
	v56, _, _ =	vpop (xrf2);
	v5 =	vsel vm5, v5, v8;
	v4 =	vbroadcast v4, $0xF  }
0x1d4: {  	v58 =	vld [tilespmem:s31+$0x9C00];
	v6 =	vsel vm6, v6, v49;
	v5 =	vsel vm6, v5, v7;
	v7 =	vbroadcast v56, $0xF;
	v8, _, _ =	vpop (xrf2)  }
0x1d5: {  	v60 =	vld [tilespmem:s1+$0x9C00];
	v4 =	vsel vm7, v5, v4;
	v5 =	vsel vm7, v6, v52;
	v6 =	vbroadcast v8, $0xF  }
0x1d6: {  	v4 =	vsel vm8, v4, v7;
	v5 =	vsel vm8, v5, v53  }
0x1d7: {  	v59, _, _ =	vpop (xrf2);
	v4 =	vsel vm9, v4, v6;
	v6 =	vsel vm9, v5, v55  }
0x1d8: {  	v61 =	vld [tilespmem:s3+$0x9C00];
	v8, _, _ =	vpop (xrf2);
	v7 =	vbroadcast v59, $0xF;
	v6 =	vsel vm10, v6, v57  }
0x1d9: {  	v62, _, _ =	vpop (xrf2);
	v8 =	vbroadcast v8, $0xF;
	v5 =	vld [tilespmem:s19+$0x9C00];
	v6 =	vsel vm11, v6, v58  }
0x1da: {  	v63, _, _ =	vpop (xrf2);
	v4 =	vsel vm10, v4, v7;
	v7 =	vbroadcast v62, $0xF;
	v6 =	vsel vm12, v6, v60  }
0x1db: {  	v4 =	vsel vm11, v4, v8;
	v8 =	vbroadcast v63, $0xF  }
0x1dc: {  	v4 =	vsel vm12, v4, v7  }
0x1dd: {  	v4 =	vsel vm13, v4, v8;
	v7 =	vsel vm13, v6, v61;
	v6, _, _ =	vpop (xrf2)  }
0x1de: {  	v6 =	vsel vm14, v4, v6;
	v4 =	vsel vm14, v7, v5  }
.LBB2_14:
0x1df: {  	v6 =	vadd.f32 $9.999999960e-13, v6;
	_ =	sdelay $0x1  }
0x1e0: {  	v7 =	vmax.f32 v6, $1.000000000e-30  }
0x1e1: {  	v8 =	vshra.s32 v7, $0x1;
	v7 =	vmul.f32 $5.000000000e-01, v7  }
0x1e2: {  	v8 =	vsub.s32 $0x5F3759DF, v8  }
0x1e3: {  	v9 =	vmul.f32 v8, v7;
	_ =	sdelay $0x1  }
0x1e4: {  	v9 =	vmul.f32 v8, v9;
	_ =	sdelay $0x1  }
0x1e5: {  	v9 =	vsub.f32 $1.500000000e+00, v9;
	_ =	sdelay $0x1  }
0x1e6: {  	v8 =	vmul.f32 v8, v9;
	_ =	sdelay $0x1  }
0x1e7: {  	v9 =	vmul.f32 v8, v7;
	_ =	sdelay $0x1  }
0x1e8: {  	v9 =	vmul.f32 v9, v8;
	_ =	sdelay $0x1  }
0x1e9: {  	v9 =	vsub.f32 $1.500000000e+00, v9;
	_ =	sdelay $0x1  }
0x1ea: {  	v8 =	vmul.f32 v9, v8;
	_ =	sdelay $0x1  }
0x1eb: {  	v7 =	vmul.f32 v8, v7;
	_ =	sdelay $0x1  }
0x1ec: {  	v7 =	vmul.f32 v7, v8;
	_ =	sdelay $0x1  }
0x1ed: {  	v7 =	vsub.f32 $1.500000000e+00, v7;
	_ =	sdelay $0x1  }
0x1ee: {  	v7 =	vmul.f32 v7, v8;
	_ =	sdelay $0x1  }
0x1ef: {  	v6 =	vmul.f32 v7, v6;
	_ =	sdelay $0x1  }
0x1f0: {  	v6 =	vadd.f32 $-5.000000000e-01, v6;
	_ =	sdelay $0x1  }
0x1f1: {  	v6 =	vmax.f32 v6, $0.0e+00  }
0x1f2: {  	s23 =	sadd.s32 $0x40, s23;
	v6 =	vmul.f32 v6, v6  }
0x1f3: {  	p0 =	sne.s32 s23, $0x2000  }
.Ltmp7:
0x1f4: {  	v4 =	vmul.f32 v6, v4;
	(pc) =	sbr.rel @!p0 .LBB2_15-.Ltmp7, $2  }
0x1f5: {  	_ =	sdelay $0x2  }
0x1f6: {  	s25 =	sadd.s32 $0x100, s25;
	v2 =	vadd.f32 v4, v2;
	v4 =	vmov v5  }
.LBB2_11:
0x1f7: {  	s0 =	sshra.s32 s23, $0x2  }
0x1f8: {  	v6 =	vld [tilespmem:s0+$0x8000];
	_ =	sdelay $0x4  }
0x1f9: {  	(v2sf) =	vpush v6, $0x0  }
0x1fa: {  	(v2sf) =	vpush v6, $0xF;
	_ =	sdelay $0xd  }
0x1fb: {  	s0 =	spop (v2sf)  }
0x1fc: {  	s1 =	smov.u32 s24;
	p0 =	sne.s32 s0, s24;
	s24 =	spop (v2sf)  }
0x1fd: {  	p1 =	sne.s32 @!p0 s24, s1  }
0x1fe: {  	p0 =	por p0, p1  }
.Ltmp8:
0x1ff: {  	_ = 	snop;
	(pc) =	sbr.rel @p0 .LBB2_13-.Ltmp8, $2  }
0x200: {  	_ =	sdelay $0x2  }
0x201: {  	v5 =	vld [tilespmem:s25+$0xFFFFFF80]  }
0x202: {  	v6 =	vld [tilespmem:s25+$0xFFFFFF90]  }
0x203: {  	v7 =	vld [tilespmem:s25+$0xFFFFFFA0]  }
0x204: {  	v8 =	vld [tilespmem:s25+$0xFFFFFFB0]  }
0x205: {  	v9 =	vld [tilespmem:s25+$0xFFFFFFC0]  }
0x206: {  	v10 =	vld [tilespmem:s25+$0xFFFFFFD0];
	v5 =	vsub.f32 v5, v3  }
0x207: {  	v11 =	vld [tilespmem:s25+$0xFFFFFFE0];
	v6 =	vsub.f32 v6, v3  }
0x208: {  	v12 =	vld [tilespmem:s25+$0xFFFFFFF0];
	v7 =	vsub.f32 v7, v3;
	v5 =	vmul.f32 v5, v5  }
0x209: {  	v13 =	vld [tilespmem:s25+$0x0];
	v8 =	vsub.f32 v8, v3;
	v6 =	vmul.f32 v6, v6  }
0x20a: {  	v46 =	vld [tilespmem:s25+$0x10];
	(xrf2) =	vadd.scan.msk.f32 $0xffff, v5;
	v5 =	vmul.f32 v7, v7;
	v7 =	vsub.f32 v9, v3  }
0x20b: {  	v47 =	vld [tilespmem:s25+$0x20];
	(xrf2) =	vadd.scan.msk.f32 $0xffff, v6;
	v6 =	vmul.f32 v8, v8;
	v8 =	vsub.f32 v10, v3  }
0x20c: {  	v48 =	vld [tilespmem:s25+$0x30];
	(xrf2) =	vadd.scan.msk.f32 $0xffff, v5;
	v5 =	vmul.f32 v7, v7;
	v7 =	vsub.f32 v11, v3  }
0x20d: {  	v49 =	vld [tilespmem:s25+$0x40];
	(xrf2) =	vadd.scan.msk.f32 $0xffff, v6;
	v6 =	vmul.f32 v8, v8;
	v8 =	vsub.f32 v12, v3  }
0x20e: {  	v50 =	vld [tilespmem:s25+$0x50];
	(xrf2) =	vadd.scan.msk.f32 $0xffff, v5;
	v5 =	vmul.f32 v7, v7;
	v7 =	vsub.f32 v13, v3  }
0x20f: {  	v51 =	vld [tilespmem:s25+$0x60];
	(xrf2) =	vadd.scan.msk.f32 $0xffff, v6;
	v6 =	vmul.f32 v8, v8;
	v8 =	vsub.f32 v46, v3  }
0x210: {  	(xrf2) =	vadd.scan.msk.f32 $0xffff, v5;
	v5 =	vmul.f32 v7, v7;
	v7 =	vsub.f32 v47, v3  }
0x211: {  	(xrf2) =	vadd.scan.msk.f32 $0xffff, v6;
	v6 =	vmul.f32 v8, v8;
	v8 =	vsub.f32 v48, v3  }
0x212: {  	(xrf2) =	vadd.scan.msk.f32 $0xffff, v5;
	v5 =	vmul.f32 v7, v7;
	v7 =	vsub.f32 v49, v3  }
0x213: {  	(xrf2) =	vadd.scan.msk.f32 $0xffff, v6;
	v6 =	vmul.f32 v8, v8  }
0x214: {  	v8 =	vsub.f32 v50, v3;
	v53, _, _ =	vpop (xrf2);
	(xrf2) =	vadd.scan.msk.f32 $0xffff, v5;
	v5 =	vmul.f32 v7, v7;
	v7 =	vsub.f32 v51, v3;
	_ =	sdelay $0x1  }
0x215: {  	v55, _, _ =	vpop (xrf2);
	(xrf2) =	vadd.scan.msk.f32 $0xffff, v6;
	v6 =	vmul.f32 v8, v8  }
0x216: {  	v52 =	vld [tilespmem:s25+$0x70];
	v54 =	vbroadcast v53, $0xF;
	v8 =	vbroadcast v55, $0xF;
	v56, _, _ =	vpop (xrf2);
	(xrf2) =	vadd.scan.msk.f32 $0xffff, v5  }
0x217: {  	v5 =	vmul.f32 v7, v7;
	v7, _, _ =	vpop (xrf2);
	(xrf2) =	vadd.scan.msk.f32 $0xffff, v6;
	v6 =	vbroadcast v56, $0xF  }
0x218: {  	v8 =	vsel vm0, v54, v8;
	v57, _, _ =	vpop (xrf2)  }
0x219: {  	v6 =	vsel vm1, v8, v6;
	v8 =	vbroadcast v57, $0xF  }
0x21a: {  	v7 =	vbroadcast v7, $0xF;
	(xrf2) =	vadd.scan.msk.f32 $0xffff, v5  }
0x21b: {  	v10 =	vsub.f32 v52, v3;
	v5, _, _ =	vpop (xrf2)  }
0x21c: {  	v59, _, _ =	vpop (xrf2);
	v6 =	vsel vm2, v6, v7;
	v5 =	vbroadcast v5, $0xF  }
0x21d: {  	v58 =	vmul.f32 v10, v10;
	v6 =	vsel vm3, v6, v8;
	v7 =	vbroadcast v59, $0xF;
	v8, _, _ =	vpop (xrf2)  }
0x21e: {  	v5 =	vsel vm4, v6, v5;
	v60, _, _ =	vpop (xrf2);
	v6 =	vbroadcast v8, $0xF  }
0x21f: {  	(xrf2) =	vadd.scan.msk.f32 $0xffff, v58;
	v5 =	vsel vm5, v5, v7;
	v8, _, _ =	vpop (xrf2);
	v7 =	vbroadcast v60, $0xF  }
0x220: {  	v61, _, _ =	vpop (xrf2);
	v5 =	vsel vm6, v5, v6;
	v6 =	vbroadcast v8, $0xF  }
0x221: {  	v8, _, _ =	vpop (xrf2);
	v5 =	vsel vm7, v5, v7;
	v7 =	vbroadcast v61, $0xF  }
0x222: {  	v62, _, _ =	vpop (xrf2);
	v5 =	vsel vm8, v5, v6;
	v6 =	vbroadcast v8, $0xF  }
0x223: {  	v8, _, _ =	vpop (xrf2);
	v5 =	vsel vm9, v5, v7;
	v7 =	vbroadcast v62, $0xF  }
0x224: {  	v63, _, _ =	vpop (xrf2);
	v5 =	vsel vm10, v5, v6;
	v6 =	vbroadcast v8, $0xF  }
0x225: {  	v5 =	vsel vm11, v5, v7;
	v7 =	vbroadcast v63, $0xF  }
.Ltmp9:
0x226: {  	v5 =	vsel vm12, v5, v6;
	(pc) =	sbr.rel .LBB2_14-.Ltmp9, $3  }
0x227: {  	v5 =	vsel vm13, v5, v7;
	_ =	sdelay $0x1  }
0x228: {  	v6, _, _ =	vpop (xrf2)  }
0x229: {  	v6 =	vsel vm14, v5, v6;
	v5 =	vmov v4  }
.LBB2_15:
0x22a: {  	v3 =	vimm.f32 $0.0e+00;
	s23 =	simm.s32 $0x0  }
.LBB2_16:
0x22b: {  	s24 =	sadd.s32 s9, s23  }
0x22c: {  	s31 =	simm.s32 $0x9880;
	s0 =	sshll.u32 s24, $0x4  }
0x22d: {  	v5 =	vld [tilespmem:s31+$0x60];
	s0 =	sand.u32 $0x3FFFFFF0, s0  }
0x22e: {  	v4 =	vld [tilespmem:s0+$0x9800]  }
0x22f: {  	v6 =	vld [tilespmem:s31+$0x40]  }
0x230: {  	v7 =	vld [tilespmem:s31+$0x30]  }
0x231: {  	v8 =	vld [tilespmem:s31+$0x10]  }
0x232: {  	v9 =	vld [tilespmem:s31+$0x0]  }
0x233: {  	v10 =	vld [tilespmem:s31+$0xFFFFFFE0];
	v5 =	vsub.f32 v4, v5  }
0x234: {  	v11 =	vld [tilespmem:s31+$0xFFFFFFD0];
	v6 =	vsub.f32 v4, v6  }
0x235: {  	v12 =	vld [tilespmem:s31+$0xFFFFFFB0];
	v7 =	vsub.f32 v4, v7;
	v5 =	vmul.f32 v5, v5  }
0x236: {  	v13 =	vld [tilespmem:s31+$0xFFFFFFA0];
	v8 =	vsub.f32 v4, v8;
	v6 =	vmul.f32 v6, v6  }
0x237: {  	(xrf2) =	vadd.scan.msk.f32 $0xffff, v5;
	v5 =	vmul.f32 v7, v7;
	v7 =	vsub.f32 v4, v9;
	v9 =	vld [tilespmem:s31+$0xFFFFFF80]  }
0x238: {  	(xrf2) =	vadd.scan.msk.f32 $0xffff, v6;
	v6 =	vmul.f32 v8, v8;
	v8 =	vsub.f32 v4, v10;
	v10 =	vld [tilespmem:s31+$0xFFFFFF90]  }
0x239: {  	(xrf2) =	vadd.scan.msk.f32 $0xffff, v5;
	v5 =	vmul.f32 v7, v7;
	v7 =	vsub.f32 v4, v11  }
0x23a: {  	(xrf2) =	vadd.scan.msk.f32 $0xffff, v6;
	v6 =	vmul.f32 v8, v8;
	v8 =	vsub.f32 v4, v12  }
0x23b: {  	v11 =	vld [tilespmem:s31+$0xFFFFFFC0];
	(xrf2) =	vadd.scan.msk.f32 $0xffff, v5;
	v5 =	vmul.f32 v7, v7;
	v7 =	vsub.f32 v4, v13  }
0x23c: {  	(xrf2) =	vadd.scan.msk.f32 $0xffff, v6;
	v6 =	vmul.f32 v8, v8;
	v8 =	vsub.f32 v4, v9  }
0x23d: {  	(xrf2) =	vadd.scan.msk.f32 $0xffff, v5;
	v5 =	vmul.f32 v7, v7;
	v7 =	vsub.f32 v4, v10  }
0x23e: {  	(xrf2) =	vadd.scan.msk.f32 $0xffff, v6;
	v6 =	vmul.f32 v8, v8;
	v8 =	vld [tilespmem:s31+$0xFFFFFFF0]  }
0x23f: {  	(xrf2) =	vadd.scan.msk.f32 $0xffff, v5;
	v5 =	vmul.f32 v7, v7  }
0x240: {  	(xrf2) =	vadd.scan.msk.f32 $0xffff, v6;
	v6 =	vsub.f32 v4, v11;
	_ =	sdelay $0x1  }
0x241: {  	v12 =	vld [tilespmem:s31+$0x50];
	v7, _, _ =	vpop (xrf2);
	(xrf2) =	vadd.scan.msk.f32 $0xffff, v5;
	v6 =	vmul.f32 v6, v6  }
0x242: {  	v9 =	vld [tilespmem:s31+$0x20];
	v5, _, _ =	vpop (xrf2);
	v8 =	vsub.f32 v4, v8  }
0x243: {  	v10, _, _ =	vpop (xrf2)  }
0x244: {  	v11, _, _ =	vpop (xrf2);
	v8 =	vmul.f32 v8, v8  }
0x245: {  	(xrf2) =	vadd.scan.msk.f32 $0xffff, v6;
	v6, _, _ =	vpop (xrf2)  }
0x246: {  	v13, _, _ =	vpop (xrf2)  }
0x247: {  	v12 =	vsub.f32 v4, v12;
	v9 =	vsub.f32 v4, v9;
	v14, _, _ =	vpop (xrf2)  }
0x248: {  	(xrf2) =	vadd.scan.msk.f32 $0xffff, v8;
	v8, _, _ =	vpop (xrf2)  }
0x249: {  	v9 =	vmul.f32 v9, v9;
	v16, _, _ =	vpop (xrf2)  }
0x24a: {  	v17, _, _ =	vpop (xrf2)  }
0x24b: {  	(xrf2) =	vadd.scan.msk.f32 $0xffff, v9;
	v9 =	vmul.f32 v12, v12;
	v12, _, _ =	vpop (xrf2)  }
0x24c: {  	v12 =	vbroadcast v12, $0xF;
	_ =	sdelay $0x1  }
0x24d: {  	v15 =	vld [tilespmem:s31+$0x70];
	v17 =	vbroadcast v17, $0xF  }
0x24e: {  	v16 =	vbroadcast v16, $0xF  }
0x24f: {  	v8 =	vbroadcast v8, $0xF;
	(xrf2) =	vadd.scan.msk.f32 $0xffff, v9;
	v9 =	vsel vm0, v17, v12;
	v12, _, _ =	vpop (xrf2)  }
0x250: {  	v9 =	vsel vm1, v9, v16;
	v12 =	vbroadcast v12, $0xF  }
0x251: {  	v8 =	vsel vm2, v9, v8;
	v9 =	vbroadcast v14, $0xF  }
0x252: {  	s25 =	simm.s32 $0x9980;
	v15 =	vsub.f32 v4, v15;
	v8 =	vsel vm3, v8, v12;
	v12 =	vbroadcast v13, $0xF;
	v13, _, _ =	vpop (xrf2)  }
0x253: {  	v16 =	vld [tilespmem:s25+$0x60];
	v8 =	vsel vm4, v8, v9;
	v9 =	vbroadcast v13, $0xF  }
0x254: {  	v15 =	vmul.f32 v15, v15;
	v6 =	vbroadcast v6, $0xF;
	v8 =	vsel vm5, v8, v12  }
0x255: {  	v8 =	vsel vm6, v8, v9;
	v9 =	vbroadcast v11, $0xF;
	v11, _, _ =	vpop (xrf2)  }
0x256: {  	(xrf2) =	vadd.scan.msk.f32 $0xffff, v15;
	v13 =	vld [tilespmem:s25+$0x40];
	v6 =	vsel vm7, v8, v6;
	v8 =	vbroadcast v11, $0xF  }
0x257: {  	v12 =	vld [tilespmem:s25+$0x30]  }
0x258: {  	v14 =	vsub.f32 v4, v16  }
0x259: {  	v6 =	vsel vm8, v6, v9;
	v9 =	vbroadcast v10, $0xF  }
0x25a: {  	v5 =	vbroadcast v5, $0xF;
	v10 =	vmul.f32 v14, v14;
	v6 =	vsel vm9, v6, v8;
	v8, _, _ =	vpop (xrf2)  }
0x25b: {  	v11 =	vsub.f32 v4, v13;
	v6 =	vsel vm10, v6, v9;
	v8 =	vbroadcast v8, $0xF  }
0x25c: {  	v15 =	vld [tilespmem:s25+$0x10];
	v9 =	vsub.f32 v4, v12;
	v5 =	vsel vm11, v6, v5;
	v6 =	vbroadcast v7, $0xF  }
0x25d: {  	(xrf2) =	vadd.scan.msk.f32 $0xffff, v10;
	v5 =	vsel vm12, v5, v8  }
0x25e: {  	v7 =	vmul.f32 v11, v11;
	v5 =	vsel vm13, v5, v6;
	v6 =	vld [tilespmem:s25+$0x0];
	_ =	sdelay $0x1  }
0x25f: {  	v8 =	vmul.f32 v9, v9;
	v9, _, _ =	vpop (xrf2);
	(xrf2) =	vadd.scan.msk.f32 $0xffff, v7  }
0x260: {  	v11 =	vsub.f32 v4, v15;
	v7 =	vsel vm14, v5, v9;
	v5 =	vld [tilespmem:s25+$0xFFFFFFE0];
	_ =	sdelay $0x1  }
0x261: {  	v10 =	vmul.f32 v11, v11;
	(xrf2) =	vadd.scan.msk.f32 $0xffff, v8;
	v6 =	vsub.f32 v4, v6  }
0x262: {  	v9 =	vld [tilespmem:s25+$0xFFFFFFD0];
	v8 =	vmax.f32 v7, $1.000000000e-30  }
0x263: {  	(xrf2) =	vadd.scan.msk.f32 $0xffff, v10;
	v10 =	vshra.s32 v8, $0x1;
	v11 =	vmul.f32 $5.000000000e-01, v8;
	v8 =	vld [tilespmem:s25+$0xFFFFFFB0];
	v13 =	vmul.f32 v6, v6  }
0x264: {  	v5 =	vsub.f32 v4, v5  }
0x265: {  	v10 =	vsub.s32 $0x5F3759DF, v10;
	v6, _, _ =	vpop (xrf2);
	(xrf2) =	vadd.scan.msk.f32 $0xffff, v13  }
0x266: {  	v12 =	vmul.f32 v10, v11;
	v5 =	vmul.f32 v5, v5  }
0x267: {  	v9 =	vsub.f32 v4, v9  }
0x268: {  	v15 =	vld [tilespmem:s25+$0xFFFFFFA0];
	v12 =	vmul.f32 v10, v12;
	v14 =	vsub.f32 v4, v8;
	v8, _, _ =	vpop (xrf2);
	(xrf2) =	vadd.scan.msk.f32 $0xffff, v5  }
0x269: {  	v13 =	vmul.f32 v9, v9  }
0x26a: {  	v12 =	vsub.f32 $1.500000000e+00, v12  }
0x26b: {  	v17 =	vmul.f32 v14, v14;
	v14 =	vld [tilespmem:s25+$0xFFFFFF80];
	v9, _, _ =	vpop (xrf2);
	(xrf2) =	vadd.scan.msk.f32 $0xffff, v13  }
0x26c: {  	v12 =	vmul.f32 v10, v12  }
0x26d: {  	v16 =	vsub.f32 v4, v15  }
0x26e: {  	s28 =	simm.s32 $0x20;
	s26 =	simm.s32 $0x0;
	v15 =	vld [tilespmem:s25+$0xFFFFFF90];
	v5 =	vmov s24;
	s24 =	simm.s32 $0x10;
	v10, _, _ =	vpop (xrf2);
	(xrf2) =	vadd.scan.msk.f32 $0xffff, v17;
	v13 =	vmul.f32 v12, v11  }
.LBB2_17:
0x26f: {  	p0 =	sne.s32 s28, $0x30;
	v19 =	vmul.f32 v16, v16;
	v17, _, _ =	vpop (xrf2)  }
0x270: {  	v14 =	vsub.f32 v4, v14;
	v13 =	vmul.f32 v13, v12  }
0x271: {  	v18 =	vld [tilespmem:s25+$0xFFFFFFC0];
	(xrf2) =	vadd.scan.msk.f32 $0xffff, v19  }
0x272: {  	v20 =	vmul.f32 v14, v14;
	v16, _, _ =	vpop (xrf2);
	v13 =	vsub.f32 $1.500000000e+00, v13  }
0x273: {  	v15 =	vsub.f32 v4, v15  }
0x274: {  	v19 =	vld [tilespmem:s25+$0xFFFFFFF0];
	(xrf2) =	vadd.scan.msk.f32 $0xffff, v20;
	v12 =	vmul.f32 v13, v12  }
0x275: {  	v13 =	vmul.f32 v15, v15;
	v14, _, _ =	vpop (xrf2)  }
0x276: {  	v20 =	vsub.f32 v4, v18;
	v11 =	vmul.f32 v12, v11  }
0x277: {  	v18 =	vld [tilespmem:s25+$0x20];
	(xrf2) =	vadd.scan.msk.f32 $0xffff, v13  }
0x278: {  	v13 =	vmul.f32 v20, v20;
	v15, _, _ =	vpop (xrf2);
	v11 =	vmul.f32 v11, v12  }
0x279: {  	v21 =	vsub.f32 v4, v19  }
0x27a: {  	v20 =	vld [tilespmem:s25+$0x50];
	(xrf2) =	vadd.scan.msk.f32 $0xffff, v13;
	v11 =	vsub.f32 $1.500000000e+00, v11  }
0x27b: {  	v13 =	vmul.f32 v21, v21;
	v19, _, _ =	vpop (xrf2)  }
0x27c: {  	v22 =	vsub.f32 v4, v18;
	v21 =	vld [tilespmem:s25+$0x70];
	v11 =	vmul.f32 v11, v12  }
0x27d: {  	s25 =	sadd.s32 $0x100, s25;
	(xrf2) =	vadd.scan.msk.f32 $0xffff, v13  }
0x27e: {  	v12 =	vld [tilespmem:s25+$0x60];
	v13 =	vmul.f32 v22, v22;
	v18, _, _ =	vpop (xrf2);
	v7 =	vmul.f32 v11, v7  }
0x27f: {  	v11 =	vsub.f32 v4, v20  }
0x280: {  	(xrf2) =	vadd.scan.msk.f32 $0xffff, v13;
	v7 =	vsub.f32 $3.000000000e+00, v7;
	v13 =	vor.u32 s26, v1;
	s26 =	smov.u32 s24;
	s24 =	smov.u32 s28  }
0x281: {  	v11 =	vmul.f32 v11, v11;
	v20 =	vsub.f32 v4, v21;
	v21, _, _ =	vpop (xrf2);
	vm15 =	veq.s32 v13, v5  }
0x282: {  	v13 =	vbroadcast v18, $0xF;
	v22 =	vbroadcast v21, $0xF;
	v7 =	vmax.f32 v7, $0.0e+00  }
0x283: {  	v19 =	vbroadcast v19, $0xF;
	v21 =	vld [tilespmem:s25+$0x40];
	v12 =	vsub.f32 v4, v12;
	(xrf2) =	vadd.scan.msk.f32 $0xffff, v11;
	v7 =	vmul.f32 v7, v7  }
0x284: {  	v11 =	vsel vm0, v13, v22;
	v13 =	vbroadcast v15, $0xF;
	v15 =	vmul.f32 v20, v20;
	v18, _, _ =	vpop (xrf2)  }
0x285: {  	v11 =	vsel vm1, v11, v19;
	v18 =	vbroadcast v18, $0xF;
	v7 =	vsel vm15, $0x0, v7  }
0x286: {  	v19 =	vld [tilespmem:s25+$0x30];
	v11 =	vsel vm2, v11, v13;
	v13 =	vbroadcast v14, $0xF;
	(xrf2) =	vadd.scan.msk.f32 $0xffff, v15;
	v3 =	vadd.f32 v7, v3  }
0x287: {  	v7 =	vmul.f32 v12, v12;
	v12 =	vbroadcast v16, $0xF;
	v11 =	vsel vm3, v11, v18;
	v14, _, _ =	vpop (xrf2)  }
0x288: {  	v15 =	vsub.f32 v4, v21;
	v11 =	vsel vm4, v11, v13;
	v16 =	vbroadcast v14, $0xF  }
0x289: {  	v14 =	vld [tilespmem:s25+$0x10];
	(xrf2) =	vadd.scan.msk.f32 $0xffff, v7;
	v7 =	vsel vm5, v11, v12;
	v11 =	vbroadcast v17, $0xF  }
0x28a: {  	v10 =	vbroadcast v10, $0xF;
	v12 =	vmul.f32 v15, v15;
	v7 =	vsel vm6, v7, v16;
	v13, _, _ =	vpop (xrf2)  }
0x28b: {  	v15 =	vsub.f32 v4, v19;
	v7 =	vsel vm7, v7, v11;
	v16 =	vbroadcast v13, $0xF  }
0x28c: {  	v9 =	vbroadcast v9, $0xF;
	v13 =	vld [tilespmem:s25+$0x0];
	(xrf2) =	vadd.scan.msk.f32 $0xffff, v12;
	v7 =	vsel vm8, v7, v10  }
0x28d: {  	v8 =	vbroadcast v8, $0xF;
	v10 =	vmul.f32 v15, v15;
	v7 =	vsel vm9, v7, v16;
	v11, _, _ =	vpop (xrf2)  }
0x28e: {  	v12 =	vsub.f32 v4, v14;
	v7 =	vsel vm10, v7, v9;
	v14 =	vbroadcast v11, $0xF  }
0x28f: {  	v6 =	vbroadcast v6, $0xF;
	v11 =	vld [tilespmem:s25+$0xFFFFFFE0];
	(xrf2) =	vadd.scan.msk.f32 $0xffff, v10;
	v7 =	vsel vm11, v7, v8  }
0x290: {  	v8 =	vmul.f32 v12, v12;
	v7 =	vsel vm12, v7, v14;
	v9, _, _ =	vpop (xrf2)  }
0x291: {  	v10 =	vsub.f32 v4, v13;
	v13 =	vsel vm13, v7, v6  }
0x292: {  	v12 =	vld [tilespmem:s25+$0xFFFFFFD0];
	(xrf2) =	vadd.scan.msk.f32 $0xffff, v8;
	v7 =	vsel vm14, v13, v9  }
0x293: {  	v15 =	vmul.f32 v10, v10;
	v6, _, _ =	vpop (xrf2);
	v9 =	vmax.f32 v7, $1.000000000e-30  }
0x294: {  	v10 =	vsub.f32 v4, v11;
	v13 =	vshra.s32 v9, $0x1;
	v11 =	vmul.f32 $5.000000000e-01, v9  }
0x295: {  	v14 =	vld [tilespmem:s25+$0xFFFFFFB0];
	(xrf2) =	vadd.scan.msk.f32 $0xffff, v15;
	v13 =	vsub.s32 $0x5F3759DF, v13  }
0x296: {  	v16 =	vmul.f32 v10, v10;
	v8, _, _ =	vpop (xrf2);
	v10 =	vmul.f32 v13, v11  }
0x297: {  	v12 =	vsub.f32 v4, v12  }
0x298: {  	v15 =	vld [tilespmem:s25+$0xFFFFFFA0];
	(xrf2) =	vadd.scan.msk.f32 $0xffff, v16;
	v10 =	vmul.f32 v13, v10  }
0x299: {  	v12 =	vmul.f32 v12, v12;
	v9, _, _ =	vpop (xrf2)  }
.Ltmp10:
0x29a: {  	v16 =	vsub.f32 v4, v14;
	v17 =	vsub.f32 $1.500000000e+00, v10;
	(pc) =	sbr.rel @p0 .LBB2_17-.Ltmp10, $4  }
0x29b: {  	v14 =	vld [tilespmem:s25+$0xFFFFFF80];
	(xrf2) =	vadd.scan.msk.f32 $0xffff, v12  }
0x29c: {  	v18 =	vmul.f32 v16, v16;
	v10, _, _ =	vpop (xrf2);
	v12 =	vmul.f32 v13, v17  }
0x29d: {  	v16 =	vsub.f32 v4, v15  }
0x29e: {  	s28 =	sadd.s32 $0x10, s28;
	v15 =	vld [tilespmem:s25+$0xFFFFFF90];
	(xrf2) =	vadd.scan.msk.f32 $0xffff, v18;
	v13 =	vmul.f32 v12, v11  }
0x29f: {  	_ =	sdelay $0x1  }
0x2a0: {  	v17 =	vld [tilespmem:s25+$0xFFFFFFC0]  }
0x2a1: {  	v14 =	vsub.f32 v4, v14  }
0x2a2: {  	v16 =	vmul.f32 v16, v16;
	v15 =	vsub.f32 v4, v15  }
0x2a3: {  	v18 =	vld [tilespmem:s25+$0xFFFFFFF0];
	v14 =	vmul.f32 v14, v14  }
0x2a4: {  	(xrf2) =	vadd.scan.msk.f32 $0xffff, v16;
	v15 =	vmul.f32 v15, v15  }
0x2a5: {  	(xrf2) =	vadd.scan.msk.f32 $0xffff, v14;
	v34 =	vsub.f32 v4, v17  }
0x2a6: {  	v35 =	vld [tilespmem:s25+$0x20];
	(xrf2) =	vadd.scan.msk.f32 $0xffff, v15  }
0x2a7: {  	v14 =	vmul.f32 v34, v34  }
0x2a8: {  	v36 =	vsub.f32 v4, v18  }
0x2a9: {  	v37 =	vld [tilespmem:s25+$0x50];
	(xrf2) =	vadd.scan.msk.f32 $0xffff, v14  }
0x2aa: {  	v38, _, _ =	vpop (xrf2);
	v15 =	vmul.f32 v36, v36  }
0x2ab: {  	v39, _, _ =	vpop (xrf2);
	v16 =	vsub.f32 v4, v35  }
0x2ac: {  	v19, _, _ =	vpop (xrf2);
	(xrf2) =	vadd.scan.msk.f32 $0xffff, v15  }
0x2ad: {  	v20 =	vld [tilespmem:s25+$0x70];
	v16 =	vmul.f32 v16, v16;
	v40, _, _ =	vpop (xrf2)  }
0x2ae: {  	v17 =	vsub.f32 v4, v37;
	v21, _, _ =	vpop (xrf2)  }
0x2af: {  	(xrf2) =	vadd.scan.msk.f32 $0xffff, v16;
	v22, _, _ =	vpop (xrf2)  }
0x2b0: {  	v41 =	vmul.f32 v17, v17;
	v42, _, _ =	vpop (xrf2)  }
0x2b1: {  	v22 =	vbroadcast v22, $0xF;
	v17 =	vbroadcast v42, $0xF  }
0x2b2: {  	v4 =	vsub.f32 v4, v20;
	(xrf2) =	vadd.scan.msk.f32 $0xffff, v41;
	v43 =	vbroadcast v21, $0xF  }
0x2b3: {  	v15 =	vbroadcast v40, $0xF;
	v45, _, _ =	vpop (xrf2);
	v44 =	vsel vm0, v22, v17  }
0x2b4: {  	v4 =	vmul.f32 v4, v4;
	v17 =	vbroadcast v45, $0xF;
	v16 =	vsel vm1, v44, v43  }
0x2b5: {  	v46 =	vbroadcast v19, $0xF;
	v15 =	vsel vm2, v16, v15  }
0x2b6: {  	v47 =	vbroadcast v39, $0xF;
	(xrf2) =	vadd.scan.msk.f32 $0xffff, v4;
	v48, _, _ =	vpop (xrf2);
	v4 =	vsel vm3, v15, v17  }
0x2b7: {  	v49 =	vbroadcast v48, $0xF;
	v4 =	vsel vm4, v4, v46  }
0x2b8: {  	v14 =	vbroadcast v38, $0xF;
	v4 =	vsel vm5, v4, v47  }
0x2b9: {  	v10 =	vbroadcast v10, $0xF;
	v50, _, _ =	vpop (xrf2);
	v4 =	vsel vm6, v4, v49  }
0x2ba: {  	v51 =	vbroadcast v50, $0xF;
	v4 =	vsel vm7, v4, v14  }
0x2bb: {  	v9 =	vbroadcast v9, $0xF;
	v4 =	vsel vm8, v4, v10  }
0x2bc: {  	v8 =	vbroadcast v8, $0xF;
	v52, _, _ =	vpop (xrf2);
	v4 =	vsel vm9, v4, v51  }
0x2bd: {  	v53 =	vbroadcast v52, $0xF;
	v4 =	vsel vm10, v4, v9  }
0x2be: {  	v6 =	vbroadcast v6, $0xF;
	v4 =	vsel vm11, v4, v8  }
0x2bf: {  	v4 =	vsel vm12, v4, v53  }
0x2c0: {  	v54, _, _ =	vpop (xrf2);
	v4 =	vsel vm13, v4, v6  }
0x2c1: {  	v4 =	vsel vm14, v4, v54  }
0x2c2: {  	v55 =	vmax.f32 v4, $1.000000000e-30  }
0x2c3: {  	v56 =	vshra.s32 v55, $0x1;
	v6 =	vmul.f32 $5.000000000e-01, v55  }
0x2c4: {  	v8 =	vsub.s32 $0x5F3759DF, v56  }
0x2c5: {  	v57 =	vmul.f32 v8, v6;
	_ =	sdelay $0x1  }
0x2c6: {  	v9 =	vmul.f32 v8, v57;
	_ =	sdelay $0x1  }
0x2c7: {  	v9 =	vsub.f32 $1.500000000e+00, v9;
	_ =	sdelay $0x1  }
0x2c8: {  	v8 =	vmul.f32 v8, v9;
	_ =	sdelay $0x1  }
0x2c9: {  	v58 =	vmul.f32 v13, v12;
	v59 =	vmul.f32 v8, v6;
	_ =	sdelay $0x1  }
0x2ca: {  	v9 =	vsub.f32 $1.500000000e+00, v58;
	v10 =	vmul.f32 v59, v8;
	_ =	sdelay $0x1  }
0x2cb: {  	v9 =	vmul.f32 v9, v12;
	v10 =	vsub.f32 $1.500000000e+00, v10;
	_ =	sdelay $0x1  }
0x2cc: {  	v11 =	vmul.f32 v9, v11;
	v8 =	vmul.f32 v10, v8;
	_ =	sdelay $0x1  }
0x2cd: {  	v60 =	vmul.f32 v11, v9;
	v6 =	vmul.f32 v8, v6;
	_ =	sdelay $0x1  }
0x2ce: {  	v10 =	vsub.f32 $1.500000000e+00, v60;
	v6 =	vmul.f32 v6, v8;
	_ =	sdelay $0x1  }
0x2cf: {  	v9 =	vmul.f32 v10, v9;
	v6 =	vsub.f32 $1.500000000e+00, v6;
	_ =	sdelay $0x1  }
0x2d0: {  	v7 =	vmul.f32 v9, v7;
	v6 =	vmul.f32 v6, v8;
	_ =	sdelay $0x1  }
0x2d1: {  	v7 =	vsub.f32 $3.000000000e+00, v7;
	v4 =	vmul.f32 v6, v4;
	_ =	sdelay $0x1  }
0x2d2: {  	s23 =	sadd.s32 $0x1, s23;
	v61 =	vmax.f32 v7, $0.0e+00;
	v4 =	vsub.f32 $3.000000000e+00, v4  }
0x2d3: {  	v62 =	vor.u32 s26, v1;
	p0 =	sne.s32 s23, $0x4;
	v6 =	vmul.f32 v61, v61  }
.Ltmp11:
0x2d4: {  	vm15 =	veq.s32 v62, v5;
	v4 =	vmax.f32 v4, $0.0e+00;
	(pc) =	sbr.rel @p0 .LBB2_16-.Ltmp11, $4  }
0x2d5: {  	v63 =	vor.u32 s24, v1;
	v6 =	vsel vm15, $0x0, v6;
	v4 =	vmul.f32 v4, v4  }
0x2d6: {  	vm15 =	veq.s32 v63, v5;
	v3 =	vadd.f32 v6, v3  }
0x2d7: {  	v4 =	vsel vm15, $0x0, v4  }
0x2d8: {  	v3 =	vadd.f32 v4, v3  }
0x2d9: {  	v4 =	vld [tilespmem:s10+$0x9800]  }
0x2da: {  	v5 =	vld [tilespmem:s10+$0x9810]  }
0x2db: {  	v6 =	vld [tilespmem:s10+$0x9820]  }
0x2dc: {  	v7 =	vld [tilespmem:s10+$0x9830];
	_ =	sdelay $0x1  }
0x2dd: {  	v4 =	vmul.f32 v4, v4  }
0x2de: {  	v5 =	vmul.f32 v5, v5  }
0x2df: {  	v54 =	vmul.f32 v6, v6;
	(xrf2) =	vadd.scan.msk.f32 $0xffff, v4  }
0x2e0: {  	v55 =	vmul.f32 v7, v7;
	(xrf2) =	vadd.scan.msk.f32 $0xffff, v5  }
0x2e1: {  	(xrf2) =	vadd.scan.msk.f32 $0xffff, v54  }
0x2e2: {  	(xrf2) =	vadd.scan.msk.f32 $0xffff, v55;
	_ =	sdelay $0x6  }
0x2e3: {  	v56, _, _ =	vpop (xrf2)  }
0x2e4: {  	v4 =	vbroadcast v56, $0xF;
	v57, _, _ =	vpop (xrf2)  }
0x2e5: {  	v5 =	vbroadcast v57, $0xF;
	v58, _, _ =	vpop (xrf2)  }
0x2e6: {  	vm15 =	vcmask $0x310;
	v4 =	vnsel vm0, $0x3F800000, v4;
	v6 =	vbroadcast v58, $0xF;
	v59, _, _ =	vpop (xrf2)  }
0x2e7: {  	v4 =	vsel vm15, v4, v5;
	v60 =	vbroadcast v59, $0xF;
	vm15 =	vcmask $0x710  }
0x2e8: {  	v4 =	vsel vm15, v4, v6;
	vm15 =	vcmask $0xB10  }
0x2e9: {  	v4 =	vsel vm15, v4, v60  }
0x2ea: {  	v4 =	vadd.f32 $9.999999960e-13, v4;
	_ =	sdelay $0x1  }
0x2eb: {  	v61 =	vmax.f32 v4, $1.000000000e-30  }
0x2ec: {  	v62 =	vshra.s32 v61, $0x1;
	v5 =	vmul.f32 $5.000000000e-01, v61  }
0x2ed: {  	v6 =	vsub.s32 $0x5F3759DF, v62  }
0x2ee: {  	v63 =	vmul.f32 v6, v5;
	_ =	sdelay $0x1  }
0x2ef: {  	v7 =	vmul.f32 v6, v63;
	_ =	sdelay $0x1  }
0x2f0: {  	v7 =	vsub.f32 $1.500000000e+00, v7;
	_ =	sdelay $0x1  }
0x2f1: {  	v6 =	vmul.f32 v6, v7;
	_ =	sdelay $0x1  }
0x2f2: {  	v7 =	vmul.f32 v6, v5;
	_ =	sdelay $0x1  }
0x2f3: {  	v7 =	vmul.f32 v7, v6;
	_ =	sdelay $0x1  }
0x2f4: {  	v7 =	vsub.f32 $1.500000000e+00, v7;
	_ =	sdelay $0x1  }
0x2f5: {  	v6 =	vmul.f32 v7, v6;
	_ =	sdelay $0x1  }
0x2f6: {  	v5 =	vmul.f32 v6, v5;
	_ =	sdelay $0x1  }
0x2f7: {  	v5 =	vmul.f32 v5, v6;
	_ =	sdelay $0x1  }
0x2f8: {  	v5 =	vsub.f32 $1.500000000e+00, v5;
	_ =	sdelay $0x1  }
0x2f9: {  	v5 =	vmul.f32 v5, v6;
	_ =	sdelay $0x1  }
0x2fa: {  	v4 =	vmul.f32 v5, v4;
	_ =	sdelay $0x1  }
0x2fb: {  	v4 =	vnsel vm3, $0x0, v4  }
0x2fc: {  	(xrf2) =	vadd.scan.msk.f32 $0xffff, v2;
	v4 =	vadd.f32 $0.0e+00, v4  }
0x2fd: {  	(xrf2) =	vadd.scan.msk.f32 $0xffff, v3  }
0x2fe: {  	(xrf2) =	vadd.scan.msk.f32 $0xffff, v4;
	_ =	sdelay $0x7  }
0x2ff: {  	v2, _, _ =	vpop (xrf2)  }
0x300: {  	v3, _, _ =	vpop (xrf2)  }
0x301: {  	v4, _, _ =	vpop (xrf2)  }
0x302: {  	v4 =	vbroadcast v4, $0xF  }
0x303: {  	vm15 =	vcmask $0xB08;
	v3 =	vbroadcast v3, $0xF  }
0x304: {  	v2 =	vbroadcast v2, $0xF;
	v4 =	vnsel vm15, $0x0, v4;
	vm15 =	vcmask $0x3F08  }
0x305: {  	s22 =	sadd.s32 $0x1, s22;
	v3 =	vsel vm15, v4, v3;
	vm15 =	vcmask $0x3F04  }
0x306: {  	p0 =	sne.s32 s22, s12;
	v2 =	vsel vm15, v3, v2  }
.Ltmp12:
0x307: {  	s0 =	simm.s32 $0x0;
	[tilespmem:$0xA880] =	vst v2;
	(pc) =	sbr.rel @p0 .LBB2_1-.Ltmp12, $4  }
0x308: {  	[hbm4b:s11+s0] =	stream.linear.scatter [tilespmem:s21], [sflag:$0x1], $0x10, $0x38;
	[tilespmem:$0xB110] =	vst v63  }
0x309: {  	_ =	swait.ge [sflag:s13], $0x10  }
0x30a: {  	[sflag:s13] =	ssyncset.done $0x0  }
0x30b: {  	[sflag:s13] =	ssyncadd.s32 $0xFFFFFFF0  }
0x30c: {  	_ =	sfence.sel $0x180000  }
0x30d: {  	[bflag:$0x0] =	sbarrier.arrive $0xFFFF  }
0x30e: {  	_ =	strace $0x90000047  }
0x30f: {  	s0 =	stileid.u32;
	[bflag:$0x2] =	sbarrier.arrive $0xFFFF  }
0x310: {  	p0 =	sne.s32 s0, $0x0;
	s0 =	rddreg [dreg:$0x3]  }
0x311: {  	s0 =	sadd.s32 @!p0 $0x100000, s0  }
0x312: {  	[sflag:s0] =	ssyncadd.tile.s32 @!p0 $0x1;
	_ =	shalt  }
.Lfunc_end2:
_tile_overlayer_lowered:
.L_overlay_start_2:
0x313: {  	(tag) =	ssettag $0x2  }
0x314: {  	s0 =	rddreg [dreg:$0x0];
	s2 =	stileid.u32  }
0x315: {  	s1 =	rddreg [dreg:$0x1];
	p0 =	sne.s32 s2, $0x0  }
0x316: {  	s3 =	rddreg [dreg:$0x2];
	[bflag:$0x3] =	sbarrier.arrive $0xFFFF;
	s2 =	simm.s32 @!p0 $0x1C01  }
0x317: {  	[timem:s3], [sflag:s2] =	dma.local @!p0 [hbm:s0], s1  }
0x318: {  	s0 =	simm.s32 @!p0 $0x1  }
0x319: {  	_ =	swait.ge @!p0 [sflag:s0], s1  }
0x31a: {  	s1 =	ssub.s32 @!p0 $0x0, s1;
	[sflag:s0] =	ssyncset.done @!p0 $0x0  }
0x31b: {  	[sflag:s0] =	ssyncadd.s32 @!p0 s1  }
0x31c: {  	[bflag:$0x3] =	sbarrier.arrive $0xFFFF  }
0x31d: {  	_ =	shalt  }

</sc_bundles>
